<compile_context>
chip_gen: v7x
topology: tpu7x:2x2x1
jax: 0.10.2.dev20260603
libtpu: 0.0.44.dev20260713+nightly
codegen_flags: <defaults>
</compile_context>

<pallas_src>
import functools

import jax
import jax.numpy as jnp
import numpy as np
from jax import lax
from jax.experimental import pallas as pl
from jax.experimental.pallas import tpu as pltpu
from jax.experimental.pallas import tpu_sc as plsc

VOCAB = 1000
D = 128
B = 1024
L = 200

NC = 2
NS = 16
NW = NC * NS
ROWS_PER_W = B // NW
HALF = L // 2
NBUF = 3


def _positional_encoding(length, channels):
    ch = int(np.ceil(channels / 2) * 2)
    inv_freq = 1.0 / (10000.0 ** (np.arange(0, ch, 2, dtype=np.float64) / ch))
    pos = np.arange(length, dtype=np.float64)
    sin_inp = pos[:, None] * inv_freq[None, :]
    emb = np.concatenate([np.sin(sin_inp), np.cos(sin_inp)], axis=-1)
    return jnp.asarray(emb[:, :channels], dtype=jnp.float32)


_mesh = plsc.VectorSubcoreMesh(core_axis_name="c", subcore_axis_name="s")


@functools.partial(
    pl.kernel,
    mesh=_mesh,
    out_type=jax.ShapeDtypeStruct((B, L, D), jnp.float32),
    scratch_types=[
        pltpu.VMEM((2 * ROWS_PER_W, HALF), jnp.int32),
        pltpu.VMEM((L, D), jnp.float32),
        pltpu.VMEM((NBUF, L, D), jnp.float32),
        pltpu.VMEM_SHARED((VOCAB, D), jnp.float32),
    ]
    + [pltpu.SemaphoreType.DMA] * (2 * NBUF),
)
def _emb_kernel(
    token_hbm, table_hbm, pe_hbm, out_hbm, idx_v, pe_v, rows_v, table_sh, *sems
):
    gsems = sems[:NBUF]
    osems = sems[NBUF:]
    cid = lax.axis_index("c")
    sid = lax.axis_index("s")
    wid = sid * NC + cid
    row_base = wid * ROWS_PER_W

    @pl.when(sid == 0)
    def _():
        pltpu.sync_copy(table_hbm, table_sh)

    pltpu.sync_copy(token_hbm.at[wid], idx_v)
    pltpu.sync_copy(pe_hbm, pe_v)
    plsc.subcore_barrier()

    def fire_g(c, b):
        pltpu.async_copy(
            table_sh.at[idx_v.at[2 * c]], rows_v.at[b, pl.ds(0, HALF)], gsems[b]
        )
        pltpu.async_copy(
            table_sh.at[idx_v.at[2 * c + 1]],
            rows_v.at[b, pl.ds(HALF, HALF)],
            gsems[b],
        )

    def wait_g(b):
        for h in range(2):
            pltpu.make_async_copy(
                table_sh.at[idx_v.at[0]],
                rows_v.at[b, pl.ds(h * HALF, HALF)],
                gsems[b],
            ).wait()

    def fire_o(c, b):
        pltpu.async_copy(rows_v.at[b], out_hbm.at[row_base + c], osems[b])

    def wait_o(b):
        pltpu.make_async_copy(rows_v.at[b], out_hbm.at[0], osems[b]).wait()

    def add_pe(b):
        def add_step(rr, carry):
            for k in range(D // 16):
                plsc.addupdate(
                    rows_v.at[b, rr, pl.ds(k * 16, 16)],
                    pe_v[rr, pl.ds(k * 16, 16)],
                )
            return carry

        lax.fori_loop(0, L, add_step, 0, unroll=4)

    def chunk_body(c, b, wait_prev_out, fire_next):
        wait_g(b)
        if wait_prev_out:
            wait_o((b + 1) % NBUF)
        if fire_next:
            fire_g(c + 1, (b + 1) % NBUF)
        add_pe(b)
        fire_o(c, b)

    fire_g(0, 0)

    chunk_body(0, 0, wait_prev_out=False, fire_next=True)
    chunk_body(1, 1, wait_prev_out=False, fire_next=True)
    chunk_body(2, 2, wait_prev_out=True, fire_next=True)

    def group_body(g, carry):
        for b in range(NBUF):
            chunk_body(g * NBUF + b, b, wait_prev_out=True, fire_next=True)
        return carry

    lax.fori_loop(1, ROWS_PER_W // NBUF, group_body, 0)

    chunk_body(ROWS_PER_W - 2, 0, wait_prev_out=True, fire_next=True)
    chunk_body(ROWS_PER_W - 1, 1, wait_prev_out=False, fire_next=False)

    for b in range(NBUF):
        wait_o(b)


@jax.jit
def kernel(bar, pos, token, dur, phrase, token_emb_weight):
    del bar, pos, dur, phrase
    pe = _positional_encoding(L, D)
    tok = token.reshape(NW, 2 * ROWS_PER_W, HALF)
    return _emb_kernel(tok, token_emb_weight, pe)

# --- scband reference (transcript-rebuilt; emitter-appended) ---
"""Pipeline reference for scband-melody-embedding-85177791414774 (READ-ONLY COPY).

The authoritative reference and input builder live on the scoring server;
editing this copy changes nothing except your own understanding.
"""

import jax, jax.numpy as jnp
import numpy as np

VOCAB = 1000
D_EMBED = 128
B = 1024
L = 200


def positional_encoding_1d(length, channels, dtype=jnp.float32):
    # Faithful port of positional_encodings.PositionalEncoding1D
    ch = int(np.ceil(channels / 2) * 2)
    inv_freq = 1.0 / (10000.0 ** (jnp.arange(0, ch, 2, dtype=dtype) / ch))
    pos = jnp.arange(length, dtype=dtype)
    sin_inp = pos[:, None] * inv_freq[None, :]
    emb = jnp.concatenate([jnp.sin(sin_inp), jnp.cos(sin_inp)], axis=-1)
    return emb[:, :channels]


def setup_inputs(seed: int = 0):
    key = jax.random.key(seed)
    ks = jax.random.split(key, 6)
    bar = jax.random.randint(ks[0], (B, L), 0, 1000, dtype=jnp.int32)
    pos = jax.random.randint(ks[1], (B, L), 0, 1000, dtype=jnp.int32)
    token = jax.random.randint(ks[2], (B, L), 0, 1000, dtype=jnp.int32)
    dur = jax.random.randint(ks[3], (B, L), 0, 1000, dtype=jnp.int32)
    phrase = jax.random.randint(ks[4], (B, L), 0, 1000, dtype=jnp.int32)
    # Embedding table: normal(0, d**-0.5), padding_idx=0 row zeroed
    w = jax.random.normal(ks[5], (VOCAB, D_EMBED), dtype=jnp.float32) * (D_EMBED ** -0.5)
    w = w.at[0].set(0.0)
    return {"bar": bar, "pos": pos, "token": token, "dur": dur, "phrase": phrase, "token_emb_weight": w}


def reference(bar, pos, token, dur, phrase, token_emb_weight):
    # forward uses only `token`; dropout is defined but never applied in forward
    embeds = jnp.take(token_emb_weight, token, axis=0)  # gather -> [B, L, D]
    pe = positional_encoding_1d(embeds.shape[1], embeds.shape[2], embeds.dtype)
    return embeds + pe[None, :, :]

if __name__ == "__main__":
    import jax
    _d = setup_inputs()
    print(jax.jit(kernel)(*tuple(_d.values())))

</pallas_src>

<mosaic_0001>
#map = affine_map<(d0, d1) -> (0, 0, 0)>
#map1 = affine_map<(d0, d1) -> (0, 0)>
module attributes {stable_mosaic.version = 14 : i64} {
  func.func @_emb_kernel(%arg0: i32, %arg1: i32, %arg2: memref<32x64x100xi32, #tpu.memory_space<hbm>>, %arg3: memref<1000x128xf32, #tpu.memory_space<hbm>>, %arg4: memref<200x128xf32, #tpu.memory_space<hbm>>, %arg5: memref<1024x200x128xf32, #tpu.memory_space<hbm>>, %arg6: memref<64x100xi32, #tpu.memory_space<vmem>>, %arg7: memref<200x128xf32, #tpu.memory_space<vmem>>, %arg8: memref<3x200x128xf32, #tpu.memory_space<vmem>>, %arg9: memref<1000x128xf32, #tpu.memory_space<vmem_shared>>, %arg10: memref<!tpu.dma_semaphore, #tpu.memory_space<semaphore_mem>>, %arg11: memref<!tpu.dma_semaphore, #tpu.memory_space<semaphore_mem>>, %arg12: memref<!tpu.dma_semaphore, #tpu.memory_space<semaphore_mem>>, %arg13: memref<!tpu.dma_semaphore, #tpu.memory_space<semaphore_mem>>, %arg14: memref<!tpu.dma_semaphore, #tpu.memory_space<semaphore_mem>>, %arg15: memref<!tpu.dma_semaphore, #tpu.memory_space<semaphore_mem>>) attributes {dimension_semantics = [#tpu.dimension_semantics<core_parallel>, #tpu.dimension_semantics<subcore_parallel>], iteration_bounds = array<i64: 2, 16>, scalar_prefetch = 0 : i64, scratch_operands = 10 : i64, tpu.core_type = #tpu.core_type<sc_vector_subcore>, window_params = [{transform_indices = #map}, {transform_indices = #map1}, {transform_indices = #map1}, {transform_indices = #map}]} {
    %mul3A = arith.constant 2 : i32
    %mul3A_0 = arith.muli %arg1, %mul3A : i32
    %add3A = arith.addi %mul3A_0, %arg0 : i32
    %mul3A_1 = arith.constant 32 : i32
    %mul3A_2 = arith.muli %add3A, %mul3A_1 : i32
    %eq3A = arith.constant 0 : i32
    %eq3A_3 = arith.cmpi eq, %arg1, %eq3A : i32
    %convert_element_type3A = arith.extui %eq3A_3 : i1 to i32
    %cond3A = arith.constant 0 : i32
    %cond3A_4 = arith.cmpi ne, %convert_element_type3A, %cond3A : i32
    scf.if %cond3A_4 {
      "tpu.region"() ({
        %run_scoped3A = tpu.sem_alloc : memref<!tpu.dma_semaphore, #tpu.memory_space<semaphore_mem>>
        tpu.enqueue_dma source(%arg3 : memref<1000x128xf32, #tpu.memory_space<hbm>>) target(%arg9 : memref<1000x128xf32, #tpu.memory_space<vmem_shared>>) target_semaphore(%run_scoped3A : memref<!tpu.dma_semaphore, #tpu.memory_space<semaphore_mem>>)
        tpu.wait_dma2 semaphore(%run_scoped3A : memref<!tpu.dma_semaphore, #tpu.memory_space<semaphore_mem>>) src(%arg3 : memref<1000x128xf32, #tpu.memory_space<hbm>>) dst(%arg9 : memref<1000x128xf32, #tpu.memory_space<vmem_shared>>)
        tpu.yield
      }) : () -> ()
    } else {
    }
    "tpu.region"() ({
      %run_scoped3A = tpu.sem_alloc : memref<!tpu.dma_semaphore, #tpu.memory_space<semaphore_mem>>
      %dma_start3A_463 = arith.constant 0 : i32
      %dma_start3A_464 = arith.constant 0 : i32
      %dma_start3A_465 = tpu.memref_slice %arg2[%add3A, %dma_start3A_463, %dma_start3A_464] : memref<32x64x100xi32, #tpu.memory_space<hbm>> -> memref<1x64x100xi32, #tpu.memory_space<hbm>>
      %dma_start3A_466 = tpu.memref_squeeze %dma_start3A_465 : memref<1x64x100xi32, #tpu.memory_space<hbm>> -> memref<64x100xi32, #tpu.memory_space<hbm>>
      %dma_start3A_467 = arith.constant 0 : i32
      %dma_start3A_468 = arith.constant 0 : i32
      %dma_start3A_469 = tpu.memref_slice %arg2[%add3A, %dma_start3A_467, %dma_start3A_468] : memref<32x64x100xi32, #tpu.memory_space<hbm>> -> memref<1x64x100xi32, #tpu.memory_space<hbm>>
      %dma_start3A_470 = tpu.memref_squeeze %dma_start3A_469 : memref<1x64x100xi32, #tpu.memory_space<hbm>> -> memref<64x100xi32, #tpu.memory_space<hbm>>
      tpu.enqueue_dma source(%dma_start3A_470 : memref<64x100xi32, #tpu.memory_space<hbm>>) target(%arg6 : memref<64x100xi32, #tpu.memory_space<vmem>>) target_semaphore(%run_scoped3A : memref<!tpu.dma_semaphore, #tpu.memory_space<semaphore_mem>>)
      %dma_wait3A_471 = arith.constant 0 : i32
      %dma_wait3A_472 = arith.constant 0 : i32
      %dma_wait3A_473 = tpu.memref_slice %arg2[%add3A, %dma_wait3A_471, %dma_wait3A_472] : memref<32x64x100xi32, #tpu.memory_space<hbm>> -> memref<1x64x100xi32, #tpu.memory_space<hbm>>
      %dma_wait3A_474 = tpu.memref_squeeze %dma_wait3A_473 : memref<1x64x100xi32, #tpu.memory_space<hbm>> -> memref<64x100xi32, #tpu.memory_space<hbm>>
      %dma_wait3A_475 = arith.constant 0 : i32
      %dma_wait3A_476 = arith.constant 0 : i32
      %dma_wait3A_477 = tpu.memref_slice %arg2[%add3A, %dma_wait3A_475, %dma_wait3A_476] : memref<32x64x100xi32, #tpu.memory_space<hbm>> -> memref<1x64x100xi32, #tpu.memory_space<hbm>>
      %dma_wait3A_478 = tpu.memref_squeeze %dma_wait3A_477 : memref<1x64x100xi32, #tpu.memory_space<hbm>> -> memref<64x100xi32, #tpu.memory_space<hbm>>
      tpu.wait_dma2 semaphore(%run_scoped3A : memref<!tpu.dma_semaphore, #tpu.memory_space<semaphore_mem>>) src(%dma_wait3A_478 : memref<64x100xi32, #tpu.memory_space<hbm>>) dst(%arg6 : memref<64x100xi32, #tpu.memory_space<vmem>>)
      tpu.yield
    }) : () -> ()
    "tpu.region"() ({
      %run_scoped3A = tpu.sem_alloc : memref<!tpu.dma_semaphore, #tpu.memory_space<semaphore_mem>>
      tpu.enqueue_dma source(%arg4 : memref<200x128xf32, #tpu.memory_space<hbm>>) target(%arg7 : memref<200x128xf32, #tpu.memory_space<vmem>>) target_semaphore(%run_scoped3A : memref<!tpu.dma_semaphore, #tpu.memory_space<semaphore_mem>>)
      tpu.wait_dma2 semaphore(%run_scoped3A : memref<!tpu.dma_semaphore, #tpu.memory_space<semaphore_mem>>) src(%arg4 : memref<200x128xf32, #tpu.memory_space<hbm>>) dst(%arg7 : memref<200x128xf32, #tpu.memory_space<vmem>>)
      tpu.yield
    }) : () -> ()
    %barrier3A = arith.constant 0 : index
    tpu.barrier barrier_id(%barrier3A)
    %dma_start3A = arith.constant 0 : i32
    %dma_start3A_5 = arith.constant 0 : i32
    %dma_start3A_6 = arith.constant 0 : i32
    %dma_start3A_7 = arith.constant 0 : i32
    %dma_start3A_8 = tpu.memref_slice %arg8[%dma_start3A_5, %dma_start3A_6, %dma_start3A_7] : memref<3x200x128xf32, #tpu.memory_space<vmem>> -> memref<1x100x128xf32, #tpu.memory_space<vmem>>
    %dma_start3A_9 = tpu.memref_squeeze %dma_start3A_8 : memref<1x100x128xf32, #tpu.memory_space<vmem>> -> memref<100x128xf32, #tpu.memory_space<vmem>>
    %dma_start3A_10 = arith.constant 0 : i32
    %dma_start3A_11 = tpu.memref_slice %arg6[%dma_start3A, %dma_start3A_10] : memref<64x100xi32, #tpu.memory_space<vmem>> -> memref<1x100xi32, #tpu.memory_space<vmem>>
    %dma_start3A_12 = tpu.memref_squeeze %dma_start3A_11 : memref<1x100xi32, #tpu.memory_space<vmem>> -> memref<100xi32, #tpu.memory_space<vmem>>
    %dma_start3A_13 = arith.constant 0 : i32
    %dma_start3A_14 = arith.constant 0 : i32
    %dma_start3A_15 = tpu.memref_slice %arg9[%dma_start3A_13, %dma_start3A_14] : memref<1000x128xf32, #tpu.memory_space<vmem_shared>> -> memref<1000x128xf32, #tpu.memory_space<vmem_shared>>
    tpu.enqueue_indirect_dma source(%dma_start3A_15 : memref<1000x128xf32, #tpu.memory_space<vmem_shared>>) target(%dma_start3A_9 : memref<100x128xf32, #tpu.memory_space<vmem>>) offsets(%dma_start3A_12 : memref<100xi32, #tpu.memory_space<vmem>>) semaphore(%arg10 : memref<!tpu.dma_semaphore, #tpu.memory_space<semaphore_mem>>)
    %dma_start3A_16 = arith.constant 1 : i32
    %dma_start3A_17 = arith.constant 0 : i32
    %dma_start3A_18 = arith.constant 100 : i32
    %dma_start3A_19 = arith.constant 0 : i32
    %dma_start3A_20 = tpu.memref_slice %arg8[%dma_start3A_17, %dma_start3A_18, %dma_start3A_19] : memref<3x200x128xf32, #tpu.memory_space<vmem>> -> memref<1x100x128xf32, #tpu.memory_space<vmem>>
    %dma_start3A_21 = tpu.memref_squeeze %dma_start3A_20 : memref<1x100x128xf32, #tpu.memory_space<vmem>> -> memref<100x128xf32, #tpu.memory_space<vmem>>
    %dma_start3A_22 = arith.constant 0 : i32
    %dma_start3A_23 = tpu.memref_slice %arg6[%dma_start3A_16, %dma_start3A_22] : memref<64x100xi32, #tpu.memory_space<vmem>> -> memref<1x100xi32, #tpu.memory_space<vmem>>
    %dma_start3A_24 = tpu.memref_squeeze %dma_start3A_23 : memref<1x100xi32, #tpu.memory_space<vmem>> -> memref<100xi32, #tpu.memory_space<vmem>>
    %dma_start3A_25 = arith.constant 0 : i32
    %dma_start3A_26 = arith.constant 0 : i32
    %dma_start3A_27 = tpu.memref_slice %arg9[%dma_start3A_25, %dma_start3A_26] : memref<1000x128xf32, #tpu.memory_space<vmem_shared>> -> memref<1000x128xf32, #tpu.memory_space<vmem_shared>>
    tpu.enqueue_indirect_dma source(%dma_start3A_27 : memref<1000x128xf32, #tpu.memory_space<vmem_shared>>) target(%dma_start3A_21 : memref<100x128xf32, #tpu.memory_space<vmem>>) offsets(%dma_start3A_24 : memref<100xi32, #tpu.memory_space<vmem>>) semaphore(%arg10 : memref<!tpu.dma_semaphore, #tpu.memory_space<semaphore_mem>>)
    %dma_wait3A = arith.constant 0 : i32
    %dma_wait3A_28 = arith.constant 0 : i32
    %dma_wait3A_29 = arith.constant 0 : i32
    %dma_wait3A_30 = arith.constant 0 : i32
    %dma_wait3A_31 = tpu.memref_slice %arg8[%dma_wait3A_28, %dma_wait3A_29, %dma_wait3A_30] : memref<3x200x128xf32, #tpu.memory_space<vmem>> -> memref<1x100x128xf32, #tpu.memory_space<vmem>>
    %dma_wait3A_32 = tpu.memref_squeeze %dma_wait3A_31 : memref<1x100x128xf32, #tpu.memory_space<vmem>> -> memref<100x128xf32, #tpu.memory_space<vmem>>
    %dma_wait3A_33 = arith.constant 0 : i32
    %dma_wait3A_34 = tpu.memref_slice %arg6[%dma_wait3A, %dma_wait3A_33] : memref<64x100xi32, #tpu.memory_space<vmem>> -> memref<1x100xi32, #tpu.memory_space<vmem>>
    %dma_wait3A_35 = tpu.memref_squeeze %dma_wait3A_34 : memref<1x100xi32, #tpu.memory_space<vmem>> -> memref<100xi32, #tpu.memory_space<vmem>>
    %dma_wait3A_36 = arith.constant 0 : i32
    %dma_wait3A_37 = arith.constant 0 : i32
    %dma_wait3A_38 = tpu.memref_slice %arg9[%dma_wait3A_36, %dma_wait3A_37] : memref<1000x128xf32, #tpu.memory_space<vmem_shared>> -> memref<1000x128xf32, #tpu.memory_space<vmem_shared>>
    tpu.wait_indirect_dma semaphore(%arg10 : memref<!tpu.dma_semaphore, #tpu.memory_space<semaphore_mem>>) src(%dma_wait3A_38 : memref<1000x128xf32, #tpu.memory_space<vmem_shared>>) dst(%dma_wait3A_32 : memref<100x128xf32, #tpu.memory_space<vmem>>)
    %dma_wait3A_39 = arith.constant 0 : i32
    %dma_wait3A_40 = arith.constant 0 : i32
    %dma_wait3A_41 = arith.constant 100 : i32
    %dma_wait3A_42 = arith.constant 0 : i32
    %dma_wait3A_43 = tpu.memref_slice %arg8[%dma_wait3A_40, %dma_wait3A_41, %dma_wait3A_42] : memref<3x200x128xf32, #tpu.memory_space<vmem>> -> memref<1x100x128xf32, #tpu.memory_space<vmem>>
    %dma_wait3A_44 = tpu.memref_squeeze %dma_wait3A_43 : memref<1x100x128xf32, #tpu.memory_space<vmem>> -> memref<100x128xf32, #tpu.memory_space<vmem>>
    %dma_wait3A_45 = arith.constant 0 : i32
    %dma_wait3A_46 = tpu.memref_slice %arg6[%dma_wait3A_39, %dma_wait3A_45] : memref<64x100xi32, #tpu.memory_space<vmem>> -> memref<1x100xi32, #tpu.memory_space<vmem>>
    %dma_wait3A_47 = tpu.memref_squeeze %dma_wait3A_46 : memref<1x100xi32, #tpu.memory_space<vmem>> -> memref<100xi32, #tpu.memory_space<vmem>>
    %dma_wait3A_48 = arith.constant 0 : i32
    %dma_wait3A_49 = arith.constant 0 : i32
    %dma_wait3A_50 = tpu.memref_slice %arg9[%dma_wait3A_48, %dma_wait3A_49] : memref<1000x128xf32, #tpu.memory_space<vmem_shared>> -> memref<1000x128xf32, #tpu.memory_space<vmem_shared>>
    tpu.wait_indirect_dma semaphore(%arg10 : memref<!tpu.dma_semaphore, #tpu.memory_space<semaphore_mem>>) src(%dma_wait3A_50 : memref<1000x128xf32, #tpu.memory_space<vmem_shared>>) dst(%dma_wait3A_44 : memref<100x128xf32, #tpu.memory_space<vmem>>)
    %dma_start3A_51 = arith.constant 2 : i32
    %dma_start3A_52 = arith.constant 1 : i32
    %dma_start3A_53 = arith.constant 0 : i32
    %dma_start3A_54 = arith.constant 0 : i32
    %dma_start3A_55 = tpu.memref_slice %arg8[%dma_start3A_52, %dma_start3A_53, %dma_start3A_54] : memref<3x200x128xf32, #tpu.memory_space<vmem>> -> memref<1x100x128xf32, #tpu.memory_space<vmem>>
    %dma_start3A_56 = tpu.memref_squeeze %dma_start3A_55 : memref<1x100x128xf32, #tpu.memory_space<vmem>> -> memref<100x128xf32, #tpu.memory_space<vmem>>
    %dma_start3A_57 = arith.constant 0 : i32
    %dma_start3A_58 = tpu.memref_slice %arg6[%dma_start3A_51, %dma_start3A_57] : memref<64x100xi32, #tpu.memory_space<vmem>> -> memref<1x100xi32, #tpu.memory_space<vmem>>
    %dma_start3A_59 = tpu.memref_squeeze %dma_start3A_58 : memref<1x100xi32, #tpu.memory_space<vmem>> -> memref<100xi32, #tpu.memory_space<vmem>>
    %dma_start3A_60 = arith.constant 0 : i32
    %dma_start3A_61 = arith.constant 0 : i32
    %dma_start3A_62 = tpu.memref_slice %arg9[%dma_start3A_60, %dma_start3A_61] : memref<1000x128xf32, #tpu.memory_space<vmem_shared>> -> memref<1000x128xf32, #tpu.memory_space<vmem_shared>>
    tpu.enqueue_indirect_dma source(%dma_start3A_62 : memref<1000x128xf32, #tpu.memory_space<vmem_shared>>) target(%dma_start3A_56 : memref<100x128xf32, #tpu.memory_space<vmem>>) offsets(%dma_start3A_59 : memref<100xi32, #tpu.memory_space<vmem>>) semaphore(%arg11 : memref<!tpu.dma_semaphore, #tpu.memory_space<semaphore_mem>>)
    %dma_start3A_63 = arith.constant 3 : i32
    %dma_start3A_64 = arith.constant 1 : i32
    %dma_start3A_65 = arith.constant 100 : i32
    %dma_start3A_66 = arith.constant 0 : i32
    %dma_start3A_67 = tpu.memref_slice %arg8[%dma_start3A_64, %dma_start3A_65, %dma_start3A_66] : memref<3x200x128xf32, #tpu.memory_space<vmem>> -> memref<1x100x128xf32, #tpu.memory_space<vmem>>
    %dma_start3A_68 = tpu.memref_squeeze %dma_start3A_67 : memref<1x100x128xf32, #tpu.memory_space<vmem>> -> memref<100x128xf32, #tpu.memory_space<vmem>>
    %dma_start3A_69 = arith.constant 0 : i32
    %dma_start3A_70 = tpu.memref_slice %arg6[%dma_start3A_63, %dma_start3A_69] : memref<64x100xi32, #tpu.memory_space<vmem>> -> memref<1x100xi32, #tpu.memory_space<vmem>>
    %dma_start3A_71 = tpu.memref_squeeze %dma_start3A_70 : memref<1x100xi32, #tpu.memory_space<vmem>> -> memref<100xi32, #tpu.memory_space<vmem>>
    %dma_start3A_72 = arith.constant 0 : i32
    %dma_start3A_73 = arith.constant 0 : i32
    %dma_start3A_74 = tpu.memref_slice %arg9[%dma_start3A_72, %dma_start3A_73] : memref<1000x128xf32, #tpu.memory_space<vmem_shared>> -> memref<1000x128xf32, #tpu.memory_space<vmem_shared>>
    tpu.enqueue_indirect_dma source(%dma_start3A_74 : memref<1000x128xf32, #tpu.memory_space<vmem_shared>>) target(%dma_start3A_68 : memref<100x128xf32, #tpu.memory_space<vmem>>) offsets(%dma_start3A_71 : memref<100xi32, #tpu.memory_space<vmem>>) semaphore(%arg11 : memref<!tpu.dma_semaphore, #tpu.memory_space<semaphore_mem>>)
    %scan3A = arith.constant 0 : i32
    %scan3A_75 = arith.constant 0 : i32
    %scan3A_76 = arith.constant 200 : i32
    %scan3A_77 = arith.addi %scan3A_75, %scan3A_76 : i32
    %scan3A_78 = arith.constant 4 : i32
    scf.for %scan3A_463 = %scan3A_75 to %scan3A_77 step %scan3A_78  : i32 {
      %get3A = arith.index_cast %scan3A_463 : i32 to index
      %get3A_464 = arith.constant 0 : index
      %get3A_465 = tpu.vector_load %arg7[%get3A, %get3A_464] {strides = array<i32>} : memref<200x128xf32, #tpu.memory_space<vmem>>, vector<1x16xf32>,
      %get3A_466 = vector.shape_cast %get3A_465 : vector<1x16xf32> to vector<16xf32>
      %swap3A = arith.constant 0 : i32
      %swap3A_467 = arith.index_cast %swap3A : i32 to index
      %swap3A_468 = arith.index_cast %scan3A_463 : i32 to index
      %swap3A_469 = arith.constant 0 : index
      %swap3A_470 = tpu.vector_load %arg8[%swap3A_467, %swap3A_468, %swap3A_469] {strides = array<i32>} : memref<3x200x128xf32, #tpu.memory_space<vmem>>, vector<1x1x16xf32>,
      %swap3A_471 = vector.shape_cast %swap3A_470 : vector<1x1x16xf32> to vector<16xf32>
      %swap3A_472 = vector.shape_cast %get3A_466 : vector<16xf32> to vector<1x1x16xf32>
      tpu.vector_store %arg8[%swap3A_467, %swap3A_468, %swap3A_469], %swap3A_472 {add = true, strides = array<i32>} : memref<3x200x128xf32, #tpu.memory_space<vmem>>, vector<1x1x16xf32>,
      %get3A_473 = arith.index_cast %scan3A_463 : i32 to index
      %get3A_474 = arith.constant 16 : index
      %get3A_475 = tpu.vector_load %arg7[%get3A_473, %get3A_474] {strides = array<i32>} : memref<200x128xf32, #tpu.memory_space<vmem>>, vector<1x16xf32>,
      %get3A_476 = vector.shape_cast %get3A_475 : vector<1x16xf32> to vector<16xf32>
      %swap3A_477 = arith.constant 0 : i32
      %swap3A_478 = arith.index_cast %swap3A_477 : i32 to index
      %swap3A_479 = arith.index_cast %scan3A_463 : i32 to index
      %swap3A_480 = arith.constant 16 : index
      %swap3A_481 = tpu.vector_load %arg8[%swap3A_478, %swap3A_479, %swap3A_480] {strides = array<i32>} : memref<3x200x128xf32, #tpu.memory_space<vmem>>, vector<1x1x16xf32>,
      %swap3A_482 = vector.shape_cast %swap3A_481 : vector<1x1x16xf32> to vector<16xf32>
      %swap3A_483 = vector.shape_cast %get3A_476 : vector<16xf32> to vector<1x1x16xf32>
      tpu.vector_store %arg8[%swap3A_478, %swap3A_479, %swap3A_480], %swap3A_483 {add = true, strides = array<i32>} : memref<3x200x128xf32, #tpu.memory_space<vmem>>, vector<1x1x16xf32>,
      %get3A_484 = arith.index_cast %scan3A_463 : i32 to index
      %get3A_485 = arith.constant 32 : index
      %get3A_486 = tpu.vector_load %arg7[%get3A_484, %get3A_485] {strides = array<i32>} : memref<200x128xf32, #tpu.memory_space<vmem>>, vector<1x16xf32>,
      %get3A_487 = vector.shape_cast %get3A_486 : vector<1x16xf32> to vector<16xf32>
      %swap3A_488 = arith.constant 0 : i32
      %swap3A_489 = arith.index_cast %swap3A_488 : i32 to index
      %swap3A_490 = arith.index_cast %scan3A_463 : i32 to index
      %swap3A_491 = arith.constant 32 : index
      %swap3A_492 = tpu.vector_load %arg8[%swap3A_489, %swap3A_490, %swap3A_491] {strides = array<i32>} : memref<3x200x128xf32, #tpu.memory_space<vmem>>, vector<1x1x16xf32>,
      %swap3A_493 = vector.shape_cast %swap3A_492 : vector<1x1x16xf32> to vector<16xf32>
      %swap3A_494 = vector.shape_cast %get3A_487 : vector<16xf32> to vector<1x1x16xf32>
      tpu.vector_store %arg8[%swap3A_489, %swap3A_490, %swap3A_491], %swap3A_494 {add = true, strides = array<i32>} : memref<3x200x128xf32, #tpu.memory_space<vmem>>, vector<1x1x16xf32>,
      %get3A_495 = arith.index_cast %scan3A_463 : i32 to index
      %get3A_496 = arith.constant 48 : index
      %get3A_497 = tpu.vector_load %arg7[%get3A_495, %get3A_496] {strides = array<i32>} : memref<200x128xf32, #tpu.memory_space<vmem>>, vector<1x16xf32>,
      %get3A_498 = vector.shape_cast %get3A_497 : vector<1x16xf32> to vector<16xf32>
      %swap3A_499 = arith.constant 0 : i32
      %swap3A_500 = arith.index_cast %swap3A_499 : i32 to index
      %swap3A_501 = arith.index_cast %scan3A_463 : i32 to index
      %swap3A_502 = arith.constant 48 : index
      %swap3A_503 = tpu.vector_load %arg8[%swap3A_500, %swap3A_501, %swap3A_502] {strides = array<i32>} : memref<3x200x128xf32, #tpu.memory_space<vmem>>, vector<1x1x16xf32>,
      %swap3A_504 = vector.shape_cast %swap3A_503 : vector<1x1x16xf32> to vector<16xf32>
      %swap3A_505 = vector.shape_cast %get3A_498 : vector<16xf32> to vector<1x1x16xf32>
      tpu.vector_store %arg8[%swap3A_500, %swap3A_501, %swap3A_502], %swap3A_505 {add = true, strides = array<i32>} : memref<3x200x128xf32, #tpu.memory_space<vmem>>, vector<1x1x16xf32>,
      %get3A_506 = arith.index_cast %scan3A_463 : i32 to index
      %get3A_507 = arith.constant 64 : index
      %get3A_508 = tpu.vector_load %arg7[%get3A_506, %get3A_507] {strides = array<i32>} : memref<200x128xf32, #tpu.memory_space<vmem>>, vector<1x16xf32>,
      %get3A_509 = vector.shape_cast %get3A_508 : vector<1x16xf32> to vector<16xf32>
      %swap3A_510 = arith.constant 0 : i32
      %swap3A_511 = arith.index_cast %swap3A_510 : i32 to index
      %swap3A_512 = arith.index_cast %scan3A_463 : i32 to index
      %swap3A_513 = arith.constant 64 : index
      %swap3A_514 = tpu.vector_load %arg8[%swap3A_511, %swap3A_512, %swap3A_513] {strides = array<i32>} : memref<3x200x128xf32, #tpu.memory_space<vmem>>, vector<1x1x16xf32>,
      %swap3A_515 = vector.shape_cast %swap3A_514 : vector<1x1x16xf32> to vector<16xf32>
      %swap3A_516 = vector.shape_cast %get3A_509 : vector<16xf32> to vector<1x1x16xf32>
      tpu.vector_store %arg8[%swap3A_511, %swap3A_512, %swap3A_513], %swap3A_516 {add = true, strides = array<i32>} : memref<3x200x128xf32, #tpu.memory_space<vmem>>, vector<1x1x16xf32>,
      %get3A_517 = arith.index_cast %scan3A_463 : i32 to index
      %get3A_518 = arith.constant 80 : index
      %get3A_519 = tpu.vector_load %arg7[%get3A_517, %get3A_518] {strides = array<i32>} : memref<200x128xf32, #tpu.memory_space<vmem>>, vector<1x16xf32>,
      %get3A_520 = vector.shape_cast %get3A_519 : vector<1x16xf32> to vector<16xf32>
      %swap3A_521 = arith.constant 0 : i32
      %swap3A_522 = arith.index_cast %swap3A_521 : i32 to index
      %swap3A_523 = arith.index_cast %scan3A_463 : i32 to index
      %swap3A_524 = arith.constant 80 : index
      %swap3A_525 = tpu.vector_load %arg8[%swap3A_522, %swap3A_523, %swap3A_524] {strides = array<i32>} : memref<3x200x128xf32, #tpu.memory_space<vmem>>, vector<1x1x16xf32>,
      %swap3A_526 = vector.shape_cast %swap3A_525 : vector<1x1x16xf32> to vector<16xf32>
      %swap3A_527 = vector.shape_cast %get3A_520 : vector<16xf32> to vector<1x1x16xf32>
      tpu.vector_store %arg8[%swap3A_522, %swap3A_523, %swap3A_524], %swap3A_527 {add = true, strides = array<i32>} : memref<3x200x128xf32, #tpu.memory_space<vmem>>, vector<1x1x16xf32>,
      %get3A_528 = arith.index_cast %scan3A_463 : i32 to index
      %get3A_529 = arith.constant 96 : index
      %get3A_530 = tpu.vector_load %arg7[%get3A_528, %get3A_529] {strides = array<i32>} : memref<200x128xf32, #tpu.memory_space<vmem>>, vector<1x16xf32>,
      %get3A_531 = vector.shape_cast %get3A_530 : vector<1x16xf32> to vector<16xf32>
      %swap3A_532 = arith.constant 0 : i32
      %swap3A_533 = arith.index_cast %swap3A_532 : i32 to index
      %swap3A_534 = arith.index_cast %scan3A_463 : i32 to index
      %swap3A_535 = arith.constant 96 : index
      %swap3A_536 = tpu.vector_load %arg8[%swap3A_533, %swap3A_534, %swap3A_535] {strides = array<i32>} : memref<3x200x128xf32, #tpu.memory_space<vmem>>, vector<1x1x16xf32>,
      %swap3A_537 = vector.shape_cast %swap3A_536 : vector<1x1x16xf32> to vector<16xf32>
      %swap3A_538 = vector.shape_cast %get3A_531 : vector<16xf32> to vector<1x1x16xf32>
      tpu.vector_store %arg8[%swap3A_533, %swap3A_534, %swap3A_535], %swap3A_538 {add = true, strides = array<i32>} : memref<3x200x128xf32, #tpu.memory_space<vmem>>, vector<1x1x16xf32>,
      %get3A_539 = arith.index_cast %scan3A_463 : i32 to index
      %get3A_540 = arith.constant 112 : index
      %get3A_541 = tpu.vector_load %arg7[%get3A_539, %get3A_540] {strides = array<i32>} : memref<200x128xf32, #tpu.memory_space<vmem>>, vector<1x16xf32>,
      %get3A_542 = vector.shape_cast %get3A_541 : vector<1x16xf32> to vector<16xf32>
      %swap3A_543 = arith.constant 0 : i32
      %swap3A_544 = arith.index_cast %swap3A_543 : i32 to index
      %swap3A_545 = arith.index_cast %scan3A_463 : i32 to index
      %swap3A_546 = arith.constant 112 : index
      %swap3A_547 = tpu.vector_load %arg8[%swap3A_544, %swap3A_545, %swap3A_546] {strides = array<i32>} : memref<3x200x128xf32, #tpu.memory_space<vmem>>, vector<1x1x16xf32>,
      %swap3A_548 = vector.shape_cast %swap3A_547 : vector<1x1x16xf32> to vector<16xf32>
      %swap3A_549 = vector.shape_cast %get3A_542 : vector<16xf32> to vector<1x1x16xf32>
      tpu.vector_store %arg8[%swap3A_544, %swap3A_545, %swap3A_546], %swap3A_549 {add = true, strides = array<i32>} : memref<3x200x128xf32, #tpu.memory_space<vmem>>, vector<1x1x16xf32>,
      %scan3A_550 = arith.constant 1 : i32
      %scan3A_551 = arith.addi %scan3A_463, %scan3A_550 : i32
      %get3A_552 = arith.index_cast %scan3A_551 : i32 to index
      %get3A_553 = arith.constant 0 : index
      %get3A_554 = tpu.vector_load %arg7[%get3A_552, %get3A_553] {strides = array<i32>} : memref<200x128xf32, #tpu.memory_space<vmem>>, vector<1x16xf32>,
      %get3A_555 = vector.shape_cast %get3A_554 : vector<1x16xf32> to vector<16xf32>
      %swap3A_556 = arith.constant 0 : i32
      %swap3A_557 = arith.index_cast %swap3A_556 : i32 to index
      %swap3A_558 = arith.index_cast %scan3A_551 : i32 to index
      %swap3A_559 = arith.constant 0 : index
      %swap3A_560 = tpu.vector_load %arg8[%swap3A_557, %swap3A_558, %swap3A_559] {strides = array<i32>} : memref<3x200x128xf32, #tpu.memory_space<vmem>>, vector<1x1x16xf32>,
      %swap3A_561 = vector.shape_cast %swap3A_560 : vector<1x1x16xf32> to vector<16xf32>
      %swap3A_562 = vector.shape_cast %get3A_555 : vector<16xf32> to vector<1x1x16xf32>
      tpu.vector_store %arg8[%swap3A_557, %swap3A_558, %swap3A_559], %swap3A_562 {add = true, strides = array<i32>} : memref<3x200x128xf32, #tpu.memory_space<vmem>>, vector<1x1x16xf32>,
      %get3A_563 = arith.index_cast %scan3A_551 : i32 to index
      %get3A_564 = arith.constant 16 : index
      %get3A_565 = tpu.vector_load %arg7[%get3A_563, %get3A_564] {strides = array<i32>} : memref<200x128xf32, #tpu.memory_space<vmem>>, vector<1x16xf32>,
      %get3A_566 = vector.shape_cast %get3A_565 : vector<1x16xf32> to vector<16xf32>
      %swap3A_567 = arith.constant 0 : i32
      %swap3A_568 = arith.index_cast %swap3A_567 : i32 to index
      %swap3A_569 = arith.index_cast %scan3A_551 : i32 to index
      %swap3A_570 = arith.constant 16 : index
      %swap3A_571 = tpu.vector_load %arg8[%swap3A_568, %swap3A_569, %swap3A_570] {strides = array<i32>} : memref<3x200x128xf32, #tpu.memory_space<vmem>>, vector<1x1x16xf32>,
      %swap3A_572 = vector.shape_cast %swap3A_571 : vector<1x1x16xf32> to vector<16xf32>
      %swap3A_573 = vector.shape_cast %get3A_566 : vector<16xf32> to vector<1x1x16xf32>
      tpu.vector_store %arg8[%swap3A_568, %swap3A_569, %swap3A_570], %swap3A_573 {add = true, strides = array<i32>} : memref<3x200x128xf32, #tpu.memory_space<vmem>>, vector<1x1x16xf32>,
      %get3A_574 = arith.index_cast %scan3A_551 : i32 to index
      %get3A_575 = arith.constant 32 : index
      %get3A_576 = tpu.vector_load %arg7[%get3A_574, %get3A_575] {strides = array<i32>} : memref<200x128xf32, #tpu.memory_space<vmem>>, vector<1x16xf32>,
      %get3A_577 = vector.shape_cast %get3A_576 : vector<1x16xf32> to vector<16xf32>
      %swap3A_578 = arith.constant 0 : i32
      %swap3A_579 = arith.index_cast %swap3A_578 : i32 to index
      %swap3A_580 = arith.index_cast %scan3A_551 : i32 to index
      %swap3A_581 = arith.constant 32 : index
      %swap3A_582 = tpu.vector_load %arg8[%swap3A_579, %swap3A_580, %swap3A_581] {strides = array<i32>} : memref<3x200x128xf32, #tpu.memory_space<vmem>>, vector<1x1x16xf32>,
      %swap3A_583 = vector.shape_cast %swap3A_582 : vector<1x1x16xf32> to vector<16xf32>
      %swap3A_584 = vector.shape_cast %get3A_577 : vector<16xf32> to vector<1x1x16xf32>
      tpu.vector_store %arg8[%swap3A_579, %swap3A_580, %swap3A_581], %swap3A_584 {add = true, strides = array<i32>} : memref<3x200x128xf32, #tpu.memory_space<vmem>>, vector<1x1x16xf32>,
      %get3A_585 = arith.index_cast %scan3A_551 : i32 to index
      %get3A_586 = arith.constant 48 : index
      %get3A_587 = tpu.vector_load %arg7[%get3A_585, %get3A_586] {strides = array<i32>} : memref<200x128xf32, #tpu.memory_space<vmem>>, vector<1x16xf32>,
      %get3A_588 = vector.shape_cast %get3A_587 : vector<1x16xf32> to vector<16xf32>
      %swap3A_589 = arith.constant 0 : i32
      %swap3A_590 = arith.index_cast %swap3A_589 : i32 to index
      %swap3A_591 = arith.index_cast %scan3A_551 : i32 to index
      %swap3A_592 = arith.constant 48 : index
      %swap3A_593 = tpu.vector_load %arg8[%swap3A_590, %swap3A_591, %swap3A_592] {strides = array<i32>} : memref<3x200x128xf32, #tpu.memory_space<vmem>>, vector<1x1x16xf32>,
      %swap3A_594 = vector.shape_cast %swap3A_593 : vector<1x1x16xf32> to vector<16xf32>
      %swap3A_595 = vector.shape_cast %get3A_588 : vector<16xf32> to vector<1x1x16xf32>
      tpu.vector_store %arg8[%swap3A_590, %swap3A_591, %swap3A_592], %swap3A_595 {add = true, strides = array<i32>} : memref<3x200x128xf32, #tpu.memory_space<vmem>>, vector<1x1x16xf32>,
      %get3A_596 = arith.index_cast %scan3A_551 : i32 to index
      %get3A_597 = arith.constant 64 : index
      %get3A_598 = tpu.vector_load %arg7[%get3A_596, %get3A_597] {strides = array<i32>} : memref<200x128xf32, #tpu.memory_space<vmem>>, vector<1x16xf32>,
      %get3A_599 = vector.shape_cast %get3A_598 : vector<1x16xf32> to vector<16xf32>
      %swap3A_600 = arith.constant 0 : i32
      %swap3A_601 = arith.index_cast %swap3A_600 : i32 to index
      %swap3A_602 = arith.index_cast %scan3A_551 : i32 to index
      %swap3A_603 = arith.constant 64 : index
      %swap3A_604 = tpu.vector_load %arg8[%swap3A_601, %swap3A_602, %swap3A_603] {strides = array<i32>} : memref<3x200x128xf32, #tpu.memory_space<vmem>>, vector<1x1x16xf32>,
      %swap3A_605 = vector.shape_cast %swap3A_604 : vector<1x1x16xf32> to vector<16xf32>
      %swap3A_606 = vector.shape_cast %get3A_599 : vector<16xf32> to vector<1x1x16xf32>
      tpu.vector_store %arg8[%swap3A_601, %swap3A_602, %swap3A_603], %swap3A_606 {add = true, strides = array<i32>} : memref<3x200x128xf32, #tpu.memory_space<vmem>>, vector<1x1x16xf32>,
      %get3A_607 = arith.index_cast %scan3A_551 : i32 to index
      %get3A_608 = arith.constant 80 : index
      %get3A_609 = tpu.vector_load %arg7[%get3A_607, %get3A_608] {strides = array<i32>} : memref<200x128xf32, #tpu.memory_space<vmem>>, vector<1x16xf32>,
      %get3A_610 = vector.shape_cast %get3A_609 : vector<1x16xf32> to vector<16xf32>
      %swap3A_611 = arith.constant 0 : i32
      %swap3A_612 = arith.index_cast %swap3A_611 : i32 to index
      %swap3A_613 = arith.index_cast %scan3A_551 : i32 to index
      %swap3A_614 = arith.constant 80 : index
      %swap3A_615 = tpu.vector_load %arg8[%swap3A_612, %swap3A_613, %swap3A_614] {strides = array<i32>} : memref<3x200x128xf32, #tpu.memory_space<vmem>>, vector<1x1x16xf32>,
      %swap3A_616 = vector.shape_cast %swap3A_615 : vector<1x1x16xf32> to vector<16xf32>
      %swap3A_617 = vector.shape_cast %get3A_610 : vector<16xf32> to vector<1x1x16xf32>
      tpu.vector_store %arg8[%swap3A_612, %swap3A_613, %swap3A_614], %swap3A_617 {add = true, strides = array<i32>} : memref<3x200x128xf32, #tpu.memory_space<vmem>>, vector<1x1x16xf32>,
      %get3A_618 = arith.index_cast %scan3A_551 : i32 to index
      %get3A_619 = arith.constant 96 : index
      %get3A_620 = tpu.vector_load %arg7[%get3A_618, %get3A_619] {strides = array<i32>} : memref<200x128xf32, #tpu.memory_space<vmem>>, vector<1x16xf32>,
      %get3A_621 = vector.shape_cast %get3A_620 : vector<1x16xf32> to vector<16xf32>
      %swap3A_622 = arith.constant 0 : i32
      %swap3A_623 = arith.index_cast %swap3A_622 : i32 to index
      %swap3A_624 = arith.index_cast %scan3A_551 : i32 to index
      %swap3A_625 = arith.constant 96 : index
      %swap3A_626 = tpu.vector_load %arg8[%swap3A_623, %swap3A_624, %swap3A_625] {strides = array<i32>} : memref<3x200x128xf32, #tpu.memory_space<vmem>>, vector<1x1x16xf32>,
      %swap3A_627 = vector.shape_cast %swap3A_626 : vector<1x1x16xf32> to vector<16xf32>
      %swap3A_628 = vector.shape_cast %get3A_621 : vector<16xf32> to vector<1x1x16xf32>
      tpu.vector_store %arg8[%swap3A_623, %swap3A_624, %swap3A_625], %swap3A_628 {add = true, strides = array<i32>} : memref<3x200x128xf32, #tpu.memory_space<vmem>>, vector<1x1x16xf32>,
      %get3A_629 = arith.index_cast %scan3A_551 : i32 to index
      %get3A_630 = arith.constant 112 : index
      %get3A_631 = tpu.vector_load %arg7[%get3A_629, %get3A_630] {strides = array<i32>} : memref<200x128xf32, #tpu.memory_space<vmem>>, vector<1x16xf32>,
      %get3A_632 = vector.shape_cast %get3A_631 : vector<1x16xf32> to vector<16xf32>
      %swap3A_633 = arith.constant 0 : i32
      %swap3A_634 = arith.index_cast %swap3A_633 : i32 to index
      %swap3A_635 = arith.index_cast %scan3A_551 : i32 to index
      %swap3A_636 = arith.constant 112 : index
      %swap3A_637 = tpu.vector_load %arg8[%swap3A_634, %swap3A_635, %swap3A_636] {strides = array<i32>} : memref<3x200x128xf32, #tpu.memory_space<vmem>>, vector<1x1x16xf32>,
      %swap3A_638 = vector.shape_cast %swap3A_637 : vector<1x1x16xf32> to vector<16xf32>
      %swap3A_639 = vector.shape_cast %get3A_632 : vector<16xf32> to vector<1x1x16xf32>
      tpu.vector_store %arg8[%swap3A_634, %swap3A_635, %swap3A_636], %swap3A_639 {add = true, strides = array<i32>} : memref<3x200x128xf32, #tpu.memory_space<vmem>>, vector<1x1x16xf32>,
      %scan3A_640 = arith.constant 2 : i32
      %scan3A_641 = arith.addi %scan3A_463, %scan3A_640 : i32
      %get3A_642 = arith.index_cast %scan3A_641 : i32 to index
      %get3A_643 = arith.constant 0 : index
      %get3A_644 = tpu.vector_load %arg7[%get3A_642, %get3A_643] {strides = array<i32>} : memref<200x128xf32, #tpu.memory_space<vmem>>, vector<1x16xf32>,
      %get3A_645 = vector.shape_cast %get3A_644 : vector<1x16xf32> to vector<16xf32>
      %swap3A_646 = arith.constant 0 : i32
      %swap3A_647 = arith.index_cast %swap3A_646 : i32 to index
      %swap3A_648 = arith.index_cast %scan3A_641 : i32 to index
      %swap3A_649 = arith.constant 0 : index
      %swap3A_650 = tpu.vector_load %arg8[%swap3A_647, %swap3A_648, %swap3A_649] {strides = array<i32>} : memref<3x200x128xf32, #tpu.memory_space<vmem>>, vector<1x1x16xf32>,
      %swap3A_651 = vector.shape_cast %swap3A_650 : vector<1x1x16xf32> to vector<16xf32>
      %swap3A_652 = vector.shape_cast %get3A_645 : vector<16xf32> to vector<1x1x16xf32>
      tpu.vector_store %arg8[%swap3A_647, %swap3A_648, %swap3A_649], %swap3A_652 {add = true, strides = array<i32>} : memref<3x200x128xf32, #tpu.memory_space<vmem>>, vector<1x1x16xf32>,
      %get3A_653 = arith.index_cast %scan3A_641 : i32 to index
      %get3A_654 = arith.constant 16 : index
      %get3A_655 = tpu.vector_load %arg7[%get3A_653, %get3A_654] {strides = array<i32>} : memref<200x128xf32, #tpu.memory_space<vmem>>, vector<1x16xf32>,
      %get3A_656 = vector.shape_cast %get3A_655 : vector<1x16xf32> to vector<16xf32>
      %swap3A_657 = arith.constant 0 : i32
      %swap3A_658 = arith.index_cast %swap3A_657 : i32 to index
      %swap3A_659 = arith.index_cast %scan3A_641 : i32 to index
      %swap3A_660 = arith.constant 16 : index
      %swap3A_661 = tpu.vector_load %arg8[%swap3A_658, %swap3A_659, %swap3A_660] {strides = array<i32>} : memref<3x200x128xf32, #tpu.memory_space<vmem>>, vector<1x1x16xf32>,
      %swap3A_662 = vector.shape_cast %swap3A_661 : vector<1x1x16xf32> to vector<16xf32>
      %swap3A_663 = vector.shape_cast %get3A_656 : vector<16xf32> to vector<1x1x16xf32>
      tpu.vector_store %arg8[%swap3A_658, %swap3A_659, %swap3A_660], %swap3A_663 {add = true, strides = array<i32>} : memref<3x200x128xf32, #tpu.memory_space<vmem>>, vector<1x1x16xf32>,
      %get3A_664 = arith.index_cast %scan3A_641 : i32 to index
      %get3A_665 = arith.constant 32 : index
      %get3A_666 = tpu.vector_load %arg7[%get3A_664, %get3A_665] {strides = array<i32>} : memref<200x128xf32, #tpu.memory_space<vmem>>, vector<1x16xf32>,
      %get3A_667 = vector.shape_cast %get3A_666 : vector<1x16xf32> to vector<16xf32>
      %swap3A_668 = arith.constant 0 : i32
      %swap3A_669 = arith.index_cast %swap3A_668 : i32 to index
      %swap3A_670 = arith.index_cast %scan3A_641 : i32 to index
      %swap3A_671 = arith.constant 32 : index
      %swap3A_672 = tpu.vector_load %arg8[%swap3A_669, %swap3A_670, %swap3A_671] {strides = array<i32>} : memref<3x200x128xf32, #tpu.memory_space<vmem>>, vector<1x1x16xf32>,
      %swap3A_673 = vector.shape_cast %swap3A_672 : vector<1x1x16xf32> to vector<16xf32>
      %swap3A_674 = vector.shape_cast %get3A_667 : vector<16xf32> to vector<1x1x16xf32>
      tpu.vector_store %arg8[%swap3A_669, %swap3A_670, %swap3A_671], %swap3A_674 {add = true, strides = array<i32>} : memref<3x200x128xf32, #tpu.memory_space<vmem>>, vector<1x1x16xf32>,
      %get3A_675 = arith.index_cast %scan3A_641 : i32 to index
      %get3A_676 = arith.constant 48 : index
      %get3A_677 = tpu.vector_load %arg7[%get3A_675, %get3A_676] {strides = array<i32>} : memref<200x128xf32, #tpu.memory_space<vmem>>, vector<1x16xf32>,
      %get3A_678 = vector.shape_cast %get3A_677 : vector<1x16xf32> to vector<16xf32>
      %swap3A_679 = arith.constant 0 : i32
      %swap3A_680 = arith.index_cast %swap3A_679 : i32 to index
      %swap3A_681 = arith.index_cast %scan3A_641 : i32 to index
      %swap3A_682 = arith.constant 48 : index
      %swap3A_683 = tpu.vector_load %arg8[%swap3A_680, %swap3A_681, %swap3A_682] {strides = array<i32>} : memref<3x200x128xf32, #tpu.memory_space<vmem>>, vector<1x1x16xf32>,
      %swap3A_684 = vector.shape_cast %swap3A_683 : vector<1x1x16xf32> to vector<16xf32>
      %swap3A_685 = vector.shape_cast %get3A_678 : vector<16xf32> to vector<1x1x16xf32>
      tpu.vector_store %arg8[%swap3A_680, %swap3A_681, %swap3A_682], %swap3A_685 {add = true, strides = array<i32>} : memref<3x200x128xf32, #tpu.memory_space<vmem>>, vector<1x1x16xf32>,
      %get3A_686 = arith.index_cast %scan3A_641 : i32 to index
      %get3A_687 = arith.constant 64 : index
      %get3A_688 = tpu.vector_load %arg7[%get3A_686, %get3A_687] {strides = array<i32>} : memref<200x128xf32, #tpu.memory_space<vmem>>, vector<1x16xf32>,
      %get3A_689 = vector.shape_cast %get3A_688 : vector<1x16xf32> to vector<16xf32>
      %swap3A_690 = arith.constant 0 : i32
      %swap3A_691 = arith.index_cast %swap3A_690 : i32 to index
      %swap3A_692 = arith.index_cast %scan3A_641 : i32 to index
      %swap3A_693 = arith.constant 64 : index
      %swap3A_694 = tpu.vector_load %arg8[%swap3A_691, %swap3A_692, %swap3A_693] {strides = array<i32>} : memref<3x200x128xf32, #tpu.memory_space<vmem>>, vector<1x1x16xf32>,
      %swap3A_695 = vector.shape_cast %swap3A_694 : vector<1x1x16xf32> to vector<16xf32>
      %swap3A_696 = vector.shape_cast %get3A_689 : vector<16xf32> to vector<1x1x16xf32>
      tpu.vector_store %arg8[%swap3A_691, %swap3A_692, %swap3A_693], %swap3A_696 {add = true, strides = array<i32>} : memref<3x200x128xf32, #tpu.memory_space<vmem>>, vector<1x1x16xf32>,
      %get3A_697 = arith.index_cast %scan3A_641 : i32 to index
      %get3A_698 = arith.constant 80 : index
      %get3A_699 = tpu.vector_load %arg7[%get3A_697, %get3A_698] {strides = array<i32>} : memref<200x128xf32, #tpu.memory_space<vmem>>, vector<1x16xf32>,
      %get3A_700 = vector.shape_cast %get3A_699 : vector<1x16xf32> to vector<16xf32>
      %swap3A_701 = arith.constant 0 : i32
      %swap3A_702 = arith.index_cast %swap3A_701 : i32 to index
      %swap3A_703 = arith.index_cast %scan3A_641 : i32 to index
      %swap3A_704 = arith.constant 80 : index
      %swap3A_705 = tpu.vector_load %arg8[%swap3A_702, %swap3A_703, %swap3A_704] {strides = array<i32>} : memref<3x200x128xf32, #tpu.memory_space<vmem>>, vector<1x1x16xf32>,
      %swap3A_706 = vector.shape_cast %swap3A_705 : vector<1x1x16xf32> to vector<16xf32>
      %swap3A_707 = vector.shape_cast %get3A_700 : vector<16xf32> to vector<1x1x16xf32>
      tpu.vector_store %arg8[%swap3A_702, %swap3A_703, %swap3A_704], %swap3A_707 {add = true, strides = array<i32>} : memref<3x200x128xf32, #tpu.memory_space<vmem>>, vector<1x1x16xf32>,
      %get3A_708 = arith.index_cast %scan3A_641 : i32 to index
      %get3A_709 = arith.constant 96 : index
      %get3A_710 = tpu.vector_load %arg7[%get3A_708, %get3A_709] {strides = array<i32>} : memref<200x128xf32, #tpu.memory_space<vmem>>, vector<1x16xf32>,
      %get3A_711 = vector.shape_cast %get3A_710 : vector<1x16xf32> to vector<16xf32>
      %swap3A_712 = arith.constant 0 : i32
      %swap3A_713 = arith.index_cast %swap3A_712 : i32 to index
      %swap3A_714 = arith.index_cast %scan3A_641 : i32 to index
      %swap3A_715 = arith.constant 96 : index
      %swap3A_716 = tpu.vector_load %arg8[%swap3A_713, %swap3A_714, %swap3A_715] {strides = array<i32>} : memref<3x200x128xf32, #tpu.memory_space<vmem>>, vector<1x1x16xf32>,
      %swap3A_717 = vector.shape_cast %swap3A_716 : vector<1x1x16xf32> to vector<16xf32>
      %swap3A_718 = vector.shape_cast %get3A_711 : vector<16xf32> to vector<1x1x16xf32>
      tpu.vector_store %arg8[%swap3A_713, %swap3A_714, %swap3A_715], %swap3A_718 {add = true, strides = array<i32>} : memref<3x200x128xf32, #tpu.memory_space<vmem>>, vector<1x1x16xf32>,
      %get3A_719 = arith.index_cast %scan3A_641 : i32 to index
      %get3A_720 = arith.constant 112 : index
      %get3A_721 = tpu.vector_load %arg7[%get3A_719, %get3A_720] {strides = array<i32>} : memref<200x128xf32, #tpu.memory_space<vmem>>, vector<1x16xf32>,
      %get3A_722 = vector.shape_cast %get3A_721 : vector<1x16xf32> to vector<16xf32>
      %swap3A_723 = arith.constant 0 : i32
      %swap3A_724 = arith.index_cast %swap3A_723 : i32 to index
      %swap3A_725 = arith.index_cast %scan3A_641 : i32 to index
      %swap3A_726 = arith.constant 112 : index
      %swap3A_727 = tpu.vector_load %arg8[%swap3A_724, %swap3A_725, %swap3A_726] {strides = array<i32>} : memref<3x200x128xf32, #tpu.memory_space<vmem>>, vector<1x1x16xf32>,
      %swap3A_728 = vector.shape_cast %swap3A_727 : vector<1x1x16xf32> to vector<16xf32>
      %swap3A_729 = vector.shape_cast %get3A_722 : vector<16xf32> to vector<1x1x16xf32>
      tpu.vector_store %arg8[%swap3A_724, %swap3A_725, %swap3A_726], %swap3A_729 {add = true, strides = array<i32>} : memref<3x200x128xf32, #tpu.memory_space<vmem>>, vector<1x1x16xf32>,
      %scan3A_730 = arith.constant 3 : i32
      %scan3A_731 = arith.addi %scan3A_463, %scan3A_730 : i32
      %get3A_732 = arith.index_cast %scan3A_731 : i32 to index
      %get3A_733 = arith.constant 0 : index
      %get3A_734 = tpu.vector_load %arg7[%get3A_732, %get3A_733] {strides = array<i32>} : memref<200x128xf32, #tpu.memory_space<vmem>>, vector<1x16xf32>,
      %get3A_735 = vector.shape_cast %get3A_734 : vector<1x16xf32> to vector<16xf32>
      %swap3A_736 = arith.constant 0 : i32
      %swap3A_737 = arith.index_cast %swap3A_736 : i32 to index
      %swap3A_738 = arith.index_cast %scan3A_731 : i32 to index
      %swap3A_739 = arith.constant 0 : index
      %swap3A_740 = tpu.vector_load %arg8[%swap3A_737, %swap3A_738, %swap3A_739] {strides = array<i32>} : memref<3x200x128xf32, #tpu.memory_space<vmem>>, vector<1x1x16xf32>,
      %swap3A_741 = vector.shape_cast %swap3A_740 : vector<1x1x16xf32> to vector<16xf32>
      %swap3A_742 = vector.shape_cast %get3A_735 : vector<16xf32> to vector<1x1x16xf32>
      tpu.vector_store %arg8[%swap3A_737, %swap3A_738, %swap3A_739], %swap3A_742 {add = true, strides = array<i32>} : memref<3x200x128xf32, #tpu.memory_space<vmem>>, vector<1x1x16xf32>,
      %get3A_743 = arith.index_cast %scan3A_731 : i32 to index
      %get3A_744 = arith.constant 16 : index
      %get3A_745 = tpu.vector_load %arg7[%get3A_743, %get3A_744] {strides = array<i32>} : memref<200x128xf32, #tpu.memory_space<vmem>>, vector<1x16xf32>,
      %get3A_746 = vector.shape_cast %get3A_745 : vector<1x16xf32> to vector<16xf32>
      %swap3A_747 = arith.constant 0 : i32
      %swap3A_748 = arith.index_cast %swap3A_747 : i32 to index
      %swap3A_749 = arith.index_cast %scan3A_731 : i32 to index
      %swap3A_750 = arith.constant 16 : index
      %swap3A_751 = tpu.vector_load %arg8[%swap3A_748, %swap3A_749, %swap3A_750] {strides = array<i32>} : memref<3x200x128xf32, #tpu.memory_space<vmem>>, vector<1x1x16xf32>,
      %swap3A_752 = vector.shape_cast %swap3A_751 : vector<1x1x16xf32> to vector<16xf32>
      %swap3A_753 = vector.shape_cast %get3A_746 : vector<16xf32> to vector<1x1x16xf32>
      tpu.vector_store %arg8[%swap3A_748, %swap3A_749, %swap3A_750], %swap3A_753 {add = true, strides = array<i32>} : memref<3x200x128xf32, #tpu.memory_space<vmem>>, vector<1x1x16xf32>,
      %get3A_754 = arith.index_cast %scan3A_731 : i32 to index
      %get3A_755 = arith.constant 32 : index
      %get3A_756 = tpu.vector_load %arg7[%get3A_754, %get3A_755] {strides = array<i32>} : memref<200x128xf32, #tpu.memory_space<vmem>>, vector<1x16xf32>,
      %get3A_757 = vector.shape_cast %get3A_756 : vector<1x16xf32> to vector<16xf32>
      %swap3A_758 = arith.constant 0 : i32
      %swap3A_759 = arith.index_cast %swap3A_758 : i32 to index
      %swap3A_760 = arith.index_cast %scan3A_731 : i32 to index
      %swap3A_761 = arith.constant 32 : index
      %swap3A_762 = tpu.vector_load %arg8[%swap3A_759, %swap3A_760, %swap3A_761] {strides = array<i32>} : memref<3x200x128xf32, #tpu.memory_space<vmem>>, vector<1x1x16xf32>,
      %swap3A_763 = vector.shape_cast %swap3A_762 : vector<1x1x16xf32> to vector<16xf32>
      %swap3A_764 = vector.shape_cast %get3A_757 : vector<16xf32> to vector<1x1x16xf32>
      tpu.vector_store %arg8[%swap3A_759, %swap3A_760, %swap3A_761], %swap3A_764 {add = true, strides = array<i32>} : memref<3x200x128xf32, #tpu.memory_space<vmem>>, vector<1x1x16xf32>,
      %get3A_765 = arith.index_cast %scan3A_731 : i32 to index
      %get3A_766 = arith.constant 48 : index
      %get3A_767 = tpu.vector_load %arg7[%get3A_765, %get3A_766] {strides = array<i32>} : memref<200x128xf32, #tpu.memory_space<vmem>>, vector<1x16xf32>,
      %get3A_768 = vector.shape_cast %get3A_767 : vector<1x16xf32> to vector<16xf32>
      %swap3A_769 = arith.constant 0 : i32
      %swap3A_770 = arith.index_cast %swap3A_769 : i32 to index
      %swap3A_771 = arith.index_cast %scan3A_731 : i32 to index
      %swap3A_772 = arith.constant 48 : index
      %swap3A_773 = tpu.vector_load %arg8[%swap3A_770, %swap3A_771, %swap3A_772] {strides = array<i32>} : memref<3x200x128xf32, #tpu.memory_space<vmem>>, vector<1x1x16xf32>,
      %swap3A_774 = vector.shape_cast %swap3A_773 : vector<1x1x16xf32> to vector<16xf32>
      %swap3A_775 = vector.shape_cast %get3A_768 : vector<16xf32> to vector<1x1x16xf32>
      tpu.vector_store %arg8[%swap3A_770, %swap3A_771, %swap3A_772], %swap3A_775 {add = true, strides = array<i32>} : memref<3x200x128xf32, #tpu.memory_space<vmem>>, vector<1x1x16xf32>,
      %get3A_776 = arith.index_cast %scan3A_731 : i32 to index
      %get3A_777 = arith.constant 64 : index
      %get3A_778 = tpu.vector_load %arg7[%get3A_776, %get3A_777] {strides = array<i32>} : memref<200x128xf32, #tpu.memory_space<vmem>>, vector<1x16xf32>,
      %get3A_779 = vector.shape_cast %get3A_778 : vector<1x16xf32> to vector<16xf32>
      %swap3A_780 = arith.constant 0 : i32
      %swap3A_781 = arith.index_cast %swap3A_780 : i32 to index
      %swap3A_782 = arith.index_cast %scan3A_731 : i32 to index
      %swap3A_783 = arith.constant 64 : index
      %swap3A_784 = tpu.vector_load %arg8[%swap3A_781, %swap3A_782, %swap3A_783] {strides = array<i32>} : memref<3x200x128xf32, #tpu.memory_space<vmem>>, vector<1x1x16xf32>,
      %swap3A_785 = vector.shape_cast %swap3A_784 : vector<1x1x16xf32> to vector<16xf32>
      %swap3A_786 = vector.shape_cast %get3A_779 : vector<16xf32> to vector<1x1x16xf32>
      tpu.vector_store %arg8[%swap3A_781, %swap3A_782, %swap3A_783], %swap3A_786 {add = true, strides = array<i32>} : memref<3x200x128xf32, #tpu.memory_space<vmem>>, vector<1x1x16xf32>,
      %get3A_787 = arith.index_cast %scan3A_731 : i32 to index
      %get3A_788 = arith.constant 80 : index
      %get3A_789 = tpu.vector_load %arg7[%get3A_787, %get3A_788] {strides = array<i32>} : memref<200x128xf32, #tpu.memory_space<vmem>>, vector<1x16xf32>,
      %get3A_790 = vector.shape_cast %get3A_789 : vector<1x16xf32> to vector<16xf32>
      %swap3A_791 = arith.constant 0 : i32
      %swap3A_792 = arith.index_cast %swap3A_791 : i32 to index
      %swap3A_793 = arith.index_cast %scan3A_731 : i32 to index
      %swap3A_794 = arith.constant 80 : index
      %swap3A_795 = tpu.vector_load %arg8[%swap3A_792, %swap3A_793, %swap3A_794] {strides = array<i32>} : memref<3x200x128xf32, #tpu.memory_space<vmem>>, vector<1x1x16xf32>,
      %swap3A_796 = vector.shape_cast %swap3A_795 : vector<1x1x16xf32> to vector<16xf32>
      %swap3A_797 = vector.shape_cast %get3A_790 : vector<16xf32> to vector<1x1x16xf32>
      tpu.vector_store %arg8[%swap3A_792, %swap3A_793, %swap3A_794], %swap3A_797 {add = true, strides = array<i32>} : memref<3x200x128xf32, #tpu.memory_space<vmem>>, vector<1x1x16xf32>,
      %get3A_798 = arith.index_cast %scan3A_731 : i32 to index
      %get3A_799 = arith.constant 96 : index
      %get3A_800 = tpu.vector_load %arg7[%get3A_798, %get3A_799] {strides = array<i32>} : memref<200x128xf32, #tpu.memory_space<vmem>>, vector<1x16xf32>,
      %get3A_801 = vector.shape_cast %get3A_800 : vector<1x16xf32> to vector<16xf32>
      %swap3A_802 = arith.constant 0 : i32
      %swap3A_803 = arith.index_cast %swap3A_802 : i32 to index
      %swap3A_804 = arith.index_cast %scan3A_731 : i32 to index
      %swap3A_805 = arith.constant 96 : index
      %swap3A_806 = tpu.vector_load %arg8[%swap3A_803, %swap3A_804, %swap3A_805] {strides = array<i32>} : memref<3x200x128xf32, #tpu.memory_space<vmem>>, vector<1x1x16xf32>,
      %swap3A_807 = vector.shape_cast %swap3A_806 : vector<1x1x16xf32> to vector<16xf32>
      %swap3A_808 = vector.shape_cast %get3A_801 : vector<16xf32> to vector<1x1x16xf32>
      tpu.vector_store %arg8[%swap3A_803, %swap3A_804, %swap3A_805], %swap3A_808 {add = true, strides = array<i32>} : memref<3x200x128xf32, #tpu.memory_space<vmem>>, vector<1x1x16xf32>,
      %get3A_809 = arith.index_cast %scan3A_731 : i32 to index
      %get3A_810 = arith.constant 112 : index
      %get3A_811 = tpu.vector_load %arg7[%get3A_809, %get3A_810] {strides = array<i32>} : memref<200x128xf32, #tpu.memory_space<vmem>>, vector<1x16xf32>,
      %get3A_812 = vector.shape_cast %get3A_811 : vector<1x16xf32> to vector<16xf32>
      %swap3A_813 = arith.constant 0 : i32
      %swap3A_814 = arith.index_cast %swap3A_813 : i32 to index
      %swap3A_815 = arith.index_cast %scan3A_731 : i32 to index
      %swap3A_816 = arith.constant 112 : index
      %swap3A_817 = tpu.vector_load %arg8[%swap3A_814, %swap3A_815, %swap3A_816] {strides = array<i32>} : memref<3x200x128xf32, #tpu.memory_space<vmem>>, vector<1x1x16xf32>,
      %swap3A_818 = vector.shape_cast %swap3A_817 : vector<1x1x16xf32> to vector<16xf32>
      %swap3A_819 = vector.shape_cast %get3A_812 : vector<16xf32> to vector<1x1x16xf32>
      tpu.vector_store %arg8[%swap3A_814, %swap3A_815, %swap3A_816], %swap3A_819 {add = true, strides = array<i32>} : memref<3x200x128xf32, #tpu.memory_space<vmem>>, vector<1x1x16xf32>,
    }
    %scan3A_79 = arith.constant 200 : i32
    %add3A_80 = arith.constant 0 : i32
    %add3A_81 = arith.addi %mul3A_2, %add3A_80 : i32
    %dma_start3A_82 = arith.constant 0 : i32
    %dma_start3A_83 = arith.constant 0 : i32
    %dma_start3A_84 = arith.constant 0 : i32
    %dma_start3A_85 = tpu.memref_slice %arg8[%dma_start3A_82, %dma_start3A_83, %dma_start3A_84] : memref<3x200x128xf32, #tpu.memory_space<vmem>> -> memref<1x200x128xf32, #tpu.memory_space<vmem>>
    %dma_start3A_86 = tpu.memref_squeeze %dma_start3A_85 : memref<1x200x128xf32, #tpu.memory_space<vmem>> -> memref<200x128xf32, #tpu.memory_space<vmem>>
    %dma_start3A_87 = arith.constant 0 : i32
    %dma_start3A_88 = arith.constant 0 : i32
    %dma_start3A_89 = tpu.memref_slice %arg5[%add3A_81, %dma_start3A_87, %dma_start3A_88] : memref<1024x200x128xf32, #tpu.memory_space<hbm>> -> memref<1x200x128xf32, #tpu.memory_space<hbm>>
    %dma_start3A_90 = tpu.memref_squeeze %dma_start3A_89 : memref<1x200x128xf32, #tpu.memory_space<hbm>> -> memref<200x128xf32, #tpu.memory_space<hbm>>
    %dma_start3A_91 = arith.constant 0 : i32
    %dma_start3A_92 = arith.constant 0 : i32
    %dma_start3A_93 = tpu.memref_slice %arg5[%add3A_81, %dma_start3A_91, %dma_start3A_92] : memref<1024x200x128xf32, #tpu.memory_space<hbm>> -> memref<1x200x128xf32, #tpu.memory_space<hbm>>
    %dma_start3A_94 = tpu.memref_squeeze %dma_start3A_93 : memref<1x200x128xf32, #tpu.memory_space<hbm>> -> memref<200x128xf32, #tpu.memory_space<hbm>>
    %dma_start3A_95 = arith.constant 0 : i32
    %dma_start3A_96 = arith.constant 0 : i32
    %dma_start3A_97 = tpu.memref_slice %arg8[%dma_start3A_82, %dma_start3A_95, %dma_start3A_96] : memref<3x200x128xf32, #tpu.memory_space<vmem>> -> memref<1x200x128xf32, #tpu.memory_space<vmem>>
    %dma_start3A_98 = tpu.memref_squeeze %dma_start3A_97 : memref<1x200x128xf32, #tpu.memory_space<vmem>> -> memref<200x128xf32, #tpu.memory_space<vmem>>
    tpu.enqueue_dma source(%dma_start3A_98 : memref<200x128xf32, #tpu.memory_space<vmem>>) target(%dma_start3A_94 : memref<200x128xf32, #tpu.memory_space<hbm>>) target_semaphore(%arg13 : memref<!tpu.dma_semaphore, #tpu.memory_space<semaphore_mem>>)
    %dma_wait3A_99 = arith.constant 0 : i32
    %dma_wait3A_100 = arith.constant 1 : i32
    %dma_wait3A_101 = arith.constant 0 : i32
    %dma_wait3A_102 = arith.constant 0 : i32
    %dma_wait3A_103 = tpu.memref_slice %arg8[%dma_wait3A_100, %dma_wait3A_101, %dma_wait3A_102] : memref<3x200x128xf32, #tpu.memory_space<vmem>> -> memref<1x100x128xf32, #tpu.memory_space<vmem>>
    %dma_wait3A_104 = tpu.memref_squeeze %dma_wait3A_103 : memref<1x100x128xf32, #tpu.memory_space<vmem>> -> memref<100x128xf32, #tpu.memory_space<vmem>>
    %dma_wait3A_105 = arith.constant 0 : i32
    %dma_wait3A_106 = tpu.memref_slice %arg6[%dma_wait3A_99, %dma_wait3A_105] : memref<64x100xi32, #tpu.memory_space<vmem>> -> memref<1x100xi32, #tpu.memory_space<vmem>>
    %dma_wait3A_107 = tpu.memref_squeeze %dma_wait3A_106 : memref<1x100xi32, #tpu.memory_space<vmem>> -> memref<100xi32, #tpu.memory_space<vmem>>
    %dma_wait3A_108 = arith.constant 0 : i32
    %dma_wait3A_109 = arith.constant 0 : i32
    %dma_wait3A_110 = tpu.memref_slice %arg9[%dma_wait3A_108, %dma_wait3A_109] : memref<1000x128xf32, #tpu.memory_space<vmem_shared>> -> memref<1000x128xf32, #tpu.memory_space<vmem_shared>>
    tpu.wait_indirect_dma semaphore(%arg11 : memref<!tpu.dma_semaphore, #tpu.memory_space<semaphore_mem>>) src(%dma_wait3A_110 : memref<1000x128xf32, #tpu.memory_space<vmem_shared>>) dst(%dma_wait3A_104 : memref<100x128xf32, #tpu.memory_space<vmem>>)
    %dma_wait3A_111 = arith.constant 0 : i32
    %dma_wait3A_112 = arith.constant 1 : i32
    %dma_wait3A_113 = arith.constant 100 : i32
    %dma_wait3A_114 = arith.constant 0 : i32
    %dma_wait3A_115 = tpu.memref_slice %arg8[%dma_wait3A_112, %dma_wait3A_113, %dma_wait3A_114] : memref<3x200x128xf32, #tpu.memory_space<vmem>> -> memref<1x100x128xf32, #tpu.memory_space<vmem>>
    %dma_wait3A_116 = tpu.memref_squeeze %dma_wait3A_115 : memref<1x100x128xf32, #tpu.memory_space<vmem>> -> memref<100x128xf32, #tpu.memory_space<vmem>>
    %dma_wait3A_117 = arith.constant 0 : i32
    %dma_wait3A_118 = tpu.memref_slice %arg6[%dma_wait3A_111, %dma_wait3A_117] : memref<64x100xi32, #tpu.memory_space<vmem>> -> memref<1x100xi32, #tpu.memory_space<vmem>>
    %dma_wait3A_119 = tpu.memref_squeeze %dma_wait3A_118 : memref<1x100xi32, #tpu.memory_space<vmem>> -> memref<100xi32, #tpu.memory_space<vmem>>
    %dma_wait3A_120 = arith.constant 0 : i32
    %dma_wait3A_121 = arith.constant 0 : i32
    %dma_wait3A_122 = tpu.memref_slice %arg9[%dma_wait3A_120, %dma_wait3A_121] : memref<1000x128xf32, #tpu.memory_space<vmem_shared>> -> memref<1000x128xf32, #tpu.memory_space<vmem_shared>>
    tpu.wait_indirect_dma semaphore(%arg11 : memref<!tpu.dma_semaphore, #tpu.memory_space<semaphore_mem>>) src(%dma_wait3A_122 : memref<1000x128xf32, #tpu.memory_space<vmem_shared>>) dst(%dma_wait3A_116 : memref<100x128xf32, #tpu.memory_space<vmem>>)
    %dma_start3A_123 = arith.constant 4 : i32
    %dma_start3A_124 = arith.constant 2 : i32
    %dma_start3A_125 = arith.constant 0 : i32
    %dma_start3A_126 = arith.constant 0 : i32
    %dma_start3A_127 = tpu.memref_slice %arg8[%dma_start3A_124, %dma_start3A_125, %dma_start3A_126] : memref<3x200x128xf32, #tpu.memory_space<vmem>> -> memref<1x100x128xf32, #tpu.memory_space<vmem>>
    %dma_start3A_128 = tpu.memref_squeeze %dma_start3A_127 : memref<1x100x128xf32, #tpu.memory_space<vmem>> -> memref<100x128xf32, #tpu.memory_space<vmem>>
    %dma_start3A_129 = arith.constant 0 : i32
    %dma_start3A_130 = tpu.memref_slice %arg6[%dma_start3A_123, %dma_start3A_129] : memref<64x100xi32, #tpu.memory_space<vmem>> -> memref<1x100xi32, #tpu.memory_space<vmem>>
    %dma_start3A_131 = tpu.memref_squeeze %dma_start3A_130 : memref<1x100xi32, #tpu.memory_space<vmem>> -> memref<100xi32, #tpu.memory_space<vmem>>
    %dma_start3A_132 = arith.constant 0 : i32
    %dma_start3A_133 = arith.constant 0 : i32
    %dma_start3A_134 = tpu.memref_slice %arg9[%dma_start3A_132, %dma_start3A_133] : memref<1000x128xf32, #tpu.memory_space<vmem_shared>> -> memref<1000x128xf32, #tpu.memory_space<vmem_shared>>
    tpu.enqueue_indirect_dma source(%dma_start3A_134 : memref<1000x128xf32, #tpu.memory_space<vmem_shared>>) target(%dma_start3A_128 : memref<100x128xf32, #tpu.memory_space<vmem>>) offsets(%dma_start3A_131 : memref<100xi32, #tpu.memory_space<vmem>>) semaphore(%arg12 : memref<!tpu.dma_semaphore, #tpu.memory_space<semaphore_mem>>)
    %dma_start3A_135 = arith.constant 5 : i32
    %dma_start3A_136 = arith.constant 2 : i32
    %dma_start3A_137 = arith.constant 100 : i32
    %dma_start3A_138 = arith.constant 0 : i32
    %dma_start3A_139 = tpu.memref_slice %arg8[%dma_start3A_136, %dma_start3A_137, %dma_start3A_138] : memref<3x200x128xf32, #tpu.memory_space<vmem>> -> memref<1x100x128xf32, #tpu.memory_space<vmem>>
    %dma_start3A_140 = tpu.memref_squeeze %dma_start3A_139 : memref<1x100x128xf32, #tpu.memory_space<vmem>> -> memref<100x128xf32, #tpu.memory_space<vmem>>
    %dma_start3A_141 = arith.constant 0 : i32
    %dma_start3A_142 = tpu.memref_slice %arg6[%dma_start3A_135, %dma_start3A_141] : memref<64x100xi32, #tpu.memory_space<vmem>> -> memref<1x100xi32, #tpu.memory_space<vmem>>
    %dma_start3A_143 = tpu.memref_squeeze %dma_start3A_142 : memref<1x100xi32, #tpu.memory_space<vmem>> -> memref<100xi32, #tpu.memory_space<vmem>>
    %dma_start3A_144 = arith.constant 0 : i32
    %dma_start3A_145 = arith.constant 0 : i32
    %dma_start3A_146 = tpu.memref_slice %arg9[%dma_start3A_144, %dma_start3A_145] : memref<1000x128xf32, #tpu.memory_space<vmem_shared>> -> memref<1000x128xf32, #tpu.memory_space<vmem_shared>>
    tpu.enqueue_indirect_dma source(%dma_start3A_146 : memref<1000x128xf32, #tpu.memory_space<vmem_shared>>) target(%dma_start3A_140 : memref<100x128xf32, #tpu.memory_space<vmem>>) offsets(%dma_start3A_143 : memref<100xi32, #tpu.memory_space<vmem>>) semaphore(%arg12 : memref<!tpu.dma_semaphore, #tpu.memory_space<semaphore_mem>>)
    %scan3A_147 = arith.constant 0 : i32
    %scan3A_148 = arith.constant 0 : i32
    %scan3A_149 = arith.constant 200 : i32
    %scan3A_150 = arith.addi %scan3A_148, %scan3A_149 : i32
    %scan3A_151 = arith.constant 4 : i32
    scf.for %scan3A_463 = %scan3A_148 to %scan3A_150 step %scan3A_151  : i32 {
      %get3A = arith.index_cast %scan3A_463 : i32 to index
      %get3A_464 = arith.constant 0 : index
      %get3A_465 = tpu.vector_load %arg7[%get3A, %get3A_464] {strides = array<i32>} : memref<200x128xf32, #tpu.memory_space<vmem>>, vector<1x16xf32>,
      %get3A_466 = vector.shape_cast %get3A_465 : vector<1x16xf32> to vector<16xf32>
      %swap3A = arith.constant 1 : i32
      %swap3A_467 = arith.index_cast %swap3A : i32 to index
      %swap3A_468 = arith.index_cast %scan3A_463 : i32 to index
      %swap3A_469 = arith.constant 0 : index
      %swap3A_470 = tpu.vector_load %arg8[%swap3A_467, %swap3A_468, %swap3A_469] {strides = array<i32>} : memref<3x200x128xf32, #tpu.memory_space<vmem>>, vector<1x1x16xf32>,
      %swap3A_471 = vector.shape_cast %swap3A_470 : vector<1x1x16xf32> to vector<16xf32>
      %swap3A_472 = vector.shape_cast %get3A_466 : vector<16xf32> to vector<1x1x16xf32>
      tpu.vector_store %arg8[%swap3A_467, %swap3A_468, %swap3A_469], %swap3A_472 {add = true, strides = array<i32>} : memref<3x200x128xf32, #tpu.memory_space<vmem>>, vector<1x1x16xf32>,
      %get3A_473 = arith.index_cast %scan3A_463 : i32 to index
      %get3A_474 = arith.constant 16 : index
      %get3A_475 = tpu.vector_load %arg7[%get3A_473, %get3A_474] {strides = array<i32>} : memref<200x128xf32, #tpu.memory_space<vmem>>, vector<1x16xf32>,
      %get3A_476 = vector.shape_cast %get3A_475 : vector<1x16xf32> to vector<16xf32>
      %swap3A_477 = arith.constant 1 : i32
      %swap3A_478 = arith.index_cast %swap3A_477 : i32 to index
      %swap3A_479 = arith.index_cast %scan3A_463 : i32 to index
      %swap3A_480 = arith.constant 16 : index
      %swap3A_481 = tpu.vector_load %arg8[%swap3A_478, %swap3A_479, %swap3A_480] {strides = array<i32>} : memref<3x200x128xf32, #tpu.memory_space<vmem>>, vector<1x1x16xf32>,
      %swap3A_482 = vector.shape_cast %swap3A_481 : vector<1x1x16xf32> to vector<16xf32>
      %swap3A_483 = vector.shape_cast %get3A_476 : vector<16xf32> to vector<1x1x16xf32>
      tpu.vector_store %arg8[%swap3A_478, %swap3A_479, %swap3A_480], %swap3A_483 {add = true, strides = array<i32>} : memref<3x200x128xf32, #tpu.memory_space<vmem>>, vector<1x1x16xf32>,
      %get3A_484 = arith.index_cast %scan3A_463 : i32 to index
      %get3A_485 = arith.constant 32 : index
      %get3A_486 = tpu.vector_load %arg7[%get3A_484, %get3A_485] {strides = array<i32>} : memref<200x128xf32, #tpu.memory_space<vmem>>, vector<1x16xf32>,
      %get3A_487 = vector.shape_cast %get3A_486 : vector<1x16xf32> to vector<16xf32>
      %swap3A_488 = arith.constant 1 : i32
      %swap3A_489 = arith.index_cast %swap3A_488 : i32 to index
      %swap3A_490 = arith.index_cast %scan3A_463 : i32 to index
      %swap3A_491 = arith.constant 32 : index
      %swap3A_492 = tpu.vector_load %arg8[%swap3A_489, %swap3A_490, %swap3A_491] {strides = array<i32>} : memref<3x200x128xf32, #tpu.memory_space<vmem>>, vector<1x1x16xf32>,
      %swap3A_493 = vector.shape_cast %swap3A_492 : vector<1x1x16xf32> to vector<16xf32>
      %swap3A_494 = vector.shape_cast %get3A_487 : vector<16xf32> to vector<1x1x16xf32>
      tpu.vector_store %arg8[%swap3A_489, %swap3A_490, %swap3A_491], %swap3A_494 {add = true, strides = array<i32>} : memref<3x200x128xf32, #tpu.memory_space<vmem>>, vector<1x1x16xf32>,
      %get3A_495 = arith.index_cast %scan3A_463 : i32 to index
      %get3A_496 = arith.constant 48 : index
      %get3A_497 = tpu.vector_load %arg7[%get3A_495, %get3A_496] {strides = array<i32>} : memref<200x128xf32, #tpu.memory_space<vmem>>, vector<1x16xf32>,
      %get3A_498 = vector.shape_cast %get3A_497 : vector<1x16xf32> to vector<16xf32>
      %swap3A_499 = arith.constant 1 : i32
      %swap3A_500 = arith.index_cast %swap3A_499 : i32 to index
      %swap3A_501 = arith.index_cast %scan3A_463 : i32 to index
      %swap3A_502 = arith.constant 48 : index
      %swap3A_503 = tpu.vector_load %arg8[%swap3A_500, %swap3A_501, %swap3A_502] {strides = array<i32>} : memref<3x200x128xf32, #tpu.memory_space<vmem>>, vector<1x1x16xf32>,
      %swap3A_504 = vector.shape_cast %swap3A_503 : vector<1x1x16xf32> to vector<16xf32>
      %swap3A_505 = vector.shape_cast %get3A_498 : vector<16xf32> to vector<1x1x16xf32>
      tpu.vector_store %arg8[%swap3A_500, %swap3A_501, %swap3A_502], %swap3A_505 {add = true, strides = array<i32>} : memref<3x200x128xf32, #tpu.memory_space<vmem>>, vector<1x1x16xf32>,
      %get3A_506 = arith.index_cast %scan3A_463 : i32 to index
      %get3A_507 = arith.constant 64 : index
      %get3A_508 = tpu.vector_load %arg7[%get3A_506, %get3A_507] {strides = array<i32>} : memref<200x128xf32, #tpu.memory_space<vmem>>, vector<1x16xf32>,
      %get3A_509 = vector.shape_cast %get3A_508 : vector<1x16xf32> to vector<16xf32>
      %swap3A_510 = arith.constant 1 : i32
      %swap3A_511 = arith.index_cast %swap3A_510 : i32 to index
      %swap3A_512 = arith.index_cast %scan3A_463 : i32 to index
      %swap3A_513 = arith.constant 64 : index
      %swap3A_514 = tpu.vector_load %arg8[%swap3A_511, %swap3A_512, %swap3A_513] {strides = array<i32>} : memref<3x200x128xf32, #tpu.memory_space<vmem>>, vector<1x1x16xf32>,
      %swap3A_515 = vector.shape_cast %swap3A_514 : vector<1x1x16xf32> to vector<16xf32>
      %swap3A_516 = vector.shape_cast %get3A_509 : vector<16xf32> to vector<1x1x16xf32>
      tpu.vector_store %arg8[%swap3A_511, %swap3A_512, %swap3A_513], %swap3A_516 {add = true, strides = array<i32>} : memref<3x200x128xf32, #tpu.memory_space<vmem>>, vector<1x1x16xf32>,
      %get3A_517 = arith.index_cast %scan3A_463 : i32 to index
      %get3A_518 = arith.constant 80 : index
      %get3A_519 = tpu.vector_load %arg7[%get3A_517, %get3A_518] {strides = array<i32>} : memref<200x128xf32, #tpu.memory_space<vmem>>, vector<1x16xf32>,
      %get3A_520 = vector.shape_cast %get3A_519 : vector<1x16xf32> to vector<16xf32>
      %swap3A_521 = arith.constant 1 : i32
      %swap3A_522 = arith.index_cast %swap3A_521 : i32 to index
      %swap3A_523 = arith.index_cast %scan3A_463 : i32 to index
      %swap3A_524 = arith.constant 80 : index
      %swap3A_525 = tpu.vector_load %arg8[%swap3A_522, %swap3A_523, %swap3A_524] {strides = array<i32>} : memref<3x200x128xf32, #tpu.memory_space<vmem>>, vector<1x1x16xf32>,
      %swap3A_526 = vector.shape_cast %swap3A_525 : vector<1x1x16xf32> to vector<16xf32>
      %swap3A_527 = vector.shape_cast %get3A_520 : vector<16xf32> to vector<1x1x16xf32>
      tpu.vector_store %arg8[%swap3A_522, %swap3A_523, %swap3A_524], %swap3A_527 {add = true, strides = array<i32>} : memref<3x200x128xf32, #tpu.memory_space<vmem>>, vector<1x1x16xf32>,
      %get3A_528 = arith.index_cast %scan3A_463 : i32 to index
      %get3A_529 = arith.constant 96 : index
      %get3A_530 = tpu.vector_load %arg7[%get3A_528, %get3A_529] {strides = array<i32>} : memref<200x128xf32, #tpu.memory_space<vmem>>, vector<1x16xf32>,
      %get3A_531 = vector.shape_cast %get3A_530 : vector<1x16xf32> to vector<16xf32>
      %swap3A_532 = arith.constant 1 : i32
      %swap3A_533 = arith.index_cast %swap3A_532 : i32 to index
      %swap3A_534 = arith.index_cast %scan3A_463 : i32 to index
      %swap3A_535 = arith.constant 96 : index
      %swap3A_536 = tpu.vector_load %arg8[%swap3A_533, %swap3A_534, %swap3A_535] {strides = array<i32>} : memref<3x200x128xf32, #tpu.memory_space<vmem>>, vector<1x1x16xf32>,
      %swap3A_537 = vector.shape_cast %swap3A_536 : vector<1x1x16xf32> to vector<16xf32>
      %swap3A_538 = vector.shape_cast %get3A_531 : vector<16xf32> to vector<1x1x16xf32>
      tpu.vector_store %arg8[%swap3A_533, %swap3A_534, %swap3A_535], %swap3A_538 {add = true, strides = array<i32>} : memref<3x200x128xf32, #tpu.memory_space<vmem>>, vector<1x1x16xf32>,
      %get3A_539 = arith.index_cast %scan3A_463 : i32 to index
      %get3A_540 = arith.constant 112 : index
      %get3A_541 = tpu.vector_load %arg7[%get3A_539, %get3A_540] {strides = array<i32>} : memref<200x128xf32, #tpu.memory_space<vmem>>, vector<1x16xf32>,
      %get3A_542 = vector.shape_cast %get3A_541 : vector<1x16xf32> to vector<16xf32>
      %swap3A_543 = arith.constant 1 : i32
      %swap3A_544 = arith.index_cast %swap3A_543 : i32 to index
      %swap3A_545 = arith.index_cast %scan3A_463 : i32 to index
      %swap3A_546 = arith.constant 112 : index
      %swap3A_547 = tpu.vector_load %arg8[%swap3A_544, %swap3A_545, %swap3A_546] {strides = array<i32>} : memref<3x200x128xf32, #tpu.memory_space<vmem>>, vector<1x1x16xf32>,
      %swap3A_548 = vector.shape_cast %swap3A_547 : vector<1x1x16xf32> to vector<16xf32>
      %swap3A_549 = vector.shape_cast %get3A_542 : vector<16xf32> to vector<1x1x16xf32>
      tpu.vector_store %arg8[%swap3A_544, %swap3A_545, %swap3A_546], %swap3A_549 {add = true, strides = array<i32>} : memref<3x200x128xf32, #tpu.memory_space<vmem>>, vector<1x1x16xf32>,
      %scan3A_550 = arith.constant 1 : i32
      %scan3A_551 = arith.addi %scan3A_463, %scan3A_550 : i32
      %get3A_552 = arith.index_cast %scan3A_551 : i32 to index
      %get3A_553 = arith.constant 0 : index
      %get3A_554 = tpu.vector_load %arg7[%get3A_552, %get3A_553] {strides = array<i32>} : memref<200x128xf32, #tpu.memory_space<vmem>>, vector<1x16xf32>,
      %get3A_555 = vector.shape_cast %get3A_554 : vector<1x16xf32> to vector<16xf32>
      %swap3A_556 = arith.constant 1 : i32
      %swap3A_557 = arith.index_cast %swap3A_556 : i32 to index
      %swap3A_558 = arith.index_cast %scan3A_551 : i32 to index
      %swap3A_559 = arith.constant 0 : index
      %swap3A_560 = tpu.vector_load %arg8[%swap3A_557, %swap3A_558, %swap3A_559] {strides = array<i32>} : memref<3x200x128xf32, #tpu.memory_space<vmem>>, vector<1x1x16xf32>,
      %swap3A_561 = vector.shape_cast %swap3A_560 : vector<1x1x16xf32> to vector<16xf32>
      %swap3A_562 = vector.shape_cast %get3A_555 : vector<16xf32> to vector<1x1x16xf32>
      tpu.vector_store %arg8[%swap3A_557, %swap3A_558, %swap3A_559], %swap3A_562 {add = true, strides = array<i32>} : memref<3x200x128xf32, #tpu.memory_space<vmem>>, vector<1x1x16xf32>,
      %get3A_563 = arith.index_cast %scan3A_551 : i32 to index
      %get3A_564 = arith.constant 16 : index
      %get3A_565 = tpu.vector_load %arg7[%get3A_563, %get3A_564] {strides = array<i32>} : memref<200x128xf32, #tpu.memory_space<vmem>>, vector<1x16xf32>,
      %get3A_566 = vector.shape_cast %get3A_565 : vector<1x16xf32> to vector<16xf32>
      %swap3A_567 = arith.constant 1 : i32
      %swap3A_568 = arith.index_cast %swap3A_567 : i32 to index
      %swap3A_569 = arith.index_cast %scan3A_551 : i32 to index
      %swap3A_570 = arith.constant 16 : index
      %swap3A_571 = tpu.vector_load %arg8[%swap3A_568, %swap3A_569, %swap3A_570] {strides = array<i32>} : memref<3x200x128xf32, #tpu.memory_space<vmem>>, vector<1x1x16xf32>,
      %swap3A_572 = vector.shape_cast %swap3A_571 : vector<1x1x16xf32> to vector<16xf32>
      %swap3A_573 = vector.shape_cast %get3A_566 : vector<16xf32> to vector<1x1x16xf32>
      tpu.vector_store %arg8[%swap3A_568, %swap3A_569, %swap3A_570], %swap3A_573 {add = true, strides = array<i32>} : memref<3x200x128xf32, #tpu.memory_space<vmem>>, vector<1x1x16xf32>,
      %get3A_574 = arith.index_cast %scan3A_551 : i32 to index
      %get3A_575 = arith.constant 32 : index
      %get3A_576 = tpu.vector_load %arg7[%get3A_574, %get3A_575] {strides = array<i32>} : memref<200x128xf32, #tpu.memory_space<vmem>>, vector<1x16xf32>,
      %get3A_577 = vector.shape_cast %get3A_576 : vector<1x16xf32> to vector<16xf32>
      %swap3A_578 = arith.constant 1 : i32
      %swap3A_579 = arith.index_cast %swap3A_578 : i32 to index
      %swap3A_580 = arith.index_cast %scan3A_551 : i32 to index
      %swap3A_581 = arith.constant 32 : index
      %swap3A_582 = tpu.vector_load %arg8[%swap3A_579, %swap3A_580, %swap3A_581] {strides = array<i32>} : memref<3x200x128xf32, #tpu.memory_space<vmem>>, vector<1x1x16xf32>,
      %swap3A_583 = vector.shape_cast %swap3A_582 : vector<1x1x16xf32> to vector<16xf32>
      %swap3A_584 = vector.shape_cast %get3A_577 : vector<16xf32> to vector<1x1x16xf32>
      tpu.vector_store %arg8[%swap3A_579, %swap3A_580, %swap3A_581], %swap3A_584 {add = true, strides = array<i32>} : memref<3x200x128xf32, #tpu.memory_space<vmem>>, vector<1x1x16xf32>,
      %get3A_585 = arith.index_cast %scan3A_551 : i32 to index
      %get3A_586 = arith.constant 48 : index
      %get3A_587 = tpu.vector_load %arg7[%get3A_585, %get3A_586] {strides = array<i32>} : memref<200x128xf32, #tpu.memory_space<vmem>>, vector<1x16xf32>,
      %get3A_588 = vector.shape_cast %get3A_587 : vector<1x16xf32> to vector<16xf32>
      %swap3A_589 = arith.constant 1 : i32
      %swap3A_590 = arith.index_cast %swap3A_589 : i32 to index
      %swap3A_591 = arith.index_cast %scan3A_551 : i32 to index
      %swap3A_592 = arith.constant 48 : index
      %swap3A_593 = tpu.vector_load %arg8[%swap3A_590, %swap3A_591, %swap3A_592] {strides = array<i32>} : memref<3x200x128xf32, #tpu.memory_space<vmem>>, vector<1x1x16xf32>,
      %swap3A_594 = vector.shape_cast %swap3A_593 : vector<1x1x16xf32> to vector<16xf32>
      %swap3A_595 = vector.shape_cast %get3A_588 : vector<16xf32> to vector<1x1x16xf32>
      tpu.vector_store %arg8[%swap3A_590, %swap3A_591, %swap3A_592], %swap3A_595 {add = true, strides = array<i32>} : memref<3x200x128xf32, #tpu.memory_space<vmem>>, vector<1x1x16xf32>,
      %get3A_596 = arith.index_cast %scan3A_551 : i32 to index
      %get3A_597 = arith.constant 64 : index
      %get3A_598 = tpu.vector_load %arg7[%get3A_596, %get3A_597] {strides = array<i32>} : memref<200x128xf32, #tpu.memory_space<vmem>>, vector<1x16xf32>,
      %get3A_599 = vector.shape_cast %get3A_598 : vector<1x16xf32> to vector<16xf32>
      %swap3A_600 = arith.constant 1 : i32
      %swap3A_601 = arith.index_cast %swap3A_600 : i32 to index
      %swap3A_602 = arith.index_cast %scan3A_551 : i32 to index
      %swap3A_603 = arith.constant 64 : index
      %swap3A_604 = tpu.vector_load %arg8[%swap3A_601, %swap3A_602, %swap3A_603] {strides = array<i32>} : memref<3x200x128xf32, #tpu.memory_space<vmem>>, vector<1x1x16xf32>,
      %swap3A_605 = vector.shape_cast %swap3A_604 : vector<1x1x16xf32> to vector<16xf32>
      %swap3A_606 = vector.shape_cast %get3A_599 : vector<16xf32> to vector<1x1x16xf32>
      tpu.vector_store %arg8[%swap3A_601, %swap3A_602, %swap3A_603], %swap3A_606 {add = true, strides = array<i32>} : memref<3x200x128xf32, #tpu.memory_space<vmem>>, vector<1x1x16xf32>,
      %get3A_607 = arith.index_cast %scan3A_551 : i32 to index
      %get3A_608 = arith.constant 80 : index
      %get3A_609 = tpu.vector_load %arg7[%get3A_607, %get3A_608] {strides = array<i32>} : memref<200x128xf32, #tpu.memory_space<vmem>>, vector<1x16xf32>,
      %get3A_610 = vector.shape_cast %get3A_609 : vector<1x16xf32> to vector<16xf32>
      %swap3A_611 = arith.constant 1 : i32
      %swap3A_612 = arith.index_cast %swap3A_611 : i32 to index
      %swap3A_613 = arith.index_cast %scan3A_551 : i32 to index
      %swap3A_614 = arith.constant 80 : index
      %swap3A_615 = tpu.vector_load %arg8[%swap3A_612, %swap3A_613, %swap3A_614] {strides = array<i32>} : memref<3x200x128xf32, #tpu.memory_space<vmem>>, vector<1x1x16xf32>,
      %swap3A_616 = vector.shape_cast %swap3A_615 : vector<1x1x16xf32> to vector<16xf32>
      %swap3A_617 = vector.shape_cast %get3A_610 : vector<16xf32> to vector<1x1x16xf32>
      tpu.vector_store %arg8[%swap3A_612, %swap3A_613, %swap3A_614], %swap3A_617 {add = true, strides = array<i32>} : memref<3x200x128xf32, #tpu.memory_space<vmem>>, vector<1x1x16xf32>,
      %get3A_618 = arith.index_cast %scan3A_551 : i32 to index
      %get3A_619 = arith.constant 96 : index
      %get3A_620 = tpu.vector_load %arg7[%get3A_618, %get3A_619] {strides = array<i32>} : memref<200x128xf32, #tpu.memory_space<vmem>>, vector<1x16xf32>,
      %get3A_621 = vector.shape_cast %get3A_620 : vector<1x16xf32> to vector<16xf32>
      %swap3A_622 = arith.constant 1 : i32
      %swap3A_623 = arith.index_cast %swap3A_622 : i32 to index
      %swap3A_624 = arith.index_cast %scan3A_551 : i32 to index
      %swap3A_625 = arith.constant 96 : index
      %swap3A_626 = tpu.vector_load %arg8[%swap3A_623, %swap3A_624, %swap3A_625] {strides = array<i32>} : memref<3x200x128xf32, #tpu.memory_space<vmem>>, vector<1x1x16xf32>,
      %swap3A_627 = vector.shape_cast %swap3A_626 : vector<1x1x16xf32> to vector<16xf32>
      %swap3A_628 = vector.shape_cast %get3A_621 : vector<16xf32> to vector<1x1x16xf32>
      tpu.vector_store %arg8[%swap3A_623, %swap3A_624, %swap3A_625], %swap3A_628 {add = true, strides = array<i32>} : memref<3x200x128xf32, #tpu.memory_space<vmem>>, vector<1x1x16xf32>,
      %get3A_629 = arith.index_cast %scan3A_551 : i32 to index
      %get3A_630 = arith.constant 112 : index
      %get3A_631 = tpu.vector_load %arg7[%get3A_629, %get3A_630] {strides = array<i32>} : memref<200x128xf32, #tpu.memory_space<vmem>>, vector<1x16xf32>,
      %get3A_632 = vector.shape_cast %get3A_631 : vector<1x16xf32> to vector<16xf32>
      %swap3A_633 = arith.constant 1 : i32
      %swap3A_634 = arith.index_cast %swap3A_633 : i32 to index
      %swap3A_635 = arith.index_cast %scan3A_551 : i32 to index
      %swap3A_636 = arith.constant 112 : index
      %swap3A_637 = tpu.vector_load %arg8[%swap3A_634, %swap3A_635, %swap3A_636] {strides = array<i32>} : memref<3x200x128xf32, #tpu.memory_space<vmem>>, vector<1x1x16xf32>,
      %swap3A_638 = vector.shape_cast %swap3A_637 : vector<1x1x16xf32> to vector<16xf32>
      %swap3A_639 = vector.shape_cast %get3A_632 : vector<16xf32> to vector<1x1x16xf32>
      tpu.vector_store %arg8[%swap3A_634, %swap3A_635, %swap3A_636], %swap3A_639 {add = true, strides = array<i32>} : memref<3x200x128xf32, #tpu.memory_space<vmem>>, vector<1x1x16xf32>,
      %scan3A_640 = arith.constant 2 : i32
      %scan3A_641 = arith.addi %scan3A_463, %scan3A_640 : i32
      %get3A_642 = arith.index_cast %scan3A_641 : i32 to index
      %get3A_643 = arith.constant 0 : index
      %get3A_644 = tpu.vector_load %arg7[%get3A_642, %get3A_643] {strides = array<i32>} : memref<200x128xf32, #tpu.memory_space<vmem>>, vector<1x16xf32>,
      %get3A_645 = vector.shape_cast %get3A_644 : vector<1x16xf32> to vector<16xf32>
      %swap3A_646 = arith.constant 1 : i32
      %swap3A_647 = arith.index_cast %swap3A_646 : i32 to index
      %swap3A_648 = arith.index_cast %scan3A_641 : i32 to index
      %swap3A_649 = arith.constant 0 : index
      %swap3A_650 = tpu.vector_load %arg8[%swap3A_647, %swap3A_648, %swap3A_649] {strides = array<i32>} : memref<3x200x128xf32, #tpu.memory_space<vmem>>, vector<1x1x16xf32>,
      %swap3A_651 = vector.shape_cast %swap3A_650 : vector<1x1x16xf32> to vector<16xf32>
      %swap3A_652 = vector.shape_cast %get3A_645 : vector<16xf32> to vector<1x1x16xf32>
      tpu.vector_store %arg8[%swap3A_647, %swap3A_648, %swap3A_649], %swap3A_652 {add = true, strides = array<i32>} : memref<3x200x128xf32, #tpu.memory_space<vmem>>, vector<1x1x16xf32>,
      %get3A_653 = arith.index_cast %scan3A_641 : i32 to index
      %get3A_654 = arith.constant 16 : index
      %get3A_655 = tpu.vector_load %arg7[%get3A_653, %get3A_654] {strides = array<i32>} : memref<200x128xf32, #tpu.memory_space<vmem>>, vector<1x16xf32>,
      %get3A_656 = vector.shape_cast %get3A_655 : vector<1x16xf32> to vector<16xf32>
      %swap3A_657 = arith.constant 1 : i32
      %swap3A_658 = arith.index_cast %swap3A_657 : i32 to index
      %swap3A_659 = arith.index_cast %scan3A_641 : i32 to index
      %swap3A_660 = arith.constant 16 : index
      %swap3A_661 = tpu.vector_load %arg8[%swap3A_658, %swap3A_659, %swap3A_660] {strides = array<i32>} : memref<3x200x128xf32, #tpu.memory_space<vmem>>, vector<1x1x16xf32>,
      %swap3A_662 = vector.shape_cast %swap3A_661 : vector<1x1x16xf32> to vector<16xf32>
      %swap3A_663 = vector.shape_cast %get3A_656 : vector<16xf32> to vector<1x1x16xf32>
      tpu.vector_store %arg8[%swap3A_658, %swap3A_659, %swap3A_660], %swap3A_663 {add = true, strides = array<i32>} : memref<3x200x128xf32, #tpu.memory_space<vmem>>, vector<1x1x16xf32>,
      %get3A_664 = arith.index_cast %scan3A_641 : i32 to index
      %get3A_665 = arith.constant 32 : index
      %get3A_666 = tpu.vector_load %arg7[%get3A_664, %get3A_665] {strides = array<i32>} : memref<200x128xf32, #tpu.memory_space<vmem>>, vector<1x16xf32>,
      %get3A_667 = vector.shape_cast %get3A_666 : vector<1x16xf32> to vector<16xf32>
      %swap3A_668 = arith.constant 1 : i32
      %swap3A_669 = arith.index_cast %swap3A_668 : i32 to index
      %swap3A_670 = arith.index_cast %scan3A_641 : i32 to index
      %swap3A_671 = arith.constant 32 : index
      %swap3A_672 = tpu.vector_load %arg8[%swap3A_669, %swap3A_670, %swap3A_671] {strides = array<i32>} : memref<3x200x128xf32, #tpu.memory_space<vmem>>, vector<1x1x16xf32>,
      %swap3A_673 = vector.shape_cast %swap3A_672 : vector<1x1x16xf32> to vector<16xf32>
      %swap3A_674 = vector.shape_cast %get3A_667 : vector<16xf32> to vector<1x1x16xf32>
      tpu.vector_store %arg8[%swap3A_669, %swap3A_670, %swap3A_671], %swap3A_674 {add = true, strides = array<i32>} : memref<3x200x128xf32, #tpu.memory_space<vmem>>, vector<1x1x16xf32>,
      %get3A_675 = arith.index_cast %scan3A_641 : i32 to index
      %get3A_676 = arith.constant 48 : index
      %get3A_677 = tpu.vector_load %arg7[%get3A_675, %get3A_676] {strides = array<i32>} : memref<200x128xf32, #tpu.memory_space<vmem>>, vector<1x16xf32>,
      %get3A_678 = vector.shape_cast %get3A_677 : vector<1x16xf32> to vector<16xf32>
      %swap3A_679 = arith.constant 1 : i32
      %swap3A_680 = arith.index_cast %swap3A_679 : i32 to index
      %swap3A_681 = arith.index_cast %scan3A_641 : i32 to index
      %swap3A_682 = arith.constant 48 : index
      %swap3A_683 = tpu.vector_load %arg8[%swap3A_680, %swap3A_681, %swap3A_682] {strides = array<i32>} : memref<3x200x128xf32, #tpu.memory_space<vmem>>, vector<1x1x16xf32>,
      %swap3A_684 = vector.shape_cast %swap3A_683 : vector<1x1x16xf32> to vector<16xf32>
      %swap3A_685 = vector.shape_cast %get3A_678 : vector<16xf32> to vector<1x1x16xf32>
      tpu.vector_store %arg8[%swap3A_680, %swap3A_681, %swap3A_682], %swap3A_685 {add = true, strides = array<i32>} : memref<3x200x128xf32, #tpu.memory_space<vmem>>, vector<1x1x16xf32>,
      %get3A_686 = arith.index_cast %scan3A_641 : i32 to index
      %get3A_687 = arith.constant 64 : index
      %get3A_688 = tpu.vector_load %arg7[%get3A_686, %get3A_687] {strides = array<i32>} : memref<200x128xf32, #tpu.memory_space<vmem>>, vector<1x16xf32>,
      %get3A_689 = vector.shape_cast %get3A_688 : vector<1x16xf32> to vector<16xf32>
      %swap3A_690 = arith.constant 1 : i32
      %swap3A_691 = arith.index_cast %swap3A_690 : i32 to index
      %swap3A_692 = arith.index_cast %scan3A_641 : i32 to index
      %swap3A_693 = arith.constant 64 : index
      %swap3A_694 = tpu.vector_load %arg8[%swap3A_691, %swap3A_692, %swap3A_693] {strides = array<i32>} : memref<3x200x128xf32, #tpu.memory_space<vmem>>, vector<1x1x16xf32>,
      %swap3A_695 = vector.shape_cast %swap3A_694 : vector<1x1x16xf32> to vector<16xf32>
      %swap3A_696 = vector.shape_cast %get3A_689 : vector<16xf32> to vector<1x1x16xf32>
      tpu.vector_store %arg8[%swap3A_691, %swap3A_692, %swap3A_693], %swap3A_696 {add = true, strides = array<i32>} : memref<3x200x128xf32, #tpu.memory_space<vmem>>, vector<1x1x16xf32>,
      %get3A_697 = arith.index_cast %scan3A_641 : i32 to index
      %get3A_698 = arith.constant 80 : index
      %get3A_699 = tpu.vector_load %arg7[%get3A_697, %get3A_698] {strides = array<i32>} : memref<200x128xf32, #tpu.memory_space<vmem>>, vector<1x16xf32>,
      %get3A_700 = vector.shape_cast %get3A_699 : vector<1x16xf32> to vector<16xf32>
      %swap3A_701 = arith.constant 1 : i32
      %swap3A_702 = arith.index_cast %swap3A_701 : i32 to index
      %swap3A_703 = arith.index_cast %scan3A_641 : i32 to index
      %swap3A_704 = arith.constant 80 : index
      %swap3A_705 = tpu.vector_load %arg8[%swap3A_702, %swap3A_703, %swap3A_704] {strides = array<i32>} : memref<3x200x128xf32, #tpu.memory_space<vmem>>, vector<1x1x16xf32>,
      %swap3A_706 = vector.shape_cast %swap3A_705 : vector<1x1x16xf32> to vector<16xf32>
      %swap3A_707 = vector.shape_cast %get3A_700 : vector<16xf32> to vector<1x1x16xf32>
      tpu.vector_store %arg8[%swap3A_702, %swap3A_703, %swap3A_704], %swap3A_707 {add = true, strides = array<i32>} : memref<3x200x128xf32, #tpu.memory_space<vmem>>, vector<1x1x16xf32>,
      %get3A_708 = arith.index_cast %scan3A_641 : i32 to index
      %get3A_709 = arith.constant 96 : index
      %get3A_710 = tpu.vector_load %arg7[%get3A_708, %get3A_709] {strides = array<i32>} : memref<200x128xf32, #tpu.memory_space<vmem>>, vector<1x16xf32>,
      %get3A_711 = vector.shape_cast %get3A_710 : vector<1x16xf32> to vector<16xf32>
      %swap3A_712 = arith.constant 1 : i32
      %swap3A_713 = arith.index_cast %swap3A_712 : i32 to index
      %swap3A_714 = arith.index_cast %scan3A_641 : i32 to index
      %swap3A_715 = arith.constant 96 : index
      %swap3A_716 = tpu.vector_load %arg8[%swap3A_713, %swap3A_714, %swap3A_715] {strides = array<i32>} : memref<3x200x128xf32, #tpu.memory_space<vmem>>, vector<1x1x16xf32>,
      %swap3A_717 = vector.shape_cast %swap3A_716 : vector<1x1x16xf32> to vector<16xf32>
      %swap3A_718 = vector.shape_cast %get3A_711 : vector<16xf32> to vector<1x1x16xf32>
      tpu.vector_store %arg8[%swap3A_713, %swap3A_714, %swap3A_715], %swap3A_718 {add = true, strides = array<i32>} : memref<3x200x128xf32, #tpu.memory_space<vmem>>, vector<1x1x16xf32>,
      %get3A_719 = arith.index_cast %scan3A_641 : i32 to index
      %get3A_720 = arith.constant 112 : index
      %get3A_721 = tpu.vector_load %arg7[%get3A_719, %get3A_720] {strides = array<i32>} : memref<200x128xf32, #tpu.memory_space<vmem>>, vector<1x16xf32>,
      %get3A_722 = vector.shape_cast %get3A_721 : vector<1x16xf32> to vector<16xf32>
      %swap3A_723 = arith.constant 1 : i32
      %swap3A_724 = arith.index_cast %swap3A_723 : i32 to index
      %swap3A_725 = arith.index_cast %scan3A_641 : i32 to index
      %swap3A_726 = arith.constant 112 : index
      %swap3A_727 = tpu.vector_load %arg8[%swap3A_724, %swap3A_725, %swap3A_726] {strides = array<i32>} : memref<3x200x128xf32, #tpu.memory_space<vmem>>, vector<1x1x16xf32>,
      %swap3A_728 = vector.shape_cast %swap3A_727 : vector<1x1x16xf32> to vector<16xf32>
      %swap3A_729 = vector.shape_cast %get3A_722 : vector<16xf32> to vector<1x1x16xf32>
      tpu.vector_store %arg8[%swap3A_724, %swap3A_725, %swap3A_726], %swap3A_729 {add = true, strides = array<i32>} : memref<3x200x128xf32, #tpu.memory_space<vmem>>, vector<1x1x16xf32>,
      %scan3A_730 = arith.constant 3 : i32
      %scan3A_731 = arith.addi %scan3A_463, %scan3A_730 : i32
      %get3A_732 = arith.index_cast %scan3A_731 : i32 to index
      %get3A_733 = arith.constant 0 : index
      %get3A_734 = tpu.vector_load %arg7[%get3A_732, %get3A_733] {strides = array<i32>} : memref<200x128xf32, #tpu.memory_space<vmem>>, vector<1x16xf32>,
      %get3A_735 = vector.shape_cast %get3A_734 : vector<1x16xf32> to vector<16xf32>
      %swap3A_736 = arith.constant 1 : i32
      %swap3A_737 = arith.index_cast %swap3A_736 : i32 to index
      %swap3A_738 = arith.index_cast %scan3A_731 : i32 to index
      %swap3A_739 = arith.constant 0 : index
      %swap3A_740 = tpu.vector_load %arg8[%swap3A_737, %swap3A_738, %swap3A_739] {strides = array<i32>} : memref<3x200x128xf32, #tpu.memory_space<vmem>>, vector<1x1x16xf32>,
      %swap3A_741 = vector.shape_cast %swap3A_740 : vector<1x1x16xf32> to vector<16xf32>
      %swap3A_742 = vector.shape_cast %get3A_735 : vector<16xf32> to vector<1x1x16xf32>
      tpu.vector_store %arg8[%swap3A_737, %swap3A_738, %swap3A_739], %swap3A_742 {add = true, strides = array<i32>} : memref<3x200x128xf32, #tpu.memory_space<vmem>>, vector<1x1x16xf32>,
      %get3A_743 = arith.index_cast %scan3A_731 : i32 to index
      %get3A_744 = arith.constant 16 : index
      %get3A_745 = tpu.vector_load %arg7[%get3A_743, %get3A_744] {strides = array<i32>} : memref<200x128xf32, #tpu.memory_space<vmem>>, vector<1x16xf32>,
      %get3A_746 = vector.shape_cast %get3A_745 : vector<1x16xf32> to vector<16xf32>
      %swap3A_747 = arith.constant 1 : i32
      %swap3A_748 = arith.index_cast %swap3A_747 : i32 to index
      %swap3A_749 = arith.index_cast %scan3A_731 : i32 to index
      %swap3A_750 = arith.constant 16 : index
      %swap3A_751 = tpu.vector_load %arg8[%swap3A_748, %swap3A_749, %swap3A_750] {strides = array<i32>} : memref<3x200x128xf32, #tpu.memory_space<vmem>>, vector<1x1x16xf32>,
      %swap3A_752 = vector.shape_cast %swap3A_751 : vector<1x1x16xf32> to vector<16xf32>
      %swap3A_753 = vector.shape_cast %get3A_746 : vector<16xf32> to vector<1x1x16xf32>
      tpu.vector_store %arg8[%swap3A_748, %swap3A_749, %swap3A_750], %swap3A_753 {add = true, strides = array<i32>} : memref<3x200x128xf32, #tpu.memory_space<vmem>>, vector<1x1x16xf32>,
      %get3A_754 = arith.index_cast %scan3A_731 : i32 to index
      %get3A_755 = arith.constant 32 : index
      %get3A_756 = tpu.vector_load %arg7[%get3A_754, %get3A_755] {strides = array<i32>} : memref<200x128xf32, #tpu.memory_space<vmem>>, vector<1x16xf32>,
      %get3A_757 = vector.shape_cast %get3A_756 : vector<1x16xf32> to vector<16xf32>
      %swap3A_758 = arith.constant 1 : i32
      %swap3A_759 = arith.index_cast %swap3A_758 : i32 to index
      %swap3A_760 = arith.index_cast %scan3A_731 : i32 to index
      %swap3A_761 = arith.constant 32 : index
      %swap3A_762 = tpu.vector_load %arg8[%swap3A_759, %swap3A_760, %swap3A_761] {strides = array<i32>} : memref<3x200x128xf32, #tpu.memory_space<vmem>>, vector<1x1x16xf32>,
      %swap3A_763 = vector.shape_cast %swap3A_762 : vector<1x1x16xf32> to vector<16xf32>
      %swap3A_764 = vector.shape_cast %get3A_757 : vector<16xf32> to vector<1x1x16xf32>
      tpu.vector_store %arg8[%swap3A_759, %swap3A_760, %swap3A_761], %swap3A_764 {add = true, strides = array<i32>} : memref<3x200x128xf32, #tpu.memory_space<vmem>>, vector<1x1x16xf32>,
      %get3A_765 = arith.index_cast %scan3A_731 : i32 to index
      %get3A_766 = arith.constant 48 : index
      %get3A_767 = tpu.vector_load %arg7[%get3A_765, %get3A_766] {strides = array<i32>} : memref<200x128xf32, #tpu.memory_space<vmem>>, vector<1x16xf32>,
      %get3A_768 = vector.shape_cast %get3A_767 : vector<1x16xf32> to vector<16xf32>
      %swap3A_769 = arith.constant 1 : i32
      %swap3A_770 = arith.index_cast %swap3A_769 : i32 to index
      %swap3A_771 = arith.index_cast %scan3A_731 : i32 to index
      %swap3A_772 = arith.constant 48 : index
      %swap3A_773 = tpu.vector_load %arg8[%swap3A_770, %swap3A_771, %swap3A_772] {strides = array<i32>} : memref<3x200x128xf32, #tpu.memory_space<vmem>>, vector<1x1x16xf32>,
      %swap3A_774 = vector.shape_cast %swap3A_773 : vector<1x1x16xf32> to vector<16xf32>
      %swap3A_775 = vector.shape_cast %get3A_768 : vector<16xf32> to vector<1x1x16xf32>
      tpu.vector_store %arg8[%swap3A_770, %swap3A_771, %swap3A_772], %swap3A_775 {add = true, strides = array<i32>} : memref<3x200x128xf32, #tpu.memory_space<vmem>>, vector<1x1x16xf32>,
      %get3A_776 = arith.index_cast %scan3A_731 : i32 to index
      %get3A_777 = arith.constant 64 : index
      %get3A_778 = tpu.vector_load %arg7[%get3A_776, %get3A_777] {strides = array<i32>} : memref<200x128xf32, #tpu.memory_space<vmem>>, vector<1x16xf32>,
      %get3A_779 = vector.shape_cast %get3A_778 : vector<1x16xf32> to vector<16xf32>
      %swap3A_780 = arith.constant 1 : i32
      %swap3A_781 = arith.index_cast %swap3A_780 : i32 to index
      %swap3A_782 = arith.index_cast %scan3A_731 : i32 to index
      %swap3A_783 = arith.constant 64 : index
      %swap3A_784 = tpu.vector_load %arg8[%swap3A_781, %swap3A_782, %swap3A_783] {strides = array<i32>} : memref<3x200x128xf32, #tpu.memory_space<vmem>>, vector<1x1x16xf32>,
      %swap3A_785 = vector.shape_cast %swap3A_784 : vector<1x1x16xf32> to vector<16xf32>
      %swap3A_786 = vector.shape_cast %get3A_779 : vector<16xf32> to vector<1x1x16xf32>
      tpu.vector_store %arg8[%swap3A_781, %swap3A_782, %swap3A_783], %swap3A_786 {add = true, strides = array<i32>} : memref<3x200x128xf32, #tpu.memory_space<vmem>>, vector<1x1x16xf32>,
      %get3A_787 = arith.index_cast %scan3A_731 : i32 to index
      %get3A_788 = arith.constant 80 : index
      %get3A_789 = tpu.vector_load %arg7[%get3A_787, %get3A_788] {strides = array<i32>} : memref<200x128xf32, #tpu.memory_space<vmem>>, vector<1x16xf32>,
      %get3A_790 = vector.shape_cast %get3A_789 : vector<1x16xf32> to vector<16xf32>
      %swap3A_791 = arith.constant 1 : i32
      %swap3A_792 = arith.index_cast %swap3A_791 : i32 to index
      %swap3A_793 = arith.index_cast %scan3A_731 : i32 to index
      %swap3A_794 = arith.constant 80 : index
      %swap3A_795 = tpu.vector_load %arg8[%swap3A_792, %swap3A_793, %swap3A_794] {strides = array<i32>} : memref<3x200x128xf32, #tpu.memory_space<vmem>>, vector<1x1x16xf32>,
      %swap3A_796 = vector.shape_cast %swap3A_795 : vector<1x1x16xf32> to vector<16xf32>
      %swap3A_797 = vector.shape_cast %get3A_790 : vector<16xf32> to vector<1x1x16xf32>
      tpu.vector_store %arg8[%swap3A_792, %swap3A_793, %swap3A_794], %swap3A_797 {add = true, strides = array<i32>} : memref<3x200x128xf32, #tpu.memory_space<vmem>>, vector<1x1x16xf32>,
      %get3A_798 = arith.index_cast %scan3A_731 : i32 to index
      %get3A_799 = arith.constant 96 : index
      %get3A_800 = tpu.vector_load %arg7[%get3A_798, %get3A_799] {strides = array<i32>} : memref<200x128xf32, #tpu.memory_space<vmem>>, vector<1x16xf32>,
      %get3A_801 = vector.shape_cast %get3A_800 : vector<1x16xf32> to vector<16xf32>
      %swap3A_802 = arith.constant 1 : i32
      %swap3A_803 = arith.index_cast %swap3A_802 : i32 to index
      %swap3A_804 = arith.index_cast %scan3A_731 : i32 to index
      %swap3A_805 = arith.constant 96 : index
      %swap3A_806 = tpu.vector_load %arg8[%swap3A_803, %swap3A_804, %swap3A_805] {strides = array<i32>} : memref<3x200x128xf32, #tpu.memory_space<vmem>>, vector<1x1x16xf32>,
      %swap3A_807 = vector.shape_cast %swap3A_806 : vector<1x1x16xf32> to vector<16xf32>
      %swap3A_808 = vector.shape_cast %get3A_801 : vector<16xf32> to vector<1x1x16xf32>
      tpu.vector_store %arg8[%swap3A_803, %swap3A_804, %swap3A_805], %swap3A_808 {add = true, strides = array<i32>} : memref<3x200x128xf32, #tpu.memory_space<vmem>>, vector<1x1x16xf32>,
      %get3A_809 = arith.index_cast %scan3A_731 : i32 to index
      %get3A_810 = arith.constant 112 : index
      %get3A_811 = tpu.vector_load %arg7[%get3A_809, %get3A_810] {strides = array<i32>} : memref<200x128xf32, #tpu.memory_space<vmem>>, vector<1x16xf32>,
      %get3A_812 = vector.shape_cast %get3A_811 : vector<1x16xf32> to vector<16xf32>
      %swap3A_813 = arith.constant 1 : i32
      %swap3A_814 = arith.index_cast %swap3A_813 : i32 to index
      %swap3A_815 = arith.index_cast %scan3A_731 : i32 to index
      %swap3A_816 = arith.constant 112 : index
      %swap3A_817 = tpu.vector_load %arg8[%swap3A_814, %swap3A_815, %swap3A_816] {strides = array<i32>} : memref<3x200x128xf32, #tpu.memory_space<vmem>>, vector<1x1x16xf32>,
      %swap3A_818 = vector.shape_cast %swap3A_817 : vector<1x1x16xf32> to vector<16xf32>
      %swap3A_819 = vector.shape_cast %get3A_812 : vector<16xf32> to vector<1x1x16xf32>
      tpu.vector_store %arg8[%swap3A_814, %swap3A_815, %swap3A_816], %swap3A_819 {add = true, strides = array<i32>} : memref<3x200x128xf32, #tpu.memory_space<vmem>>, vector<1x1x16xf32>,
    }
    %scan3A_152 = arith.constant 200 : i32
    %add3A_153 = arith.constant 1 : i32
    %add3A_154 = arith.addi %mul3A_2, %add3A_153 : i32
    %dma_start3A_155 = arith.constant 1 : i32
    %dma_start3A_156 = arith.constant 0 : i32
    %dma_start3A_157 = arith.constant 0 : i32
    %dma_start3A_158 = tpu.memref_slice %arg8[%dma_start3A_155, %dma_start3A_156, %dma_start3A_157] : memref<3x200x128xf32, #tpu.memory_space<vmem>> -> memref<1x200x128xf32, #tpu.memory_space<vmem>>
    %dma_start3A_159 = tpu.memref_squeeze %dma_start3A_158 : memref<1x200x128xf32, #tpu.memory_space<vmem>> -> memref<200x128xf32, #tpu.memory_space<vmem>>
    %dma_start3A_160 = arith.constant 0 : i32
    %dma_start3A_161 = arith.constant 0 : i32
    %dma_start3A_162 = tpu.memref_slice %arg5[%add3A_154, %dma_start3A_160, %dma_start3A_161] : memref<1024x200x128xf32, #tpu.memory_space<hbm>> -> memref<1x200x128xf32, #tpu.memory_space<hbm>>
    %dma_start3A_163 = tpu.memref_squeeze %dma_start3A_162 : memref<1x200x128xf32, #tpu.memory_space<hbm>> -> memref<200x128xf32, #tpu.memory_space<hbm>>
    %dma_start3A_164 = arith.constant 0 : i32
    %dma_start3A_165 = arith.constant 0 : i32
    %dma_start3A_166 = tpu.memref_slice %arg5[%add3A_154, %dma_start3A_164, %dma_start3A_165] : memref<1024x200x128xf32, #tpu.memory_space<hbm>> -> memref<1x200x128xf32, #tpu.memory_space<hbm>>
    %dma_start3A_167 = tpu.memref_squeeze %dma_start3A_166 : memref<1x200x128xf32, #tpu.memory_space<hbm>> -> memref<200x128xf32, #tpu.memory_space<hbm>>
    %dma_start3A_168 = arith.constant 0 : i32
    %dma_start3A_169 = arith.constant 0 : i32
    %dma_start3A_170 = tpu.memref_slice %arg8[%dma_start3A_155, %dma_start3A_168, %dma_start3A_169] : memref<3x200x128xf32, #tpu.memory_space<vmem>> -> memref<1x200x128xf32, #tpu.memory_space<vmem>>
    %dma_start3A_171 = tpu.memref_squeeze %dma_start3A_170 : memref<1x200x128xf32, #tpu.memory_space<vmem>> -> memref<200x128xf32, #tpu.memory_space<vmem>>
    tpu.enqueue_dma source(%dma_start3A_171 : memref<200x128xf32, #tpu.memory_space<vmem>>) target(%dma_start3A_167 : memref<200x128xf32, #tpu.memory_space<hbm>>) target_semaphore(%arg14 : memref<!tpu.dma_semaphore, #tpu.memory_space<semaphore_mem>>)
    %dma_wait3A_172 = arith.constant 0 : i32
    %dma_wait3A_173 = arith.constant 2 : i32
    %dma_wait3A_174 = arith.constant 0 : i32
    %dma_wait3A_175 = arith.constant 0 : i32
    %dma_wait3A_176 = tpu.memref_slice %arg8[%dma_wait3A_173, %dma_wait3A_174, %dma_wait3A_175] : memref<3x200x128xf32, #tpu.memory_space<vmem>> -> memref<1x100x128xf32, #tpu.memory_space<vmem>>
    %dma_wait3A_177 = tpu.memref_squeeze %dma_wait3A_176 : memref<1x100x128xf32, #tpu.memory_space<vmem>> -> memref<100x128xf32, #tpu.memory_space<vmem>>
    %dma_wait3A_178 = arith.constant 0 : i32
    %dma_wait3A_179 = tpu.memref_slice %arg6[%dma_wait3A_172, %dma_wait3A_178] : memref<64x100xi32, #tpu.memory_space<vmem>> -> memref<1x100xi32, #tpu.memory_space<vmem>>
    %dma_wait3A_180 = tpu.memref_squeeze %dma_wait3A_179 : memref<1x100xi32, #tpu.memory_space<vmem>> -> memref<100xi32, #tpu.memory_space<vmem>>
    %dma_wait3A_181 = arith.constant 0 : i32
    %dma_wait3A_182 = arith.constant 0 : i32
    %dma_wait3A_183 = tpu.memref_slice %arg9[%dma_wait3A_181, %dma_wait3A_182] : memref<1000x128xf32, #tpu.memory_space<vmem_shared>> -> memref<1000x128xf32, #tpu.memory_space<vmem_shared>>
    tpu.wait_indirect_dma semaphore(%arg12 : memref<!tpu.dma_semaphore, #tpu.memory_space<semaphore_mem>>) src(%dma_wait3A_183 : memref<1000x128xf32, #tpu.memory_space<vmem_shared>>) dst(%dma_wait3A_177 : memref<100x128xf32, #tpu.memory_space<vmem>>)
    %dma_wait3A_184 = arith.constant 0 : i32
    %dma_wait3A_185 = arith.constant 2 : i32
    %dma_wait3A_186 = arith.constant 100 : i32
    %dma_wait3A_187 = arith.constant 0 : i32
    %dma_wait3A_188 = tpu.memref_slice %arg8[%dma_wait3A_185, %dma_wait3A_186, %dma_wait3A_187] : memref<3x200x128xf32, #tpu.memory_space<vmem>> -> memref<1x100x128xf32, #tpu.memory_space<vmem>>
    %dma_wait3A_189 = tpu.memref_squeeze %dma_wait3A_188 : memref<1x100x128xf32, #tpu.memory_space<vmem>> -> memref<100x128xf32, #tpu.memory_space<vmem>>
    %dma_wait3A_190 = arith.constant 0 : i32
    %dma_wait3A_191 = tpu.memref_slice %arg6[%dma_wait3A_184, %dma_wait3A_190] : memref<64x100xi32, #tpu.memory_space<vmem>> -> memref<1x100xi32, #tpu.memory_space<vmem>>
    %dma_wait3A_192 = tpu.memref_squeeze %dma_wait3A_191 : memref<1x100xi32, #tpu.memory_space<vmem>> -> memref<100xi32, #tpu.memory_space<vmem>>
    %dma_wait3A_193 = arith.constant 0 : i32
    %dma_wait3A_194 = arith.constant 0 : i32
    %dma_wait3A_195 = tpu.memref_slice %arg9[%dma_wait3A_193, %dma_wait3A_194] : memref<1000x128xf32, #tpu.memory_space<vmem_shared>> -> memref<1000x128xf32, #tpu.memory_space<vmem_shared>>
    tpu.wait_indirect_dma semaphore(%arg12 : memref<!tpu.dma_semaphore, #tpu.memory_space<semaphore_mem>>) src(%dma_wait3A_195 : memref<1000x128xf32, #tpu.memory_space<vmem_shared>>) dst(%dma_wait3A_189 : memref<100x128xf32, #tpu.memory_space<vmem>>)
    %dma_wait3A_196 = arith.constant 0 : i32
    %dma_wait3A_197 = arith.constant 0 : i32
    %dma_wait3A_198 = arith.constant 0 : i32
    %dma_wait3A_199 = arith.constant 0 : i32
    %dma_wait3A_200 = tpu.memref_slice %arg8[%dma_wait3A_196, %dma_wait3A_198, %dma_wait3A_199] : memref<3x200x128xf32, #tpu.memory_space<vmem>> -> memref<1x200x128xf32, #tpu.memory_space<vmem>>
    %dma_wait3A_201 = tpu.memref_squeeze %dma_wait3A_200 : memref<1x200x128xf32, #tpu.memory_space<vmem>> -> memref<200x128xf32, #tpu.memory_space<vmem>>
    %dma_wait3A_202 = arith.constant 0 : i32
    %dma_wait3A_203 = arith.constant 0 : i32
    %dma_wait3A_204 = tpu.memref_slice %arg5[%dma_wait3A_197, %dma_wait3A_202, %dma_wait3A_203] : memref<1024x200x128xf32, #tpu.memory_space<hbm>> -> memref<1x200x128xf32, #tpu.memory_space<hbm>>
    %dma_wait3A_205 = tpu.memref_squeeze %dma_wait3A_204 : memref<1x200x128xf32, #tpu.memory_space<hbm>> -> memref<200x128xf32, #tpu.memory_space<hbm>>
    %dma_wait3A_206 = arith.constant 0 : i32
    %dma_wait3A_207 = arith.constant 0 : i32
    %dma_wait3A_208 = tpu.memref_slice %arg5[%dma_wait3A_197, %dma_wait3A_206, %dma_wait3A_207] : memref<1024x200x128xf32, #tpu.memory_space<hbm>> -> memref<1x200x128xf32, #tpu.memory_space<hbm>>
    %dma_wait3A_209 = tpu.memref_squeeze %dma_wait3A_208 : memref<1x200x128xf32, #tpu.memory_space<hbm>> -> memref<200x128xf32, #tpu.memory_space<hbm>>
    %dma_wait3A_210 = arith.constant 0 : i32
    %dma_wait3A_211 = arith.constant 0 : i32
    %dma_wait3A_212 = tpu.memref_slice %arg8[%dma_wait3A_196, %dma_wait3A_210, %dma_wait3A_211] : memref<3x200x128xf32, #tpu.memory_space<vmem>> -> memref<1x200x128xf32, #tpu.memory_space<vmem>>
    %dma_wait3A_213 = tpu.memref_squeeze %dma_wait3A_212 : memref<1x200x128xf32, #tpu.memory_space<vmem>> -> memref<200x128xf32, #tpu.memory_space<vmem>>
    tpu.wait_dma2 semaphore(%arg13 : memref<!tpu.dma_semaphore, #tpu.memory_space<semaphore_mem>>) src(%dma_wait3A_213 : memref<200x128xf32, #tpu.memory_space<vmem>>) dst(%dma_wait3A_209 : memref<200x128xf32, #tpu.memory_space<hbm>>)
    %dma_start3A_214 = arith.constant 6 : i32
    %dma_start3A_215 = arith.constant 0 : i32
    %dma_start3A_216 = arith.constant 0 : i32
    %dma_start3A_217 = arith.constant 0 : i32
    %dma_start3A_218 = tpu.memref_slice %arg8[%dma_start3A_215, %dma_start3A_216, %dma_start3A_217] : memref<3x200x128xf32, #tpu.memory_space<vmem>> -> memref<1x100x128xf32, #tpu.memory_space<vmem>>
    %dma_start3A_219 = tpu.memref_squeeze %dma_start3A_218 : memref<1x100x128xf32, #tpu.memory_space<vmem>> -> memref<100x128xf32, #tpu.memory_space<vmem>>
    %dma_start3A_220 = arith.constant 0 : i32
    %dma_start3A_221 = tpu.memref_slice %arg6[%dma_start3A_214, %dma_start3A_220] : memref<64x100xi32, #tpu.memory_space<vmem>> -> memref<1x100xi32, #tpu.memory_space<vmem>>
    %dma_start3A_222 = tpu.memref_squeeze %dma_start3A_221 : memref<1x100xi32, #tpu.memory_space<vmem>> -> memref<100xi32, #tpu.memory_space<vmem>>
    %dma_start3A_223 = arith.constant 0 : i32
    %dma_start3A_224 = arith.constant 0 : i32
    %dma_start3A_225 = tpu.memref_slice %arg9[%dma_start3A_223, %dma_start3A_224] : memref<1000x128xf32, #tpu.memory_space<vmem_shared>> -> memref<1000x128xf32, #tpu.memory_space<vmem_shared>>
    tpu.enqueue_indirect_dma source(%dma_start3A_225 : memref<1000x128xf32, #tpu.memory_space<vmem_shared>>) target(%dma_start3A_219 : memref<100x128xf32, #tpu.memory_space<vmem>>) offsets(%dma_start3A_222 : memref<100xi32, #tpu.memory_space<vmem>>) semaphore(%arg10 : memref<!tpu.dma_semaphore, #tpu.memory_space<semaphore_mem>>)
    %dma_start3A_226 = arith.constant 7 : i32
    %dma_start3A_227 = arith.constant 0 : i32
    %dma_start3A_228 = arith.constant 100 : i32
    %dma_start3A_229 = arith.constant 0 : i32
    %dma_start3A_230 = tpu.memref_slice %arg8[%dma_start3A_227, %dma_start3A_228, %dma_start3A_229] : memref<3x200x128xf32, #tpu.memory_space<vmem>> -> memref<1x100x128xf32, #tpu.memory_space<vmem>>
    %dma_start3A_231 = tpu.memref_squeeze %dma_start3A_230 : memref<1x100x128xf32, #tpu.memory_space<vmem>> -> memref<100x128xf32, #tpu.memory_space<vmem>>
    %dma_start3A_232 = arith.constant 0 : i32
    %dma_start3A_233 = tpu.memref_slice %arg6[%dma_start3A_226, %dma_start3A_232] : memref<64x100xi32, #tpu.memory_space<vmem>> -> memref<1x100xi32, #tpu.memory_space<vmem>>
    %dma_start3A_234 = tpu.memref_squeeze %dma_start3A_233 : memref<1x100xi32, #tpu.memory_space<vmem>> -> memref<100xi32, #tpu.memory_space<vmem>>
    %dma_start3A_235 = arith.constant 0 : i32
    %dma_start3A_236 = arith.constant 0 : i32
    %dma_start3A_237 = tpu.memref_slice %arg9[%dma_start3A_235, %dma_start3A_236] : memref<1000x128xf32, #tpu.memory_space<vmem_shared>> -> memref<1000x128xf32, #tpu.memory_space<vmem_shared>>
    tpu.enqueue_indirect_dma source(%dma_start3A_237 : memref<1000x128xf32, #tpu.memory_space<vmem_shared>>) target(%dma_start3A_231 : memref<100x128xf32, #tpu.memory_space<vmem>>) offsets(%dma_start3A_234 : memref<100xi32, #tpu.memory_space<vmem>>) semaphore(%arg10 : memref<!tpu.dma_semaphore, #tpu.memory_space<semaphore_mem>>)
    %scan3A_238 = arith.constant 0 : i32
    %scan3A_239 = arith.constant 0 : i32
    %scan3A_240 = arith.constant 200 : i32
    %scan3A_241 = arith.addi %scan3A_239, %scan3A_240 : i32
    %scan3A_242 = arith.constant 4 : i32
    scf.for %scan3A_463 = %scan3A_239 to %scan3A_241 step %scan3A_242  : i32 {
      %get3A = arith.index_cast %scan3A_463 : i32 to index
      %get3A_464 = arith.constant 0 : index
      %get3A_465 = tpu.vector_load %arg7[%get3A, %get3A_464] {strides = array<i32>} : memref<200x128xf32, #tpu.memory_space<vmem>>, vector<1x16xf32>,
      %get3A_466 = vector.shape_cast %get3A_465 : vector<1x16xf32> to vector<16xf32>
      %swap3A = arith.constant 2 : i32
      %swap3A_467 = arith.index_cast %swap3A : i32 to index
      %swap3A_468 = arith.index_cast %scan3A_463 : i32 to index
      %swap3A_469 = arith.constant 0 : index
      %swap3A_470 = tpu.vector_load %arg8[%swap3A_467, %swap3A_468, %swap3A_469] {strides = array<i32>} : memref<3x200x128xf32, #tpu.memory_space<vmem>>, vector<1x1x16xf32>,
      %swap3A_471 = vector.shape_cast %swap3A_470 : vector<1x1x16xf32> to vector<16xf32>
      %swap3A_472 = vector.shape_cast %get3A_466 : vector<16xf32> to vector<1x1x16xf32>
      tpu.vector_store %arg8[%swap3A_467, %swap3A_468, %swap3A_469], %swap3A_472 {add = true, strides = array<i32>} : memref<3x200x128xf32, #tpu.memory_space<vmem>>, vector<1x1x16xf32>,
      %get3A_473 = arith.index_cast %scan3A_463 : i32 to index
      %get3A_474 = arith.constant 16 : index
      %get3A_475 = tpu.vector_load %arg7[%get3A_473, %get3A_474] {strides = array<i32>} : memref<200x128xf32, #tpu.memory_space<vmem>>, vector<1x16xf32>,
      %get3A_476 = vector.shape_cast %get3A_475 : vector<1x16xf32> to vector<16xf32>
      %swap3A_477 = arith.constant 2 : i32
      %swap3A_478 = arith.index_cast %swap3A_477 : i32 to index
      %swap3A_479 = arith.index_cast %scan3A_463 : i32 to index
      %swap3A_480 = arith.constant 16 : index
      %swap3A_481 = tpu.vector_load %arg8[%swap3A_478, %swap3A_479, %swap3A_480] {strides = array<i32>} : memref<3x200x128xf32, #tpu.memory_space<vmem>>, vector<1x1x16xf32>,
      %swap3A_482 = vector.shape_cast %swap3A_481 : vector<1x1x16xf32> to vector<16xf32>
      %swap3A_483 = vector.shape_cast %get3A_476 : vector<16xf32> to vector<1x1x16xf32>
      tpu.vector_store %arg8[%swap3A_478, %swap3A_479, %swap3A_480], %swap3A_483 {add = true, strides = array<i32>} : memref<3x200x128xf32, #tpu.memory_space<vmem>>, vector<1x1x16xf32>,
      %get3A_484 = arith.index_cast %scan3A_463 : i32 to index
      %get3A_485 = arith.constant 32 : index
      %get3A_486 = tpu.vector_load %arg7[%get3A_484, %get3A_485] {strides = array<i32>} : memref<200x128xf32, #tpu.memory_space<vmem>>, vector<1x16xf32>,
      %get3A_487 = vector.shape_cast %get3A_486 : vector<1x16xf32> to vector<16xf32>
      %swap3A_488 = arith.constant 2 : i32
      %swap3A_489 = arith.index_cast %swap3A_488 : i32 to index
      %swap3A_490 = arith.index_cast %scan3A_463 : i32 to index
      %swap3A_491 = arith.constant 32 : index
      %swap3A_492 = tpu.vector_load %arg8[%swap3A_489, %swap3A_490, %swap3A_491] {strides = array<i32>} : memref<3x200x128xf32, #tpu.memory_space<vmem>>, vector<1x1x16xf32>,
      %swap3A_493 = vector.shape_cast %swap3A_492 : vector<1x1x16xf32> to vector<16xf32>
      %swap3A_494 = vector.shape_cast %get3A_487 : vector<16xf32> to vector<1x1x16xf32>
      tpu.vector_store %arg8[%swap3A_489, %swap3A_490, %swap3A_491], %swap3A_494 {add = true, strides = array<i32>} : memref<3x200x128xf32, #tpu.memory_space<vmem>>, vector<1x1x16xf32>,
      %get3A_495 = arith.index_cast %scan3A_463 : i32 to index
      %get3A_496 = arith.constant 48 : index
      %get3A_497 = tpu.vector_load %arg7[%get3A_495, %get3A_496] {strides = array<i32>} : memref<200x128xf32, #tpu.memory_space<vmem>>, vector<1x16xf32>,
      %get3A_498 = vector.shape_cast %get3A_497 : vector<1x16xf32> to vector<16xf32>
      %swap3A_499 = arith.constant 2 : i32
      %swap3A_500 = arith.index_cast %swap3A_499 : i32 to index
      %swap3A_501 = arith.index_cast %scan3A_463 : i32 to index
      %swap3A_502 = arith.constant 48 : index
      %swap3A_503 = tpu.vector_load %arg8[%swap3A_500, %swap3A_501, %swap3A_502] {strides = array<i32>} : memref<3x200x128xf32, #tpu.memory_space<vmem>>, vector<1x1x16xf32>,
      %swap3A_504 = vector.shape_cast %swap3A_503 : vector<1x1x16xf32> to vector<16xf32>
      %swap3A_505 = vector.shape_cast %get3A_498 : vector<16xf32> to vector<1x1x16xf32>
      tpu.vector_store %arg8[%swap3A_500, %swap3A_501, %swap3A_502], %swap3A_505 {add = true, strides = array<i32>} : memref<3x200x128xf32, #tpu.memory_space<vmem>>, vector<1x1x16xf32>,
      %get3A_506 = arith.index_cast %scan3A_463 : i32 to index
      %get3A_507 = arith.constant 64 : index
      %get3A_508 = tpu.vector_load %arg7[%get3A_506, %get3A_507] {strides = array<i32>} : memref<200x128xf32, #tpu.memory_space<vmem>>, vector<1x16xf32>,
      %get3A_509 = vector.shape_cast %get3A_508 : vector<1x16xf32> to vector<16xf32>
      %swap3A_510 = arith.constant 2 : i32
      %swap3A_511 = arith.index_cast %swap3A_510 : i32 to index
      %swap3A_512 = arith.index_cast %scan3A_463 : i32 to index
      %swap3A_513 = arith.constant 64 : index
      %swap3A_514 = tpu.vector_load %arg8[%swap3A_511, %swap3A_512, %swap3A_513] {strides = array<i32>} : memref<3x200x128xf32, #tpu.memory_space<vmem>>, vector<1x1x16xf32>,
      %swap3A_515 = vector.shape_cast %swap3A_514 : vector<1x1x16xf32> to vector<16xf32>
      %swap3A_516 = vector.shape_cast %get3A_509 : vector<16xf32> to vector<1x1x16xf32>
      tpu.vector_store %arg8[%swap3A_511, %swap3A_512, %swap3A_513], %swap3A_516 {add = true, strides = array<i32>} : memref<3x200x128xf32, #tpu.memory_space<vmem>>, vector<1x1x16xf32>,
      %get3A_517 = arith.index_cast %scan3A_463 : i32 to index
      %get3A_518 = arith.constant 80 : index
      %get3A_519 = tpu.vector_load %arg7[%get3A_517, %get3A_518] {strides = array<i32>} : memref<200x128xf32, #tpu.memory_space<vmem>>, vector<1x16xf32>,
      %get3A_520 = vector.shape_cast %get3A_519 : vector<1x16xf32> to vector<16xf32>
      %swap3A_521 = arith.constant 2 : i32
      %swap3A_522 = arith.index_cast %swap3A_521 : i32 to index
      %swap3A_523 = arith.index_cast %scan3A_463 : i32 to index
      %swap3A_524 = arith.constant 80 : index
      %swap3A_525 = tpu.vector_load %arg8[%swap3A_522, %swap3A_523, %swap3A_524] {strides = array<i32>} : memref<3x200x128xf32, #tpu.memory_space<vmem>>, vector<1x1x16xf32>,
      %swap3A_526 = vector.shape_cast %swap3A_525 : vector<1x1x16xf32> to vector<16xf32>
      %swap3A_527 = vector.shape_cast %get3A_520 : vector<16xf32> to vector<1x1x16xf32>
      tpu.vector_store %arg8[%swap3A_522, %swap3A_523, %swap3A_524], %swap3A_527 {add = true, strides = array<i32>} : memref<3x200x128xf32, #tpu.memory_space<vmem>>, vector<1x1x16xf32>,
      %get3A_528 = arith.index_cast %scan3A_463 : i32 to index
      %get3A_529 = arith.constant 96 : index
      %get3A_530 = tpu.vector_load %arg7[%get3A_528, %get3A_529] {strides = array<i32>} : memref<200x128xf32, #tpu.memory_space<vmem>>, vector<1x16xf32>,
      %get3A_531 = vector.shape_cast %get3A_530 : vector<1x16xf32> to vector<16xf32>
      %swap3A_532 = arith.constant 2 : i32
      %swap3A_533 = arith.index_cast %swap3A_532 : i32 to index
      %swap3A_534 = arith.index_cast %scan3A_463 : i32 to index
      %swap3A_535 = arith.constant 96 : index
      %swap3A_536 = tpu.vector_load %arg8[%swap3A_533, %swap3A_534, %swap3A_535] {strides = array<i32>} : memref<3x200x128xf32, #tpu.memory_space<vmem>>, vector<1x1x16xf32>,
      %swap3A_537 = vector.shape_cast %swap3A_536 : vector<1x1x16xf32> to vector<16xf32>
      %swap3A_538 = vector.shape_cast %get3A_531 : vector<16xf32> to vector<1x1x16xf32>
      tpu.vector_store %arg8[%swap3A_533, %swap3A_534, %swap3A_535], %swap3A_538 {add = true, strides = array<i32>} : memref<3x200x128xf32, #tpu.memory_space<vmem>>, vector<1x1x16xf32>,
      %get3A_539 = arith.index_cast %scan3A_463 : i32 to index
      %get3A_540 = arith.constant 112 : index
      %get3A_541 = tpu.vector_load %arg7[%get3A_539, %get3A_540] {strides = array<i32>} : memref<200x128xf32, #tpu.memory_space<vmem>>, vector<1x16xf32>,
      %get3A_542 = vector.shape_cast %get3A_541 : vector<1x16xf32> to vector<16xf32>
      %swap3A_543 = arith.constant 2 : i32
      %swap3A_544 = arith.index_cast %swap3A_543 : i32 to index
      %swap3A_545 = arith.index_cast %scan3A_463 : i32 to index
      %swap3A_546 = arith.constant 112 : index
      %swap3A_547 = tpu.vector_load %arg8[%swap3A_544, %swap3A_545, %swap3A_546] {strides = array<i32>} : memref<3x200x128xf32, #tpu.memory_space<vmem>>, vector<1x1x16xf32>,
      %swap3A_548 = vector.shape_cast %swap3A_547 : vector<1x1x16xf32> to vector<16xf32>
      %swap3A_549 = vector.shape_cast %get3A_542 : vector<16xf32> to vector<1x1x16xf32>
      tpu.vector_store %arg8[%swap3A_544, %swap3A_545, %swap3A_546], %swap3A_549 {add = true, strides = array<i32>} : memref<3x200x128xf32, #tpu.memory_space<vmem>>, vector<1x1x16xf32>,
      %scan3A_550 = arith.constant 1 : i32
      %scan3A_551 = arith.addi %scan3A_463, %scan3A_550 : i32
      %get3A_552 = arith.index_cast %scan3A_551 : i32 to index
      %get3A_553 = arith.constant 0 : index
      %get3A_554 = tpu.vector_load %arg7[%get3A_552, %get3A_553] {strides = array<i32>} : memref<200x128xf32, #tpu.memory_space<vmem>>, vector<1x16xf32>,
      %get3A_555 = vector.shape_cast %get3A_554 : vector<1x16xf32> to vector<16xf32>
      %swap3A_556 = arith.constant 2 : i32
      %swap3A_557 = arith.index_cast %swap3A_556 : i32 to index
      %swap3A_558 = arith.index_cast %scan3A_551 : i32 to index
      %swap3A_559 = arith.constant 0 : index
      %swap3A_560 = tpu.vector_load %arg8[%swap3A_557, %swap3A_558, %swap3A_559] {strides = array<i32>} : memref<3x200x128xf32, #tpu.memory_space<vmem>>, vector<1x1x16xf32>,
      %swap3A_561 = vector.shape_cast %swap3A_560 : vector<1x1x16xf32> to vector<16xf32>
      %swap3A_562 = vector.shape_cast %get3A_555 : vector<16xf32> to vector<1x1x16xf32>
      tpu.vector_store %arg8[%swap3A_557, %swap3A_558, %swap3A_559], %swap3A_562 {add = true, strides = array<i32>} : memref<3x200x128xf32, #tpu.memory_space<vmem>>, vector<1x1x16xf32>,
      %get3A_563 = arith.index_cast %scan3A_551 : i32 to index
      %get3A_564 = arith.constant 16 : index
      %get3A_565 = tpu.vector_load %arg7[%get3A_563, %get3A_564] {strides = array<i32>} : memref<200x128xf32, #tpu.memory_space<vmem>>, vector<1x16xf32>,
      %get3A_566 = vector.shape_cast %get3A_565 : vector<1x16xf32> to vector<16xf32>
      %swap3A_567 = arith.constant 2 : i32
      %swap3A_568 = arith.index_cast %swap3A_567 : i32 to index
      %swap3A_569 = arith.index_cast %scan3A_551 : i32 to index
      %swap3A_570 = arith.constant 16 : index
      %swap3A_571 = tpu.vector_load %arg8[%swap3A_568, %swap3A_569, %swap3A_570] {strides = array<i32>} : memref<3x200x128xf32, #tpu.memory_space<vmem>>, vector<1x1x16xf32>,
      %swap3A_572 = vector.shape_cast %swap3A_571 : vector<1x1x16xf32> to vector<16xf32>
      %swap3A_573 = vector.shape_cast %get3A_566 : vector<16xf32> to vector<1x1x16xf32>
      tpu.vector_store %arg8[%swap3A_568, %swap3A_569, %swap3A_570], %swap3A_573 {add = true, strides = array<i32>} : memref<3x200x128xf32, #tpu.memory_space<vmem>>, vector<1x1x16xf32>,
      %get3A_574 = arith.index_cast %scan3A_551 : i32 to index
      %get3A_575 = arith.constant 32 : index
      %get3A_576 = tpu.vector_load %arg7[%get3A_574, %get3A_575] {strides = array<i32>} : memref<200x128xf32, #tpu.memory_space<vmem>>, vector<1x16xf32>,
      %get3A_577 = vector.shape_cast %get3A_576 : vector<1x16xf32> to vector<16xf32>
      %swap3A_578 = arith.constant 2 : i32
      %swap3A_579 = arith.index_cast %swap3A_578 : i32 to index
      %swap3A_580 = arith.index_cast %scan3A_551 : i32 to index
      %swap3A_581 = arith.constant 32 : index
      %swap3A_582 = tpu.vector_load %arg8[%swap3A_579, %swap3A_580, %swap3A_581] {strides = array<i32>} : memref<3x200x128xf32, #tpu.memory_space<vmem>>, vector<1x1x16xf32>,
      %swap3A_583 = vector.shape_cast %swap3A_582 : vector<1x1x16xf32> to vector<16xf32>
      %swap3A_584 = vector.shape_cast %get3A_577 : vector<16xf32> to vector<1x1x16xf32>
      tpu.vector_store %arg8[%swap3A_579, %swap3A_580, %swap3A_581], %swap3A_584 {add = true, strides = array<i32>} : memref<3x200x128xf32, #tpu.memory_space<vmem>>, vector<1x1x16xf32>,
      %get3A_585 = arith.index_cast %scan3A_551 : i32 to index
      %get3A_586 = arith.constant 48 : index
      %get3A_587 = tpu.vector_load %arg7[%get3A_585, %get3A_586] {strides = array<i32>} : memref<200x128xf32, #tpu.memory_space<vmem>>, vector<1x16xf32>,
      %get3A_588 = vector.shape_cast %get3A_587 : vector<1x16xf32> to vector<16xf32>
      %swap3A_589 = arith.constant 2 : i32
      %swap3A_590 = arith.index_cast %swap3A_589 : i32 to index
      %swap3A_591 = arith.index_cast %scan3A_551 : i32 to index
      %swap3A_592 = arith.constant 48 : index
      %swap3A_593 = tpu.vector_load %arg8[%swap3A_590, %swap3A_591, %swap3A_592] {strides = array<i32>} : memref<3x200x128xf32, #tpu.memory_space<vmem>>, vector<1x1x16xf32>,
      %swap3A_594 = vector.shape_cast %swap3A_593 : vector<1x1x16xf32> to vector<16xf32>
      %swap3A_595 = vector.shape_cast %get3A_588 : vector<16xf32> to vector<1x1x16xf32>
      tpu.vector_store %arg8[%swap3A_590, %swap3A_591, %swap3A_592], %swap3A_595 {add = true, strides = array<i32>} : memref<3x200x128xf32, #tpu.memory_space<vmem>>, vector<1x1x16xf32>,
      %get3A_596 = arith.index_cast %scan3A_551 : i32 to index
      %get3A_597 = arith.constant 64 : index
      %get3A_598 = tpu.vector_load %arg7[%get3A_596, %get3A_597] {strides = array<i32>} : memref<200x128xf32, #tpu.memory_space<vmem>>, vector<1x16xf32>,
      %get3A_599 = vector.shape_cast %get3A_598 : vector<1x16xf32> to vector<16xf32>
      %swap3A_600 = arith.constant 2 : i32
      %swap3A_601 = arith.index_cast %swap3A_600 : i32 to index
      %swap3A_602 = arith.index_cast %scan3A_551 : i32 to index
      %swap3A_603 = arith.constant 64 : index
      %swap3A_604 = tpu.vector_load %arg8[%swap3A_601, %swap3A_602, %swap3A_603] {strides = array<i32>} : memref<3x200x128xf32, #tpu.memory_space<vmem>>, vector<1x1x16xf32>,
      %swap3A_605 = vector.shape_cast %swap3A_604 : vector<1x1x16xf32> to vector<16xf32>
      %swap3A_606 = vector.shape_cast %get3A_599 : vector<16xf32> to vector<1x1x16xf32>
      tpu.vector_store %arg8[%swap3A_601, %swap3A_602, %swap3A_603], %swap3A_606 {add = true, strides = array<i32>} : memref<3x200x128xf32, #tpu.memory_space<vmem>>, vector<1x1x16xf32>,
      %get3A_607 = arith.index_cast %scan3A_551 : i32 to index
      %get3A_608 = arith.constant 80 : index
      %get3A_609 = tpu.vector_load %arg7[%get3A_607, %get3A_608] {strides = array<i32>} : memref<200x128xf32, #tpu.memory_space<vmem>>, vector<1x16xf32>,
      %get3A_610 = vector.shape_cast %get3A_609 : vector<1x16xf32> to vector<16xf32>
      %swap3A_611 = arith.constant 2 : i32
      %swap3A_612 = arith.index_cast %swap3A_611 : i32 to index
      %swap3A_613 = arith.index_cast %scan3A_551 : i32 to index
      %swap3A_614 = arith.constant 80 : index
      %swap3A_615 = tpu.vector_load %arg8[%swap3A_612, %swap3A_613, %swap3A_614] {strides = array<i32>} : memref<3x200x128xf32, #tpu.memory_space<vmem>>, vector<1x1x16xf32>,
      %swap3A_616 = vector.shape_cast %swap3A_615 : vector<1x1x16xf32> to vector<16xf32>
      %swap3A_617 = vector.shape_cast %get3A_610 : vector<16xf32> to vector<1x1x16xf32>
      tpu.vector_store %arg8[%swap3A_612, %swap3A_613, %swap3A_614], %swap3A_617 {add = true, strides = array<i32>} : memref<3x200x128xf32, #tpu.memory_space<vmem>>, vector<1x1x16xf32>,
      %get3A_618 = arith.index_cast %scan3A_551 : i32 to index
      %get3A_619 = arith.constant 96 : index
      %get3A_620 = tpu.vector_load %arg7[%get3A_618, %get3A_619] {strides = array<i32>} : memref<200x128xf32, #tpu.memory_space<vmem>>, vector<1x16xf32>,
      %get3A_621 = vector.shape_cast %get3A_620 : vector<1x16xf32> to vector<16xf32>
      %swap3A_622 = arith.constant 2 : i32
      %swap3A_623 = arith.index_cast %swap3A_622 : i32 to index
      %swap3A_624 = arith.index_cast %scan3A_551 : i32 to index
      %swap3A_625 = arith.constant 96 : index
      %swap3A_626 = tpu.vector_load %arg8[%swap3A_623, %swap3A_624, %swap3A_625] {strides = array<i32>} : memref<3x200x128xf32, #tpu.memory_space<vmem>>, vector<1x1x16xf32>,
      %swap3A_627 = vector.shape_cast %swap3A_626 : vector<1x1x16xf32> to vector<16xf32>
      %swap3A_628 = vector.shape_cast %get3A_621 : vector<16xf32> to vector<1x1x16xf32>
      tpu.vector_store %arg8[%swap3A_623, %swap3A_624, %swap3A_625], %swap3A_628 {add = true, strides = array<i32>} : memref<3x200x128xf32, #tpu.memory_space<vmem>>, vector<1x1x16xf32>,
      %get3A_629 = arith.index_cast %scan3A_551 : i32 to index
      %get3A_630 = arith.constant 112 : index
      %get3A_631 = tpu.vector_load %arg7[%get3A_629, %get3A_630] {strides = array<i32>} : memref<200x128xf32, #tpu.memory_space<vmem>>, vector<1x16xf32>,
      %get3A_632 = vector.shape_cast %get3A_631 : vector<1x16xf32> to vector<16xf32>
      %swap3A_633 = arith.constant 2 : i32
      %swap3A_634 = arith.index_cast %swap3A_633 : i32 to index
      %swap3A_635 = arith.index_cast %scan3A_551 : i32 to index
      %swap3A_636 = arith.constant 112 : index
      %swap3A_637 = tpu.vector_load %arg8[%swap3A_634, %swap3A_635, %swap3A_636] {strides = array<i32>} : memref<3x200x128xf32, #tpu.memory_space<vmem>>, vector<1x1x16xf32>,
      %swap3A_638 = vector.shape_cast %swap3A_637 : vector<1x1x16xf32> to vector<16xf32>
      %swap3A_639 = vector.shape_cast %get3A_632 : vector<16xf32> to vector<1x1x16xf32>
      tpu.vector_store %arg8[%swap3A_634, %swap3A_635, %swap3A_636], %swap3A_639 {add = true, strides = array<i32>} : memref<3x200x128xf32, #tpu.memory_space<vmem>>, vector<1x1x16xf32>,
      %scan3A_640 = arith.constant 2 : i32
      %scan3A_641 = arith.addi %scan3A_463, %scan3A_640 : i32
      %get3A_642 = arith.index_cast %scan3A_641 : i32 to index
      %get3A_643 = arith.constant 0 : index
      %get3A_644 = tpu.vector_load %arg7[%get3A_642, %get3A_643] {strides = array<i32>} : memref<200x128xf32, #tpu.memory_space<vmem>>, vector<1x16xf32>,
      %get3A_645 = vector.shape_cast %get3A_644 : vector<1x16xf32> to vector<16xf32>
      %swap3A_646 = arith.constant 2 : i32
      %swap3A_647 = arith.index_cast %swap3A_646 : i32 to index
      %swap3A_648 = arith.index_cast %scan3A_641 : i32 to index
      %swap3A_649 = arith.constant 0 : index
      %swap3A_650 = tpu.vector_load %arg8[%swap3A_647, %swap3A_648, %swap3A_649] {strides = array<i32>} : memref<3x200x128xf32, #tpu.memory_space<vmem>>, vector<1x1x16xf32>,
      %swap3A_651 = vector.shape_cast %swap3A_650 : vector<1x1x16xf32> to vector<16xf32>
      %swap3A_652 = vector.shape_cast %get3A_645 : vector<16xf32> to vector<1x1x16xf32>
      tpu.vector_store %arg8[%swap3A_647, %swap3A_648, %swap3A_649], %swap3A_652 {add = true, strides = array<i32>} : memref<3x200x128xf32, #tpu.memory_space<vmem>>, vector<1x1x16xf32>,
      %get3A_653 = arith.index_cast %scan3A_641 : i32 to index
      %get3A_654 = arith.constant 16 : index
      %get3A_655 = tpu.vector_load %arg7[%get3A_653, %get3A_654] {strides = array<i32>} : memref<200x128xf32, #tpu.memory_space<vmem>>, vector<1x16xf32>,
      %get3A_656 = vector.shape_cast %get3A_655 : vector<1x16xf32> to vector<16xf32>
      %swap3A_657 = arith.constant 2 : i32
      %swap3A_658 = arith.index_cast %swap3A_657 : i32 to index
      %swap3A_659 = arith.index_cast %scan3A_641 : i32 to index
      %swap3A_660 = arith.constant 16 : index
      %swap3A_661 = tpu.vector_load %arg8[%swap3A_658, %swap3A_659, %swap3A_660] {strides = array<i32>} : memref<3x200x128xf32, #tpu.memory_space<vmem>>, vector<1x1x16xf32>,
      %swap3A_662 = vector.shape_cast %swap3A_661 : vector<1x1x16xf32> to vector<16xf32>
      %swap3A_663 = vector.shape_cast %get3A_656 : vector<16xf32> to vector<1x1x16xf32>
      tpu.vector_store %arg8[%swap3A_658, %swap3A_659, %swap3A_660], %swap3A_663 {add = true, strides = array<i32>} : memref<3x200x128xf32, #tpu.memory_space<vmem>>, vector<1x1x16xf32>,
      %get3A_664 = arith.index_cast %scan3A_641 : i32 to index
      %get3A_665 = arith.constant 32 : index
      %get3A_666 = tpu.vector_load %arg7[%get3A_664, %get3A_665] {strides = array<i32>} : memref<200x128xf32, #tpu.memory_space<vmem>>, vector<1x16xf32>,
      %get3A_667 = vector.shape_cast %get3A_666 : vector<1x16xf32> to vector<16xf32>
      %swap3A_668 = arith.constant 2 : i32
      %swap3A_669 = arith.index_cast %swap3A_668 : i32 to index
      %swap3A_670 = arith.index_cast %scan3A_641 : i32 to index
      %swap3A_671 = arith.constant 32 : index
      %swap3A_672 = tpu.vector_load %arg8[%swap3A_669, %swap3A_670, %swap3A_671] {strides = array<i32>} : memref<3x200x128xf32, #tpu.memory_space<vmem>>, vector<1x1x16xf32>,
      %swap3A_673 = vector.shape_cast %swap3A_672 : vector<1x1x16xf32> to vector<16xf32>
      %swap3A_674 = vector.shape_cast %get3A_667 : vector<16xf32> to vector<1x1x16xf32>
      tpu.vector_store %arg8[%swap3A_669, %swap3A_670, %swap3A_671], %swap3A_674 {add = true, strides = array<i32>} : memref<3x200x128xf32, #tpu.memory_space<vmem>>, vector<1x1x16xf32>,
      %get3A_675 = arith.index_cast %scan3A_641 : i32 to index
      %get3A_676 = arith.constant 48 : index
      %get3A_677 = tpu.vector_load %arg7[%get3A_675, %get3A_676] {strides = array<i32>} : memref<200x128xf32, #tpu.memory_space<vmem>>, vector<1x16xf32>,
      %get3A_678 = vector.shape_cast %get3A_677 : vector<1x16xf32> to vector<16xf32>
      %swap3A_679 = arith.constant 2 : i32
      %swap3A_680 = arith.index_cast %swap3A_679 : i32 to index
      %swap3A_681 = arith.index_cast %scan3A_641 : i32 to index
      %swap3A_682 = arith.constant 48 : index
      %swap3A_683 = tpu.vector_load %arg8[%swap3A_680, %swap3A_681, %swap3A_682] {strides = array<i32>} : memref<3x200x128xf32, #tpu.memory_space<vmem>>, vector<1x1x16xf32>,
      %swap3A_684 = vector.shape_cast %swap3A_683 : vector<1x1x16xf32> to vector<16xf32>
      %swap3A_685 = vector.shape_cast %get3A_678 : vector<16xf32> to vector<1x1x16xf32>
      tpu.vector_store %arg8[%swap3A_680, %swap3A_681, %swap3A_682], %swap3A_685 {add = true, strides = array<i32>} : memref<3x200x128xf32, #tpu.memory_space<vmem>>, vector<1x1x16xf32>,
      %get3A_686 = arith.index_cast %scan3A_641 : i32 to index
      %get3A_687 = arith.constant 64 : index
      %get3A_688 = tpu.vector_load %arg7[%get3A_686, %get3A_687] {strides = array<i32>} : memref<200x128xf32, #tpu.memory_space<vmem>>, vector<1x16xf32>,
      %get3A_689 = vector.shape_cast %get3A_688 : vector<1x16xf32> to vector<16xf32>
      %swap3A_690 = arith.constant 2 : i32
      %swap3A_691 = arith.index_cast %swap3A_690 : i32 to index
      %swap3A_692 = arith.index_cast %scan3A_641 : i32 to index
      %swap3A_693 = arith.constant 64 : index
      %swap3A_694 = tpu.vector_load %arg8[%swap3A_691, %swap3A_692, %swap3A_693] {strides = array<i32>} : memref<3x200x128xf32, #tpu.memory_space<vmem>>, vector<1x1x16xf32>,
      %swap3A_695 = vector.shape_cast %swap3A_694 : vector<1x1x16xf32> to vector<16xf32>
      %swap3A_696 = vector.shape_cast %get3A_689 : vector<16xf32> to vector<1x1x16xf32>
      tpu.vector_store %arg8[%swap3A_691, %swap3A_692, %swap3A_693], %swap3A_696 {add = true, strides = array<i32>} : memref<3x200x128xf32, #tpu.memory_space<vmem>>, vector<1x1x16xf32>,
      %get3A_697 = arith.index_cast %scan3A_641 : i32 to index
      %get3A_698 = arith.constant 80 : index
      %get3A_699 = tpu.vector_load %arg7[%get3A_697, %get3A_698] {strides = array<i32>} : memref<200x128xf32, #tpu.memory_space<vmem>>, vector<1x16xf32>,
      %get3A_700 = vector.shape_cast %get3A_699 : vector<1x16xf32> to vector<16xf32>
      %swap3A_701 = arith.constant 2 : i32
      %swap3A_702 = arith.index_cast %swap3A_701 : i32 to index
      %swap3A_703 = arith.index_cast %scan3A_641 : i32 to index
      %swap3A_704 = arith.constant 80 : index
      %swap3A_705 = tpu.vector_load %arg8[%swap3A_702, %swap3A_703, %swap3A_704] {strides = array<i32>} : memref<3x200x128xf32, #tpu.memory_space<vmem>>, vector<1x1x16xf32>,
      %swap3A_706 = vector.shape_cast %swap3A_705 : vector<1x1x16xf32> to vector<16xf32>
      %swap3A_707 = vector.shape_cast %get3A_700 : vector<16xf32> to vector<1x1x16xf32>
      tpu.vector_store %arg8[%swap3A_702, %swap3A_703, %swap3A_704], %swap3A_707 {add = true, strides = array<i32>} : memref<3x200x128xf32, #tpu.memory_space<vmem>>, vector<1x1x16xf32>,
      %get3A_708 = arith.index_cast %scan3A_641 : i32 to index
      %get3A_709 = arith.constant 96 : index
      %get3A_710 = tpu.vector_load %arg7[%get3A_708, %get3A_709] {strides = array<i32>} : memref<200x128xf32, #tpu.memory_space<vmem>>, vector<1x16xf32>,
      %get3A_711 = vector.shape_cast %get3A_710 : vector<1x16xf32> to vector<16xf32>
      %swap3A_712 = arith.constant 2 : i32
      %swap3A_713 = arith.index_cast %swap3A_712 : i32 to index
      %swap3A_714 = arith.index_cast %scan3A_641 : i32 to index
      %swap3A_715 = arith.constant 96 : index
      %swap3A_716 = tpu.vector_load %arg8[%swap3A_713, %swap3A_714, %swap3A_715] {strides = array<i32>} : memref<3x200x128xf32, #tpu.memory_space<vmem>>, vector<1x1x16xf32>,
      %swap3A_717 = vector.shape_cast %swap3A_716 : vector<1x1x16xf32> to vector<16xf32>
      %swap3A_718 = vector.shape_cast %get3A_711 : vector<16xf32> to vector<1x1x16xf32>
      tpu.vector_store %arg8[%swap3A_713, %swap3A_714, %swap3A_715], %swap3A_718 {add = true, strides = array<i32>} : memref<3x200x128xf32, #tpu.memory_space<vmem>>, vector<1x1x16xf32>,
      %get3A_719 = arith.index_cast %scan3A_641 : i32 to index
      %get3A_720 = arith.constant 112 : index
      %get3A_721 = tpu.vector_load %arg7[%get3A_719, %get3A_720] {strides = array<i32>} : memref<200x128xf32, #tpu.memory_space<vmem>>, vector<1x16xf32>,
      %get3A_722 = vector.shape_cast %get3A_721 : vector<1x16xf32> to vector<16xf32>
      %swap3A_723 = arith.constant 2 : i32
      %swap3A_724 = arith.index_cast %swap3A_723 : i32 to index
      %swap3A_725 = arith.index_cast %scan3A_641 : i32 to index
      %swap3A_726 = arith.constant 112 : index
      %swap3A_727 = tpu.vector_load %arg8[%swap3A_724, %swap3A_725, %swap3A_726] {strides = array<i32>} : memref<3x200x128xf32, #tpu.memory_space<vmem>>, vector<1x1x16xf32>,
      %swap3A_728 = vector.shape_cast %swap3A_727 : vector<1x1x16xf32> to vector<16xf32>
      %swap3A_729 = vector.shape_cast %get3A_722 : vector<16xf32> to vector<1x1x16xf32>
      tpu.vector_store %arg8[%swap3A_724, %swap3A_725, %swap3A_726], %swap3A_729 {add = true, strides = array<i32>} : memref<3x200x128xf32, #tpu.memory_space<vmem>>, vector<1x1x16xf32>,
      %scan3A_730 = arith.constant 3 : i32
      %scan3A_731 = arith.addi %scan3A_463, %scan3A_730 : i32
      %get3A_732 = arith.index_cast %scan3A_731 : i32 to index
      %get3A_733 = arith.constant 0 : index
      %get3A_734 = tpu.vector_load %arg7[%get3A_732, %get3A_733] {strides = array<i32>} : memref<200x128xf32, #tpu.memory_space<vmem>>, vector<1x16xf32>,
      %get3A_735 = vector.shape_cast %get3A_734 : vector<1x16xf32> to vector<16xf32>
      %swap3A_736 = arith.constant 2 : i32
      %swap3A_737 = arith.index_cast %swap3A_736 : i32 to index
      %swap3A_738 = arith.index_cast %scan3A_731 : i32 to index
      %swap3A_739 = arith.constant 0 : index
      %swap3A_740 = tpu.vector_load %arg8[%swap3A_737, %swap3A_738, %swap3A_739] {strides = array<i32>} : memref<3x200x128xf32, #tpu.memory_space<vmem>>, vector<1x1x16xf32>,
      %swap3A_741 = vector.shape_cast %swap3A_740 : vector<1x1x16xf32> to vector<16xf32>
      %swap3A_742 = vector.shape_cast %get3A_735 : vector<16xf32> to vector<1x1x16xf32>
      tpu.vector_store %arg8[%swap3A_737, %swap3A_738, %swap3A_739], %swap3A_742 {add = true, strides = array<i32>} : memref<3x200x128xf32, #tpu.memory_space<vmem>>, vector<1x1x16xf32>,
      %get3A_743 = arith.index_cast %scan3A_731 : i32 to index
      %get3A_744 = arith.constant 16 : index
      %get3A_745 = tpu.vector_load %arg7[%get3A_743, %get3A_744] {strides = array<i32>} : memref<200x128xf32, #tpu.memory_space<vmem>>, vector<1x16xf32>,
      %get3A_746 = vector.shape_cast %get3A_745 : vector<1x16xf32> to vector<16xf32>
      %swap3A_747 = arith.constant 2 : i32
      %swap3A_748 = arith.index_cast %swap3A_747 : i32 to index
      %swap3A_749 = arith.index_cast %scan3A_731 : i32 to index
      %swap3A_750 = arith.constant 16 : index
      %swap3A_751 = tpu.vector_load %arg8[%swap3A_748, %swap3A_749, %swap3A_750] {strides = array<i32>} : memref<3x200x128xf32, #tpu.memory_space<vmem>>, vector<1x1x16xf32>,
      %swap3A_752 = vector.shape_cast %swap3A_751 : vector<1x1x16xf32> to vector<16xf32>
      %swap3A_753 = vector.shape_cast %get3A_746 : vector<16xf32> to vector<1x1x16xf32>
      tpu.vector_store %arg8[%swap3A_748, %swap3A_749, %swap3A_750], %swap3A_753 {add = true, strides = array<i32>} : memref<3x200x128xf32, #tpu.memory_space<vmem>>, vector<1x1x16xf32>,
      %get3A_754 = arith.index_cast %scan3A_731 : i32 to index
      %get3A_755 = arith.constant 32 : index
      %get3A_756 = tpu.vector_load %arg7[%get3A_754, %get3A_755] {strides = array<i32>} : memref<200x128xf32, #tpu.memory_space<vmem>>, vector<1x16xf32>,
      %get3A_757 = vector.shape_cast %get3A_756 : vector<1x16xf32> to vector<16xf32>
      %swap3A_758 = arith.constant 2 : i32
      %swap3A_759 = arith.index_cast %swap3A_758 : i32 to index
      %swap3A_760 = arith.index_cast %scan3A_731 : i32 to index
      %swap3A_761 = arith.constant 32 : index
      %swap3A_762 = tpu.vector_load %arg8[%swap3A_759, %swap3A_760, %swap3A_761] {strides = array<i32>} : memref<3x200x128xf32, #tpu.memory_space<vmem>>, vector<1x1x16xf32>,
      %swap3A_763 = vector.shape_cast %swap3A_762 : vector<1x1x16xf32> to vector<16xf32>
      %swap3A_764 = vector.shape_cast %get3A_757 : vector<16xf32> to vector<1x1x16xf32>
      tpu.vector_store %arg8[%swap3A_759, %swap3A_760, %swap3A_761], %swap3A_764 {add = true, strides = array<i32>} : memref<3x200x128xf32, #tpu.memory_space<vmem>>, vector<1x1x16xf32>,
      %get3A_765 = arith.index_cast %scan3A_731 : i32 to index
      %get3A_766 = arith.constant 48 : index
      %get3A_767 = tpu.vector_load %arg7[%get3A_765, %get3A_766] {strides = array<i32>} : memref<200x128xf32, #tpu.memory_space<vmem>>, vector<1x16xf32>,
      %get3A_768 = vector.shape_cast %get3A_767 : vector<1x16xf32> to vector<16xf32>
      %swap3A_769 = arith.constant 2 : i32
      %swap3A_770 = arith.index_cast %swap3A_769 : i32 to index
      %swap3A_771 = arith.index_cast %scan3A_731 : i32 to index
      %swap3A_772 = arith.constant 48 : index
      %swap3A_773 = tpu.vector_load %arg8[%swap3A_770, %swap3A_771, %swap3A_772] {strides = array<i32>} : memref<3x200x128xf32, #tpu.memory_space<vmem>>, vector<1x1x16xf32>,
      %swap3A_774 = vector.shape_cast %swap3A_773 : vector<1x1x16xf32> to vector<16xf32>
      %swap3A_775 = vector.shape_cast %get3A_768 : vector<16xf32> to vector<1x1x16xf32>
      tpu.vector_store %arg8[%swap3A_770, %swap3A_771, %swap3A_772], %swap3A_775 {add = true, strides = array<i32>} : memref<3x200x128xf32, #tpu.memory_space<vmem>>, vector<1x1x16xf32>,
      %get3A_776 = arith.index_cast %scan3A_731 : i32 to index
      %get3A_777 = arith.constant 64 : index
      %get3A_778 = tpu.vector_load %arg7[%get3A_776, %get3A_777] {strides = array<i32>} : memref<200x128xf32, #tpu.memory_space<vmem>>, vector<1x16xf32>,
      %get3A_779 = vector.shape_cast %get3A_778 : vector<1x16xf32> to vector<16xf32>
      %swap3A_780 = arith.constant 2 : i32
      %swap3A_781 = arith.index_cast %swap3A_780 : i32 to index
      %swap3A_782 = arith.index_cast %scan3A_731 : i32 to index
      %swap3A_783 = arith.constant 64 : index
      %swap3A_784 = tpu.vector_load %arg8[%swap3A_781, %swap3A_782, %swap3A_783] {strides = array<i32>} : memref<3x200x128xf32, #tpu.memory_space<vmem>>, vector<1x1x16xf32>,
      %swap3A_785 = vector.shape_cast %swap3A_784 : vector<1x1x16xf32> to vector<16xf32>
      %swap3A_786 = vector.shape_cast %get3A_779 : vector<16xf32> to vector<1x1x16xf32>
      tpu.vector_store %arg8[%swap3A_781, %swap3A_782, %swap3A_783], %swap3A_786 {add = true, strides = array<i32>} : memref<3x200x128xf32, #tpu.memory_space<vmem>>, vector<1x1x16xf32>,
      %get3A_787 = arith.index_cast %scan3A_731 : i32 to index
      %get3A_788 = arith.constant 80 : index
      %get3A_789 = tpu.vector_load %arg7[%get3A_787, %get3A_788] {strides = array<i32>} : memref<200x128xf32, #tpu.memory_space<vmem>>, vector<1x16xf32>,
      %get3A_790 = vector.shape_cast %get3A_789 : vector<1x16xf32> to vector<16xf32>
      %swap3A_791 = arith.constant 2 : i32
      %swap3A_792 = arith.index_cast %swap3A_791 : i32 to index
      %swap3A_793 = arith.index_cast %scan3A_731 : i32 to index
      %swap3A_794 = arith.constant 80 : index
      %swap3A_795 = tpu.vector_load %arg8[%swap3A_792, %swap3A_793, %swap3A_794] {strides = array<i32>} : memref<3x200x128xf32, #tpu.memory_space<vmem>>, vector<1x1x16xf32>,
      %swap3A_796 = vector.shape_cast %swap3A_795 : vector<1x1x16xf32> to vector<16xf32>
      %swap3A_797 = vector.shape_cast %get3A_790 : vector<16xf32> to vector<1x1x16xf32>
      tpu.vector_store %arg8[%swap3A_792, %swap3A_793, %swap3A_794], %swap3A_797 {add = true, strides = array<i32>} : memref<3x200x128xf32, #tpu.memory_space<vmem>>, vector<1x1x16xf32>,
      %get3A_798 = arith.index_cast %scan3A_731 : i32 to index
      %get3A_799 = arith.constant 96 : index
      %get3A_800 = tpu.vector_load %arg7[%get3A_798, %get3A_799] {strides = array<i32>} : memref<200x128xf32, #tpu.memory_space<vmem>>, vector<1x16xf32>,
      %get3A_801 = vector.shape_cast %get3A_800 : vector<1x16xf32> to vector<16xf32>
      %swap3A_802 = arith.constant 2 : i32
      %swap3A_803 = arith.index_cast %swap3A_802 : i32 to index
      %swap3A_804 = arith.index_cast %scan3A_731 : i32 to index
      %swap3A_805 = arith.constant 96 : index
      %swap3A_806 = tpu.vector_load %arg8[%swap3A_803, %swap3A_804, %swap3A_805] {strides = array<i32>} : memref<3x200x128xf32, #tpu.memory_space<vmem>>, vector<1x1x16xf32>,
      %swap3A_807 = vector.shape_cast %swap3A_806 : vector<1x1x16xf32> to vector<16xf32>
      %swap3A_808 = vector.shape_cast %get3A_801 : vector<16xf32> to vector<1x1x16xf32>
      tpu.vector_store %arg8[%swap3A_803, %swap3A_804, %swap3A_805], %swap3A_808 {add = true, strides = array<i32>} : memref<3x200x128xf32, #tpu.memory_space<vmem>>, vector<1x1x16xf32>,
      %get3A_809 = arith.index_cast %scan3A_731 : i32 to index
      %get3A_810 = arith.constant 112 : index
      %get3A_811 = tpu.vector_load %arg7[%get3A_809, %get3A_810] {strides = array<i32>} : memref<200x128xf32, #tpu.memory_space<vmem>>, vector<1x16xf32>,
      %get3A_812 = vector.shape_cast %get3A_811 : vector<1x16xf32> to vector<16xf32>
      %swap3A_813 = arith.constant 2 : i32
      %swap3A_814 = arith.index_cast %swap3A_813 : i32 to index
      %swap3A_815 = arith.index_cast %scan3A_731 : i32 to index
      %swap3A_816 = arith.constant 112 : index
      %swap3A_817 = tpu.vector_load %arg8[%swap3A_814, %swap3A_815, %swap3A_816] {strides = array<i32>} : memref<3x200x128xf32, #tpu.memory_space<vmem>>, vector<1x1x16xf32>,
      %swap3A_818 = vector.shape_cast %swap3A_817 : vector<1x1x16xf32> to vector<16xf32>
      %swap3A_819 = vector.shape_cast %get3A_812 : vector<16xf32> to vector<1x1x16xf32>
      tpu.vector_store %arg8[%swap3A_814, %swap3A_815, %swap3A_816], %swap3A_819 {add = true, strides = array<i32>} : memref<3x200x128xf32, #tpu.memory_space<vmem>>, vector<1x1x16xf32>,
    }
    %scan3A_243 = arith.constant 200 : i32
    %add3A_244 = arith.constant 2 : i32
    %add3A_245 = arith.addi %mul3A_2, %add3A_244 : i32
    %dma_start3A_246 = arith.constant 2 : i32
    %dma_start3A_247 = arith.constant 0 : i32
    %dma_start3A_248 = arith.constant 0 : i32
    %dma_start3A_249 = tpu.memref_slice %arg8[%dma_start3A_246, %dma_start3A_247, %dma_start3A_248] : memref<3x200x128xf32, #tpu.memory_space<vmem>> -> memref<1x200x128xf32, #tpu.memory_space<vmem>>
    %dma_start3A_250 = tpu.memref_squeeze %dma_start3A_249 : memref<1x200x128xf32, #tpu.memory_space<vmem>> -> memref<200x128xf32, #tpu.memory_space<vmem>>
    %dma_start3A_251 = arith.constant 0 : i32
    %dma_start3A_252 = arith.constant 0 : i32
    %dma_start3A_253 = tpu.memref_slice %arg5[%add3A_245, %dma_start3A_251, %dma_start3A_252] : memref<1024x200x128xf32, #tpu.memory_space<hbm>> -> memref<1x200x128xf32, #tpu.memory_space<hbm>>
    %dma_start3A_254 = tpu.memref_squeeze %dma_start3A_253 : memref<1x200x128xf32, #tpu.memory_space<hbm>> -> memref<200x128xf32, #tpu.memory_space<hbm>>
    %dma_start3A_255 = arith.constant 0 : i32
    %dma_start3A_256 = arith.constant 0 : i32
    %dma_start3A_257 = tpu.memref_slice %arg5[%add3A_245, %dma_start3A_255, %dma_start3A_256] : memref<1024x200x128xf32, #tpu.memory_space<hbm>> -> memref<1x200x128xf32, #tpu.memory_space<hbm>>
    %dma_start3A_258 = tpu.memref_squeeze %dma_start3A_257 : memref<1x200x128xf32, #tpu.memory_space<hbm>> -> memref<200x128xf32, #tpu.memory_space<hbm>>
    %dma_start3A_259 = arith.constant 0 : i32
    %dma_start3A_260 = arith.constant 0 : i32
    %dma_start3A_261 = tpu.memref_slice %arg8[%dma_start3A_246, %dma_start3A_259, %dma_start3A_260] : memref<3x200x128xf32, #tpu.memory_space<vmem>> -> memref<1x200x128xf32, #tpu.memory_space<vmem>>
    %dma_start3A_262 = tpu.memref_squeeze %dma_start3A_261 : memref<1x200x128xf32, #tpu.memory_space<vmem>> -> memref<200x128xf32, #tpu.memory_space<vmem>>
    tpu.enqueue_dma source(%dma_start3A_262 : memref<200x128xf32, #tpu.memory_space<vmem>>) target(%dma_start3A_258 : memref<200x128xf32, #tpu.memory_space<hbm>>) target_semaphore(%arg15 : memref<!tpu.dma_semaphore, #tpu.memory_space<semaphore_mem>>)
    %scan3A_263 = arith.constant 0 : i32
    %scan3A_264 = arith.constant 1 : i32
    %scan3A_265 = arith.constant 9 : i32
    %scan3A_266 = arith.addi %scan3A_264, %scan3A_265 : i32
    %scan3A_267 = arith.constant 1 : i32
    scf.for %scan3A_463 = %scan3A_264 to %scan3A_266 step %scan3A_267  : i32 {
      %mul3A_464 = arith.constant 3 : i32
      %mul3A_465 = arith.muli %scan3A_463, %mul3A_464 : i32
      %add3A_466 = arith.constant 0 : i32
      %add3A_467 = arith.addi %mul3A_465, %add3A_466 : i32
      %dma_wait3A_468 = arith.constant 0 : i32
      %dma_wait3A_469 = arith.constant 0 : i32
      %dma_wait3A_470 = arith.constant 0 : i32
      %dma_wait3A_471 = arith.constant 0 : i32
      %dma_wait3A_472 = tpu.memref_slice %arg8[%dma_wait3A_469, %dma_wait3A_470, %dma_wait3A_471] : memref<3x200x128xf32, #tpu.memory_space<vmem>> -> memref<1x100x128xf32, #tpu.memory_space<vmem>>
      %dma_wait3A_473 = tpu.memref_squeeze %dma_wait3A_472 : memref<1x100x128xf32, #tpu.memory_space<vmem>> -> memref<100x128xf32, #tpu.memory_space<vmem>>
      %dma_wait3A_474 = arith.constant 0 : i32
      %dma_wait3A_475 = tpu.memref_slice %arg6[%dma_wait3A_468, %dma_wait3A_474] : memref<64x100xi32, #tpu.memory_space<vmem>> -> memref<1x100xi32, #tpu.memory_space<vmem>>
      %dma_wait3A_476 = tpu.memref_squeeze %dma_wait3A_475 : memref<1x100xi32, #tpu.memory_space<vmem>> -> memref<100xi32, #tpu.memory_space<vmem>>
      %dma_wait3A_477 = arith.constant 0 : i32
      %dma_wait3A_478 = arith.constant 0 : i32
      %dma_wait3A_479 = tpu.memref_slice %arg9[%dma_wait3A_477, %dma_wait3A_478] : memref<1000x128xf32, #tpu.memory_space<vmem_shared>> -> memref<1000x128xf32, #tpu.memory_space<vmem_shared>>
      tpu.wait_indirect_dma semaphore(%arg10 : memref<!tpu.dma_semaphore, #tpu.memory_space<semaphore_mem>>) src(%dma_wait3A_479 : memref<1000x128xf32, #tpu.memory_space<vmem_shared>>) dst(%dma_wait3A_473 : memref<100x128xf32, #tpu.memory_space<vmem>>)
      %dma_wait3A_480 = arith.constant 0 : i32
      %dma_wait3A_481 = arith.constant 0 : i32
      %dma_wait3A_482 = arith.constant 100 : i32
      %dma_wait3A_483 = arith.constant 0 : i32
      %dma_wait3A_484 = tpu.memref_slice %arg8[%dma_wait3A_481, %dma_wait3A_482, %dma_wait3A_483] : memref<3x200x128xf32, #tpu.memory_space<vmem>> -> memref<1x100x128xf32, #tpu.memory_space<vmem>>
      %dma_wait3A_485 = tpu.memref_squeeze %dma_wait3A_484 : memref<1x100x128xf32, #tpu.memory_space<vmem>> -> memref<100x128xf32, #tpu.memory_space<vmem>>
      %dma_wait3A_486 = arith.constant 0 : i32
      %dma_wait3A_487 = tpu.memref_slice %arg6[%dma_wait3A_480, %dma_wait3A_486] : memref<64x100xi32, #tpu.memory_space<vmem>> -> memref<1x100xi32, #tpu.memory_space<vmem>>
      %dma_wait3A_488 = tpu.memref_squeeze %dma_wait3A_487 : memref<1x100xi32, #tpu.memory_space<vmem>> -> memref<100xi32, #tpu.memory_space<vmem>>
      %dma_wait3A_489 = arith.constant 0 : i32
      %dma_wait3A_490 = arith.constant 0 : i32
      %dma_wait3A_491 = tpu.memref_slice %arg9[%dma_wait3A_489, %dma_wait3A_490] : memref<1000x128xf32, #tpu.memory_space<vmem_shared>> -> memref<1000x128xf32, #tpu.memory_space<vmem_shared>>
      tpu.wait_indirect_dma semaphore(%arg10 : memref<!tpu.dma_semaphore, #tpu.memory_space<semaphore_mem>>) src(%dma_wait3A_491 : memref<1000x128xf32, #tpu.memory_space<vmem_shared>>) dst(%dma_wait3A_485 : memref<100x128xf32, #tpu.memory_space<vmem>>)
      %dma_wait3A_492 = arith.constant 1 : i32
      %dma_wait3A_493 = arith.constant 0 : i32
      %dma_wait3A_494 = arith.constant 0 : i32
      %dma_wait3A_495 = arith.constant 0 : i32
      %dma_wait3A_496 = tpu.memref_slice %arg8[%dma_wait3A_492, %dma_wait3A_494, %dma_wait3A_495] : memref<3x200x128xf32, #tpu.memory_space<vmem>> -> memref<1x200x128xf32, #tpu.memory_space<vmem>>
      %dma_wait3A_497 = tpu.memref_squeeze %dma_wait3A_496 : memref<1x200x128xf32, #tpu.memory_space<vmem>> -> memref<200x128xf32, #tpu.memory_space<vmem>>
      %dma_wait3A_498 = arith.constant 0 : i32
      %dma_wait3A_499 = arith.constant 0 : i32
      %dma_wait3A_500 = tpu.memref_slice %arg5[%dma_wait3A_493, %dma_wait3A_498, %dma_wait3A_499] : memref<1024x200x128xf32, #tpu.memory_space<hbm>> -> memref<1x200x128xf32, #tpu.memory_space<hbm>>
      %dma_wait3A_501 = tpu.memref_squeeze %dma_wait3A_500 : memref<1x200x128xf32, #tpu.memory_space<hbm>> -> memref<200x128xf32, #tpu.memory_space<hbm>>
      %dma_wait3A_502 = arith.constant 0 : i32
      %dma_wait3A_503 = arith.constant 0 : i32
      %dma_wait3A_504 = tpu.memref_slice %arg5[%dma_wait3A_493, %dma_wait3A_502, %dma_wait3A_503] : memref<1024x200x128xf32, #tpu.memory_space<hbm>> -> memref<1x200x128xf32, #tpu.memory_space<hbm>>
      %dma_wait3A_505 = tpu.memref_squeeze %dma_wait3A_504 : memref<1x200x128xf32, #tpu.memory_space<hbm>> -> memref<200x128xf32, #tpu.memory_space<hbm>>
      %dma_wait3A_506 = arith.constant 0 : i32
      %dma_wait3A_507 = arith.constant 0 : i32
      %dma_wait3A_508 = tpu.memref_slice %arg8[%dma_wait3A_492, %dma_wait3A_506, %dma_wait3A_507] : memref<3x200x128xf32, #tpu.memory_space<vmem>> -> memref<1x200x128xf32, #tpu.memory_space<vmem>>
      %dma_wait3A_509 = tpu.memref_squeeze %dma_wait3A_508 : memref<1x200x128xf32, #tpu.memory_space<vmem>> -> memref<200x128xf32, #tpu.memory_space<vmem>>
      tpu.wait_dma2 semaphore(%arg14 : memref<!tpu.dma_semaphore, #tpu.memory_space<semaphore_mem>>) src(%dma_wait3A_509 : memref<200x128xf32, #tpu.memory_space<vmem>>) dst(%dma_wait3A_505 : memref<200x128xf32, #tpu.memory_space<hbm>>)
      %add3A_510 = arith.constant 1 : i32
      %add3A_511 = arith.addi %add3A_467, %add3A_510 : i32
      %mul3A_512 = arith.constant 2 : i32
      %mul3A_513 = arith.muli %mul3A_512, %add3A_511 : i32
      %dma_start3A_514 = arith.constant 1 : i32
      %dma_start3A_515 = arith.constant 0 : i32
      %dma_start3A_516 = arith.constant 0 : i32
      %dma_start3A_517 = tpu.memref_slice %arg8[%dma_start3A_514, %dma_start3A_515, %dma_start3A_516] : memref<3x200x128xf32, #tpu.memory_space<vmem>> -> memref<1x100x128xf32, #tpu.memory_space<vmem>>
      %dma_start3A_518 = tpu.memref_squeeze %dma_start3A_517 : memref<1x100x128xf32, #tpu.memory_space<vmem>> -> memref<100x128xf32, #tpu.memory_space<vmem>>
      %dma_start3A_519 = arith.constant 0 : i32
      %dma_start3A_520 = tpu.memref_slice %arg6[%mul3A_513, %dma_start3A_519] : memref<64x100xi32, #tpu.memory_space<vmem>> -> memref<1x100xi32, #tpu.memory_space<vmem>>
      %dma_start3A_521 = tpu.memref_squeeze %dma_start3A_520 : memref<1x100xi32, #tpu.memory_space<vmem>> -> memref<100xi32, #tpu.memory_space<vmem>>
      %dma_start3A_522 = arith.constant 0 : i32
      %dma_start3A_523 = arith.constant 0 : i32
      %dma_start3A_524 = tpu.memref_slice %arg9[%dma_start3A_522, %dma_start3A_523] : memref<1000x128xf32, #tpu.memory_space<vmem_shared>> -> memref<1000x128xf32, #tpu.memory_space<vmem_shared>>
      tpu.enqueue_indirect_dma source(%dma_start3A_524 : memref<1000x128xf32, #tpu.memory_space<vmem_shared>>) target(%dma_start3A_518 : memref<100x128xf32, #tpu.memory_space<vmem>>) offsets(%dma_start3A_521 : memref<100xi32, #tpu.memory_space<vmem>>) semaphore(%arg11 : memref<!tpu.dma_semaphore, #tpu.memory_space<semaphore_mem>>)
      %mul3A_525 = arith.constant 2 : i32
      %mul3A_526 = arith.muli %mul3A_525, %add3A_511 : i32
      %add3A_527 = arith.constant 1 : i32
      %add3A_528 = arith.addi %mul3A_526, %add3A_527 : i32
      %dma_start3A_529 = arith.constant 1 : i32
      %dma_start3A_530 = arith.constant 100 : i32
      %dma_start3A_531 = arith.constant 0 : i32
      %dma_start3A_532 = tpu.memref_slice %arg8[%dma_start3A_529, %dma_start3A_530, %dma_start3A_531] : memref<3x200x128xf32, #tpu.memory_space<vmem>> -> memref<1x100x128xf32, #tpu.memory_space<vmem>>
      %dma_start3A_533 = tpu.memref_squeeze %dma_start3A_532 : memref<1x100x128xf32, #tpu.memory_space<vmem>> -> memref<100x128xf32, #tpu.memory_space<vmem>>
      %dma_start3A_534 = arith.constant 0 : i32
      %dma_start3A_535 = tpu.memref_slice %arg6[%add3A_528, %dma_start3A_534] : memref<64x100xi32, #tpu.memory_space<vmem>> -> memref<1x100xi32, #tpu.memory_space<vmem>>
      %dma_start3A_536 = tpu.memref_squeeze %dma_start3A_535 : memref<1x100xi32, #tpu.memory_space<vmem>> -> memref<100xi32, #tpu.memory_space<vmem>>
      %dma_start3A_537 = arith.constant 0 : i32
      %dma_start3A_538 = arith.constant 0 : i32
      %dma_start3A_539 = tpu.memref_slice %arg9[%dma_start3A_537, %dma_start3A_538] : memref<1000x128xf32, #tpu.memory_space<vmem_shared>> -> memref<1000x128xf32, #tpu.memory_space<vmem_shared>>
      tpu.enqueue_indirect_dma source(%dma_start3A_539 : memref<1000x128xf32, #tpu.memory_space<vmem_shared>>) target(%dma_start3A_533 : memref<100x128xf32, #tpu.memory_space<vmem>>) offsets(%dma_start3A_536 : memref<100xi32, #tpu.memory_space<vmem>>) semaphore(%arg11 : memref<!tpu.dma_semaphore, #tpu.memory_space<semaphore_mem>>)
      %scan3A_540 = arith.constant 0 : i32
      %scan3A_541 = arith.constant 0 : i32
      %scan3A_542 = arith.constant 200 : i32
      %scan3A_543 = arith.addi %scan3A_541, %scan3A_542 : i32
      %scan3A_544 = arith.constant 4 : i32
      scf.for %scan3A_764 = %scan3A_541 to %scan3A_543 step %scan3A_544  : i32 {
        %get3A = arith.index_cast %scan3A_764 : i32 to index
        %get3A_765 = arith.constant 0 : index
        %get3A_766 = tpu.vector_load %arg7[%get3A, %get3A_765] {strides = array<i32>} : memref<200x128xf32, #tpu.memory_space<vmem>>, vector<1x16xf32>,
        %get3A_767 = vector.shape_cast %get3A_766 : vector<1x16xf32> to vector<16xf32>
        %swap3A = arith.constant 0 : i32
        %swap3A_768 = arith.index_cast %swap3A : i32 to index
        %swap3A_769 = arith.index_cast %scan3A_764 : i32 to index
        %swap3A_770 = arith.constant 0 : index
        %swap3A_771 = tpu.vector_load %arg8[%swap3A_768, %swap3A_769, %swap3A_770] {strides = array<i32>} : memref<3x200x128xf32, #tpu.memory_space<vmem>>, vector<1x1x16xf32>,
        %swap3A_772 = vector.shape_cast %swap3A_771 : vector<1x1x16xf32> to vector<16xf32>
        %swap3A_773 = vector.shape_cast %get3A_767 : vector<16xf32> to vector<1x1x16xf32>
        tpu.vector_store %arg8[%swap3A_768, %swap3A_769, %swap3A_770], %swap3A_773 {add = true, strides = array<i32>} : memref<3x200x128xf32, #tpu.memory_space<vmem>>, vector<1x1x16xf32>,
        %get3A_774 = arith.index_cast %scan3A_764 : i32 to index
        %get3A_775 = arith.constant 16 : index
        %get3A_776 = tpu.vector_load %arg7[%get3A_774, %get3A_775] {strides = array<i32>} : memref<200x128xf32, #tpu.memory_space<vmem>>, vector<1x16xf32>,
        %get3A_777 = vector.shape_cast %get3A_776 : vector<1x16xf32> to vector<16xf32>
        %swap3A_778 = arith.constant 0 : i32
        %swap3A_779 = arith.index_cast %swap3A_778 : i32 to index
        %swap3A_780 = arith.index_cast %scan3A_764 : i32 to index
        %swap3A_781 = arith.constant 16 : index
        %swap3A_782 = tpu.vector_load %arg8[%swap3A_779, %swap3A_780, %swap3A_781] {strides = array<i32>} : memref<3x200x128xf32, #tpu.memory_space<vmem>>, vector<1x1x16xf32>,
        %swap3A_783 = vector.shape_cast %swap3A_782 : vector<1x1x16xf32> to vector<16xf32>
        %swap3A_784 = vector.shape_cast %get3A_777 : vector<16xf32> to vector<1x1x16xf32>
        tpu.vector_store %arg8[%swap3A_779, %swap3A_780, %swap3A_781], %swap3A_784 {add = true, strides = array<i32>} : memref<3x200x128xf32, #tpu.memory_space<vmem>>, vector<1x1x16xf32>,
        %get3A_785 = arith.index_cast %scan3A_764 : i32 to index
        %get3A_786 = arith.constant 32 : index
        %get3A_787 = tpu.vector_load %arg7[%get3A_785, %get3A_786] {strides = array<i32>} : memref<200x128xf32, #tpu.memory_space<vmem>>, vector<1x16xf32>,
        %get3A_788 = vector.shape_cast %get3A_787 : vector<1x16xf32> to vector<16xf32>
        %swap3A_789 = arith.constant 0 : i32
        %swap3A_790 = arith.index_cast %swap3A_789 : i32 to index
        %swap3A_791 = arith.index_cast %scan3A_764 : i32 to index
        %swap3A_792 = arith.constant 32 : index
        %swap3A_793 = tpu.vector_load %arg8[%swap3A_790, %swap3A_791, %swap3A_792] {strides = array<i32>} : memref<3x200x128xf32, #tpu.memory_space<vmem>>, vector<1x1x16xf32>,
        %swap3A_794 = vector.shape_cast %swap3A_793 : vector<1x1x16xf32> to vector<16xf32>
        %swap3A_795 = vector.shape_cast %get3A_788 : vector<16xf32> to vector<1x1x16xf32>
        tpu.vector_store %arg8[%swap3A_790, %swap3A_791, %swap3A_792], %swap3A_795 {add = true, strides = array<i32>} : memref<3x200x128xf32, #tpu.memory_space<vmem>>, vector<1x1x16xf32>,
        %get3A_796 = arith.index_cast %scan3A_764 : i32 to index
        %get3A_797 = arith.constant 48 : index
        %get3A_798 = tpu.vector_load %arg7[%get3A_796, %get3A_797] {strides = array<i32>} : memref<200x128xf32, #tpu.memory_space<vmem>>, vector<1x16xf32>,
        %get3A_799 = vector.shape_cast %get3A_798 : vector<1x16xf32> to vector<16xf32>
        %swap3A_800 = arith.constant 0 : i32
        %swap3A_801 = arith.index_cast %swap3A_800 : i32 to index
        %swap3A_802 = arith.index_cast %scan3A_764 : i32 to index
        %swap3A_803 = arith.constant 48 : index
        %swap3A_804 = tpu.vector_load %arg8[%swap3A_801, %swap3A_802, %swap3A_803] {strides = array<i32>} : memref<3x200x128xf32, #tpu.memory_space<vmem>>, vector<1x1x16xf32>,
        %swap3A_805 = vector.shape_cast %swap3A_804 : vector<1x1x16xf32> to vector<16xf32>
        %swap3A_806 = vector.shape_cast %get3A_799 : vector<16xf32> to vector<1x1x16xf32>
        tpu.vector_store %arg8[%swap3A_801, %swap3A_802, %swap3A_803], %swap3A_806 {add = true, strides = array<i32>} : memref<3x200x128xf32, #tpu.memory_space<vmem>>, vector<1x1x16xf32>,
        %get3A_807 = arith.index_cast %scan3A_764 : i32 to index
        %get3A_808 = arith.constant 64 : index
        %get3A_809 = tpu.vector_load %arg7[%get3A_807, %get3A_808] {strides = array<i32>} : memref<200x128xf32, #tpu.memory_space<vmem>>, vector<1x16xf32>,
        %get3A_810 = vector.shape_cast %get3A_809 : vector<1x16xf32> to vector<16xf32>
        %swap3A_811 = arith.constant 0 : i32
        %swap3A_812 = arith.index_cast %swap3A_811 : i32 to index
        %swap3A_813 = arith.index_cast %scan3A_764 : i32 to index
        %swap3A_814 = arith.constant 64 : index
        %swap3A_815 = tpu.vector_load %arg8[%swap3A_812, %swap3A_813, %swap3A_814] {strides = array<i32>} : memref<3x200x128xf32, #tpu.memory_space<vmem>>, vector<1x1x16xf32>,
        %swap3A_816 = vector.shape_cast %swap3A_815 : vector<1x1x16xf32> to vector<16xf32>
        %swap3A_817 = vector.shape_cast %get3A_810 : vector<16xf32> to vector<1x1x16xf32>
        tpu.vector_store %arg8[%swap3A_812, %swap3A_813, %swap3A_814], %swap3A_817 {add = true, strides = array<i32>} : memref<3x200x128xf32, #tpu.memory_space<vmem>>, vector<1x1x16xf32>,
        %get3A_818 = arith.index_cast %scan3A_764 : i32 to index
        %get3A_819 = arith.constant 80 : index
        %get3A_820 = tpu.vector_load %arg7[%get3A_818, %get3A_819] {strides = array<i32>} : memref<200x128xf32, #tpu.memory_space<vmem>>, vector<1x16xf32>,
        %get3A_821 = vector.shape_cast %get3A_820 : vector<1x16xf32> to vector<16xf32>
        %swap3A_822 = arith.constant 0 : i32
        %swap3A_823 = arith.index_cast %swap3A_822 : i32 to index
        %swap3A_824 = arith.index_cast %scan3A_764 : i32 to index
        %swap3A_825 = arith.constant 80 : index
        %swap3A_826 = tpu.vector_load %arg8[%swap3A_823, %swap3A_824, %swap3A_825] {strides = array<i32>} : memref<3x200x128xf32, #tpu.memory_space<vmem>>, vector<1x1x16xf32>,
        %swap3A_827 = vector.shape_cast %swap3A_826 : vector<1x1x16xf32> to vector<16xf32>
        %swap3A_828 = vector.shape_cast %get3A_821 : vector<16xf32> to vector<1x1x16xf32>
        tpu.vector_store %arg8[%swap3A_823, %swap3A_824, %swap3A_825], %swap3A_828 {add = true, strides = array<i32>} : memref<3x200x128xf32, #tpu.memory_space<vmem>>, vector<1x1x16xf32>,
        %get3A_829 = arith.index_cast %scan3A_764 : i32 to index
        %get3A_830 = arith.constant 96 : index
        %get3A_831 = tpu.vector_load %arg7[%get3A_829, %get3A_830] {strides = array<i32>} : memref<200x128xf32, #tpu.memory_space<vmem>>, vector<1x16xf32>,
        %get3A_832 = vector.shape_cast %get3A_831 : vector<1x16xf32> to vector<16xf32>
        %swap3A_833 = arith.constant 0 : i32
        %swap3A_834 = arith.index_cast %swap3A_833 : i32 to index
        %swap3A_835 = arith.index_cast %scan3A_764 : i32 to index
        %swap3A_836 = arith.constant 96 : index
        %swap3A_837 = tpu.vector_load %arg8[%swap3A_834, %swap3A_835, %swap3A_836] {strides = array<i32>} : memref<3x200x128xf32, #tpu.memory_space<vmem>>, vector<1x1x16xf32>,
        %swap3A_838 = vector.shape_cast %swap3A_837 : vector<1x1x16xf32> to vector<16xf32>
        %swap3A_839 = vector.shape_cast %get3A_832 : vector<16xf32> to vector<1x1x16xf32>
        tpu.vector_store %arg8[%swap3A_834, %swap3A_835, %swap3A_836], %swap3A_839 {add = true, strides = array<i32>} : memref<3x200x128xf32, #tpu.memory_space<vmem>>, vector<1x1x16xf32>,
        %get3A_840 = arith.index_cast %scan3A_764 : i32 to index
        %get3A_841 = arith.constant 112 : index
        %get3A_842 = tpu.vector_load %arg7[%get3A_840, %get3A_841] {strides = array<i32>} : memref<200x128xf32, #tpu.memory_space<vmem>>, vector<1x16xf32>,
        %get3A_843 = vector.shape_cast %get3A_842 : vector<1x16xf32> to vector<16xf32>
        %swap3A_844 = arith.constant 0 : i32
        %swap3A_845 = arith.index_cast %swap3A_844 : i32 to index
        %swap3A_846 = arith.index_cast %scan3A_764 : i32 to index
        %swap3A_847 = arith.constant 112 : index
        %swap3A_848 = tpu.vector_load %arg8[%swap3A_845, %swap3A_846, %swap3A_847] {strides = array<i32>} : memref<3x200x128xf32, #tpu.memory_space<vmem>>, vector<1x1x16xf32>,
        %swap3A_849 = vector.shape_cast %swap3A_848 : vector<1x1x16xf32> to vector<16xf32>
        %swap3A_850 = vector.shape_cast %get3A_843 : vector<16xf32> to vector<1x1x16xf32>
        tpu.vector_store %arg8[%swap3A_845, %swap3A_846, %swap3A_847], %swap3A_850 {add = true, strides = array<i32>} : memref<3x200x128xf32, #tpu.memory_space<vmem>>, vector<1x1x16xf32>,
        %scan3A_851 = arith.constant 1 : i32
        %scan3A_852 = arith.addi %scan3A_764, %scan3A_851 : i32
        %get3A_853 = arith.index_cast %scan3A_852 : i32 to index
        %get3A_854 = arith.constant 0 : index
        %get3A_855 = tpu.vector_load %arg7[%get3A_853, %get3A_854] {strides = array<i32>} : memref<200x128xf32, #tpu.memory_space<vmem>>, vector<1x16xf32>,
        %get3A_856 = vector.shape_cast %get3A_855 : vector<1x16xf32> to vector<16xf32>
        %swap3A_857 = arith.constant 0 : i32
        %swap3A_858 = arith.index_cast %swap3A_857 : i32 to index
        %swap3A_859 = arith.index_cast %scan3A_852 : i32 to index
        %swap3A_860 = arith.constant 0 : index
        %swap3A_861 = tpu.vector_load %arg8[%swap3A_858, %swap3A_859, %swap3A_860] {strides = array<i32>} : memref<3x200x128xf32, #tpu.memory_space<vmem>>, vector<1x1x16xf32>,
        %swap3A_862 = vector.shape_cast %swap3A_861 : vector<1x1x16xf32> to vector<16xf32>
        %swap3A_863 = vector.shape_cast %get3A_856 : vector<16xf32> to vector<1x1x16xf32>
        tpu.vector_store %arg8[%swap3A_858, %swap3A_859, %swap3A_860], %swap3A_863 {add = true, strides = array<i32>} : memref<3x200x128xf32, #tpu.memory_space<vmem>>, vector<1x1x16xf32>,
        %get3A_864 = arith.index_cast %scan3A_852 : i32 to index
        %get3A_865 = arith.constant 16 : index
        %get3A_866 = tpu.vector_load %arg7[%get3A_864, %get3A_865] {strides = array<i32>} : memref<200x128xf32, #tpu.memory_space<vmem>>, vector<1x16xf32>,
        %get3A_867 = vector.shape_cast %get3A_866 : vector<1x16xf32> to vector<16xf32>
        %swap3A_868 = arith.constant 0 : i32
        %swap3A_869 = arith.index_cast %swap3A_868 : i32 to index
        %swap3A_870 = arith.index_cast %scan3A_852 : i32 to index
        %swap3A_871 = arith.constant 16 : index
        %swap3A_872 = tpu.vector_load %arg8[%swap3A_869, %swap3A_870, %swap3A_871] {strides = array<i32>} : memref<3x200x128xf32, #tpu.memory_space<vmem>>, vector<1x1x16xf32>,
        %swap3A_873 = vector.shape_cast %swap3A_872 : vector<1x1x16xf32> to vector<16xf32>
        %swap3A_874 = vector.shape_cast %get3A_867 : vector<16xf32> to vector<1x1x16xf32>
        tpu.vector_store %arg8[%swap3A_869, %swap3A_870, %swap3A_871], %swap3A_874 {add = true, strides = array<i32>} : memref<3x200x128xf32, #tpu.memory_space<vmem>>, vector<1x1x16xf32>,
        %get3A_875 = arith.index_cast %scan3A_852 : i32 to index
        %get3A_876 = arith.constant 32 : index
        %get3A_877 = tpu.vector_load %arg7[%get3A_875, %get3A_876] {strides = array<i32>} : memref<200x128xf32, #tpu.memory_space<vmem>>, vector<1x16xf32>,
        %get3A_878 = vector.shape_cast %get3A_877 : vector<1x16xf32> to vector<16xf32>
        %swap3A_879 = arith.constant 0 : i32
        %swap3A_880 = arith.index_cast %swap3A_879 : i32 to index
        %swap3A_881 = arith.index_cast %scan3A_852 : i32 to index
        %swap3A_882 = arith.constant 32 : index
        %swap3A_883 = tpu.vector_load %arg8[%swap3A_880, %swap3A_881, %swap3A_882] {strides = array<i32>} : memref<3x200x128xf32, #tpu.memory_space<vmem>>, vector<1x1x16xf32>,
        %swap3A_884 = vector.shape_cast %swap3A_883 : vector<1x1x16xf32> to vector<16xf32>
        %swap3A_885 = vector.shape_cast %get3A_878 : vector<16xf32> to vector<1x1x16xf32>
        tpu.vector_store %arg8[%swap3A_880, %swap3A_881, %swap3A_882], %swap3A_885 {add = true, strides = array<i32>} : memref<3x200x128xf32, #tpu.memory_space<vmem>>, vector<1x1x16xf32>,
        %get3A_886 = arith.index_cast %scan3A_852 : i32 to index
        %get3A_887 = arith.constant 48 : index
        %get3A_888 = tpu.vector_load %arg7[%get3A_886, %get3A_887] {strides = array<i32>} : memref<200x128xf32, #tpu.memory_space<vmem>>, vector<1x16xf32>,
        %get3A_889 = vector.shape_cast %get3A_888 : vector<1x16xf32> to vector<16xf32>
        %swap3A_890 = arith.constant 0 : i32
        %swap3A_891 = arith.index_cast %swap3A_890 : i32 to index
        %swap3A_892 = arith.index_cast %scan3A_852 : i32 to index
        %swap3A_893 = arith.constant 48 : index
        %swap3A_894 = tpu.vector_load %arg8[%swap3A_891, %swap3A_892, %swap3A_893] {strides = array<i32>} : memref<3x200x128xf32, #tpu.memory_space<vmem>>, vector<1x1x16xf32>,
        %swap3A_895 = vector.shape_cast %swap3A_894 : vector<1x1x16xf32> to vector<16xf32>
        %swap3A_896 = vector.shape_cast %get3A_889 : vector<16xf32> to vector<1x1x16xf32>
        tpu.vector_store %arg8[%swap3A_891, %swap3A_892, %swap3A_893], %swap3A_896 {add = true, strides = array<i32>} : memref<3x200x128xf32, #tpu.memory_space<vmem>>, vector<1x1x16xf32>,
        %get3A_897 = arith.index_cast %scan3A_852 : i32 to index
        %get3A_898 = arith.constant 64 : index
        %get3A_899 = tpu.vector_load %arg7[%get3A_897, %get3A_898] {strides = array<i32>} : memref<200x128xf32, #tpu.memory_space<vmem>>, vector<1x16xf32>,
        %get3A_900 = vector.shape_cast %get3A_899 : vector<1x16xf32> to vector<16xf32>
        %swap3A_901 = arith.constant 0 : i32
        %swap3A_902 = arith.index_cast %swap3A_901 : i32 to index
        %swap3A_903 = arith.index_cast %scan3A_852 : i32 to index
        %swap3A_904 = arith.constant 64 : index
        %swap3A_905 = tpu.vector_load %arg8[%swap3A_902, %swap3A_903, %swap3A_904] {strides = array<i32>} : memref<3x200x128xf32, #tpu.memory_space<vmem>>, vector<1x1x16xf32>,
        %swap3A_906 = vector.shape_cast %swap3A_905 : vector<1x1x16xf32> to vector<16xf32>
        %swap3A_907 = vector.shape_cast %get3A_900 : vector<16xf32> to vector<1x1x16xf32>
        tpu.vector_store %arg8[%swap3A_902, %swap3A_903, %swap3A_904], %swap3A_907 {add = true, strides = array<i32>} : memref<3x200x128xf32, #tpu.memory_space<vmem>>, vector<1x1x16xf32>,
        %get3A_908 = arith.index_cast %scan3A_852 : i32 to index
        %get3A_909 = arith.constant 80 : index
        %get3A_910 = tpu.vector_load %arg7[%get3A_908, %get3A_909] {strides = array<i32>} : memref<200x128xf32, #tpu.memory_space<vmem>>, vector<1x16xf32>,
        %get3A_911 = vector.shape_cast %get3A_910 : vector<1x16xf32> to vector<16xf32>
        %swap3A_912 = arith.constant 0 : i32
        %swap3A_913 = arith.index_cast %swap3A_912 : i32 to index
        %swap3A_914 = arith.index_cast %scan3A_852 : i32 to index
        %swap3A_915 = arith.constant 80 : index
        %swap3A_916 = tpu.vector_load %arg8[%swap3A_913, %swap3A_914, %swap3A_915] {strides = array<i32>} : memref<3x200x128xf32, #tpu.memory_space<vmem>>, vector<1x1x16xf32>,
        %swap3A_917 = vector.shape_cast %swap3A_916 : vector<1x1x16xf32> to vector<16xf32>
        %swap3A_918 = vector.shape_cast %get3A_911 : vector<16xf32> to vector<1x1x16xf32>
        tpu.vector_store %arg8[%swap3A_913, %swap3A_914, %swap3A_915], %swap3A_918 {add = true, strides = array<i32>} : memref<3x200x128xf32, #tpu.memory_space<vmem>>, vector<1x1x16xf32>,
        %get3A_919 = arith.index_cast %scan3A_852 : i32 to index
        %get3A_920 = arith.constant 96 : index
        %get3A_921 = tpu.vector_load %arg7[%get3A_919, %get3A_920] {strides = array<i32>} : memref<200x128xf32, #tpu.memory_space<vmem>>, vector<1x16xf32>,
        %get3A_922 = vector.shape_cast %get3A_921 : vector<1x16xf32> to vector<16xf32>
        %swap3A_923 = arith.constant 0 : i32
        %swap3A_924 = arith.index_cast %swap3A_923 : i32 to index
        %swap3A_925 = arith.index_cast %scan3A_852 : i32 to index
        %swap3A_926 = arith.constant 96 : index
        %swap3A_927 = tpu.vector_load %arg8[%swap3A_924, %swap3A_925, %swap3A_926] {strides = array<i32>} : memref<3x200x128xf32, #tpu.memory_space<vmem>>, vector<1x1x16xf32>,
        %swap3A_928 = vector.shape_cast %swap3A_927 : vector<1x1x16xf32> to vector<16xf32>
        %swap3A_929 = vector.shape_cast %get3A_922 : vector<16xf32> to vector<1x1x16xf32>
        tpu.vector_store %arg8[%swap3A_924, %swap3A_925, %swap3A_926], %swap3A_929 {add = true, strides = array<i32>} : memref<3x200x128xf32, #tpu.memory_space<vmem>>, vector<1x1x16xf32>,
        %get3A_930 = arith.index_cast %scan3A_852 : i32 to index
        %get3A_931 = arith.constant 112 : index
        %get3A_932 = tpu.vector_load %arg7[%get3A_930, %get3A_931] {strides = array<i32>} : memref<200x128xf32, #tpu.memory_space<vmem>>, vector<1x16xf32>,
        %get3A_933 = vector.shape_cast %get3A_932 : vector<1x16xf32> to vector<16xf32>
        %swap3A_934 = arith.constant 0 : i32
        %swap3A_935 = arith.index_cast %swap3A_934 : i32 to index
        %swap3A_936 = arith.index_cast %scan3A_852 : i32 to index
        %swap3A_937 = arith.constant 112 : index
        %swap3A_938 = tpu.vector_load %arg8[%swap3A_935, %swap3A_936, %swap3A_937] {strides = array<i32>} : memref<3x200x128xf32, #tpu.memory_space<vmem>>, vector<1x1x16xf32>,
        %swap3A_939 = vector.shape_cast %swap3A_938 : vector<1x1x16xf32> to vector<16xf32>
        %swap3A_940 = vector.shape_cast %get3A_933 : vector<16xf32> to vector<1x1x16xf32>
        tpu.vector_store %arg8[%swap3A_935, %swap3A_936, %swap3A_937], %swap3A_940 {add = true, strides = array<i32>} : memref<3x200x128xf32, #tpu.memory_space<vmem>>, vector<1x1x16xf32>,
        %scan3A_941 = arith.constant 2 : i32
        %scan3A_942 = arith.addi %scan3A_764, %scan3A_941 : i32
        %get3A_943 = arith.index_cast %scan3A_942 : i32 to index
        %get3A_944 = arith.constant 0 : index
        %get3A_945 = tpu.vector_load %arg7[%get3A_943, %get3A_944] {strides = array<i32>} : memref<200x128xf32, #tpu.memory_space<vmem>>, vector<1x16xf32>,
        %get3A_946 = vector.shape_cast %get3A_945 : vector<1x16xf32> to vector<16xf32>
        %swap3A_947 = arith.constant 0 : i32
        %swap3A_948 = arith.index_cast %swap3A_947 : i32 to index
        %swap3A_949 = arith.index_cast %scan3A_942 : i32 to index
        %swap3A_950 = arith.constant 0 : index
        %swap3A_951 = tpu.vector_load %arg8[%swap3A_948, %swap3A_949, %swap3A_950] {strides = array<i32>} : memref<3x200x128xf32, #tpu.memory_space<vmem>>, vector<1x1x16xf32>,
        %swap3A_952 = vector.shape_cast %swap3A_951 : vector<1x1x16xf32> to vector<16xf32>
        %swap3A_953 = vector.shape_cast %get3A_946 : vector<16xf32> to vector<1x1x16xf32>
        tpu.vector_store %arg8[%swap3A_948, %swap3A_949, %swap3A_950], %swap3A_953 {add = true, strides = array<i32>} : memref<3x200x128xf32, #tpu.memory_space<vmem>>, vector<1x1x16xf32>,
        %get3A_954 = arith.index_cast %scan3A_942 : i32 to index
        %get3A_955 = arith.constant 16 : index
        %get3A_956 = tpu.vector_load %arg7[%get3A_954, %get3A_955] {strides = array<i32>} : memref<200x128xf32, #tpu.memory_space<vmem>>, vector<1x16xf32>,
        %get3A_957 = vector.shape_cast %get3A_956 : vector<1x16xf32> to vector<16xf32>
        %swap3A_958 = arith.constant 0 : i32
        %swap3A_959 = arith.index_cast %swap3A_958 : i32 to index
        %swap3A_960 = arith.index_cast %scan3A_942 : i32 to index
        %swap3A_961 = arith.constant 16 : index
        %swap3A_962 = tpu.vector_load %arg8[%swap3A_959, %swap3A_960, %swap3A_961] {strides = array<i32>} : memref<3x200x128xf32, #tpu.memory_space<vmem>>, vector<1x1x16xf32>,
        %swap3A_963 = vector.shape_cast %swap3A_962 : vector<1x1x16xf32> to vector<16xf32>
        %swap3A_964 = vector.shape_cast %get3A_957 : vector<16xf32> to vector<1x1x16xf32>
        tpu.vector_store %arg8[%swap3A_959, %swap3A_960, %swap3A_961], %swap3A_964 {add = true, strides = array<i32>} : memref<3x200x128xf32, #tpu.memory_space<vmem>>, vector<1x1x16xf32>,
        %get3A_965 = arith.index_cast %scan3A_942 : i32 to index
        %get3A_966 = arith.constant 32 : index
        %get3A_967 = tpu.vector_load %arg7[%get3A_965, %get3A_966] {strides = array<i32>} : memref<200x128xf32, #tpu.memory_space<vmem>>, vector<1x16xf32>,
        %get3A_968 = vector.shape_cast %get3A_967 : vector<1x16xf32> to vector<16xf32>
        %swap3A_969 = arith.constant 0 : i32
        %swap3A_970 = arith.index_cast %swap3A_969 : i32 to index
        %swap3A_971 = arith.index_cast %scan3A_942 : i32 to index
        %swap3A_972 = arith.constant 32 : index
        %swap3A_973 = tpu.vector_load %arg8[%swap3A_970, %swap3A_971, %swap3A_972] {strides = array<i32>} : memref<3x200x128xf32, #tpu.memory_space<vmem>>, vector<1x1x16xf32>,
        %swap3A_974 = vector.shape_cast %swap3A_973 : vector<1x1x16xf32> to vector<16xf32>
        %swap3A_975 = vector.shape_cast %get3A_968 : vector<16xf32> to vector<1x1x16xf32>
        tpu.vector_store %arg8[%swap3A_970, %swap3A_971, %swap3A_972], %swap3A_975 {add = true, strides = array<i32>} : memref<3x200x128xf32, #tpu.memory_space<vmem>>, vector<1x1x16xf32>,
        %get3A_976 = arith.index_cast %scan3A_942 : i32 to index
        %get3A_977 = arith.constant 48 : index
        %get3A_978 = tpu.vector_load %arg7[%get3A_976, %get3A_977] {strides = array<i32>} : memref<200x128xf32, #tpu.memory_space<vmem>>, vector<1x16xf32>,
        %get3A_979 = vector.shape_cast %get3A_978 : vector<1x16xf32> to vector<16xf32>
        %swap3A_980 = arith.constant 0 : i32
        %swap3A_981 = arith.index_cast %swap3A_980 : i32 to index
        %swap3A_982 = arith.index_cast %scan3A_942 : i32 to index
        %swap3A_983 = arith.constant 48 : index
        %swap3A_984 = tpu.vector_load %arg8[%swap3A_981, %swap3A_982, %swap3A_983] {strides = array<i32>} : memref<3x200x128xf32, #tpu.memory_space<vmem>>, vector<1x1x16xf32>,
        %swap3A_985 = vector.shape_cast %swap3A_984 : vector<1x1x16xf32> to vector<16xf32>
        %swap3A_986 = vector.shape_cast %get3A_979 : vector<16xf32> to vector<1x1x16xf32>
        tpu.vector_store %arg8[%swap3A_981, %swap3A_982, %swap3A_983], %swap3A_986 {add = true, strides = array<i32>} : memref<3x200x128xf32, #tpu.memory_space<vmem>>, vector<1x1x16xf32>,
        %get3A_987 = arith.index_cast %scan3A_942 : i32 to index
        %get3A_988 = arith.constant 64 : index
        %get3A_989 = tpu.vector_load %arg7[%get3A_987, %get3A_988] {strides = array<i32>} : memref<200x128xf32, #tpu.memory_space<vmem>>, vector<1x16xf32>,
        %get3A_990 = vector.shape_cast %get3A_989 : vector<1x16xf32> to vector<16xf32>
        %swap3A_991 = arith.constant 0 : i32
        %swap3A_992 = arith.index_cast %swap3A_991 : i32 to index
        %swap3A_993 = arith.index_cast %scan3A_942 : i32 to index
        %swap3A_994 = arith.constant 64 : index
        %swap3A_995 = tpu.vector_load %arg8[%swap3A_992, %swap3A_993, %swap3A_994] {strides = array<i32>} : memref<3x200x128xf32, #tpu.memory_space<vmem>>, vector<1x1x16xf32>,
        %swap3A_996 = vector.shape_cast %swap3A_995 : vector<1x1x16xf32> to vector<16xf32>
        %swap3A_997 = vector.shape_cast %get3A_990 : vector<16xf32> to vector<1x1x16xf32>
        tpu.vector_store %arg8[%swap3A_992, %swap3A_993, %swap3A_994], %swap3A_997 {add = true, strides = array<i32>} : memref<3x200x128xf32, #tpu.memory_space<vmem>>, vector<1x1x16xf32>,
        %get3A_998 = arith.index_cast %scan3A_942 : i32 to index
        %get3A_999 = arith.constant 80 : index
        %get3A_1000 = tpu.vector_load %arg7[%get3A_998, %get3A_999] {strides = array<i32>} : memref<200x128xf32, #tpu.memory_space<vmem>>, vector<1x16xf32>,
        %get3A_1001 = vector.shape_cast %get3A_1000 : vector<1x16xf32> to vector<16xf32>
        %swap3A_1002 = arith.constant 0 : i32
        %swap3A_1003 = arith.index_cast %swap3A_1002 : i32 to index
        %swap3A_1004 = arith.index_cast %scan3A_942 : i32 to index
        %swap3A_1005 = arith.constant 80 : index
        %swap3A_1006 = tpu.vector_load %arg8[%swap3A_1003, %swap3A_1004, %swap3A_1005] {strides = array<i32>} : memref<3x200x128xf32, #tpu.memory_space<vmem>>, vector<1x1x16xf32>,
        %swap3A_1007 = vector.shape_cast %swap3A_1006 : vector<1x1x16xf32> to vector<16xf32>
        %swap3A_1008 = vector.shape_cast %get3A_1001 : vector<16xf32> to vector<1x1x16xf32>
        tpu.vector_store %arg8[%swap3A_1003, %swap3A_1004, %swap3A_1005], %swap3A_1008 {add = true, strides = array<i32>} : memref<3x200x128xf32, #tpu.memory_space<vmem>>, vector<1x1x16xf32>,
        %get3A_1009 = arith.index_cast %scan3A_942 : i32 to index
        %get3A_1010 = arith.constant 96 : index
        %get3A_1011 = tpu.vector_load %arg7[%get3A_1009, %get3A_1010] {strides = array<i32>} : memref<200x128xf32, #tpu.memory_space<vmem>>, vector<1x16xf32>,
        %get3A_1012 = vector.shape_cast %get3A_1011 : vector<1x16xf32> to vector<16xf32>
        %swap3A_1013 = arith.constant 0 : i32
        %swap3A_1014 = arith.index_cast %swap3A_1013 : i32 to index
        %swap3A_1015 = arith.index_cast %scan3A_942 : i32 to index
        %swap3A_1016 = arith.constant 96 : index
        %swap3A_1017 = tpu.vector_load %arg8[%swap3A_1014, %swap3A_1015, %swap3A_1016] {strides = array<i32>} : memref<3x200x128xf32, #tpu.memory_space<vmem>>, vector<1x1x16xf32>,
        %swap3A_1018 = vector.shape_cast %swap3A_1017 : vector<1x1x16xf32> to vector<16xf32>
        %swap3A_1019 = vector.shape_cast %get3A_1012 : vector<16xf32> to vector<1x1x16xf32>
        tpu.vector_store %arg8[%swap3A_1014, %swap3A_1015, %swap3A_1016], %swap3A_1019 {add = true, strides = array<i32>} : memref<3x200x128xf32, #tpu.memory_space<vmem>>, vector<1x1x16xf32>,
        %get3A_1020 = arith.index_cast %scan3A_942 : i32 to index
        %get3A_1021 = arith.constant 112 : index
        %get3A_1022 = tpu.vector_load %arg7[%get3A_1020, %get3A_1021] {strides = array<i32>} : memref<200x128xf32, #tpu.memory_space<vmem>>, vector<1x16xf32>,
        %get3A_1023 = vector.shape_cast %get3A_1022 : vector<1x16xf32> to vector<16xf32>
        %swap3A_1024 = arith.constant 0 : i32
        %swap3A_1025 = arith.index_cast %swap3A_1024 : i32 to index
        %swap3A_1026 = arith.index_cast %scan3A_942 : i32 to index
        %swap3A_1027 = arith.constant 112 : index
        %swap3A_1028 = tpu.vector_load %arg8[%swap3A_1025, %swap3A_1026, %swap3A_1027] {strides = array<i32>} : memref<3x200x128xf32, #tpu.memory_space<vmem>>, vector<1x1x16xf32>,
        %swap3A_1029 = vector.shape_cast %swap3A_1028 : vector<1x1x16xf32> to vector<16xf32>
        %swap3A_1030 = vector.shape_cast %get3A_1023 : vector<16xf32> to vector<1x1x16xf32>
        tpu.vector_store %arg8[%swap3A_1025, %swap3A_1026, %swap3A_1027], %swap3A_1030 {add = true, strides = array<i32>} : memref<3x200x128xf32, #tpu.memory_space<vmem>>, vector<1x1x16xf32>,
        %scan3A_1031 = arith.constant 3 : i32
        %scan3A_1032 = arith.addi %scan3A_764, %scan3A_1031 : i32
        %get3A_1033 = arith.index_cast %scan3A_1032 : i32 to index
        %get3A_1034 = arith.constant 0 : index
        %get3A_1035 = tpu.vector_load %arg7[%get3A_1033, %get3A_1034] {strides = array<i32>} : memref<200x128xf32, #tpu.memory_space<vmem>>, vector<1x16xf32>,
        %get3A_1036 = vector.shape_cast %get3A_1035 : vector<1x16xf32> to vector<16xf32>
        %swap3A_1037 = arith.constant 0 : i32
        %swap3A_1038 = arith.index_cast %swap3A_1037 : i32 to index
        %swap3A_1039 = arith.index_cast %scan3A_1032 : i32 to index
        %swap3A_1040 = arith.constant 0 : index
        %swap3A_1041 = tpu.vector_load %arg8[%swap3A_1038, %swap3A_1039, %swap3A_1040] {strides = array<i32>} : memref<3x200x128xf32, #tpu.memory_space<vmem>>, vector<1x1x16xf32>,
        %swap3A_1042 = vector.shape_cast %swap3A_1041 : vector<1x1x16xf32> to vector<16xf32>
        %swap3A_1043 = vector.shape_cast %get3A_1036 : vector<16xf32> to vector<1x1x16xf32>
        tpu.vector_store %arg8[%swap3A_1038, %swap3A_1039, %swap3A_1040], %swap3A_1043 {add = true, strides = array<i32>} : memref<3x200x128xf32, #tpu.memory_space<vmem>>, vector<1x1x16xf32>,
        %get3A_1044 = arith.index_cast %scan3A_1032 : i32 to index
        %get3A_1045 = arith.constant 16 : index
        %get3A_1046 = tpu.vector_load %arg7[%get3A_1044, %get3A_1045] {strides = array<i32>} : memref<200x128xf32, #tpu.memory_space<vmem>>, vector<1x16xf32>,
        %get3A_1047 = vector.shape_cast %get3A_1046 : vector<1x16xf32> to vector<16xf32>
        %swap3A_1048 = arith.constant 0 : i32
        %swap3A_1049 = arith.index_cast %swap3A_1048 : i32 to index
        %swap3A_1050 = arith.index_cast %scan3A_1032 : i32 to index
        %swap3A_1051 = arith.constant 16 : index
        %swap3A_1052 = tpu.vector_load %arg8[%swap3A_1049, %swap3A_1050, %swap3A_1051] {strides = array<i32>} : memref<3x200x128xf32, #tpu.memory_space<vmem>>, vector<1x1x16xf32>,
        %swap3A_1053 = vector.shape_cast %swap3A_1052 : vector<1x1x16xf32> to vector<16xf32>
        %swap3A_1054 = vector.shape_cast %get3A_1047 : vector<16xf32> to vector<1x1x16xf32>
        tpu.vector_store %arg8[%swap3A_1049, %swap3A_1050, %swap3A_1051], %swap3A_1054 {add = true, strides = array<i32>} : memref<3x200x128xf32, #tpu.memory_space<vmem>>, vector<1x1x16xf32>,
        %get3A_1055 = arith.index_cast %scan3A_1032 : i32 to index
        %get3A_1056 = arith.constant 32 : index
        %get3A_1057 = tpu.vector_load %arg7[%get3A_1055, %get3A_1056] {strides = array<i32>} : memref<200x128xf32, #tpu.memory_space<vmem>>, vector<1x16xf32>,
        %get3A_1058 = vector.shape_cast %get3A_1057 : vector<1x16xf32> to vector<16xf32>
        %swap3A_1059 = arith.constant 0 : i32
        %swap3A_1060 = arith.index_cast %swap3A_1059 : i32 to index
        %swap3A_1061 = arith.index_cast %scan3A_1032 : i32 to index
        %swap3A_1062 = arith.constant 32 : index
        %swap3A_1063 = tpu.vector_load %arg8[%swap3A_1060, %swap3A_1061, %swap3A_1062] {strides = array<i32>} : memref<3x200x128xf32, #tpu.memory_space<vmem>>, vector<1x1x16xf32>,
        %swap3A_1064 = vector.shape_cast %swap3A_1063 : vector<1x1x16xf32> to vector<16xf32>
        %swap3A_1065 = vector.shape_cast %get3A_1058 : vector<16xf32> to vector<1x1x16xf32>
        tpu.vector_store %arg8[%swap3A_1060, %swap3A_1061, %swap3A_1062], %swap3A_1065 {add = true, strides = array<i32>} : memref<3x200x128xf32, #tpu.memory_space<vmem>>, vector<1x1x16xf32>,
        %get3A_1066 = arith.index_cast %scan3A_1032 : i32 to index
        %get3A_1067 = arith.constant 48 : index
        %get3A_1068 = tpu.vector_load %arg7[%get3A_1066, %get3A_1067] {strides = array<i32>} : memref<200x128xf32, #tpu.memory_space<vmem>>, vector<1x16xf32>,
        %get3A_1069 = vector.shape_cast %get3A_1068 : vector<1x16xf32> to vector<16xf32>
        %swap3A_1070 = arith.constant 0 : i32
        %swap3A_1071 = arith.index_cast %swap3A_1070 : i32 to index
        %swap3A_1072 = arith.index_cast %scan3A_1032 : i32 to index
        %swap3A_1073 = arith.constant 48 : index
        %swap3A_1074 = tpu.vector_load %arg8[%swap3A_1071, %swap3A_1072, %swap3A_1073] {strides = array<i32>} : memref<3x200x128xf32, #tpu.memory_space<vmem>>, vector<1x1x16xf32>,
        %swap3A_1075 = vector.shape_cast %swap3A_1074 : vector<1x1x16xf32> to vector<16xf32>
        %swap3A_1076 = vector.shape_cast %get3A_1069 : vector<16xf32> to vector<1x1x16xf32>
        tpu.vector_store %arg8[%swap3A_1071, %swap3A_1072, %swap3A_1073], %swap3A_1076 {add = true, strides = array<i32>} : memref<3x200x128xf32, #tpu.memory_space<vmem>>, vector<1x1x16xf32>,
        %get3A_1077 = arith.index_cast %scan3A_1032 : i32 to index
        %get3A_1078 = arith.constant 64 : index
        %get3A_1079 = tpu.vector_load %arg7[%get3A_1077, %get3A_1078] {strides = array<i32>} : memref<200x128xf32, #tpu.memory_space<vmem>>, vector<1x16xf32>,
        %get3A_1080 = vector.shape_cast %get3A_1079 : vector<1x16xf32> to vector<16xf32>
        %swap3A_1081 = arith.constant 0 : i32
        %swap3A_1082 = arith.index_cast %swap3A_1081 : i32 to index
        %swap3A_1083 = arith.index_cast %scan3A_1032 : i32 to index
        %swap3A_1084 = arith.constant 64 : index
        %swap3A_1085 = tpu.vector_load %arg8[%swap3A_1082, %swap3A_1083, %swap3A_1084] {strides = array<i32>} : memref<3x200x128xf32, #tpu.memory_space<vmem>>, vector<1x1x16xf32>,
        %swap3A_1086 = vector.shape_cast %swap3A_1085 : vector<1x1x16xf32> to vector<16xf32>
        %swap3A_1087 = vector.shape_cast %get3A_1080 : vector<16xf32> to vector<1x1x16xf32>
        tpu.vector_store %arg8[%swap3A_1082, %swap3A_1083, %swap3A_1084], %swap3A_1087 {add = true, strides = array<i32>} : memref<3x200x128xf32, #tpu.memory_space<vmem>>, vector<1x1x16xf32>,
        %get3A_1088 = arith.index_cast %scan3A_1032 : i32 to index
        %get3A_1089 = arith.constant 80 : index
        %get3A_1090 = tpu.vector_load %arg7[%get3A_1088, %get3A_1089] {strides = array<i32>} : memref<200x128xf32, #tpu.memory_space<vmem>>, vector<1x16xf32>,
        %get3A_1091 = vector.shape_cast %get3A_1090 : vector<1x16xf32> to vector<16xf32>
        %swap3A_1092 = arith.constant 0 : i32
        %swap3A_1093 = arith.index_cast %swap3A_1092 : i32 to index
        %swap3A_1094 = arith.index_cast %scan3A_1032 : i32 to index
        %swap3A_1095 = arith.constant 80 : index
        %swap3A_1096 = tpu.vector_load %arg8[%swap3A_1093, %swap3A_1094, %swap3A_1095] {strides = array<i32>} : memref<3x200x128xf32, #tpu.memory_space<vmem>>, vector<1x1x16xf32>,
        %swap3A_1097 = vector.shape_cast %swap3A_1096 : vector<1x1x16xf32> to vector<16xf32>
        %swap3A_1098 = vector.shape_cast %get3A_1091 : vector<16xf32> to vector<1x1x16xf32>
        tpu.vector_store %arg8[%swap3A_1093, %swap3A_1094, %swap3A_1095], %swap3A_1098 {add = true, strides = array<i32>} : memref<3x200x128xf32, #tpu.memory_space<vmem>>, vector<1x1x16xf32>,
        %get3A_1099 = arith.index_cast %scan3A_1032 : i32 to index
        %get3A_1100 = arith.constant 96 : index
        %get3A_1101 = tpu.vector_load %arg7[%get3A_1099, %get3A_1100] {strides = array<i32>} : memref<200x128xf32, #tpu.memory_space<vmem>>, vector<1x16xf32>,
        %get3A_1102 = vector.shape_cast %get3A_1101 : vector<1x16xf32> to vector<16xf32>
        %swap3A_1103 = arith.constant 0 : i32
        %swap3A_1104 = arith.index_cast %swap3A_1103 : i32 to index
        %swap3A_1105 = arith.index_cast %scan3A_1032 : i32 to index
        %swap3A_1106 = arith.constant 96 : index
        %swap3A_1107 = tpu.vector_load %arg8[%swap3A_1104, %swap3A_1105, %swap3A_1106] {strides = array<i32>} : memref<3x200x128xf32, #tpu.memory_space<vmem>>, vector<1x1x16xf32>,
        %swap3A_1108 = vector.shape_cast %swap3A_1107 : vector<1x1x16xf32> to vector<16xf32>
        %swap3A_1109 = vector.shape_cast %get3A_1102 : vector<16xf32> to vector<1x1x16xf32>
        tpu.vector_store %arg8[%swap3A_1104, %swap3A_1105, %swap3A_1106], %swap3A_1109 {add = true, strides = array<i32>} : memref<3x200x128xf32, #tpu.memory_space<vmem>>, vector<1x1x16xf32>,
        %get3A_1110 = arith.index_cast %scan3A_1032 : i32 to index
        %get3A_1111 = arith.constant 112 : index
        %get3A_1112 = tpu.vector_load %arg7[%get3A_1110, %get3A_1111] {strides = array<i32>} : memref<200x128xf32, #tpu.memory_space<vmem>>, vector<1x16xf32>,
        %get3A_1113 = vector.shape_cast %get3A_1112 : vector<1x16xf32> to vector<16xf32>
        %swap3A_1114 = arith.constant 0 : i32
        %swap3A_1115 = arith.index_cast %swap3A_1114 : i32 to index
        %swap3A_1116 = arith.index_cast %scan3A_1032 : i32 to index
        %swap3A_1117 = arith.constant 112 : index
        %swap3A_1118 = tpu.vector_load %arg8[%swap3A_1115, %swap3A_1116, %swap3A_1117] {strides = array<i32>} : memref<3x200x128xf32, #tpu.memory_space<vmem>>, vector<1x1x16xf32>,
        %swap3A_1119 = vector.shape_cast %swap3A_1118 : vector<1x1x16xf32> to vector<16xf32>
        %swap3A_1120 = vector.shape_cast %get3A_1113 : vector<16xf32> to vector<1x1x16xf32>
        tpu.vector_store %arg8[%swap3A_1115, %swap3A_1116, %swap3A_1117], %swap3A_1120 {add = true, strides = array<i32>} : memref<3x200x128xf32, #tpu.memory_space<vmem>>, vector<1x1x16xf32>,
      }
      %scan3A_545 = arith.constant 200 : i32
      %add3A_546 = arith.addi %mul3A_2, %add3A_467 : i32
      %dma_start3A_547 = arith.constant 0 : i32
      %dma_start3A_548 = arith.constant 0 : i32
      %dma_start3A_549 = arith.constant 0 : i32
      %dma_start3A_550 = tpu.memref_slice %arg8[%dma_start3A_547, %dma_start3A_548, %dma_start3A_549] : memref<3x200x128xf32, #tpu.memory_space<vmem>> -> memref<1x200x128xf32, #tpu.memory_space<vmem>>
      %dma_start3A_551 = tpu.memref_squeeze %dma_start3A_550 : memref<1x200x128xf32, #tpu.memory_space<vmem>> -> memref<200x128xf32, #tpu.memory_space<vmem>>
      %dma_start3A_552 = arith.constant 0 : i32
      %dma_start3A_553 = arith.constant 0 : i32
      %dma_start3A_554 = tpu.memref_slice %arg5[%add3A_546, %dma_start3A_552, %dma_start3A_553] : memref<1024x200x128xf32, #tpu.memory_space<hbm>> -> memref<1x200x128xf32, #tpu.memory_space<hbm>>
      %dma_start3A_555 = tpu.memref_squeeze %dma_start3A_554 : memref<1x200x128xf32, #tpu.memory_space<hbm>> -> memref<200x128xf32, #tpu.memory_space<hbm>>
      %dma_start3A_556 = arith.constant 0 : i32
      %dma_start3A_557 = arith.constant 0 : i32
      %dma_start3A_558 = tpu.memref_slice %arg5[%add3A_546, %dma_start3A_556, %dma_start3A_557] : memref<1024x200x128xf32, #tpu.memory_space<hbm>> -> memref<1x200x128xf32, #tpu.memory_space<hbm>>
      %dma_start3A_559 = tpu.memref_squeeze %dma_start3A_558 : memref<1x200x128xf32, #tpu.memory_space<hbm>> -> memref<200x128xf32, #tpu.memory_space<hbm>>
      %dma_start3A_560 = arith.constant 0 : i32
      %dma_start3A_561 = arith.constant 0 : i32
      %dma_start3A_562 = tpu.memref_slice %arg8[%dma_start3A_547, %dma_start3A_560, %dma_start3A_561] : memref<3x200x128xf32, #tpu.memory_space<vmem>> -> memref<1x200x128xf32, #tpu.memory_space<vmem>>
      %dma_start3A_563 = tpu.memref_squeeze %dma_start3A_562 : memref<1x200x128xf32, #tpu.memory_space<vmem>> -> memref<200x128xf32, #tpu.memory_space<vmem>>
      tpu.enqueue_dma source(%dma_start3A_563 : memref<200x128xf32, #tpu.memory_space<vmem>>) target(%dma_start3A_559 : memref<200x128xf32, #tpu.memory_space<hbm>>) target_semaphore(%arg13 : memref<!tpu.dma_semaphore, #tpu.memory_space<semaphore_mem>>)
      %mul3A_564 = arith.constant 3 : i32
      %mul3A_565 = arith.muli %scan3A_463, %mul3A_564 : i32
      %add3A_566 = arith.constant 1 : i32
      %add3A_567 = arith.addi %mul3A_565, %add3A_566 : i32
      %dma_wait3A_568 = arith.constant 0 : i32
      %dma_wait3A_569 = arith.constant 1 : i32
      %dma_wait3A_570 = arith.constant 0 : i32
      %dma_wait3A_571 = arith.constant 0 : i32
      %dma_wait3A_572 = tpu.memref_slice %arg8[%dma_wait3A_569, %dma_wait3A_570, %dma_wait3A_571] : memref<3x200x128xf32, #tpu.memory_space<vmem>> -> memref<1x100x128xf32, #tpu.memory_space<vmem>>
      %dma_wait3A_573 = tpu.memref_squeeze %dma_wait3A_572 : memref<1x100x128xf32, #tpu.memory_space<vmem>> -> memref<100x128xf32, #tpu.memory_space<vmem>>
      %dma_wait3A_574 = arith.constant 0 : i32
      %dma_wait3A_575 = tpu.memref_slice %arg6[%dma_wait3A_568, %dma_wait3A_574] : memref<64x100xi32, #tpu.memory_space<vmem>> -> memref<1x100xi32, #tpu.memory_space<vmem>>
      %dma_wait3A_576 = tpu.memref_squeeze %dma_wait3A_575 : memref<1x100xi32, #tpu.memory_space<vmem>> -> memref<100xi32, #tpu.memory_space<vmem>>
      %dma_wait3A_577 = arith.constant 0 : i32
      %dma_wait3A_578 = arith.constant 0 : i32
      %dma_wait3A_579 = tpu.memref_slice %arg9[%dma_wait3A_577, %dma_wait3A_578] : memref<1000x128xf32, #tpu.memory_space<vmem_shared>> -> memref<1000x128xf32, #tpu.memory_space<vmem_shared>>
      tpu.wait_indirect_dma semaphore(%arg11 : memref<!tpu.dma_semaphore, #tpu.memory_space<semaphore_mem>>) src(%dma_wait3A_579 : memref<1000x128xf32, #tpu.memory_space<vmem_shared>>) dst(%dma_wait3A_573 : memref<100x128xf32, #tpu.memory_space<vmem>>)
      %dma_wait3A_580 = arith.constant 0 : i32
      %dma_wait3A_581 = arith.constant 1 : i32
      %dma_wait3A_582 = arith.constant 100 : i32
      %dma_wait3A_583 = arith.constant 0 : i32
      %dma_wait3A_584 = tpu.memref_slice %arg8[%dma_wait3A_581, %dma_wait3A_582, %dma_wait3A_583] : memref<3x200x128xf32, #tpu.memory_space<vmem>> -> memref<1x100x128xf32, #tpu.memory_space<vmem>>
      %dma_wait3A_585 = tpu.memref_squeeze %dma_wait3A_584 : memref<1x100x128xf32, #tpu.memory_space<vmem>> -> memref<100x128xf32, #tpu.memory_space<vmem>>
      %dma_wait3A_586 = arith.constant 0 : i32
      %dma_wait3A_587 = tpu.memref_slice %arg6[%dma_wait3A_580, %dma_wait3A_586] : memref<64x100xi32, #tpu.memory_space<vmem>> -> memref<1x100xi32, #tpu.memory_space<vmem>>
      %dma_wait3A_588 = tpu.memref_squeeze %dma_wait3A_587 : memref<1x100xi32, #tpu.memory_space<vmem>> -> memref<100xi32, #tpu.memory_space<vmem>>
      %dma_wait3A_589 = arith.constant 0 : i32
      %dma_wait3A_590 = arith.constant 0 : i32
      %dma_wait3A_591 = tpu.memref_slice %arg9[%dma_wait3A_589, %dma_wait3A_590] : memref<1000x128xf32, #tpu.memory_space<vmem_shared>> -> memref<1000x128xf32, #tpu.memory_space<vmem_shared>>
      tpu.wait_indirect_dma semaphore(%arg11 : memref<!tpu.dma_semaphore, #tpu.memory_space<semaphore_mem>>) src(%dma_wait3A_591 : memref<1000x128xf32, #tpu.memory_space<vmem_shared>>) dst(%dma_wait3A_585 : memref<100x128xf32, #tpu.memory_space<vmem>>)
      %dma_wait3A_592 = arith.constant 2 : i32
      %dma_wait3A_593 = arith.constant 0 : i32
      %dma_wait3A_594 = arith.constant 0 : i32
      %dma_wait3A_595 = arith.constant 0 : i32
      %dma_wait3A_596 = tpu.memref_slice %arg8[%dma_wait3A_592, %dma_wait3A_594, %dma_wait3A_595] : memref<3x200x128xf32, #tpu.memory_space<vmem>> -> memref<1x200x128xf32, #tpu.memory_space<vmem>>
      %dma_wait3A_597 = tpu.memref_squeeze %dma_wait3A_596 : memref<1x200x128xf32, #tpu.memory_space<vmem>> -> memref<200x128xf32, #tpu.memory_space<vmem>>
      %dma_wait3A_598 = arith.constant 0 : i32
      %dma_wait3A_599 = arith.constant 0 : i32
      %dma_wait3A_600 = tpu.memref_slice %arg5[%dma_wait3A_593, %dma_wait3A_598, %dma_wait3A_599] : memref<1024x200x128xf32, #tpu.memory_space<hbm>> -> memref<1x200x128xf32, #tpu.memory_space<hbm>>
      %dma_wait3A_601 = tpu.memref_squeeze %dma_wait3A_600 : memref<1x200x128xf32, #tpu.memory_space<hbm>> -> memref<200x128xf32, #tpu.memory_space<hbm>>
      %dma_wait3A_602 = arith.constant 0 : i32
      %dma_wait3A_603 = arith.constant 0 : i32
      %dma_wait3A_604 = tpu.memref_slice %arg5[%dma_wait3A_593, %dma_wait3A_602, %dma_wait3A_603] : memref<1024x200x128xf32, #tpu.memory_space<hbm>> -> memref<1x200x128xf32, #tpu.memory_space<hbm>>
      %dma_wait3A_605 = tpu.memref_squeeze %dma_wait3A_604 : memref<1x200x128xf32, #tpu.memory_space<hbm>> -> memref<200x128xf32, #tpu.memory_space<hbm>>
      %dma_wait3A_606 = arith.constant 0 : i32
      %dma_wait3A_607 = arith.constant 0 : i32
      %dma_wait3A_608 = tpu.memref_slice %arg8[%dma_wait3A_592, %dma_wait3A_606, %dma_wait3A_607] : memref<3x200x128xf32, #tpu.memory_space<vmem>> -> memref<1x200x128xf32, #tpu.memory_space<vmem>>
      %dma_wait3A_609 = tpu.memref_squeeze %dma_wait3A_608 : memref<1x200x128xf32, #tpu.memory_space<vmem>> -> memref<200x128xf32, #tpu.memory_space<vmem>>
      tpu.wait_dma2 semaphore(%arg15 : memref<!tpu.dma_semaphore, #tpu.memory_space<semaphore_mem>>) src(%dma_wait3A_609 : memref<200x128xf32, #tpu.memory_space<vmem>>) dst(%dma_wait3A_605 : memref<200x128xf32, #tpu.memory_space<hbm>>)
      %add3A_610 = arith.constant 1 : i32
      %add3A_611 = arith.addi %add3A_567, %add3A_610 : i32
      %mul3A_612 = arith.constant 2 : i32
      %mul3A_613 = arith.muli %mul3A_612, %add3A_611 : i32
      %dma_start3A_614 = arith.constant 2 : i32
      %dma_start3A_615 = arith.constant 0 : i32
      %dma_start3A_616 = arith.constant 0 : i32
      %dma_start3A_617 = tpu.memref_slice %arg8[%dma_start3A_614, %dma_start3A_615, %dma_start3A_616] : memref<3x200x128xf32, #tpu.memory_space<vmem>> -> memref<1x100x128xf32, #tpu.memory_space<vmem>>
      %dma_start3A_618 = tpu.memref_squeeze %dma_start3A_617 : memref<1x100x128xf32, #tpu.memory_space<vmem>> -> memref<100x128xf32, #tpu.memory_space<vmem>>
      %dma_start3A_619 = arith.constant 0 : i32
      %dma_start3A_620 = tpu.memref_slice %arg6[%mul3A_613, %dma_start3A_619] : memref<64x100xi32, #tpu.memory_space<vmem>> -> memref<1x100xi32, #tpu.memory_space<vmem>>
      %dma_start3A_621 = tpu.memref_squeeze %dma_start3A_620 : memref<1x100xi32, #tpu.memory_space<vmem>> -> memref<100xi32, #tpu.memory_space<vmem>>
      %dma_start3A_622 = arith.constant 0 : i32
      %dma_start3A_623 = arith.constant 0 : i32
      %dma_start3A_624 = tpu.memref_slice %arg9[%dma_start3A_622, %dma_start3A_623] : memref<1000x128xf32, #tpu.memory_space<vmem_shared>> -> memref<1000x128xf32, #tpu.memory_space<vmem_shared>>
      tpu.enqueue_indirect_dma source(%dma_start3A_624 : memref<1000x128xf32, #tpu.memory_space<vmem_shared>>) target(%dma_start3A_618 : memref<100x128xf32, #tpu.memory_space<vmem>>) offsets(%dma_start3A_621 : memref<100xi32, #tpu.memory_space<vmem>>) semaphore(%arg12 : memref<!tpu.dma_semaphore, #tpu.memory_space<semaphore_mem>>)
      %mul3A_625 = arith.constant 2 : i32
      %mul3A_626 = arith.muli %mul3A_625, %add3A_611 : i32
      %add3A_627 = arith.constant 1 : i32
      %add3A_628 = arith.addi %mul3A_626, %add3A_627 : i32
      %dma_start3A_629 = arith.constant 2 : i32
      %dma_start3A_630 = arith.constant 100 : i32
      %dma_start3A_631 = arith.constant 0 : i32
      %dma_start3A_632 = tpu.memref_slice %arg8[%dma_start3A_629, %dma_start3A_630, %dma_start3A_631] : memref<3x200x128xf32, #tpu.memory_space<vmem>> -> memref<1x100x128xf32, #tpu.memory_space<vmem>>
      %dma_start3A_633 = tpu.memref_squeeze %dma_start3A_632 : memref<1x100x128xf32, #tpu.memory_space<vmem>> -> memref<100x128xf32, #tpu.memory_space<vmem>>
      %dma_start3A_634 = arith.constant 0 : i32
      %dma_start3A_635 = tpu.memref_slice %arg6[%add3A_628, %dma_start3A_634] : memref<64x100xi32, #tpu.memory_space<vmem>> -> memref<1x100xi32, #tpu.memory_space<vmem>>
      %dma_start3A_636 = tpu.memref_squeeze %dma_start3A_635 : memref<1x100xi32, #tpu.memory_space<vmem>> -> memref<100xi32, #tpu.memory_space<vmem>>
      %dma_start3A_637 = arith.constant 0 : i32
      %dma_start3A_638 = arith.constant 0 : i32
      %dma_start3A_639 = tpu.memref_slice %arg9[%dma_start3A_637, %dma_start3A_638] : memref<1000x128xf32, #tpu.memory_space<vmem_shared>> -> memref<1000x128xf32, #tpu.memory_space<vmem_shared>>
      tpu.enqueue_indirect_dma source(%dma_start3A_639 : memref<1000x128xf32, #tpu.memory_space<vmem_shared>>) target(%dma_start3A_633 : memref<100x128xf32, #tpu.memory_space<vmem>>) offsets(%dma_start3A_636 : memref<100xi32, #tpu.memory_space<vmem>>) semaphore(%arg12 : memref<!tpu.dma_semaphore, #tpu.memory_space<semaphore_mem>>)
      %scan3A_640 = arith.constant 0 : i32
      %scan3A_641 = arith.constant 0 : i32
      %scan3A_642 = arith.constant 200 : i32
      %scan3A_643 = arith.addi %scan3A_641, %scan3A_642 : i32
      %scan3A_644 = arith.constant 4 : i32
      scf.for %scan3A_764 = %scan3A_641 to %scan3A_643 step %scan3A_644  : i32 {
        %get3A = arith.index_cast %scan3A_764 : i32 to index
        %get3A_765 = arith.constant 0 : index
        %get3A_766 = tpu.vector_load %arg7[%get3A, %get3A_765] {strides = array<i32>} : memref<200x128xf32, #tpu.memory_space<vmem>>, vector<1x16xf32>,
        %get3A_767 = vector.shape_cast %get3A_766 : vector<1x16xf32> to vector<16xf32>
        %swap3A = arith.constant 1 : i32
        %swap3A_768 = arith.index_cast %swap3A : i32 to index
        %swap3A_769 = arith.index_cast %scan3A_764 : i32 to index
        %swap3A_770 = arith.constant 0 : index
        %swap3A_771 = tpu.vector_load %arg8[%swap3A_768, %swap3A_769, %swap3A_770] {strides = array<i32>} : memref<3x200x128xf32, #tpu.memory_space<vmem>>, vector<1x1x16xf32>,
        %swap3A_772 = vector.shape_cast %swap3A_771 : vector<1x1x16xf32> to vector<16xf32>
        %swap3A_773 = vector.shape_cast %get3A_767 : vector<16xf32> to vector<1x1x16xf32>
        tpu.vector_store %arg8[%swap3A_768, %swap3A_769, %swap3A_770], %swap3A_773 {add = true, strides = array<i32>} : memref<3x200x128xf32, #tpu.memory_space<vmem>>, vector<1x1x16xf32>,
        %get3A_774 = arith.index_cast %scan3A_764 : i32 to index
        %get3A_775 = arith.constant 16 : index
        %get3A_776 = tpu.vector_load %arg7[%get3A_774, %get3A_775] {strides = array<i32>} : memref<200x128xf32, #tpu.memory_space<vmem>>, vector<1x16xf32>,
        %get3A_777 = vector.shape_cast %get3A_776 : vector<1x16xf32> to vector<16xf32>
        %swap3A_778 = arith.constant 1 : i32
        %swap3A_779 = arith.index_cast %swap3A_778 : i32 to index
        %swap3A_780 = arith.index_cast %scan3A_764 : i32 to index
        %swap3A_781 = arith.constant 16 : index
        %swap3A_782 = tpu.vector_load %arg8[%swap3A_779, %swap3A_780, %swap3A_781] {strides = array<i32>} : memref<3x200x128xf32, #tpu.memory_space<vmem>>, vector<1x1x16xf32>,
        %swap3A_783 = vector.shape_cast %swap3A_782 : vector<1x1x16xf32> to vector<16xf32>
        %swap3A_784 = vector.shape_cast %get3A_777 : vector<16xf32> to vector<1x1x16xf32>
        tpu.vector_store %arg8[%swap3A_779, %swap3A_780, %swap3A_781], %swap3A_784 {add = true, strides = array<i32>} : memref<3x200x128xf32, #tpu.memory_space<vmem>>, vector<1x1x16xf32>,
        %get3A_785 = arith.index_cast %scan3A_764 : i32 to index
        %get3A_786 = arith.constant 32 : index
        %get3A_787 = tpu.vector_load %arg7[%get3A_785, %get3A_786] {strides = array<i32>} : memref<200x128xf32, #tpu.memory_space<vmem>>, vector<1x16xf32>,
        %get3A_788 = vector.shape_cast %get3A_787 : vector<1x16xf32> to vector<16xf32>
        %swap3A_789 = arith.constant 1 : i32
        %swap3A_790 = arith.index_cast %swap3A_789 : i32 to index
        %swap3A_791 = arith.index_cast %scan3A_764 : i32 to index
        %swap3A_792 = arith.constant 32 : index
        %swap3A_793 = tpu.vector_load %arg8[%swap3A_790, %swap3A_791, %swap3A_792] {strides = array<i32>} : memref<3x200x128xf32, #tpu.memory_space<vmem>>, vector<1x1x16xf32>,
        %swap3A_794 = vector.shape_cast %swap3A_793 : vector<1x1x16xf32> to vector<16xf32>
        %swap3A_795 = vector.shape_cast %get3A_788 : vector<16xf32> to vector<1x1x16xf32>
        tpu.vector_store %arg8[%swap3A_790, %swap3A_791, %swap3A_792], %swap3A_795 {add = true, strides = array<i32>} : memref<3x200x128xf32, #tpu.memory_space<vmem>>, vector<1x1x16xf32>,
        %get3A_796 = arith.index_cast %scan3A_764 : i32 to index
        %get3A_797 = arith.constant 48 : index
        %get3A_798 = tpu.vector_load %arg7[%get3A_796, %get3A_797] {strides = array<i32>} : memref<200x128xf32, #tpu.memory_space<vmem>>, vector<1x16xf32>,
        %get3A_799 = vector.shape_cast %get3A_798 : vector<1x16xf32> to vector<16xf32>
        %swap3A_800 = arith.constant 1 : i32
        %swap3A_801 = arith.index_cast %swap3A_800 : i32 to index
        %swap3A_802 = arith.index_cast %scan3A_764 : i32 to index
        %swap3A_803 = arith.constant 48 : index
        %swap3A_804 = tpu.vector_load %arg8[%swap3A_801, %swap3A_802, %swap3A_803] {strides = array<i32>} : memref<3x200x128xf32, #tpu.memory_space<vmem>>, vector<1x1x16xf32>,
        %swap3A_805 = vector.shape_cast %swap3A_804 : vector<1x1x16xf32> to vector<16xf32>
        %swap3A_806 = vector.shape_cast %get3A_799 : vector<16xf32> to vector<1x1x16xf32>
        tpu.vector_store %arg8[%swap3A_801, %swap3A_802, %swap3A_803], %swap3A_806 {add = true, strides = array<i32>} : memref<3x200x128xf32, #tpu.memory_space<vmem>>, vector<1x1x16xf32>,
        %get3A_807 = arith.index_cast %scan3A_764 : i32 to index
        %get3A_808 = arith.constant 64 : index
        %get3A_809 = tpu.vector_load %arg7[%get3A_807, %get3A_808] {strides = array<i32>} : memref<200x128xf32, #tpu.memory_space<vmem>>, vector<1x16xf32>,
        %get3A_810 = vector.shape_cast %get3A_809 : vector<1x16xf32> to vector<16xf32>
        %swap3A_811 = arith.constant 1 : i32
        %swap3A_812 = arith.index_cast %swap3A_811 : i32 to index
        %swap3A_813 = arith.index_cast %scan3A_764 : i32 to index
        %swap3A_814 = arith.constant 64 : index
        %swap3A_815 = tpu.vector_load %arg8[%swap3A_812, %swap3A_813, %swap3A_814] {strides = array<i32>} : memref<3x200x128xf32, #tpu.memory_space<vmem>>, vector<1x1x16xf32>,
        %swap3A_816 = vector.shape_cast %swap3A_815 : vector<1x1x16xf32> to vector<16xf32>
        %swap3A_817 = vector.shape_cast %get3A_810 : vector<16xf32> to vector<1x1x16xf32>
        tpu.vector_store %arg8[%swap3A_812, %swap3A_813, %swap3A_814], %swap3A_817 {add = true, strides = array<i32>} : memref<3x200x128xf32, #tpu.memory_space<vmem>>, vector<1x1x16xf32>,
        %get3A_818 = arith.index_cast %scan3A_764 : i32 to index
        %get3A_819 = arith.constant 80 : index
        %get3A_820 = tpu.vector_load %arg7[%get3A_818, %get3A_819] {strides = array<i32>} : memref<200x128xf32, #tpu.memory_space<vmem>>, vector<1x16xf32>,
        %get3A_821 = vector.shape_cast %get3A_820 : vector<1x16xf32> to vector<16xf32>
        %swap3A_822 = arith.constant 1 : i32
        %swap3A_823 = arith.index_cast %swap3A_822 : i32 to index
        %swap3A_824 = arith.index_cast %scan3A_764 : i32 to index
        %swap3A_825 = arith.constant 80 : index
        %swap3A_826 = tpu.vector_load %arg8[%swap3A_823, %swap3A_824, %swap3A_825] {strides = array<i32>} : memref<3x200x128xf32, #tpu.memory_space<vmem>>, vector<1x1x16xf32>,
        %swap3A_827 = vector.shape_cast %swap3A_826 : vector<1x1x16xf32> to vector<16xf32>
        %swap3A_828 = vector.shape_cast %get3A_821 : vector<16xf32> to vector<1x1x16xf32>
        tpu.vector_store %arg8[%swap3A_823, %swap3A_824, %swap3A_825], %swap3A_828 {add = true, strides = array<i32>} : memref<3x200x128xf32, #tpu.memory_space<vmem>>, vector<1x1x16xf32>,
        %get3A_829 = arith.index_cast %scan3A_764 : i32 to index
        %get3A_830 = arith.constant 96 : index
        %get3A_831 = tpu.vector_load %arg7[%get3A_829, %get3A_830] {strides = array<i32>} : memref<200x128xf32, #tpu.memory_space<vmem>>, vector<1x16xf32>,
        %get3A_832 = vector.shape_cast %get3A_831 : vector<1x16xf32> to vector<16xf32>
        %swap3A_833 = arith.constant 1 : i32
        %swap3A_834 = arith.index_cast %swap3A_833 : i32 to index
        %swap3A_835 = arith.index_cast %scan3A_764 : i32 to index
        %swap3A_836 = arith.constant 96 : index
        %swap3A_837 = tpu.vector_load %arg8[%swap3A_834, %swap3A_835, %swap3A_836] {strides = array<i32>} : memref<3x200x128xf32, #tpu.memory_space<vmem>>, vector<1x1x16xf32>,
        %swap3A_838 = vector.shape_cast %swap3A_837 : vector<1x1x16xf32> to vector<16xf32>
        %swap3A_839 = vector.shape_cast %get3A_832 : vector<16xf32> to vector<1x1x16xf32>
        tpu.vector_store %arg8[%swap3A_834, %swap3A_835, %swap3A_836], %swap3A_839 {add = true, strides = array<i32>} : memref<3x200x128xf32, #tpu.memory_space<vmem>>, vector<1x1x16xf32>,
        %get3A_840 = arith.index_cast %scan3A_764 : i32 to index
        %get3A_841 = arith.constant 112 : index
        %get3A_842 = tpu.vector_load %arg7[%get3A_840, %get3A_841] {strides = array<i32>} : memref<200x128xf32, #tpu.memory_space<vmem>>, vector<1x16xf32>,
        %get3A_843 = vector.shape_cast %get3A_842 : vector<1x16xf32> to vector<16xf32>
        %swap3A_844 = arith.constant 1 : i32
        %swap3A_845 = arith.index_cast %swap3A_844 : i32 to index
        %swap3A_846 = arith.index_cast %scan3A_764 : i32 to index
        %swap3A_847 = arith.constant 112 : index
        %swap3A_848 = tpu.vector_load %arg8[%swap3A_845, %swap3A_846, %swap3A_847] {strides = array<i32>} : memref<3x200x128xf32, #tpu.memory_space<vmem>>, vector<1x1x16xf32>,
        %swap3A_849 = vector.shape_cast %swap3A_848 : vector<1x1x16xf32> to vector<16xf32>
        %swap3A_850 = vector.shape_cast %get3A_843 : vector<16xf32> to vector<1x1x16xf32>
        tpu.vector_store %arg8[%swap3A_845, %swap3A_846, %swap3A_847], %swap3A_850 {add = true, strides = array<i32>} : memref<3x200x128xf32, #tpu.memory_space<vmem>>, vector<1x1x16xf32>,
        %scan3A_851 = arith.constant 1 : i32
        %scan3A_852 = arith.addi %scan3A_764, %scan3A_851 : i32
        %get3A_853 = arith.index_cast %scan3A_852 : i32 to index
        %get3A_854 = arith.constant 0 : index
        %get3A_855 = tpu.vector_load %arg7[%get3A_853, %get3A_854] {strides = array<i32>} : memref<200x128xf32, #tpu.memory_space<vmem>>, vector<1x16xf32>,
        %get3A_856 = vector.shape_cast %get3A_855 : vector<1x16xf32> to vector<16xf32>
        %swap3A_857 = arith.constant 1 : i32
        %swap3A_858 = arith.index_cast %swap3A_857 : i32 to index
        %swap3A_859 = arith.index_cast %scan3A_852 : i32 to index
        %swap3A_860 = arith.constant 0 : index
        %swap3A_861 = tpu.vector_load %arg8[%swap3A_858, %swap3A_859, %swap3A_860] {strides = array<i32>} : memref<3x200x128xf32, #tpu.memory_space<vmem>>, vector<1x1x16xf32>,
        %swap3A_862 = vector.shape_cast %swap3A_861 : vector<1x1x16xf32> to vector<16xf32>
        %swap3A_863 = vector.shape_cast %get3A_856 : vector<16xf32> to vector<1x1x16xf32>
        tpu.vector_store %arg8[%swap3A_858, %swap3A_859, %swap3A_860], %swap3A_863 {add = true, strides = array<i32>} : memref<3x200x128xf32, #tpu.memory_space<vmem>>, vector<1x1x16xf32>,
        %get3A_864 = arith.index_cast %scan3A_852 : i32 to index
        %get3A_865 = arith.constant 16 : index
        %get3A_866 = tpu.vector_load %arg7[%get3A_864, %get3A_865] {strides = array<i32>} : memref<200x128xf32, #tpu.memory_space<vmem>>, vector<1x16xf32>,
        %get3A_867 = vector.shape_cast %get3A_866 : vector<1x16xf32> to vector<16xf32>
        %swap3A_868 = arith.constant 1 : i32
        %swap3A_869 = arith.index_cast %swap3A_868 : i32 to index
        %swap3A_870 = arith.index_cast %scan3A_852 : i32 to index
        %swap3A_871 = arith.constant 16 : index
        %swap3A_872 = tpu.vector_load %arg8[%swap3A_869, %swap3A_870, %swap3A_871] {strides = array<i32>} : memref<3x200x128xf32, #tpu.memory_space<vmem>>, vector<1x1x16xf32>,
        %swap3A_873 = vector.shape_cast %swap3A_872 : vector<1x1x16xf32> to vector<16xf32>
        %swap3A_874 = vector.shape_cast %get3A_867 : vector<16xf32> to vector<1x1x16xf32>
        tpu.vector_store %arg8[%swap3A_869, %swap3A_870, %swap3A_871], %swap3A_874 {add = true, strides = array<i32>} : memref<3x200x128xf32, #tpu.memory_space<vmem>>, vector<1x1x16xf32>,
        %get3A_875 = arith.index_cast %scan3A_852 : i32 to index
        %get3A_876 = arith.constant 32 : index
        %get3A_877 = tpu.vector_load %arg7[%get3A_875, %get3A_876] {strides = array<i32>} : memref<200x128xf32, #tpu.memory_space<vmem>>, vector<1x16xf32>,
        %get3A_878 = vector.shape_cast %get3A_877 : vector<1x16xf32> to vector<16xf32>
        %swap3A_879 = arith.constant 1 : i32
        %swap3A_880 = arith.index_cast %swap3A_879 : i32 to index
        %swap3A_881 = arith.index_cast %scan3A_852 : i32 to index
        %swap3A_882 = arith.constant 32 : index
        %swap3A_883 = tpu.vector_load %arg8[%swap3A_880, %swap3A_881, %swap3A_882] {strides = array<i32>} : memref<3x200x128xf32, #tpu.memory_space<vmem>>, vector<1x1x16xf32>,
        %swap3A_884 = vector.shape_cast %swap3A_883 : vector<1x1x16xf32> to vector<16xf32>
        %swap3A_885 = vector.shape_cast %get3A_878 : vector<16xf32> to vector<1x1x16xf32>
        tpu.vector_store %arg8[%swap3A_880, %swap3A_881, %swap3A_882], %swap3A_885 {add = true, strides = array<i32>} : memref<3x200x128xf32, #tpu.memory_space<vmem>>, vector<1x1x16xf32>,
        %get3A_886 = arith.index_cast %scan3A_852 : i32 to index
        %get3A_887 = arith.constant 48 : index
        %get3A_888 = tpu.vector_load %arg7[%get3A_886, %get3A_887] {strides = array<i32>} : memref<200x128xf32, #tpu.memory_space<vmem>>, vector<1x16xf32>,
        %get3A_889 = vector.shape_cast %get3A_888 : vector<1x16xf32> to vector<16xf32>
        %swap3A_890 = arith.constant 1 : i32
        %swap3A_891 = arith.index_cast %swap3A_890 : i32 to index
        %swap3A_892 = arith.index_cast %scan3A_852 : i32 to index
        %swap3A_893 = arith.constant 48 : index
        %swap3A_894 = tpu.vector_load %arg8[%swap3A_891, %swap3A_892, %swap3A_893] {strides = array<i32>} : memref<3x200x128xf32, #tpu.memory_space<vmem>>, vector<1x1x16xf32>,
        %swap3A_895 = vector.shape_cast %swap3A_894 : vector<1x1x16xf32> to vector<16xf32>
        %swap3A_896 = vector.shape_cast %get3A_889 : vector<16xf32> to vector<1x1x16xf32>
        tpu.vector_store %arg8[%swap3A_891, %swap3A_892, %swap3A_893], %swap3A_896 {add = true, strides = array<i32>} : memref<3x200x128xf32, #tpu.memory_space<vmem>>, vector<1x1x16xf32>,
        %get3A_897 = arith.index_cast %scan3A_852 : i32 to index
        %get3A_898 = arith.constant 64 : index
        %get3A_899 = tpu.vector_load %arg7[%get3A_897, %get3A_898] {strides = array<i32>} : memref<200x128xf32, #tpu.memory_space<vmem>>, vector<1x16xf32>,
        %get3A_900 = vector.shape_cast %get3A_899 : vector<1x16xf32> to vector<16xf32>
        %swap3A_901 = arith.constant 1 : i32
        %swap3A_902 = arith.index_cast %swap3A_901 : i32 to index
        %swap3A_903 = arith.index_cast %scan3A_852 : i32 to index
        %swap3A_904 = arith.constant 64 : index
        %swap3A_905 = tpu.vector_load %arg8[%swap3A_902, %swap3A_903, %swap3A_904] {strides = array<i32>} : memref<3x200x128xf32, #tpu.memory_space<vmem>>, vector<1x1x16xf32>,
        %swap3A_906 = vector.shape_cast %swap3A_905 : vector<1x1x16xf32> to vector<16xf32>
        %swap3A_907 = vector.shape_cast %get3A_900 : vector<16xf32> to vector<1x1x16xf32>
        tpu.vector_store %arg8[%swap3A_902, %swap3A_903, %swap3A_904], %swap3A_907 {add = true, strides = array<i32>} : memref<3x200x128xf32, #tpu.memory_space<vmem>>, vector<1x1x16xf32>,
        %get3A_908 = arith.index_cast %scan3A_852 : i32 to index
        %get3A_909 = arith.constant 80 : index
        %get3A_910 = tpu.vector_load %arg7[%get3A_908, %get3A_909] {strides = array<i32>} : memref<200x128xf32, #tpu.memory_space<vmem>>, vector<1x16xf32>,
        %get3A_911 = vector.shape_cast %get3A_910 : vector<1x16xf32> to vector<16xf32>
        %swap3A_912 = arith.constant 1 : i32
        %swap3A_913 = arith.index_cast %swap3A_912 : i32 to index
        %swap3A_914 = arith.index_cast %scan3A_852 : i32 to index
        %swap3A_915 = arith.constant 80 : index
        %swap3A_916 = tpu.vector_load %arg8[%swap3A_913, %swap3A_914, %swap3A_915] {strides = array<i32>} : memref<3x200x128xf32, #tpu.memory_space<vmem>>, vector<1x1x16xf32>,
        %swap3A_917 = vector.shape_cast %swap3A_916 : vector<1x1x16xf32> to vector<16xf32>
        %swap3A_918 = vector.shape_cast %get3A_911 : vector<16xf32> to vector<1x1x16xf32>
        tpu.vector_store %arg8[%swap3A_913, %swap3A_914, %swap3A_915], %swap3A_918 {add = true, strides = array<i32>} : memref<3x200x128xf32, #tpu.memory_space<vmem>>, vector<1x1x16xf32>,
        %get3A_919 = arith.index_cast %scan3A_852 : i32 to index
        %get3A_920 = arith.constant 96 : index
        %get3A_921 = tpu.vector_load %arg7[%get3A_919, %get3A_920] {strides = array<i32>} : memref<200x128xf32, #tpu.memory_space<vmem>>, vector<1x16xf32>,
        %get3A_922 = vector.shape_cast %get3A_921 : vector<1x16xf32> to vector<16xf32>
        %swap3A_923 = arith.constant 1 : i32
        %swap3A_924 = arith.index_cast %swap3A_923 : i32 to index
        %swap3A_925 = arith.index_cast %scan3A_852 : i32 to index
        %swap3A_926 = arith.constant 96 : index
        %swap3A_927 = tpu.vector_load %arg8[%swap3A_924, %swap3A_925, %swap3A_926] {strides = array<i32>} : memref<3x200x128xf32, #tpu.memory_space<vmem>>, vector<1x1x16xf32>,
        %swap3A_928 = vector.shape_cast %swap3A_927 : vector<1x1x16xf32> to vector<16xf32>
        %swap3A_929 = vector.shape_cast %get3A_922 : vector<16xf32> to vector<1x1x16xf32>
        tpu.vector_store %arg8[%swap3A_924, %swap3A_925, %swap3A_926], %swap3A_929 {add = true, strides = array<i32>} : memref<3x200x128xf32, #tpu.memory_space<vmem>>, vector<1x1x16xf32>,
        %get3A_930 = arith.index_cast %scan3A_852 : i32 to index
        %get3A_931 = arith.constant 112 : index
        %get3A_932 = tpu.vector_load %arg7[%get3A_930, %get3A_931] {strides = array<i32>} : memref<200x128xf32, #tpu.memory_space<vmem>>, vector<1x16xf32>,
        %get3A_933 = vector.shape_cast %get3A_932 : vector<1x16xf32> to vector<16xf32>
        %swap3A_934 = arith.constant 1 : i32
        %swap3A_935 = arith.index_cast %swap3A_934 : i32 to index
        %swap3A_936 = arith.index_cast %scan3A_852 : i32 to index
        %swap3A_937 = arith.constant 112 : index
        %swap3A_938 = tpu.vector_load %arg8[%swap3A_935, %swap3A_936, %swap3A_937] {strides = array<i32>} : memref<3x200x128xf32, #tpu.memory_space<vmem>>, vector<1x1x16xf32>,
        %swap3A_939 = vector.shape_cast %swap3A_938 : vector<1x1x16xf32> to vector<16xf32>
        %swap3A_940 = vector.shape_cast %get3A_933 : vector<16xf32> to vector<1x1x16xf32>
        tpu.vector_store %arg8[%swap3A_935, %swap3A_936, %swap3A_937], %swap3A_940 {add = true, strides = array<i32>} : memref<3x200x128xf32, #tpu.memory_space<vmem>>, vector<1x1x16xf32>,
        %scan3A_941 = arith.constant 2 : i32
        %scan3A_942 = arith.addi %scan3A_764, %scan3A_941 : i32
        %get3A_943 = arith.index_cast %scan3A_942 : i32 to index
        %get3A_944 = arith.constant 0 : index
        %get3A_945 = tpu.vector_load %arg7[%get3A_943, %get3A_944] {strides = array<i32>} : memref<200x128xf32, #tpu.memory_space<vmem>>, vector<1x16xf32>,
        %get3A_946 = vector.shape_cast %get3A_945 : vector<1x16xf32> to vector<16xf32>
        %swap3A_947 = arith.constant 1 : i32
        %swap3A_948 = arith.index_cast %swap3A_947 : i32 to index
        %swap3A_949 = arith.index_cast %scan3A_942 : i32 to index
        %swap3A_950 = arith.constant 0 : index
        %swap3A_951 = tpu.vector_load %arg8[%swap3A_948, %swap3A_949, %swap3A_950] {strides = array<i32>} : memref<3x200x128xf32, #tpu.memory_space<vmem>>, vector<1x1x16xf32>,
        %swap3A_952 = vector.shape_cast %swap3A_951 : vector<1x1x16xf32> to vector<16xf32>
        %swap3A_953 = vector.shape_cast %get3A_946 : vector<16xf32> to vector<1x1x16xf32>
        tpu.vector_store %arg8[%swap3A_948, %swap3A_949, %swap3A_950], %swap3A_953 {add = true, strides = array<i32>} : memref<3x200x128xf32, #tpu.memory_space<vmem>>, vector<1x1x16xf32>,
        %get3A_954 = arith.index_cast %scan3A_942 : i32 to index
        %get3A_955 = arith.constant 16 : index
        %get3A_956 = tpu.vector_load %arg7[%get3A_954, %get3A_955] {strides = array<i32>} : memref<200x128xf32, #tpu.memory_space<vmem>>, vector<1x16xf32>,
        %get3A_957 = vector.shape_cast %get3A_956 : vector<1x16xf32> to vector<16xf32>
        %swap3A_958 = arith.constant 1 : i32
        %swap3A_959 = arith.index_cast %swap3A_958 : i32 to index
        %swap3A_960 = arith.index_cast %scan3A_942 : i32 to index
        %swap3A_961 = arith.constant 16 : index
        %swap3A_962 = tpu.vector_load %arg8[%swap3A_959, %swap3A_960, %swap3A_961] {strides = array<i32>} : memref<3x200x128xf32, #tpu.memory_space<vmem>>, vector<1x1x16xf32>,
        %swap3A_963 = vector.shape_cast %swap3A_962 : vector<1x1x16xf32> to vector<16xf32>
        %swap3A_964 = vector.shape_cast %get3A_957 : vector<16xf32> to vector<1x1x16xf32>
        tpu.vector_store %arg8[%swap3A_959, %swap3A_960, %swap3A_961], %swap3A_964 {add = true, strides = array<i32>} : memref<3x200x128xf32, #tpu.memory_space<vmem>>, vector<1x1x16xf32>,
        %get3A_965 = arith.index_cast %scan3A_942 : i32 to index
        %get3A_966 = arith.constant 32 : index
        %get3A_967 = tpu.vector_load %arg7[%get3A_965, %get3A_966] {strides = array<i32>} : memref<200x128xf32, #tpu.memory_space<vmem>>, vector<1x16xf32>,
        %get3A_968 = vector.shape_cast %get3A_967 : vector<1x16xf32> to vector<16xf32>
        %swap3A_969 = arith.constant 1 : i32
        %swap3A_970 = arith.index_cast %swap3A_969 : i32 to index
        %swap3A_971 = arith.index_cast %scan3A_942 : i32 to index
        %swap3A_972 = arith.constant 32 : index
        %swap3A_973 = tpu.vector_load %arg8[%swap3A_970, %swap3A_971, %swap3A_972] {strides = array<i32>} : memref<3x200x128xf32, #tpu.memory_space<vmem>>, vector<1x1x16xf32>,
        %swap3A_974 = vector.shape_cast %swap3A_973 : vector<1x1x16xf32> to vector<16xf32>
        %swap3A_975 = vector.shape_cast %get3A_968 : vector<16xf32> to vector<1x1x16xf32>
        tpu.vector_store %arg8[%swap3A_970, %swap3A_971, %swap3A_972], %swap3A_975 {add = true, strides = array<i32>} : memref<3x200x128xf32, #tpu.memory_space<vmem>>, vector<1x1x16xf32>,
        %get3A_976 = arith.index_cast %scan3A_942 : i32 to index
        %get3A_977 = arith.constant 48 : index
        %get3A_978 = tpu.vector_load %arg7[%get3A_976, %get3A_977] {strides = array<i32>} : memref<200x128xf32, #tpu.memory_space<vmem>>, vector<1x16xf32>,
        %get3A_979 = vector.shape_cast %get3A_978 : vector<1x16xf32> to vector<16xf32>
        %swap3A_980 = arith.constant 1 : i32
        %swap3A_981 = arith.index_cast %swap3A_980 : i32 to index
        %swap3A_982 = arith.index_cast %scan3A_942 : i32 to index
        %swap3A_983 = arith.constant 48 : index
        %swap3A_984 = tpu.vector_load %arg8[%swap3A_981, %swap3A_982, %swap3A_983] {strides = array<i32>} : memref<3x200x128xf32, #tpu.memory_space<vmem>>, vector<1x1x16xf32>,
        %swap3A_985 = vector.shape_cast %swap3A_984 : vector<1x1x16xf32> to vector<16xf32>
        %swap3A_986 = vector.shape_cast %get3A_979 : vector<16xf32> to vector<1x1x16xf32>
        tpu.vector_store %arg8[%swap3A_981, %swap3A_982, %swap3A_983], %swap3A_986 {add = true, strides = array<i32>} : memref<3x200x128xf32, #tpu.memory_space<vmem>>, vector<1x1x16xf32>,
        %get3A_987 = arith.index_cast %scan3A_942 : i32 to index
        %get3A_988 = arith.constant 64 : index
        %get3A_989 = tpu.vector_load %arg7[%get3A_987, %get3A_988] {strides = array<i32>} : memref<200x128xf32, #tpu.memory_space<vmem>>, vector<1x16xf32>,
        %get3A_990 = vector.shape_cast %get3A_989 : vector<1x16xf32> to vector<16xf32>
        %swap3A_991 = arith.constant 1 : i32
        %swap3A_992 = arith.index_cast %swap3A_991 : i32 to index
        %swap3A_993 = arith.index_cast %scan3A_942 : i32 to index
        %swap3A_994 = arith.constant 64 : index
        %swap3A_995 = tpu.vector_load %arg8[%swap3A_992, %swap3A_993, %swap3A_994] {strides = array<i32>} : memref<3x200x128xf32, #tpu.memory_space<vmem>>, vector<1x1x16xf32>,
        %swap3A_996 = vector.shape_cast %swap3A_995 : vector<1x1x16xf32> to vector<16xf32>
        %swap3A_997 = vector.shape_cast %get3A_990 : vector<16xf32> to vector<1x1x16xf32>
        tpu.vector_store %arg8[%swap3A_992, %swap3A_993, %swap3A_994], %swap3A_997 {add = true, strides = array<i32>} : memref<3x200x128xf32, #tpu.memory_space<vmem>>, vector<1x1x16xf32>,
        %get3A_998 = arith.index_cast %scan3A_942 : i32 to index
        %get3A_999 = arith.constant 80 : index
        %get3A_1000 = tpu.vector_load %arg7[%get3A_998, %get3A_999] {strides = array<i32>} : memref<200x128xf32, #tpu.memory_space<vmem>>, vector<1x16xf32>,
        %get3A_1001 = vector.shape_cast %get3A_1000 : vector<1x16xf32> to vector<16xf32>
        %swap3A_1002 = arith.constant 1 : i32
        %swap3A_1003 = arith.index_cast %swap3A_1002 : i32 to index
        %swap3A_1004 = arith.index_cast %scan3A_942 : i32 to index
        %swap3A_1005 = arith.constant 80 : index
        %swap3A_1006 = tpu.vector_load %arg8[%swap3A_1003, %swap3A_1004, %swap3A_1005] {strides = array<i32>} : memref<3x200x128xf32, #tpu.memory_space<vmem>>, vector<1x1x16xf32>,
        %swap3A_1007 = vector.shape_cast %swap3A_1006 : vector<1x1x16xf32> to vector<16xf32>
        %swap3A_1008 = vector.shape_cast %get3A_1001 : vector<16xf32> to vector<1x1x16xf32>
        tpu.vector_store %arg8[%swap3A_1003, %swap3A_1004, %swap3A_1005], %swap3A_1008 {add = true, strides = array<i32>} : memref<3x200x128xf32, #tpu.memory_space<vmem>>, vector<1x1x16xf32>,
        %get3A_1009 = arith.index_cast %scan3A_942 : i32 to index
        %get3A_1010 = arith.constant 96 : index
        %get3A_1011 = tpu.vector_load %arg7[%get3A_1009, %get3A_1010] {strides = array<i32>} : memref<200x128xf32, #tpu.memory_space<vmem>>, vector<1x16xf32>,
        %get3A_1012 = vector.shape_cast %get3A_1011 : vector<1x16xf32> to vector<16xf32>
        %swap3A_1013 = arith.constant 1 : i32
        %swap3A_1014 = arith.index_cast %swap3A_1013 : i32 to index
        %swap3A_1015 = arith.index_cast %scan3A_942 : i32 to index
        %swap3A_1016 = arith.constant 96 : index
        %swap3A_1017 = tpu.vector_load %arg8[%swap3A_1014, %swap3A_1015, %swap3A_1016] {strides = array<i32>} : memref<3x200x128xf32, #tpu.memory_space<vmem>>, vector<1x1x16xf32>,
        %swap3A_1018 = vector.shape_cast %swap3A_1017 : vector<1x1x16xf32> to vector<16xf32>
        %swap3A_1019 = vector.shape_cast %get3A_1012 : vector<16xf32> to vector<1x1x16xf32>
        tpu.vector_store %arg8[%swap3A_1014, %swap3A_1015, %swap3A_1016], %swap3A_1019 {add = true, strides = array<i32>} : memref<3x200x128xf32, #tpu.memory_space<vmem>>, vector<1x1x16xf32>,
        %get3A_1020 = arith.index_cast %scan3A_942 : i32 to index
        %get3A_1021 = arith.constant 112 : index
        %get3A_1022 = tpu.vector_load %arg7[%get3A_1020, %get3A_1021] {strides = array<i32>} : memref<200x128xf32, #tpu.memory_space<vmem>>, vector<1x16xf32>,
        %get3A_1023 = vector.shape_cast %get3A_1022 : vector<1x16xf32> to vector<16xf32>
        %swap3A_1024 = arith.constant 1 : i32
        %swap3A_1025 = arith.index_cast %swap3A_1024 : i32 to index
        %swap3A_1026 = arith.index_cast %scan3A_942 : i32 to index
        %swap3A_1027 = arith.constant 112 : index
        %swap3A_1028 = tpu.vector_load %arg8[%swap3A_1025, %swap3A_1026, %swap3A_1027] {strides = array<i32>} : memref<3x200x128xf32, #tpu.memory_space<vmem>>, vector<1x1x16xf32>,
        %swap3A_1029 = vector.shape_cast %swap3A_1028 : vector<1x1x16xf32> to vector<16xf32>
        %swap3A_1030 = vector.shape_cast %get3A_1023 : vector<16xf32> to vector<1x1x16xf32>
        tpu.vector_store %arg8[%swap3A_1025, %swap3A_1026, %swap3A_1027], %swap3A_1030 {add = true, strides = array<i32>} : memref<3x200x128xf32, #tpu.memory_space<vmem>>, vector<1x1x16xf32>,
        %scan3A_1031 = arith.constant 3 : i32
        %scan3A_1032 = arith.addi %scan3A_764, %scan3A_1031 : i32
        %get3A_1033 = arith.index_cast %scan3A_1032 : i32 to index
        %get3A_1034 = arith.constant 0 : index
        %get3A_1035 = tpu.vector_load %arg7[%get3A_1033, %get3A_1034] {strides = array<i32>} : memref<200x128xf32, #tpu.memory_space<vmem>>, vector<1x16xf32>,
        %get3A_1036 = vector.shape_cast %get3A_1035 : vector<1x16xf32> to vector<16xf32>
        %swap3A_1037 = arith.constant 1 : i32
        %swap3A_1038 = arith.index_cast %swap3A_1037 : i32 to index
        %swap3A_1039 = arith.index_cast %scan3A_1032 : i32 to index
        %swap3A_1040 = arith.constant 0 : index
        %swap3A_1041 = tpu.vector_load %arg8[%swap3A_1038, %swap3A_1039, %swap3A_1040] {strides = array<i32>} : memref<3x200x128xf32, #tpu.memory_space<vmem>>, vector<1x1x16xf32>,
        %swap3A_1042 = vector.shape_cast %swap3A_1041 : vector<1x1x16xf32> to vector<16xf32>
        %swap3A_1043 = vector.shape_cast %get3A_1036 : vector<16xf32> to vector<1x1x16xf32>
        tpu.vector_store %arg8[%swap3A_1038, %swap3A_1039, %swap3A_1040], %swap3A_1043 {add = true, strides = array<i32>} : memref<3x200x128xf32, #tpu.memory_space<vmem>>, vector<1x1x16xf32>,
        %get3A_1044 = arith.index_cast %scan3A_1032 : i32 to index
        %get3A_1045 = arith.constant 16 : index
        %get3A_1046 = tpu.vector_load %arg7[%get3A_1044, %get3A_1045] {strides = array<i32>} : memref<200x128xf32, #tpu.memory_space<vmem>>, vector<1x16xf32>,
        %get3A_1047 = vector.shape_cast %get3A_1046 : vector<1x16xf32> to vector<16xf32>
        %swap3A_1048 = arith.constant 1 : i32
        %swap3A_1049 = arith.index_cast %swap3A_1048 : i32 to index
        %swap3A_1050 = arith.index_cast %scan3A_1032 : i32 to index
        %swap3A_1051 = arith.constant 16 : index
        %swap3A_1052 = tpu.vector_load %arg8[%swap3A_1049, %swap3A_1050, %swap3A_1051] {strides = array<i32>} : memref<3x200x128xf32, #tpu.memory_space<vmem>>, vector<1x1x16xf32>,
        %swap3A_1053 = vector.shape_cast %swap3A_1052 : vector<1x1x16xf32> to vector<16xf32>
        %swap3A_1054 = vector.shape_cast %get3A_1047 : vector<16xf32> to vector<1x1x16xf32>
        tpu.vector_store %arg8[%swap3A_1049, %swap3A_1050, %swap3A_1051], %swap3A_1054 {add = true, strides = array<i32>} : memref<3x200x128xf32, #tpu.memory_space<vmem>>, vector<1x1x16xf32>,
        %get3A_1055 = arith.index_cast %scan3A_1032 : i32 to index
        %get3A_1056 = arith.constant 32 : index
        %get3A_1057 = tpu.vector_load %arg7[%get3A_1055, %get3A_1056] {strides = array<i32>} : memref<200x128xf32, #tpu.memory_space<vmem>>, vector<1x16xf32>,
        %get3A_1058 = vector.shape_cast %get3A_1057 : vector<1x16xf32> to vector<16xf32>
        %swap3A_1059 = arith.constant 1 : i32
        %swap3A_1060 = arith.index_cast %swap3A_1059 : i32 to index
        %swap3A_1061 = arith.index_cast %scan3A_1032 : i32 to index
        %swap3A_1062 = arith.constant 32 : index
        %swap3A_1063 = tpu.vector_load %arg8[%swap3A_1060, %swap3A_1061, %swap3A_1062] {strides = array<i32>} : memref<3x200x128xf32, #tpu.memory_space<vmem>>, vector<1x1x16xf32>,
        %swap3A_1064 = vector.shape_cast %swap3A_1063 : vector<1x1x16xf32> to vector<16xf32>
        %swap3A_1065 = vector.shape_cast %get3A_1058 : vector<16xf32> to vector<1x1x16xf32>
        tpu.vector_store %arg8[%swap3A_1060, %swap3A_1061, %swap3A_1062], %swap3A_1065 {add = true, strides = array<i32>} : memref<3x200x128xf32, #tpu.memory_space<vmem>>, vector<1x1x16xf32>,
        %get3A_1066 = arith.index_cast %scan3A_1032 : i32 to index
        %get3A_1067 = arith.constant 48 : index
        %get3A_1068 = tpu.vector_load %arg7[%get3A_1066, %get3A_1067] {strides = array<i32>} : memref<200x128xf32, #tpu.memory_space<vmem>>, vector<1x16xf32>,
        %get3A_1069 = vector.shape_cast %get3A_1068 : vector<1x16xf32> to vector<16xf32>
        %swap3A_1070 = arith.constant 1 : i32
        %swap3A_1071 = arith.index_cast %swap3A_1070 : i32 to index
        %swap3A_1072 = arith.index_cast %scan3A_1032 : i32 to index
        %swap3A_1073 = arith.constant 48 : index
        %swap3A_1074 = tpu.vector_load %arg8[%swap3A_1071, %swap3A_1072, %swap3A_1073] {strides = array<i32>} : memref<3x200x128xf32, #tpu.memory_space<vmem>>, vector<1x1x16xf32>,
        %swap3A_1075 = vector.shape_cast %swap3A_1074 : vector<1x1x16xf32> to vector<16xf32>
        %swap3A_1076 = vector.shape_cast %get3A_1069 : vector<16xf32> to vector<1x1x16xf32>
        tpu.vector_store %arg8[%swap3A_1071, %swap3A_1072, %swap3A_1073], %swap3A_1076 {add = true, strides = array<i32>} : memref<3x200x128xf32, #tpu.memory_space<vmem>>, vector<1x1x16xf32>,
        %get3A_1077 = arith.index_cast %scan3A_1032 : i32 to index
        %get3A_1078 = arith.constant 64 : index
        %get3A_1079 = tpu.vector_load %arg7[%get3A_1077, %get3A_1078] {strides = array<i32>} : memref<200x128xf32, #tpu.memory_space<vmem>>, vector<1x16xf32>,
        %get3A_1080 = vector.shape_cast %get3A_1079 : vector<1x16xf32> to vector<16xf32>
        %swap3A_1081 = arith.constant 1 : i32
        %swap3A_1082 = arith.index_cast %swap3A_1081 : i32 to index
        %swap3A_1083 = arith.index_cast %scan3A_1032 : i32 to index
        %swap3A_1084 = arith.constant 64 : index
        %swap3A_1085 = tpu.vector_load %arg8[%swap3A_1082, %swap3A_1083, %swap3A_1084] {strides = array<i32>} : memref<3x200x128xf32, #tpu.memory_space<vmem>>, vector<1x1x16xf32>,
        %swap3A_1086 = vector.shape_cast %swap3A_1085 : vector<1x1x16xf32> to vector<16xf32>
        %swap3A_1087 = vector.shape_cast %get3A_1080 : vector<16xf32> to vector<1x1x16xf32>
        tpu.vector_store %arg8[%swap3A_1082, %swap3A_1083, %swap3A_1084], %swap3A_1087 {add = true, strides = array<i32>} : memref<3x200x128xf32, #tpu.memory_space<vmem>>, vector<1x1x16xf32>,
        %get3A_1088 = arith.index_cast %scan3A_1032 : i32 to index
        %get3A_1089 = arith.constant 80 : index
        %get3A_1090 = tpu.vector_load %arg7[%get3A_1088, %get3A_1089] {strides = array<i32>} : memref<200x128xf32, #tpu.memory_space<vmem>>, vector<1x16xf32>,
        %get3A_1091 = vector.shape_cast %get3A_1090 : vector<1x16xf32> to vector<16xf32>
        %swap3A_1092 = arith.constant 1 : i32
        %swap3A_1093 = arith.index_cast %swap3A_1092 : i32 to index
        %swap3A_1094 = arith.index_cast %scan3A_1032 : i32 to index
        %swap3A_1095 = arith.constant 80 : index
        %swap3A_1096 = tpu.vector_load %arg8[%swap3A_1093, %swap3A_1094, %swap3A_1095] {strides = array<i32>} : memref<3x200x128xf32, #tpu.memory_space<vmem>>, vector<1x1x16xf32>,
        %swap3A_1097 = vector.shape_cast %swap3A_1096 : vector<1x1x16xf32> to vector<16xf32>
        %swap3A_1098 = vector.shape_cast %get3A_1091 : vector<16xf32> to vector<1x1x16xf32>
        tpu.vector_store %arg8[%swap3A_1093, %swap3A_1094, %swap3A_1095], %swap3A_1098 {add = true, strides = array<i32>} : memref<3x200x128xf32, #tpu.memory_space<vmem>>, vector<1x1x16xf32>,
        %get3A_1099 = arith.index_cast %scan3A_1032 : i32 to index
        %get3A_1100 = arith.constant 96 : index
        %get3A_1101 = tpu.vector_load %arg7[%get3A_1099, %get3A_1100] {strides = array<i32>} : memref<200x128xf32, #tpu.memory_space<vmem>>, vector<1x16xf32>,
        %get3A_1102 = vector.shape_cast %get3A_1101 : vector<1x16xf32> to vector<16xf32>
        %swap3A_1103 = arith.constant 1 : i32
        %swap3A_1104 = arith.index_cast %swap3A_1103 : i32 to index
        %swap3A_1105 = arith.index_cast %scan3A_1032 : i32 to index
        %swap3A_1106 = arith.constant 96 : index
        %swap3A_1107 = tpu.vector_load %arg8[%swap3A_1104, %swap3A_1105, %swap3A_1106] {strides = array<i32>} : memref<3x200x128xf32, #tpu.memory_space<vmem>>, vector<1x1x16xf32>,
        %swap3A_1108 = vector.shape_cast %swap3A_1107 : vector<1x1x16xf32> to vector<16xf32>
        %swap3A_1109 = vector.shape_cast %get3A_1102 : vector<16xf32> to vector<1x1x16xf32>
        tpu.vector_store %arg8[%swap3A_1104, %swap3A_1105, %swap3A_1106], %swap3A_1109 {add = true, strides = array<i32>} : memref<3x200x128xf32, #tpu.memory_space<vmem>>, vector<1x1x16xf32>,
        %get3A_1110 = arith.index_cast %scan3A_1032 : i32 to index
        %get3A_1111 = arith.constant 112 : index
        %get3A_1112 = tpu.vector_load %arg7[%get3A_1110, %get3A_1111] {strides = array<i32>} : memref<200x128xf32, #tpu.memory_space<vmem>>, vector<1x16xf32>,
        %get3A_1113 = vector.shape_cast %get3A_1112 : vector<1x16xf32> to vector<16xf32>
        %swap3A_1114 = arith.constant 1 : i32
        %swap3A_1115 = arith.index_cast %swap3A_1114 : i32 to index
        %swap3A_1116 = arith.index_cast %scan3A_1032 : i32 to index
        %swap3A_1117 = arith.constant 112 : index
        %swap3A_1118 = tpu.vector_load %arg8[%swap3A_1115, %swap3A_1116, %swap3A_1117] {strides = array<i32>} : memref<3x200x128xf32, #tpu.memory_space<vmem>>, vector<1x1x16xf32>,
        %swap3A_1119 = vector.shape_cast %swap3A_1118 : vector<1x1x16xf32> to vector<16xf32>
        %swap3A_1120 = vector.shape_cast %get3A_1113 : vector<16xf32> to vector<1x1x16xf32>
        tpu.vector_store %arg8[%swap3A_1115, %swap3A_1116, %swap3A_1117], %swap3A_1120 {add = true, strides = array<i32>} : memref<3x200x128xf32, #tpu.memory_space<vmem>>, vector<1x1x16xf32>,
      }
      %scan3A_645 = arith.constant 200 : i32
      %add3A_646 = arith.addi %mul3A_2, %add3A_567 : i32
      %dma_start3A_647 = arith.constant 1 : i32
      %dma_start3A_648 = arith.constant 0 : i32
      %dma_start3A_649 = arith.constant 0 : i32
      %dma_start3A_650 = tpu.memref_slice %arg8[%dma_start3A_647, %dma_start3A_648, %dma_start3A_649] : memref<3x200x128xf32, #tpu.memory_space<vmem>> -> memref<1x200x128xf32, #tpu.memory_space<vmem>>
      %dma_start3A_651 = tpu.memref_squeeze %dma_start3A_650 : memref<1x200x128xf32, #tpu.memory_space<vmem>> -> memref<200x128xf32, #tpu.memory_space<vmem>>
      %dma_start3A_652 = arith.constant 0 : i32
      %dma_start3A_653 = arith.constant 0 : i32
      %dma_start3A_654 = tpu.memref_slice %arg5[%add3A_646, %dma_start3A_652, %dma_start3A_653] : memref<1024x200x128xf32, #tpu.memory_space<hbm>> -> memref<1x200x128xf32, #tpu.memory_space<hbm>>
      %dma_start3A_655 = tpu.memref_squeeze %dma_start3A_654 : memref<1x200x128xf32, #tpu.memory_space<hbm>> -> memref<200x128xf32, #tpu.memory_space<hbm>>
      %dma_start3A_656 = arith.constant 0 : i32
      %dma_start3A_657 = arith.constant 0 : i32
      %dma_start3A_658 = tpu.memref_slice %arg5[%add3A_646, %dma_start3A_656, %dma_start3A_657] : memref<1024x200x128xf32, #tpu.memory_space<hbm>> -> memref<1x200x128xf32, #tpu.memory_space<hbm>>
      %dma_start3A_659 = tpu.memref_squeeze %dma_start3A_658 : memref<1x200x128xf32, #tpu.memory_space<hbm>> -> memref<200x128xf32, #tpu.memory_space<hbm>>
      %dma_start3A_660 = arith.constant 0 : i32
      %dma_start3A_661 = arith.constant 0 : i32
      %dma_start3A_662 = tpu.memref_slice %arg8[%dma_start3A_647, %dma_start3A_660, %dma_start3A_661] : memref<3x200x128xf32, #tpu.memory_space<vmem>> -> memref<1x200x128xf32, #tpu.memory_space<vmem>>
      %dma_start3A_663 = tpu.memref_squeeze %dma_start3A_662 : memref<1x200x128xf32, #tpu.memory_space<vmem>> -> memref<200x128xf32, #tpu.memory_space<vmem>>
      tpu.enqueue_dma source(%dma_start3A_663 : memref<200x128xf32, #tpu.memory_space<vmem>>) target(%dma_start3A_659 : memref<200x128xf32, #tpu.memory_space<hbm>>) target_semaphore(%arg14 : memref<!tpu.dma_semaphore, #tpu.memory_space<semaphore_mem>>)
      %mul3A_664 = arith.constant 3 : i32
      %mul3A_665 = arith.muli %scan3A_463, %mul3A_664 : i32
      %add3A_666 = arith.constant 2 : i32
      %add3A_667 = arith.addi %mul3A_665, %add3A_666 : i32
      %dma_wait3A_668 = arith.constant 0 : i32
      %dma_wait3A_669 = arith.constant 2 : i32
      %dma_wait3A_670 = arith.constant 0 : i32
      %dma_wait3A_671 = arith.constant 0 : i32
      %dma_wait3A_672 = tpu.memref_slice %arg8[%dma_wait3A_669, %dma_wait3A_670, %dma_wait3A_671] : memref<3x200x128xf32, #tpu.memory_space<vmem>> -> memref<1x100x128xf32, #tpu.memory_space<vmem>>
      %dma_wait3A_673 = tpu.memref_squeeze %dma_wait3A_672 : memref<1x100x128xf32, #tpu.memory_space<vmem>> -> memref<100x128xf32, #tpu.memory_space<vmem>>
      %dma_wait3A_674 = arith.constant 0 : i32
      %dma_wait3A_675 = tpu.memref_slice %arg6[%dma_wait3A_668, %dma_wait3A_674] : memref<64x100xi32, #tpu.memory_space<vmem>> -> memref<1x100xi32, #tpu.memory_space<vmem>>
      %dma_wait3A_676 = tpu.memref_squeeze %dma_wait3A_675 : memref<1x100xi32, #tpu.memory_space<vmem>> -> memref<100xi32, #tpu.memory_space<vmem>>
      %dma_wait3A_677 = arith.constant 0 : i32
      %dma_wait3A_678 = arith.constant 0 : i32
      %dma_wait3A_679 = tpu.memref_slice %arg9[%dma_wait3A_677, %dma_wait3A_678] : memref<1000x128xf32, #tpu.memory_space<vmem_shared>> -> memref<1000x128xf32, #tpu.memory_space<vmem_shared>>
      tpu.wait_indirect_dma semaphore(%arg12 : memref<!tpu.dma_semaphore, #tpu.memory_space<semaphore_mem>>) src(%dma_wait3A_679 : memref<1000x128xf32, #tpu.memory_space<vmem_shared>>) dst(%dma_wait3A_673 : memref<100x128xf32, #tpu.memory_space<vmem>>)
      %dma_wait3A_680 = arith.constant 0 : i32
      %dma_wait3A_681 = arith.constant 2 : i32
      %dma_wait3A_682 = arith.constant 100 : i32
      %dma_wait3A_683 = arith.constant 0 : i32
      %dma_wait3A_684 = tpu.memref_slice %arg8[%dma_wait3A_681, %dma_wait3A_682, %dma_wait3A_683] : memref<3x200x128xf32, #tpu.memory_space<vmem>> -> memref<1x100x128xf32, #tpu.memory_space<vmem>>
      %dma_wait3A_685 = tpu.memref_squeeze %dma_wait3A_684 : memref<1x100x128xf32, #tpu.memory_space<vmem>> -> memref<100x128xf32, #tpu.memory_space<vmem>>
      %dma_wait3A_686 = arith.constant 0 : i32
      %dma_wait3A_687 = tpu.memref_slice %arg6[%dma_wait3A_680, %dma_wait3A_686] : memref<64x100xi32, #tpu.memory_space<vmem>> -> memref<1x100xi32, #tpu.memory_space<vmem>>
      %dma_wait3A_688 = tpu.memref_squeeze %dma_wait3A_687 : memref<1x100xi32, #tpu.memory_space<vmem>> -> memref<100xi32, #tpu.memory_space<vmem>>
      %dma_wait3A_689 = arith.constant 0 : i32
      %dma_wait3A_690 = arith.constant 0 : i32
      %dma_wait3A_691 = tpu.memref_slice %arg9[%dma_wait3A_689, %dma_wait3A_690] : memref<1000x128xf32, #tpu.memory_space<vmem_shared>> -> memref<1000x128xf32, #tpu.memory_space<vmem_shared>>
      tpu.wait_indirect_dma semaphore(%arg12 : memref<!tpu.dma_semaphore, #tpu.memory_space<semaphore_mem>>) src(%dma_wait3A_691 : memref<1000x128xf32, #tpu.memory_space<vmem_shared>>) dst(%dma_wait3A_685 : memref<100x128xf32, #tpu.memory_space<vmem>>)
      %dma_wait3A_692 = arith.constant 0 : i32
      %dma_wait3A_693 = arith.constant 0 : i32
      %dma_wait3A_694 = arith.constant 0 : i32
      %dma_wait3A_695 = arith.constant 0 : i32
      %dma_wait3A_696 = tpu.memref_slice %arg8[%dma_wait3A_692, %dma_wait3A_694, %dma_wait3A_695] : memref<3x200x128xf32, #tpu.memory_space<vmem>> -> memref<1x200x128xf32, #tpu.memory_space<vmem>>
      %dma_wait3A_697 = tpu.memref_squeeze %dma_wait3A_696 : memref<1x200x128xf32, #tpu.memory_space<vmem>> -> memref<200x128xf32, #tpu.memory_space<vmem>>
      %dma_wait3A_698 = arith.constant 0 : i32
      %dma_wait3A_699 = arith.constant 0 : i32
      %dma_wait3A_700 = tpu.memref_slice %arg5[%dma_wait3A_693, %dma_wait3A_698, %dma_wait3A_699] : memref<1024x200x128xf32, #tpu.memory_space<hbm>> -> memref<1x200x128xf32, #tpu.memory_space<hbm>>
      %dma_wait3A_701 = tpu.memref_squeeze %dma_wait3A_700 : memref<1x200x128xf32, #tpu.memory_space<hbm>> -> memref<200x128xf32, #tpu.memory_space<hbm>>
      %dma_wait3A_702 = arith.constant 0 : i32
      %dma_wait3A_703 = arith.constant 0 : i32
      %dma_wait3A_704 = tpu.memref_slice %arg5[%dma_wait3A_693, %dma_wait3A_702, %dma_wait3A_703] : memref<1024x200x128xf32, #tpu.memory_space<hbm>> -> memref<1x200x128xf32, #tpu.memory_space<hbm>>
      %dma_wait3A_705 = tpu.memref_squeeze %dma_wait3A_704 : memref<1x200x128xf32, #tpu.memory_space<hbm>> -> memref<200x128xf32, #tpu.memory_space<hbm>>
      %dma_wait3A_706 = arith.constant 0 : i32
      %dma_wait3A_707 = arith.constant 0 : i32
      %dma_wait3A_708 = tpu.memref_slice %arg8[%dma_wait3A_692, %dma_wait3A_706, %dma_wait3A_707] : memref<3x200x128xf32, #tpu.memory_space<vmem>> -> memref<1x200x128xf32, #tpu.memory_space<vmem>>
      %dma_wait3A_709 = tpu.memref_squeeze %dma_wait3A_708 : memref<1x200x128xf32, #tpu.memory_space<vmem>> -> memref<200x128xf32, #tpu.memory_space<vmem>>
      tpu.wait_dma2 semaphore(%arg13 : memref<!tpu.dma_semaphore, #tpu.memory_space<semaphore_mem>>) src(%dma_wait3A_709 : memref<200x128xf32, #tpu.memory_space<vmem>>) dst(%dma_wait3A_705 : memref<200x128xf32, #tpu.memory_space<hbm>>)
      %add3A_710 = arith.constant 1 : i32
      %add3A_711 = arith.addi %add3A_667, %add3A_710 : i32
      %mul3A_712 = arith.constant 2 : i32
      %mul3A_713 = arith.muli %mul3A_712, %add3A_711 : i32
      %dma_start3A_714 = arith.constant 0 : i32
      %dma_start3A_715 = arith.constant 0 : i32
      %dma_start3A_716 = arith.constant 0 : i32
      %dma_start3A_717 = tpu.memref_slice %arg8[%dma_start3A_714, %dma_start3A_715, %dma_start3A_716] : memref<3x200x128xf32, #tpu.memory_space<vmem>> -> memref<1x100x128xf32, #tpu.memory_space<vmem>>
      %dma_start3A_718 = tpu.memref_squeeze %dma_start3A_717 : memref<1x100x128xf32, #tpu.memory_space<vmem>> -> memref<100x128xf32, #tpu.memory_space<vmem>>
      %dma_start3A_719 = arith.constant 0 : i32
      %dma_start3A_720 = tpu.memref_slice %arg6[%mul3A_713, %dma_start3A_719] : memref<64x100xi32, #tpu.memory_space<vmem>> -> memref<1x100xi32, #tpu.memory_space<vmem>>
      %dma_start3A_721 = tpu.memref_squeeze %dma_start3A_720 : memref<1x100xi32, #tpu.memory_space<vmem>> -> memref<100xi32, #tpu.memory_space<vmem>>
      %dma_start3A_722 = arith.constant 0 : i32
      %dma_start3A_723 = arith.constant 0 : i32
      %dma_start3A_724 = tpu.memref_slice %arg9[%dma_start3A_722, %dma_start3A_723] : memref<1000x128xf32, #tpu.memory_space<vmem_shared>> -> memref<1000x128xf32, #tpu.memory_space<vmem_shared>>
      tpu.enqueue_indirect_dma source(%dma_start3A_724 : memref<1000x128xf32, #tpu.memory_space<vmem_shared>>) target(%dma_start3A_718 : memref<100x128xf32, #tpu.memory_space<vmem>>) offsets(%dma_start3A_721 : memref<100xi32, #tpu.memory_space<vmem>>) semaphore(%arg10 : memref<!tpu.dma_semaphore, #tpu.memory_space<semaphore_mem>>)
      %mul3A_725 = arith.constant 2 : i32
      %mul3A_726 = arith.muli %mul3A_725, %add3A_711 : i32
      %add3A_727 = arith.constant 1 : i32
      %add3A_728 = arith.addi %mul3A_726, %add3A_727 : i32
      %dma_start3A_729 = arith.constant 0 : i32
      %dma_start3A_730 = arith.constant 100 : i32
      %dma_start3A_731 = arith.constant 0 : i32
      %dma_start3A_732 = tpu.memref_slice %arg8[%dma_start3A_729, %dma_start3A_730, %dma_start3A_731] : memref<3x200x128xf32, #tpu.memory_space<vmem>> -> memref<1x100x128xf32, #tpu.memory_space<vmem>>
      %dma_start3A_733 = tpu.memref_squeeze %dma_start3A_732 : memref<1x100x128xf32, #tpu.memory_space<vmem>> -> memref<100x128xf32, #tpu.memory_space<vmem>>
      %dma_start3A_734 = arith.constant 0 : i32
      %dma_start3A_735 = tpu.memref_slice %arg6[%add3A_728, %dma_start3A_734] : memref<64x100xi32, #tpu.memory_space<vmem>> -> memref<1x100xi32, #tpu.memory_space<vmem>>
      %dma_start3A_736 = tpu.memref_squeeze %dma_start3A_735 : memref<1x100xi32, #tpu.memory_space<vmem>> -> memref<100xi32, #tpu.memory_space<vmem>>
      %dma_start3A_737 = arith.constant 0 : i32
      %dma_start3A_738 = arith.constant 0 : i32
      %dma_start3A_739 = tpu.memref_slice %arg9[%dma_start3A_737, %dma_start3A_738] : memref<1000x128xf32, #tpu.memory_space<vmem_shared>> -> memref<1000x128xf32, #tpu.memory_space<vmem_shared>>
      tpu.enqueue_indirect_dma source(%dma_start3A_739 : memref<1000x128xf32, #tpu.memory_space<vmem_shared>>) target(%dma_start3A_733 : memref<100x128xf32, #tpu.memory_space<vmem>>) offsets(%dma_start3A_736 : memref<100xi32, #tpu.memory_space<vmem>>) semaphore(%arg10 : memref<!tpu.dma_semaphore, #tpu.memory_space<semaphore_mem>>)
      %scan3A_740 = arith.constant 0 : i32
      %scan3A_741 = arith.constant 0 : i32
      %scan3A_742 = arith.constant 200 : i32
      %scan3A_743 = arith.addi %scan3A_741, %scan3A_742 : i32
      %scan3A_744 = arith.constant 4 : i32
      scf.for %scan3A_764 = %scan3A_741 to %scan3A_743 step %scan3A_744  : i32 {
        %get3A = arith.index_cast %scan3A_764 : i32 to index
        %get3A_765 = arith.constant 0 : index
        %get3A_766 = tpu.vector_load %arg7[%get3A, %get3A_765] {strides = array<i32>} : memref<200x128xf32, #tpu.memory_space<vmem>>, vector<1x16xf32>,
        %get3A_767 = vector.shape_cast %get3A_766 : vector<1x16xf32> to vector<16xf32>
        %swap3A = arith.constant 2 : i32
        %swap3A_768 = arith.index_cast %swap3A : i32 to index
        %swap3A_769 = arith.index_cast %scan3A_764 : i32 to index
        %swap3A_770 = arith.constant 0 : index
        %swap3A_771 = tpu.vector_load %arg8[%swap3A_768, %swap3A_769, %swap3A_770] {strides = array<i32>} : memref<3x200x128xf32, #tpu.memory_space<vmem>>, vector<1x1x16xf32>,
        %swap3A_772 = vector.shape_cast %swap3A_771 : vector<1x1x16xf32> to vector<16xf32>
        %swap3A_773 = vector.shape_cast %get3A_767 : vector<16xf32> to vector<1x1x16xf32>
        tpu.vector_store %arg8[%swap3A_768, %swap3A_769, %swap3A_770], %swap3A_773 {add = true, strides = array<i32>} : memref<3x200x128xf32, #tpu.memory_space<vmem>>, vector<1x1x16xf32>,
        %get3A_774 = arith.index_cast %scan3A_764 : i32 to index
        %get3A_775 = arith.constant 16 : index
        %get3A_776 = tpu.vector_load %arg7[%get3A_774, %get3A_775] {strides = array<i32>} : memref<200x128xf32, #tpu.memory_space<vmem>>, vector<1x16xf32>,
        %get3A_777 = vector.shape_cast %get3A_776 : vector<1x16xf32> to vector<16xf32>
        %swap3A_778 = arith.constant 2 : i32
        %swap3A_779 = arith.index_cast %swap3A_778 : i32 to index
        %swap3A_780 = arith.index_cast %scan3A_764 : i32 to index
        %swap3A_781 = arith.constant 16 : index
        %swap3A_782 = tpu.vector_load %arg8[%swap3A_779, %swap3A_780, %swap3A_781] {strides = array<i32>} : memref<3x200x128xf32, #tpu.memory_space<vmem>>, vector<1x1x16xf32>,
        %swap3A_783 = vector.shape_cast %swap3A_782 : vector<1x1x16xf32> to vector<16xf32>
        %swap3A_784 = vector.shape_cast %get3A_777 : vector<16xf32> to vector<1x1x16xf32>
        tpu.vector_store %arg8[%swap3A_779, %swap3A_780, %swap3A_781], %swap3A_784 {add = true, strides = array<i32>} : memref<3x200x128xf32, #tpu.memory_space<vmem>>, vector<1x1x16xf32>,
        %get3A_785 = arith.index_cast %scan3A_764 : i32 to index
        %get3A_786 = arith.constant 32 : index
        %get3A_787 = tpu.vector_load %arg7[%get3A_785, %get3A_786] {strides = array<i32>} : memref<200x128xf32, #tpu.memory_space<vmem>>, vector<1x16xf32>,
        %get3A_788 = vector.shape_cast %get3A_787 : vector<1x16xf32> to vector<16xf32>
        %swap3A_789 = arith.constant 2 : i32
        %swap3A_790 = arith.index_cast %swap3A_789 : i32 to index
        %swap3A_791 = arith.index_cast %scan3A_764 : i32 to index
        %swap3A_792 = arith.constant 32 : index
        %swap3A_793 = tpu.vector_load %arg8[%swap3A_790, %swap3A_791, %swap3A_792] {strides = array<i32>} : memref<3x200x128xf32, #tpu.memory_space<vmem>>, vector<1x1x16xf32>,
        %swap3A_794 = vector.shape_cast %swap3A_793 : vector<1x1x16xf32> to vector<16xf32>
        %swap3A_795 = vector.shape_cast %get3A_788 : vector<16xf32> to vector<1x1x16xf32>
        tpu.vector_store %arg8[%swap3A_790, %swap3A_791, %swap3A_792], %swap3A_795 {add = true, strides = array<i32>} : memref<3x200x128xf32, #tpu.memory_space<vmem>>, vector<1x1x16xf32>,
        %get3A_796 = arith.index_cast %scan3A_764 : i32 to index
        %get3A_797 = arith.constant 48 : index
        %get3A_798 = tpu.vector_load %arg7[%get3A_796, %get3A_797] {strides = array<i32>} : memref<200x128xf32, #tpu.memory_space<vmem>>, vector<1x16xf32>,
        %get3A_799 = vector.shape_cast %get3A_798 : vector<1x16xf32> to vector<16xf32>
        %swap3A_800 = arith.constant 2 : i32
        %swap3A_801 = arith.index_cast %swap3A_800 : i32 to index
        %swap3A_802 = arith.index_cast %scan3A_764 : i32 to index
        %swap3A_803 = arith.constant 48 : index
        %swap3A_804 = tpu.vector_load %arg8[%swap3A_801, %swap3A_802, %swap3A_803] {strides = array<i32>} : memref<3x200x128xf32, #tpu.memory_space<vmem>>, vector<1x1x16xf32>,
        %swap3A_805 = vector.shape_cast %swap3A_804 : vector<1x1x16xf32> to vector<16xf32>
        %swap3A_806 = vector.shape_cast %get3A_799 : vector<16xf32> to vector<1x1x16xf32>
        tpu.vector_store %arg8[%swap3A_801, %swap3A_802, %swap3A_803], %swap3A_806 {add = true, strides = array<i32>} : memref<3x200x128xf32, #tpu.memory_space<vmem>>, vector<1x1x16xf32>,
        %get3A_807 = arith.index_cast %scan3A_764 : i32 to index
        %get3A_808 = arith.constant 64 : index
        %get3A_809 = tpu.vector_load %arg7[%get3A_807, %get3A_808] {strides = array<i32>} : memref<200x128xf32, #tpu.memory_space<vmem>>, vector<1x16xf32>,
        %get3A_810 = vector.shape_cast %get3A_809 : vector<1x16xf32> to vector<16xf32>
        %swap3A_811 = arith.constant 2 : i32
        %swap3A_812 = arith.index_cast %swap3A_811 : i32 to index
        %swap3A_813 = arith.index_cast %scan3A_764 : i32 to index
        %swap3A_814 = arith.constant 64 : index
        %swap3A_815 = tpu.vector_load %arg8[%swap3A_812, %swap3A_813, %swap3A_814] {strides = array<i32>} : memref<3x200x128xf32, #tpu.memory_space<vmem>>, vector<1x1x16xf32>,
        %swap3A_816 = vector.shape_cast %swap3A_815 : vector<1x1x16xf32> to vector<16xf32>
        %swap3A_817 = vector.shape_cast %get3A_810 : vector<16xf32> to vector<1x1x16xf32>
        tpu.vector_store %arg8[%swap3A_812, %swap3A_813, %swap3A_814], %swap3A_817 {add = true, strides = array<i32>} : memref<3x200x128xf32, #tpu.memory_space<vmem>>, vector<1x1x16xf32>,
        %get3A_818 = arith.index_cast %scan3A_764 : i32 to index
        %get3A_819 = arith.constant 80 : index
        %get3A_820 = tpu.vector_load %arg7[%get3A_818, %get3A_819] {strides = array<i32>} : memref<200x128xf32, #tpu.memory_space<vmem>>, vector<1x16xf32>,
        %get3A_821 = vector.shape_cast %get3A_820 : vector<1x16xf32> to vector<16xf32>
        %swap3A_822 = arith.constant 2 : i32
        %swap3A_823 = arith.index_cast %swap3A_822 : i32 to index
        %swap3A_824 = arith.index_cast %scan3A_764 : i32 to index
        %swap3A_825 = arith.constant 80 : index
        %swap3A_826 = tpu.vector_load %arg8[%swap3A_823, %swap3A_824, %swap3A_825] {strides = array<i32>} : memref<3x200x128xf32, #tpu.memory_space<vmem>>, vector<1x1x16xf32>,
        %swap3A_827 = vector.shape_cast %swap3A_826 : vector<1x1x16xf32> to vector<16xf32>
        %swap3A_828 = vector.shape_cast %get3A_821 : vector<16xf32> to vector<1x1x16xf32>
        tpu.vector_store %arg8[%swap3A_823, %swap3A_824, %swap3A_825], %swap3A_828 {add = true, strides = array<i32>} : memref<3x200x128xf32, #tpu.memory_space<vmem>>, vector<1x1x16xf32>,
        %get3A_829 = arith.index_cast %scan3A_764 : i32 to index
        %get3A_830 = arith.constant 96 : index
        %get3A_831 = tpu.vector_load %arg7[%get3A_829, %get3A_830] {strides = array<i32>} : memref<200x128xf32, #tpu.memory_space<vmem>>, vector<1x16xf32>,
        %get3A_832 = vector.shape_cast %get3A_831 : vector<1x16xf32> to vector<16xf32>
        %swap3A_833 = arith.constant 2 : i32
        %swap3A_834 = arith.index_cast %swap3A_833 : i32 to index
        %swap3A_835 = arith.index_cast %scan3A_764 : i32 to index
        %swap3A_836 = arith.constant 96 : index
        %swap3A_837 = tpu.vector_load %arg8[%swap3A_834, %swap3A_835, %swap3A_836] {strides = array<i32>} : memref<3x200x128xf32, #tpu.memory_space<vmem>>, vector<1x1x16xf32>,
        %swap3A_838 = vector.shape_cast %swap3A_837 : vector<1x1x16xf32> to vector<16xf32>
        %swap3A_839 = vector.shape_cast %get3A_832 : vector<16xf32> to vector<1x1x16xf32>
        tpu.vector_store %arg8[%swap3A_834, %swap3A_835, %swap3A_836], %swap3A_839 {add = true, strides = array<i32>} : memref<3x200x128xf32, #tpu.memory_space<vmem>>, vector<1x1x16xf32>,
        %get3A_840 = arith.index_cast %scan3A_764 : i32 to index
        %get3A_841 = arith.constant 112 : index
        %get3A_842 = tpu.vector_load %arg7[%get3A_840, %get3A_841] {strides = array<i32>} : memref<200x128xf32, #tpu.memory_space<vmem>>, vector<1x16xf32>,
        %get3A_843 = vector.shape_cast %get3A_842 : vector<1x16xf32> to vector<16xf32>
        %swap3A_844 = arith.constant 2 : i32
        %swap3A_845 = arith.index_cast %swap3A_844 : i32 to index
        %swap3A_846 = arith.index_cast %scan3A_764 : i32 to index
        %swap3A_847 = arith.constant 112 : index
        %swap3A_848 = tpu.vector_load %arg8[%swap3A_845, %swap3A_846, %swap3A_847] {strides = array<i32>} : memref<3x200x128xf32, #tpu.memory_space<vmem>>, vector<1x1x16xf32>,
        %swap3A_849 = vector.shape_cast %swap3A_848 : vector<1x1x16xf32> to vector<16xf32>
        %swap3A_850 = vector.shape_cast %get3A_843 : vector<16xf32> to vector<1x1x16xf32>
        tpu.vector_store %arg8[%swap3A_845, %swap3A_846, %swap3A_847], %swap3A_850 {add = true, strides = array<i32>} : memref<3x200x128xf32, #tpu.memory_space<vmem>>, vector<1x1x16xf32>,
        %scan3A_851 = arith.constant 1 : i32
        %scan3A_852 = arith.addi %scan3A_764, %scan3A_851 : i32
        %get3A_853 = arith.index_cast %scan3A_852 : i32 to index
        %get3A_854 = arith.constant 0 : index
        %get3A_855 = tpu.vector_load %arg7[%get3A_853, %get3A_854] {strides = array<i32>} : memref<200x128xf32, #tpu.memory_space<vmem>>, vector<1x16xf32>,
        %get3A_856 = vector.shape_cast %get3A_855 : vector<1x16xf32> to vector<16xf32>
        %swap3A_857 = arith.constant 2 : i32
        %swap3A_858 = arith.index_cast %swap3A_857 : i32 to index
        %swap3A_859 = arith.index_cast %scan3A_852 : i32 to index
        %swap3A_860 = arith.constant 0 : index
        %swap3A_861 = tpu.vector_load %arg8[%swap3A_858, %swap3A_859, %swap3A_860] {strides = array<i32>} : memref<3x200x128xf32, #tpu.memory_space<vmem>>, vector<1x1x16xf32>,
        %swap3A_862 = vector.shape_cast %swap3A_861 : vector<1x1x16xf32> to vector<16xf32>
        %swap3A_863 = vector.shape_cast %get3A_856 : vector<16xf32> to vector<1x1x16xf32>
        tpu.vector_store %arg8[%swap3A_858, %swap3A_859, %swap3A_860], %swap3A_863 {add = true, strides = array<i32>} : memref<3x200x128xf32, #tpu.memory_space<vmem>>, vector<1x1x16xf32>,
        %get3A_864 = arith.index_cast %scan3A_852 : i32 to index
        %get3A_865 = arith.constant 16 : index
        %get3A_866 = tpu.vector_load %arg7[%get3A_864, %get3A_865] {strides = array<i32>} : memref<200x128xf32, #tpu.memory_space<vmem>>, vector<1x16xf32>,
        %get3A_867 = vector.shape_cast %get3A_866 : vector<1x16xf32> to vector<16xf32>
        %swap3A_868 = arith.constant 2 : i32
        %swap3A_869 = arith.index_cast %swap3A_868 : i32 to index
        %swap3A_870 = arith.index_cast %scan3A_852 : i32 to index
        %swap3A_871 = arith.constant 16 : index
        %swap3A_872 = tpu.vector_load %arg8[%swap3A_869, %swap3A_870, %swap3A_871] {strides = array<i32>} : memref<3x200x128xf32, #tpu.memory_space<vmem>>, vector<1x1x16xf32>,
        %swap3A_873 = vector.shape_cast %swap3A_872 : vector<1x1x16xf32> to vector<16xf32>
        %swap3A_874 = vector.shape_cast %get3A_867 : vector<16xf32> to vector<1x1x16xf32>
        tpu.vector_store %arg8[%swap3A_869, %swap3A_870, %swap3A_871], %swap3A_874 {add = true, strides = array<i32>} : memref<3x200x128xf32, #tpu.memory_space<vmem>>, vector<1x1x16xf32>,
        %get3A_875 = arith.index_cast %scan3A_852 : i32 to index
        %get3A_876 = arith.constant 32 : index
        %get3A_877 = tpu.vector_load %arg7[%get3A_875, %get3A_876] {strides = array<i32>} : memref<200x128xf32, #tpu.memory_space<vmem>>, vector<1x16xf32>,
        %get3A_878 = vector.shape_cast %get3A_877 : vector<1x16xf32> to vector<16xf32>
        %swap3A_879 = arith.constant 2 : i32
        %swap3A_880 = arith.index_cast %swap3A_879 : i32 to index
        %swap3A_881 = arith.index_cast %scan3A_852 : i32 to index
        %swap3A_882 = arith.constant 32 : index
        %swap3A_883 = tpu.vector_load %arg8[%swap3A_880, %swap3A_881, %swap3A_882] {strides = array<i32>} : memref<3x200x128xf32, #tpu.memory_space<vmem>>, vector<1x1x16xf32>,
        %swap3A_884 = vector.shape_cast %swap3A_883 : vector<1x1x16xf32> to vector<16xf32>
        %swap3A_885 = vector.shape_cast %get3A_878 : vector<16xf32> to vector<1x1x16xf32>
        tpu.vector_store %arg8[%swap3A_880, %swap3A_881, %swap3A_882], %swap3A_885 {add = true, strides = array<i32>} : memref<3x200x128xf32, #tpu.memory_space<vmem>>, vector<1x1x16xf32>,
        %get3A_886 = arith.index_cast %scan3A_852 : i32 to index
        %get3A_887 = arith.constant 48 : index
        %get3A_888 = tpu.vector_load %arg7[%get3A_886, %get3A_887] {strides = array<i32>} : memref<200x128xf32, #tpu.memory_space<vmem>>, vector<1x16xf32>,
        %get3A_889 = vector.shape_cast %get3A_888 : vector<1x16xf32> to vector<16xf32>
        %swap3A_890 = arith.constant 2 : i32
        %swap3A_891 = arith.index_cast %swap3A_890 : i32 to index
        %swap3A_892 = arith.index_cast %scan3A_852 : i32 to index
        %swap3A_893 = arith.constant 48 : index
        %swap3A_894 = tpu.vector_load %arg8[%swap3A_891, %swap3A_892, %swap3A_893] {strides = array<i32>} : memref<3x200x128xf32, #tpu.memory_space<vmem>>, vector<1x1x16xf32>,
        %swap3A_895 = vector.shape_cast %swap3A_894 : vector<1x1x16xf32> to vector<16xf32>
        %swap3A_896 = vector.shape_cast %get3A_889 : vector<16xf32> to vector<1x1x16xf32>
        tpu.vector_store %arg8[%swap3A_891, %swap3A_892, %swap3A_893], %swap3A_896 {add = true, strides = array<i32>} : memref<3x200x128xf32, #tpu.memory_space<vmem>>, vector<1x1x16xf32>,
        %get3A_897 = arith.index_cast %scan3A_852 : i32 to index
        %get3A_898 = arith.constant 64 : index
        %get3A_899 = tpu.vector_load %arg7[%get3A_897, %get3A_898] {strides = array<i32>} : memref<200x128xf32, #tpu.memory_space<vmem>>, vector<1x16xf32>,
        %get3A_900 = vector.shape_cast %get3A_899 : vector<1x16xf32> to vector<16xf32>
        %swap3A_901 = arith.constant 2 : i32
        %swap3A_902 = arith.index_cast %swap3A_901 : i32 to index
        %swap3A_903 = arith.index_cast %scan3A_852 : i32 to index
        %swap3A_904 = arith.constant 64 : index
        %swap3A_905 = tpu.vector_load %arg8[%swap3A_902, %swap3A_903, %swap3A_904] {strides = array<i32>} : memref<3x200x128xf32, #tpu.memory_space<vmem>>, vector<1x1x16xf32>,
        %swap3A_906 = vector.shape_cast %swap3A_905 : vector<1x1x16xf32> to vector<16xf32>
        %swap3A_907 = vector.shape_cast %get3A_900 : vector<16xf32> to vector<1x1x16xf32>
        tpu.vector_store %arg8[%swap3A_902, %swap3A_903, %swap3A_904], %swap3A_907 {add = true, strides = array<i32>} : memref<3x200x128xf32, #tpu.memory_space<vmem>>, vector<1x1x16xf32>,
        %get3A_908 = arith.index_cast %scan3A_852 : i32 to index
        %get3A_909 = arith.constant 80 : index
        %get3A_910 = tpu.vector_load %arg7[%get3A_908, %get3A_909] {strides = array<i32>} : memref<200x128xf32, #tpu.memory_space<vmem>>, vector<1x16xf32>,
        %get3A_911 = vector.shape_cast %get3A_910 : vector<1x16xf32> to vector<16xf32>
        %swap3A_912 = arith.constant 2 : i32
        %swap3A_913 = arith.index_cast %swap3A_912 : i32 to index
        %swap3A_914 = arith.index_cast %scan3A_852 : i32 to index
        %swap3A_915 = arith.constant 80 : index
        %swap3A_916 = tpu.vector_load %arg8[%swap3A_913, %swap3A_914, %swap3A_915] {strides = array<i32>} : memref<3x200x128xf32, #tpu.memory_space<vmem>>, vector<1x1x16xf32>,
        %swap3A_917 = vector.shape_cast %swap3A_916 : vector<1x1x16xf32> to vector<16xf32>
        %swap3A_918 = vector.shape_cast %get3A_911 : vector<16xf32> to vector<1x1x16xf32>
        tpu.vector_store %arg8[%swap3A_913, %swap3A_914, %swap3A_915], %swap3A_918 {add = true, strides = array<i32>} : memref<3x200x128xf32, #tpu.memory_space<vmem>>, vector<1x1x16xf32>,
        %get3A_919 = arith.index_cast %scan3A_852 : i32 to index
        %get3A_920 = arith.constant 96 : index
        %get3A_921 = tpu.vector_load %arg7[%get3A_919, %get3A_920] {strides = array<i32>} : memref<200x128xf32, #tpu.memory_space<vmem>>, vector<1x16xf32>,
        %get3A_922 = vector.shape_cast %get3A_921 : vector<1x16xf32> to vector<16xf32>
        %swap3A_923 = arith.constant 2 : i32
        %swap3A_924 = arith.index_cast %swap3A_923 : i32 to index
        %swap3A_925 = arith.index_cast %scan3A_852 : i32 to index
        %swap3A_926 = arith.constant 96 : index
        %swap3A_927 = tpu.vector_load %arg8[%swap3A_924, %swap3A_925, %swap3A_926] {strides = array<i32>} : memref<3x200x128xf32, #tpu.memory_space<vmem>>, vector<1x1x16xf32>,
        %swap3A_928 = vector.shape_cast %swap3A_927 : vector<1x1x16xf32> to vector<16xf32>
        %swap3A_929 = vector.shape_cast %get3A_922 : vector<16xf32> to vector<1x1x16xf32>
        tpu.vector_store %arg8[%swap3A_924, %swap3A_925, %swap3A_926], %swap3A_929 {add = true, strides = array<i32>} : memref<3x200x128xf32, #tpu.memory_space<vmem>>, vector<1x1x16xf32>,
        %get3A_930 = arith.index_cast %scan3A_852 : i32 to index
        %get3A_931 = arith.constant 112 : index
        %get3A_932 = tpu.vector_load %arg7[%get3A_930, %get3A_931] {strides = array<i32>} : memref<200x128xf32, #tpu.memory_space<vmem>>, vector<1x16xf32>,
        %get3A_933 = vector.shape_cast %get3A_932 : vector<1x16xf32> to vector<16xf32>
        %swap3A_934 = arith.constant 2 : i32
        %swap3A_935 = arith.index_cast %swap3A_934 : i32 to index
        %swap3A_936 = arith.index_cast %scan3A_852 : i32 to index
        %swap3A_937 = arith.constant 112 : index
        %swap3A_938 = tpu.vector_load %arg8[%swap3A_935, %swap3A_936, %swap3A_937] {strides = array<i32>} : memref<3x200x128xf32, #tpu.memory_space<vmem>>, vector<1x1x16xf32>,
        %swap3A_939 = vector.shape_cast %swap3A_938 : vector<1x1x16xf32> to vector<16xf32>
        %swap3A_940 = vector.shape_cast %get3A_933 : vector<16xf32> to vector<1x1x16xf32>
        tpu.vector_store %arg8[%swap3A_935, %swap3A_936, %swap3A_937], %swap3A_940 {add = true, strides = array<i32>} : memref<3x200x128xf32, #tpu.memory_space<vmem>>, vector<1x1x16xf32>,
        %scan3A_941 = arith.constant 2 : i32
        %scan3A_942 = arith.addi %scan3A_764, %scan3A_941 : i32
        %get3A_943 = arith.index_cast %scan3A_942 : i32 to index
        %get3A_944 = arith.constant 0 : index
        %get3A_945 = tpu.vector_load %arg7[%get3A_943, %get3A_944] {strides = array<i32>} : memref<200x128xf32, #tpu.memory_space<vmem>>, vector<1x16xf32>,
        %get3A_946 = vector.shape_cast %get3A_945 : vector<1x16xf32> to vector<16xf32>
        %swap3A_947 = arith.constant 2 : i32
        %swap3A_948 = arith.index_cast %swap3A_947 : i32 to index
        %swap3A_949 = arith.index_cast %scan3A_942 : i32 to index
        %swap3A_950 = arith.constant 0 : index
        %swap3A_951 = tpu.vector_load %arg8[%swap3A_948, %swap3A_949, %swap3A_950] {strides = array<i32>} : memref<3x200x128xf32, #tpu.memory_space<vmem>>, vector<1x1x16xf32>,
        %swap3A_952 = vector.shape_cast %swap3A_951 : vector<1x1x16xf32> to vector<16xf32>
        %swap3A_953 = vector.shape_cast %get3A_946 : vector<16xf32> to vector<1x1x16xf32>
        tpu.vector_store %arg8[%swap3A_948, %swap3A_949, %swap3A_950], %swap3A_953 {add = true, strides = array<i32>} : memref<3x200x128xf32, #tpu.memory_space<vmem>>, vector<1x1x16xf32>,
        %get3A_954 = arith.index_cast %scan3A_942 : i32 to index
        %get3A_955 = arith.constant 16 : index
        %get3A_956 = tpu.vector_load %arg7[%get3A_954, %get3A_955] {strides = array<i32>} : memref<200x128xf32, #tpu.memory_space<vmem>>, vector<1x16xf32>,
        %get3A_957 = vector.shape_cast %get3A_956 : vector<1x16xf32> to vector<16xf32>
        %swap3A_958 = arith.constant 2 : i32
        %swap3A_959 = arith.index_cast %swap3A_958 : i32 to index
        %swap3A_960 = arith.index_cast %scan3A_942 : i32 to index
        %swap3A_961 = arith.constant 16 : index
        %swap3A_962 = tpu.vector_load %arg8[%swap3A_959, %swap3A_960, %swap3A_961] {strides = array<i32>} : memref<3x200x128xf32, #tpu.memory_space<vmem>>, vector<1x1x16xf32>,
        %swap3A_963 = vector.shape_cast %swap3A_962 : vector<1x1x16xf32> to vector<16xf32>
        %swap3A_964 = vector.shape_cast %get3A_957 : vector<16xf32> to vector<1x1x16xf32>
        tpu.vector_store %arg8[%swap3A_959, %swap3A_960, %swap3A_961], %swap3A_964 {add = true, strides = array<i32>} : memref<3x200x128xf32, #tpu.memory_space<vmem>>, vector<1x1x16xf32>,
        %get3A_965 = arith.index_cast %scan3A_942 : i32 to index
        %get3A_966 = arith.constant 32 : index
        %get3A_967 = tpu.vector_load %arg7[%get3A_965, %get3A_966] {strides = array<i32>} : memref<200x128xf32, #tpu.memory_space<vmem>>, vector<1x16xf32>,
        %get3A_968 = vector.shape_cast %get3A_967 : vector<1x16xf32> to vector<16xf32>
        %swap3A_969 = arith.constant 2 : i32
        %swap3A_970 = arith.index_cast %swap3A_969 : i32 to index
        %swap3A_971 = arith.index_cast %scan3A_942 : i32 to index
        %swap3A_972 = arith.constant 32 : index
        %swap3A_973 = tpu.vector_load %arg8[%swap3A_970, %swap3A_971, %swap3A_972] {strides = array<i32>} : memref<3x200x128xf32, #tpu.memory_space<vmem>>, vector<1x1x16xf32>,
        %swap3A_974 = vector.shape_cast %swap3A_973 : vector<1x1x16xf32> to vector<16xf32>
        %swap3A_975 = vector.shape_cast %get3A_968 : vector<16xf32> to vector<1x1x16xf32>
        tpu.vector_store %arg8[%swap3A_970, %swap3A_971, %swap3A_972], %swap3A_975 {add = true, strides = array<i32>} : memref<3x200x128xf32, #tpu.memory_space<vmem>>, vector<1x1x16xf32>,
        %get3A_976 = arith.index_cast %scan3A_942 : i32 to index
        %get3A_977 = arith.constant 48 : index
        %get3A_978 = tpu.vector_load %arg7[%get3A_976, %get3A_977] {strides = array<i32>} : memref<200x128xf32, #tpu.memory_space<vmem>>, vector<1x16xf32>,
        %get3A_979 = vector.shape_cast %get3A_978 : vector<1x16xf32> to vector<16xf32>
        %swap3A_980 = arith.constant 2 : i32
        %swap3A_981 = arith.index_cast %swap3A_980 : i32 to index
        %swap3A_982 = arith.index_cast %scan3A_942 : i32 to index
        %swap3A_983 = arith.constant 48 : index
        %swap3A_984 = tpu.vector_load %arg8[%swap3A_981, %swap3A_982, %swap3A_983] {strides = array<i32>} : memref<3x200x128xf32, #tpu.memory_space<vmem>>, vector<1x1x16xf32>,
        %swap3A_985 = vector.shape_cast %swap3A_984 : vector<1x1x16xf32> to vector<16xf32>
        %swap3A_986 = vector.shape_cast %get3A_979 : vector<16xf32> to vector<1x1x16xf32>
        tpu.vector_store %arg8[%swap3A_981, %swap3A_982, %swap3A_983], %swap3A_986 {add = true, strides = array<i32>} : memref<3x200x128xf32, #tpu.memory_space<vmem>>, vector<1x1x16xf32>,
        %get3A_987 = arith.index_cast %scan3A_942 : i32 to index
        %get3A_988 = arith.constant 64 : index
        %get3A_989 = tpu.vector_load %arg7[%get3A_987, %get3A_988] {strides = array<i32>} : memref<200x128xf32, #tpu.memory_space<vmem>>, vector<1x16xf32>,
        %get3A_990 = vector.shape_cast %get3A_989 : vector<1x16xf32> to vector<16xf32>
        %swap3A_991 = arith.constant 2 : i32
        %swap3A_992 = arith.index_cast %swap3A_991 : i32 to index
        %swap3A_993 = arith.index_cast %scan3A_942 : i32 to index
        %swap3A_994 = arith.constant 64 : index
        %swap3A_995 = tpu.vector_load %arg8[%swap3A_992, %swap3A_993, %swap3A_994] {strides = array<i32>} : memref<3x200x128xf32, #tpu.memory_space<vmem>>, vector<1x1x16xf32>,
        %swap3A_996 = vector.shape_cast %swap3A_995 : vector<1x1x16xf32> to vector<16xf32>
        %swap3A_997 = vector.shape_cast %get3A_990 : vector<16xf32> to vector<1x1x16xf32>
        tpu.vector_store %arg8[%swap3A_992, %swap3A_993, %swap3A_994], %swap3A_997 {add = true, strides = array<i32>} : memref<3x200x128xf32, #tpu.memory_space<vmem>>, vector<1x1x16xf32>,
        %get3A_998 = arith.index_cast %scan3A_942 : i32 to index
        %get3A_999 = arith.constant 80 : index
        %get3A_1000 = tpu.vector_load %arg7[%get3A_998, %get3A_999] {strides = array<i32>} : memref<200x128xf32, #tpu.memory_space<vmem>>, vector<1x16xf32>,
        %get3A_1001 = vector.shape_cast %get3A_1000 : vector<1x16xf32> to vector<16xf32>
        %swap3A_1002 = arith.constant 2 : i32
        %swap3A_1003 = arith.index_cast %swap3A_1002 : i32 to index
        %swap3A_1004 = arith.index_cast %scan3A_942 : i32 to index
        %swap3A_1005 = arith.constant 80 : index
        %swap3A_1006 = tpu.vector_load %arg8[%swap3A_1003, %swap3A_1004, %swap3A_1005] {strides = array<i32>} : memref<3x200x128xf32, #tpu.memory_space<vmem>>, vector<1x1x16xf32>,
        %swap3A_1007 = vector.shape_cast %swap3A_1006 : vector<1x1x16xf32> to vector<16xf32>
        %swap3A_1008 = vector.shape_cast %get3A_1001 : vector<16xf32> to vector<1x1x16xf32>
        tpu.vector_store %arg8[%swap3A_1003, %swap3A_1004, %swap3A_1005], %swap3A_1008 {add = true, strides = array<i32>} : memref<3x200x128xf32, #tpu.memory_space<vmem>>, vector<1x1x16xf32>,
        %get3A_1009 = arith.index_cast %scan3A_942 : i32 to index
        %get3A_1010 = arith.constant 96 : index
        %get3A_1011 = tpu.vector_load %arg7[%get3A_1009, %get3A_1010] {strides = array<i32>} : memref<200x128xf32, #tpu.memory_space<vmem>>, vector<1x16xf32>,
        %get3A_1012 = vector.shape_cast %get3A_1011 : vector<1x16xf32> to vector<16xf32>
        %swap3A_1013 = arith.constant 2 : i32
        %swap3A_1014 = arith.index_cast %swap3A_1013 : i32 to index
        %swap3A_1015 = arith.index_cast %scan3A_942 : i32 to index
        %swap3A_1016 = arith.constant 96 : index
        %swap3A_1017 = tpu.vector_load %arg8[%swap3A_1014, %swap3A_1015, %swap3A_1016] {strides = array<i32>} : memref<3x200x128xf32, #tpu.memory_space<vmem>>, vector<1x1x16xf32>,
        %swap3A_1018 = vector.shape_cast %swap3A_1017 : vector<1x1x16xf32> to vector<16xf32>
        %swap3A_1019 = vector.shape_cast %get3A_1012 : vector<16xf32> to vector<1x1x16xf32>
        tpu.vector_store %arg8[%swap3A_1014, %swap3A_1015, %swap3A_1016], %swap3A_1019 {add = true, strides = array<i32>} : memref<3x200x128xf32, #tpu.memory_space<vmem>>, vector<1x1x16xf32>,
        %get3A_1020 = arith.index_cast %scan3A_942 : i32 to index
        %get3A_1021 = arith.constant 112 : index
        %get3A_1022 = tpu.vector_load %arg7[%get3A_1020, %get3A_1021] {strides = array<i32>} : memref<200x128xf32, #tpu.memory_space<vmem>>, vector<1x16xf32>,
        %get3A_1023 = vector.shape_cast %get3A_1022 : vector<1x16xf32> to vector<16xf32>
        %swap3A_1024 = arith.constant 2 : i32
        %swap3A_1025 = arith.index_cast %swap3A_1024 : i32 to index
        %swap3A_1026 = arith.index_cast %scan3A_942 : i32 to index
        %swap3A_1027 = arith.constant 112 : index
        %swap3A_1028 = tpu.vector_load %arg8[%swap3A_1025, %swap3A_1026, %swap3A_1027] {strides = array<i32>} : memref<3x200x128xf32, #tpu.memory_space<vmem>>, vector<1x1x16xf32>,
        %swap3A_1029 = vector.shape_cast %swap3A_1028 : vector<1x1x16xf32> to vector<16xf32>
        %swap3A_1030 = vector.shape_cast %get3A_1023 : vector<16xf32> to vector<1x1x16xf32>
        tpu.vector_store %arg8[%swap3A_1025, %swap3A_1026, %swap3A_1027], %swap3A_1030 {add = true, strides = array<i32>} : memref<3x200x128xf32, #tpu.memory_space<vmem>>, vector<1x1x16xf32>,
        %scan3A_1031 = arith.constant 3 : i32
        %scan3A_1032 = arith.addi %scan3A_764, %scan3A_1031 : i32
        %get3A_1033 = arith.index_cast %scan3A_1032 : i32 to index
        %get3A_1034 = arith.constant 0 : index
        %get3A_1035 = tpu.vector_load %arg7[%get3A_1033, %get3A_1034] {strides = array<i32>} : memref<200x128xf32, #tpu.memory_space<vmem>>, vector<1x16xf32>,
        %get3A_1036 = vector.shape_cast %get3A_1035 : vector<1x16xf32> to vector<16xf32>
        %swap3A_1037 = arith.constant 2 : i32
        %swap3A_1038 = arith.index_cast %swap3A_1037 : i32 to index
        %swap3A_1039 = arith.index_cast %scan3A_1032 : i32 to index
        %swap3A_1040 = arith.constant 0 : index
        %swap3A_1041 = tpu.vector_load %arg8[%swap3A_1038, %swap3A_1039, %swap3A_1040] {strides = array<i32>} : memref<3x200x128xf32, #tpu.memory_space<vmem>>, vector<1x1x16xf32>,
        %swap3A_1042 = vector.shape_cast %swap3A_1041 : vector<1x1x16xf32> to vector<16xf32>
        %swap3A_1043 = vector.shape_cast %get3A_1036 : vector<16xf32> to vector<1x1x16xf32>
        tpu.vector_store %arg8[%swap3A_1038, %swap3A_1039, %swap3A_1040], %swap3A_1043 {add = true, strides = array<i32>} : memref<3x200x128xf32, #tpu.memory_space<vmem>>, vector<1x1x16xf32>,
        %get3A_1044 = arith.index_cast %scan3A_1032 : i32 to index
        %get3A_1045 = arith.constant 16 : index
        %get3A_1046 = tpu.vector_load %arg7[%get3A_1044, %get3A_1045] {strides = array<i32>} : memref<200x128xf32, #tpu.memory_space<vmem>>, vector<1x16xf32>,
        %get3A_1047 = vector.shape_cast %get3A_1046 : vector<1x16xf32> to vector<16xf32>
        %swap3A_1048 = arith.constant 2 : i32
        %swap3A_1049 = arith.index_cast %swap3A_1048 : i32 to index
        %swap3A_1050 = arith.index_cast %scan3A_1032 : i32 to index
        %swap3A_1051 = arith.constant 16 : index
        %swap3A_1052 = tpu.vector_load %arg8[%swap3A_1049, %swap3A_1050, %swap3A_1051] {strides = array<i32>} : memref<3x200x128xf32, #tpu.memory_space<vmem>>, vector<1x1x16xf32>,
        %swap3A_1053 = vector.shape_cast %swap3A_1052 : vector<1x1x16xf32> to vector<16xf32>
        %swap3A_1054 = vector.shape_cast %get3A_1047 : vector<16xf32> to vector<1x1x16xf32>
        tpu.vector_store %arg8[%swap3A_1049, %swap3A_1050, %swap3A_1051], %swap3A_1054 {add = true, strides = array<i32>} : memref<3x200x128xf32, #tpu.memory_space<vmem>>, vector<1x1x16xf32>,
        %get3A_1055 = arith.index_cast %scan3A_1032 : i32 to index
        %get3A_1056 = arith.constant 32 : index
        %get3A_1057 = tpu.vector_load %arg7[%get3A_1055, %get3A_1056] {strides = array<i32>} : memref<200x128xf32, #tpu.memory_space<vmem>>, vector<1x16xf32>,
        %get3A_1058 = vector.shape_cast %get3A_1057 : vector<1x16xf32> to vector<16xf32>
        %swap3A_1059 = arith.constant 2 : i32
        %swap3A_1060 = arith.index_cast %swap3A_1059 : i32 to index
        %swap3A_1061 = arith.index_cast %scan3A_1032 : i32 to index
        %swap3A_1062 = arith.constant 32 : index
        %swap3A_1063 = tpu.vector_load %arg8[%swap3A_1060, %swap3A_1061, %swap3A_1062] {strides = array<i32>} : memref<3x200x128xf32, #tpu.memory_space<vmem>>, vector<1x1x16xf32>,
        %swap3A_1064 = vector.shape_cast %swap3A_1063 : vector<1x1x16xf32> to vector<16xf32>
        %swap3A_1065 = vector.shape_cast %get3A_1058 : vector<16xf32> to vector<1x1x16xf32>
        tpu.vector_store %arg8[%swap3A_1060, %swap3A_1061, %swap3A_1062], %swap3A_1065 {add = true, strides = array<i32>} : memref<3x200x128xf32, #tpu.memory_space<vmem>>, vector<1x1x16xf32>,
        %get3A_1066 = arith.index_cast %scan3A_1032 : i32 to index
        %get3A_1067 = arith.constant 48 : index
        %get3A_1068 = tpu.vector_load %arg7[%get3A_1066, %get3A_1067] {strides = array<i32>} : memref<200x128xf32, #tpu.memory_space<vmem>>, vector<1x16xf32>,
        %get3A_1069 = vector.shape_cast %get3A_1068 : vector<1x16xf32> to vector<16xf32>
        %swap3A_1070 = arith.constant 2 : i32
        %swap3A_1071 = arith.index_cast %swap3A_1070 : i32 to index
        %swap3A_1072 = arith.index_cast %scan3A_1032 : i32 to index
        %swap3A_1073 = arith.constant 48 : index
        %swap3A_1074 = tpu.vector_load %arg8[%swap3A_1071, %swap3A_1072, %swap3A_1073] {strides = array<i32>} : memref<3x200x128xf32, #tpu.memory_space<vmem>>, vector<1x1x16xf32>,
        %swap3A_1075 = vector.shape_cast %swap3A_1074 : vector<1x1x16xf32> to vector<16xf32>
        %swap3A_1076 = vector.shape_cast %get3A_1069 : vector<16xf32> to vector<1x1x16xf32>
        tpu.vector_store %arg8[%swap3A_1071, %swap3A_1072, %swap3A_1073], %swap3A_1076 {add = true, strides = array<i32>} : memref<3x200x128xf32, #tpu.memory_space<vmem>>, vector<1x1x16xf32>,
        %get3A_1077 = arith.index_cast %scan3A_1032 : i32 to index
        %get3A_1078 = arith.constant 64 : index
        %get3A_1079 = tpu.vector_load %arg7[%get3A_1077, %get3A_1078] {strides = array<i32>} : memref<200x128xf32, #tpu.memory_space<vmem>>, vector<1x16xf32>,
        %get3A_1080 = vector.shape_cast %get3A_1079 : vector<1x16xf32> to vector<16xf32>
        %swap3A_1081 = arith.constant 2 : i32
        %swap3A_1082 = arith.index_cast %swap3A_1081 : i32 to index
        %swap3A_1083 = arith.index_cast %scan3A_1032 : i32 to index
        %swap3A_1084 = arith.constant 64 : index
        %swap3A_1085 = tpu.vector_load %arg8[%swap3A_1082, %swap3A_1083, %swap3A_1084] {strides = array<i32>} : memref<3x200x128xf32, #tpu.memory_space<vmem>>, vector<1x1x16xf32>,
        %swap3A_1086 = vector.shape_cast %swap3A_1085 : vector<1x1x16xf32> to vector<16xf32>
        %swap3A_1087 = vector.shape_cast %get3A_1080 : vector<16xf32> to vector<1x1x16xf32>
        tpu.vector_store %arg8[%swap3A_1082, %swap3A_1083, %swap3A_1084], %swap3A_1087 {add = true, strides = array<i32>} : memref<3x200x128xf32, #tpu.memory_space<vmem>>, vector<1x1x16xf32>,
        %get3A_1088 = arith.index_cast %scan3A_1032 : i32 to index
        %get3A_1089 = arith.constant 80 : index
        %get3A_1090 = tpu.vector_load %arg7[%get3A_1088, %get3A_1089] {strides = array<i32>} : memref<200x128xf32, #tpu.memory_space<vmem>>, vector<1x16xf32>,
        %get3A_1091 = vector.shape_cast %get3A_1090 : vector<1x16xf32> to vector<16xf32>
        %swap3A_1092 = arith.constant 2 : i32
        %swap3A_1093 = arith.index_cast %swap3A_1092 : i32 to index
        %swap3A_1094 = arith.index_cast %scan3A_1032 : i32 to index
        %swap3A_1095 = arith.constant 80 : index
        %swap3A_1096 = tpu.vector_load %arg8[%swap3A_1093, %swap3A_1094, %swap3A_1095] {strides = array<i32>} : memref<3x200x128xf32, #tpu.memory_space<vmem>>, vector<1x1x16xf32>,
        %swap3A_1097 = vector.shape_cast %swap3A_1096 : vector<1x1x16xf32> to vector<16xf32>
        %swap3A_1098 = vector.shape_cast %get3A_1091 : vector<16xf32> to vector<1x1x16xf32>
        tpu.vector_store %arg8[%swap3A_1093, %swap3A_1094, %swap3A_1095], %swap3A_1098 {add = true, strides = array<i32>} : memref<3x200x128xf32, #tpu.memory_space<vmem>>, vector<1x1x16xf32>,
        %get3A_1099 = arith.index_cast %scan3A_1032 : i32 to index
        %get3A_1100 = arith.constant 96 : index
        %get3A_1101 = tpu.vector_load %arg7[%get3A_1099, %get3A_1100] {strides = array<i32>} : memref<200x128xf32, #tpu.memory_space<vmem>>, vector<1x16xf32>,
        %get3A_1102 = vector.shape_cast %get3A_1101 : vector<1x16xf32> to vector<16xf32>
        %swap3A_1103 = arith.constant 2 : i32
        %swap3A_1104 = arith.index_cast %swap3A_1103 : i32 to index
        %swap3A_1105 = arith.index_cast %scan3A_1032 : i32 to index
        %swap3A_1106 = arith.constant 96 : index
        %swap3A_1107 = tpu.vector_load %arg8[%swap3A_1104, %swap3A_1105, %swap3A_1106] {strides = array<i32>} : memref<3x200x128xf32, #tpu.memory_space<vmem>>, vector<1x1x16xf32>,
        %swap3A_1108 = vector.shape_cast %swap3A_1107 : vector<1x1x16xf32> to vector<16xf32>
        %swap3A_1109 = vector.shape_cast %get3A_1102 : vector<16xf32> to vector<1x1x16xf32>
        tpu.vector_store %arg8[%swap3A_1104, %swap3A_1105, %swap3A_1106], %swap3A_1109 {add = true, strides = array<i32>} : memref<3x200x128xf32, #tpu.memory_space<vmem>>, vector<1x1x16xf32>,
        %get3A_1110 = arith.index_cast %scan3A_1032 : i32 to index
        %get3A_1111 = arith.constant 112 : index
        %get3A_1112 = tpu.vector_load %arg7[%get3A_1110, %get3A_1111] {strides = array<i32>} : memref<200x128xf32, #tpu.memory_space<vmem>>, vector<1x16xf32>,
        %get3A_1113 = vector.shape_cast %get3A_1112 : vector<1x16xf32> to vector<16xf32>
        %swap3A_1114 = arith.constant 2 : i32
        %swap3A_1115 = arith.index_cast %swap3A_1114 : i32 to index
        %swap3A_1116 = arith.index_cast %scan3A_1032 : i32 to index
        %swap3A_1117 = arith.constant 112 : index
        %swap3A_1118 = tpu.vector_load %arg8[%swap3A_1115, %swap3A_1116, %swap3A_1117] {strides = array<i32>} : memref<3x200x128xf32, #tpu.memory_space<vmem>>, vector<1x1x16xf32>,
        %swap3A_1119 = vector.shape_cast %swap3A_1118 : vector<1x1x16xf32> to vector<16xf32>
        %swap3A_1120 = vector.shape_cast %get3A_1113 : vector<16xf32> to vector<1x1x16xf32>
        tpu.vector_store %arg8[%swap3A_1115, %swap3A_1116, %swap3A_1117], %swap3A_1120 {add = true, strides = array<i32>} : memref<3x200x128xf32, #tpu.memory_space<vmem>>, vector<1x1x16xf32>,
      }
      %scan3A_745 = arith.constant 200 : i32
      %add3A_746 = arith.addi %mul3A_2, %add3A_667 : i32
      %dma_start3A_747 = arith.constant 2 : i32
      %dma_start3A_748 = arith.constant 0 : i32
      %dma_start3A_749 = arith.constant 0 : i32
      %dma_start3A_750 = tpu.memref_slice %arg8[%dma_start3A_747, %dma_start3A_748, %dma_start3A_749] : memref<3x200x128xf32, #tpu.memory_space<vmem>> -> memref<1x200x128xf32, #tpu.memory_space<vmem>>
      %dma_start3A_751 = tpu.memref_squeeze %dma_start3A_750 : memref<1x200x128xf32, #tpu.memory_space<vmem>> -> memref<200x128xf32, #tpu.memory_space<vmem>>
      %dma_start3A_752 = arith.constant 0 : i32
      %dma_start3A_753 = arith.constant 0 : i32
      %dma_start3A_754 = tpu.memref_slice %arg5[%add3A_746, %dma_start3A_752, %dma_start3A_753] : memref<1024x200x128xf32, #tpu.memory_space<hbm>> -> memref<1x200x128xf32, #tpu.memory_space<hbm>>
      %dma_start3A_755 = tpu.memref_squeeze %dma_start3A_754 : memref<1x200x128xf32, #tpu.memory_space<hbm>> -> memref<200x128xf32, #tpu.memory_space<hbm>>
      %dma_start3A_756 = arith.constant 0 : i32
      %dma_start3A_757 = arith.constant 0 : i32
      %dma_start3A_758 = tpu.memref_slice %arg5[%add3A_746, %dma_start3A_756, %dma_start3A_757] : memref<1024x200x128xf32, #tpu.memory_space<hbm>> -> memref<1x200x128xf32, #tpu.memory_space<hbm>>
      %dma_start3A_759 = tpu.memref_squeeze %dma_start3A_758 : memref<1x200x128xf32, #tpu.memory_space<hbm>> -> memref<200x128xf32, #tpu.memory_space<hbm>>
      %dma_start3A_760 = arith.constant 0 : i32
      %dma_start3A_761 = arith.constant 0 : i32
      %dma_start3A_762 = tpu.memref_slice %arg8[%dma_start3A_747, %dma_start3A_760, %dma_start3A_761] : memref<3x200x128xf32, #tpu.memory_space<vmem>> -> memref<1x200x128xf32, #tpu.memory_space<vmem>>
      %dma_start3A_763 = tpu.memref_squeeze %dma_start3A_762 : memref<1x200x128xf32, #tpu.memory_space<vmem>> -> memref<200x128xf32, #tpu.memory_space<vmem>>
      tpu.enqueue_dma source(%dma_start3A_763 : memref<200x128xf32, #tpu.memory_space<vmem>>) target(%dma_start3A_759 : memref<200x128xf32, #tpu.memory_space<hbm>>) target_semaphore(%arg15 : memref<!tpu.dma_semaphore, #tpu.memory_space<semaphore_mem>>)
    }
    %scan3A_268 = arith.constant 9 : i32
    %dma_wait3A_269 = arith.constant 0 : i32
    %dma_wait3A_270 = arith.constant 0 : i32
    %dma_wait3A_271 = arith.constant 0 : i32
    %dma_wait3A_272 = arith.constant 0 : i32
    %dma_wait3A_273 = tpu.memref_slice %arg8[%dma_wait3A_270, %dma_wait3A_271, %dma_wait3A_272] : memref<3x200x128xf32, #tpu.memory_space<vmem>> -> memref<1x100x128xf32, #tpu.memory_space<vmem>>
    %dma_wait3A_274 = tpu.memref_squeeze %dma_wait3A_273 : memref<1x100x128xf32, #tpu.memory_space<vmem>> -> memref<100x128xf32, #tpu.memory_space<vmem>>
    %dma_wait3A_275 = arith.constant 0 : i32
    %dma_wait3A_276 = tpu.memref_slice %arg6[%dma_wait3A_269, %dma_wait3A_275] : memref<64x100xi32, #tpu.memory_space<vmem>> -> memref<1x100xi32, #tpu.memory_space<vmem>>
    %dma_wait3A_277 = tpu.memref_squeeze %dma_wait3A_276 : memref<1x100xi32, #tpu.memory_space<vmem>> -> memref<100xi32, #tpu.memory_space<vmem>>
    %dma_wait3A_278 = arith.constant 0 : i32
    %dma_wait3A_279 = arith.constant 0 : i32
    %dma_wait3A_280 = tpu.memref_slice %arg9[%dma_wait3A_278, %dma_wait3A_279] : memref<1000x128xf32, #tpu.memory_space<vmem_shared>> -> memref<1000x128xf32, #tpu.memory_space<vmem_shared>>
    tpu.wait_indirect_dma semaphore(%arg10 : memref<!tpu.dma_semaphore, #tpu.memory_space<semaphore_mem>>) src(%dma_wait3A_280 : memref<1000x128xf32, #tpu.memory_space<vmem_shared>>) dst(%dma_wait3A_274 : memref<100x128xf32, #tpu.memory_space<vmem>>)
    %dma_wait3A_281 = arith.constant 0 : i32
    %dma_wait3A_282 = arith.constant 0 : i32
    %dma_wait3A_283 = arith.constant 100 : i32
    %dma_wait3A_284 = arith.constant 0 : i32
    %dma_wait3A_285 = tpu.memref_slice %arg8[%dma_wait3A_282, %dma_wait3A_283, %dma_wait3A_284] : memref<3x200x128xf32, #tpu.memory_space<vmem>> -> memref<1x100x128xf32, #tpu.memory_space<vmem>>
    %dma_wait3A_286 = tpu.memref_squeeze %dma_wait3A_285 : memref<1x100x128xf32, #tpu.memory_space<vmem>> -> memref<100x128xf32, #tpu.memory_space<vmem>>
    %dma_wait3A_287 = arith.constant 0 : i32
    %dma_wait3A_288 = tpu.memref_slice %arg6[%dma_wait3A_281, %dma_wait3A_287] : memref<64x100xi32, #tpu.memory_space<vmem>> -> memref<1x100xi32, #tpu.memory_space<vmem>>
    %dma_wait3A_289 = tpu.memref_squeeze %dma_wait3A_288 : memref<1x100xi32, #tpu.memory_space<vmem>> -> memref<100xi32, #tpu.memory_space<vmem>>
    %dma_wait3A_290 = arith.constant 0 : i32
    %dma_wait3A_291 = arith.constant 0 : i32
    %dma_wait3A_292 = tpu.memref_slice %arg9[%dma_wait3A_290, %dma_wait3A_291] : memref<1000x128xf32, #tpu.memory_space<vmem_shared>> -> memref<1000x128xf32, #tpu.memory_space<vmem_shared>>
    tpu.wait_indirect_dma semaphore(%arg10 : memref<!tpu.dma_semaphore, #tpu.memory_space<semaphore_mem>>) src(%dma_wait3A_292 : memref<1000x128xf32, #tpu.memory_space<vmem_shared>>) dst(%dma_wait3A_286 : memref<100x128xf32, #tpu.memory_space<vmem>>)
    %dma_wait3A_293 = arith.constant 1 : i32
    %dma_wait3A_294 = arith.constant 0 : i32
    %dma_wait3A_295 = arith.constant 0 : i32
    %dma_wait3A_296 = arith.constant 0 : i32
    %dma_wait3A_297 = tpu.memref_slice %arg8[%dma_wait3A_293, %dma_wait3A_295, %dma_wait3A_296] : memref<3x200x128xf32, #tpu.memory_space<vmem>> -> memref<1x200x128xf32, #tpu.memory_space<vmem>>
    %dma_wait3A_298 = tpu.memref_squeeze %dma_wait3A_297 : memref<1x200x128xf32, #tpu.memory_space<vmem>> -> memref<200x128xf32, #tpu.memory_space<vmem>>
    %dma_wait3A_299 = arith.constant 0 : i32
    %dma_wait3A_300 = arith.constant 0 : i32
    %dma_wait3A_301 = tpu.memref_slice %arg5[%dma_wait3A_294, %dma_wait3A_299, %dma_wait3A_300] : memref<1024x200x128xf32, #tpu.memory_space<hbm>> -> memref<1x200x128xf32, #tpu.memory_space<hbm>>
    %dma_wait3A_302 = tpu.memref_squeeze %dma_wait3A_301 : memref<1x200x128xf32, #tpu.memory_space<hbm>> -> memref<200x128xf32, #tpu.memory_space<hbm>>
    %dma_wait3A_303 = arith.constant 0 : i32
    %dma_wait3A_304 = arith.constant 0 : i32
    %dma_wait3A_305 = tpu.memref_slice %arg5[%dma_wait3A_294, %dma_wait3A_303, %dma_wait3A_304] : memref<1024x200x128xf32, #tpu.memory_space<hbm>> -> memref<1x200x128xf32, #tpu.memory_space<hbm>>
    %dma_wait3A_306 = tpu.memref_squeeze %dma_wait3A_305 : memref<1x200x128xf32, #tpu.memory_space<hbm>> -> memref<200x128xf32, #tpu.memory_space<hbm>>
    %dma_wait3A_307 = arith.constant 0 : i32
    %dma_wait3A_308 = arith.constant 0 : i32
    %dma_wait3A_309 = tpu.memref_slice %arg8[%dma_wait3A_293, %dma_wait3A_307, %dma_wait3A_308] : memref<3x200x128xf32, #tpu.memory_space<vmem>> -> memref<1x200x128xf32, #tpu.memory_space<vmem>>
    %dma_wait3A_310 = tpu.memref_squeeze %dma_wait3A_309 : memref<1x200x128xf32, #tpu.memory_space<vmem>> -> memref<200x128xf32, #tpu.memory_space<vmem>>
    tpu.wait_dma2 semaphore(%arg14 : memref<!tpu.dma_semaphore, #tpu.memory_space<semaphore_mem>>) src(%dma_wait3A_310 : memref<200x128xf32, #tpu.memory_space<vmem>>) dst(%dma_wait3A_306 : memref<200x128xf32, #tpu.memory_space<hbm>>)
    %dma_start3A_311 = arith.constant 62 : i32
    %dma_start3A_312 = arith.constant 1 : i32
    %dma_start3A_313 = arith.constant 0 : i32
    %dma_start3A_314 = arith.constant 0 : i32
    %dma_start3A_315 = tpu.memref_slice %arg8[%dma_start3A_312, %dma_start3A_313, %dma_start3A_314] : memref<3x200x128xf32, #tpu.memory_space<vmem>> -> memref<1x100x128xf32, #tpu.memory_space<vmem>>
    %dma_start3A_316 = tpu.memref_squeeze %dma_start3A_315 : memref<1x100x128xf32, #tpu.memory_space<vmem>> -> memref<100x128xf32, #tpu.memory_space<vmem>>
    %dma_start3A_317 = arith.constant 0 : i32
    %dma_start3A_318 = tpu.memref_slice %arg6[%dma_start3A_311, %dma_start3A_317] : memref<64x100xi32, #tpu.memory_space<vmem>> -> memref<1x100xi32, #tpu.memory_space<vmem>>
    %dma_start3A_319 = tpu.memref_squeeze %dma_start3A_318 : memref<1x100xi32, #tpu.memory_space<vmem>> -> memref<100xi32, #tpu.memory_space<vmem>>
    %dma_start3A_320 = arith.constant 0 : i32
    %dma_start3A_321 = arith.constant 0 : i32
    %dma_start3A_322 = tpu.memref_slice %arg9[%dma_start3A_320, %dma_start3A_321] : memref<1000x128xf32, #tpu.memory_space<vmem_shared>> -> memref<1000x128xf32, #tpu.memory_space<vmem_shared>>
    tpu.enqueue_indirect_dma source(%dma_start3A_322 : memref<1000x128xf32, #tpu.memory_space<vmem_shared>>) target(%dma_start3A_316 : memref<100x128xf32, #tpu.memory_space<vmem>>) offsets(%dma_start3A_319 : memref<100xi32, #tpu.memory_space<vmem>>) semaphore(%arg11 : memref<!tpu.dma_semaphore, #tpu.memory_space<semaphore_mem>>)
    %dma_start3A_323 = arith.constant 63 : i32
    %dma_start3A_324 = arith.constant 1 : i32
    %dma_start3A_325 = arith.constant 100 : i32
    %dma_start3A_326 = arith.constant 0 : i32
    %dma_start3A_327 = tpu.memref_slice %arg8[%dma_start3A_324, %dma_start3A_325, %dma_start3A_326] : memref<3x200x128xf32, #tpu.memory_space<vmem>> -> memref<1x100x128xf32, #tpu.memory_space<vmem>>
    %dma_start3A_328 = tpu.memref_squeeze %dma_start3A_327 : memref<1x100x128xf32, #tpu.memory_space<vmem>> -> memref<100x128xf32, #tpu.memory_space<vmem>>
    %dma_start3A_329 = arith.constant 0 : i32
    %dma_start3A_330 = tpu.memref_slice %arg6[%dma_start3A_323, %dma_start3A_329] : memref<64x100xi32, #tpu.memory_space<vmem>> -> memref<1x100xi32, #tpu.memory_space<vmem>>
    %dma_start3A_331 = tpu.memref_squeeze %dma_start3A_330 : memref<1x100xi32, #tpu.memory_space<vmem>> -> memref<100xi32, #tpu.memory_space<vmem>>
    %dma_start3A_332 = arith.constant 0 : i32
    %dma_start3A_333 = arith.constant 0 : i32
    %dma_start3A_334 = tpu.memref_slice %arg9[%dma_start3A_332, %dma_start3A_333] : memref<1000x128xf32, #tpu.memory_space<vmem_shared>> -> memref<1000x128xf32, #tpu.memory_space<vmem_shared>>
    tpu.enqueue_indirect_dma source(%dma_start3A_334 : memref<1000x128xf32, #tpu.memory_space<vmem_shared>>) target(%dma_start3A_328 : memref<100x128xf32, #tpu.memory_space<vmem>>) offsets(%dma_start3A_331 : memref<100xi32, #tpu.memory_space<vmem>>) semaphore(%arg11 : memref<!tpu.dma_semaphore, #tpu.memory_space<semaphore_mem>>)
    %scan3A_335 = arith.constant 0 : i32
    %scan3A_336 = arith.constant 0 : i32
    %scan3A_337 = arith.constant 200 : i32
    %scan3A_338 = arith.addi %scan3A_336, %scan3A_337 : i32
    %scan3A_339 = arith.constant 4 : i32
    scf.for %scan3A_463 = %scan3A_336 to %scan3A_338 step %scan3A_339  : i32 {
      %get3A = arith.index_cast %scan3A_463 : i32 to index
      %get3A_464 = arith.constant 0 : index
      %get3A_465 = tpu.vector_load %arg7[%get3A, %get3A_464] {strides = array<i32>} : memref<200x128xf32, #tpu.memory_space<vmem>>, vector<1x16xf32>,
      %get3A_466 = vector.shape_cast %get3A_465 : vector<1x16xf32> to vector<16xf32>
      %swap3A = arith.constant 0 : i32
      %swap3A_467 = arith.index_cast %swap3A : i32 to index
      %swap3A_468 = arith.index_cast %scan3A_463 : i32 to index
      %swap3A_469 = arith.constant 0 : index
      %swap3A_470 = tpu.vector_load %arg8[%swap3A_467, %swap3A_468, %swap3A_469] {strides = array<i32>} : memref<3x200x128xf32, #tpu.memory_space<vmem>>, vector<1x1x16xf32>,
      %swap3A_471 = vector.shape_cast %swap3A_470 : vector<1x1x16xf32> to vector<16xf32>
      %swap3A_472 = vector.shape_cast %get3A_466 : vector<16xf32> to vector<1x1x16xf32>
      tpu.vector_store %arg8[%swap3A_467, %swap3A_468, %swap3A_469], %swap3A_472 {add = true, strides = array<i32>} : memref<3x200x128xf32, #tpu.memory_space<vmem>>, vector<1x1x16xf32>,
      %get3A_473 = arith.index_cast %scan3A_463 : i32 to index
      %get3A_474 = arith.constant 16 : index
      %get3A_475 = tpu.vector_load %arg7[%get3A_473, %get3A_474] {strides = array<i32>} : memref<200x128xf32, #tpu.memory_space<vmem>>, vector<1x16xf32>,
      %get3A_476 = vector.shape_cast %get3A_475 : vector<1x16xf32> to vector<16xf32>
      %swap3A_477 = arith.constant 0 : i32
      %swap3A_478 = arith.index_cast %swap3A_477 : i32 to index
      %swap3A_479 = arith.index_cast %scan3A_463 : i32 to index
      %swap3A_480 = arith.constant 16 : index
      %swap3A_481 = tpu.vector_load %arg8[%swap3A_478, %swap3A_479, %swap3A_480] {strides = array<i32>} : memref<3x200x128xf32, #tpu.memory_space<vmem>>, vector<1x1x16xf32>,
      %swap3A_482 = vector.shape_cast %swap3A_481 : vector<1x1x16xf32> to vector<16xf32>
      %swap3A_483 = vector.shape_cast %get3A_476 : vector<16xf32> to vector<1x1x16xf32>
      tpu.vector_store %arg8[%swap3A_478, %swap3A_479, %swap3A_480], %swap3A_483 {add = true, strides = array<i32>} : memref<3x200x128xf32, #tpu.memory_space<vmem>>, vector<1x1x16xf32>,
      %get3A_484 = arith.index_cast %scan3A_463 : i32 to index
      %get3A_485 = arith.constant 32 : index
      %get3A_486 = tpu.vector_load %arg7[%get3A_484, %get3A_485] {strides = array<i32>} : memref<200x128xf32, #tpu.memory_space<vmem>>, vector<1x16xf32>,
      %get3A_487 = vector.shape_cast %get3A_486 : vector<1x16xf32> to vector<16xf32>
      %swap3A_488 = arith.constant 0 : i32
      %swap3A_489 = arith.index_cast %swap3A_488 : i32 to index
      %swap3A_490 = arith.index_cast %scan3A_463 : i32 to index
      %swap3A_491 = arith.constant 32 : index
      %swap3A_492 = tpu.vector_load %arg8[%swap3A_489, %swap3A_490, %swap3A_491] {strides = array<i32>} : memref<3x200x128xf32, #tpu.memory_space<vmem>>, vector<1x1x16xf32>,
      %swap3A_493 = vector.shape_cast %swap3A_492 : vector<1x1x16xf32> to vector<16xf32>
      %swap3A_494 = vector.shape_cast %get3A_487 : vector<16xf32> to vector<1x1x16xf32>
      tpu.vector_store %arg8[%swap3A_489, %swap3A_490, %swap3A_491], %swap3A_494 {add = true, strides = array<i32>} : memref<3x200x128xf32, #tpu.memory_space<vmem>>, vector<1x1x16xf32>,
      %get3A_495 = arith.index_cast %scan3A_463 : i32 to index
      %get3A_496 = arith.constant 48 : index
      %get3A_497 = tpu.vector_load %arg7[%get3A_495, %get3A_496] {strides = array<i32>} : memref<200x128xf32, #tpu.memory_space<vmem>>, vector<1x16xf32>,
      %get3A_498 = vector.shape_cast %get3A_497 : vector<1x16xf32> to vector<16xf32>
      %swap3A_499 = arith.constant 0 : i32
      %swap3A_500 = arith.index_cast %swap3A_499 : i32 to index
      %swap3A_501 = arith.index_cast %scan3A_463 : i32 to index
      %swap3A_502 = arith.constant 48 : index
      %swap3A_503 = tpu.vector_load %arg8[%swap3A_500, %swap3A_501, %swap3A_502] {strides = array<i32>} : memref<3x200x128xf32, #tpu.memory_space<vmem>>, vector<1x1x16xf32>,
      %swap3A_504 = vector.shape_cast %swap3A_503 : vector<1x1x16xf32> to vector<16xf32>
      %swap3A_505 = vector.shape_cast %get3A_498 : vector<16xf32> to vector<1x1x16xf32>
      tpu.vector_store %arg8[%swap3A_500, %swap3A_501, %swap3A_502], %swap3A_505 {add = true, strides = array<i32>} : memref<3x200x128xf32, #tpu.memory_space<vmem>>, vector<1x1x16xf32>,
      %get3A_506 = arith.index_cast %scan3A_463 : i32 to index
      %get3A_507 = arith.constant 64 : index
      %get3A_508 = tpu.vector_load %arg7[%get3A_506, %get3A_507] {strides = array<i32>} : memref<200x128xf32, #tpu.memory_space<vmem>>, vector<1x16xf32>,
      %get3A_509 = vector.shape_cast %get3A_508 : vector<1x16xf32> to vector<16xf32>
      %swap3A_510 = arith.constant 0 : i32
      %swap3A_511 = arith.index_cast %swap3A_510 : i32 to index
      %swap3A_512 = arith.index_cast %scan3A_463 : i32 to index
      %swap3A_513 = arith.constant 64 : index
      %swap3A_514 = tpu.vector_load %arg8[%swap3A_511, %swap3A_512, %swap3A_513] {strides = array<i32>} : memref<3x200x128xf32, #tpu.memory_space<vmem>>, vector<1x1x16xf32>,
      %swap3A_515 = vector.shape_cast %swap3A_514 : vector<1x1x16xf32> to vector<16xf32>
      %swap3A_516 = vector.shape_cast %get3A_509 : vector<16xf32> to vector<1x1x16xf32>
      tpu.vector_store %arg8[%swap3A_511, %swap3A_512, %swap3A_513], %swap3A_516 {add = true, strides = array<i32>} : memref<3x200x128xf32, #tpu.memory_space<vmem>>, vector<1x1x16xf32>,
      %get3A_517 = arith.index_cast %scan3A_463 : i32 to index
      %get3A_518 = arith.constant 80 : index
      %get3A_519 = tpu.vector_load %arg7[%get3A_517, %get3A_518] {strides = array<i32>} : memref<200x128xf32, #tpu.memory_space<vmem>>, vector<1x16xf32>,
      %get3A_520 = vector.shape_cast %get3A_519 : vector<1x16xf32> to vector<16xf32>
      %swap3A_521 = arith.constant 0 : i32
      %swap3A_522 = arith.index_cast %swap3A_521 : i32 to index
      %swap3A_523 = arith.index_cast %scan3A_463 : i32 to index
      %swap3A_524 = arith.constant 80 : index
      %swap3A_525 = tpu.vector_load %arg8[%swap3A_522, %swap3A_523, %swap3A_524] {strides = array<i32>} : memref<3x200x128xf32, #tpu.memory_space<vmem>>, vector<1x1x16xf32>,
      %swap3A_526 = vector.shape_cast %swap3A_525 : vector<1x1x16xf32> to vector<16xf32>
      %swap3A_527 = vector.shape_cast %get3A_520 : vector<16xf32> to vector<1x1x16xf32>
      tpu.vector_store %arg8[%swap3A_522, %swap3A_523, %swap3A_524], %swap3A_527 {add = true, strides = array<i32>} : memref<3x200x128xf32, #tpu.memory_space<vmem>>, vector<1x1x16xf32>,
      %get3A_528 = arith.index_cast %scan3A_463 : i32 to index
      %get3A_529 = arith.constant 96 : index
      %get3A_530 = tpu.vector_load %arg7[%get3A_528, %get3A_529] {strides = array<i32>} : memref<200x128xf32, #tpu.memory_space<vmem>>, vector<1x16xf32>,
      %get3A_531 = vector.shape_cast %get3A_530 : vector<1x16xf32> to vector<16xf32>
      %swap3A_532 = arith.constant 0 : i32
      %swap3A_533 = arith.index_cast %swap3A_532 : i32 to index
      %swap3A_534 = arith.index_cast %scan3A_463 : i32 to index
      %swap3A_535 = arith.constant 96 : index
      %swap3A_536 = tpu.vector_load %arg8[%swap3A_533, %swap3A_534, %swap3A_535] {strides = array<i32>} : memref<3x200x128xf32, #tpu.memory_space<vmem>>, vector<1x1x16xf32>,
      %swap3A_537 = vector.shape_cast %swap3A_536 : vector<1x1x16xf32> to vector<16xf32>
      %swap3A_538 = vector.shape_cast %get3A_531 : vector<16xf32> to vector<1x1x16xf32>
      tpu.vector_store %arg8[%swap3A_533, %swap3A_534, %swap3A_535], %swap3A_538 {add = true, strides = array<i32>} : memref<3x200x128xf32, #tpu.memory_space<vmem>>, vector<1x1x16xf32>,
      %get3A_539 = arith.index_cast %scan3A_463 : i32 to index
      %get3A_540 = arith.constant 112 : index
      %get3A_541 = tpu.vector_load %arg7[%get3A_539, %get3A_540] {strides = array<i32>} : memref<200x128xf32, #tpu.memory_space<vmem>>, vector<1x16xf32>,
      %get3A_542 = vector.shape_cast %get3A_541 : vector<1x16xf32> to vector<16xf32>
      %swap3A_543 = arith.constant 0 : i32
      %swap3A_544 = arith.index_cast %swap3A_543 : i32 to index
      %swap3A_545 = arith.index_cast %scan3A_463 : i32 to index
      %swap3A_546 = arith.constant 112 : index
      %swap3A_547 = tpu.vector_load %arg8[%swap3A_544, %swap3A_545, %swap3A_546] {strides = array<i32>} : memref<3x200x128xf32, #tpu.memory_space<vmem>>, vector<1x1x16xf32>,
      %swap3A_548 = vector.shape_cast %swap3A_547 : vector<1x1x16xf32> to vector<16xf32>
      %swap3A_549 = vector.shape_cast %get3A_542 : vector<16xf32> to vector<1x1x16xf32>
      tpu.vector_store %arg8[%swap3A_544, %swap3A_545, %swap3A_546], %swap3A_549 {add = true, strides = array<i32>} : memref<3x200x128xf32, #tpu.memory_space<vmem>>, vector<1x1x16xf32>,
      %scan3A_550 = arith.constant 1 : i32
      %scan3A_551 = arith.addi %scan3A_463, %scan3A_550 : i32
      %get3A_552 = arith.index_cast %scan3A_551 : i32 to index
      %get3A_553 = arith.constant 0 : index
      %get3A_554 = tpu.vector_load %arg7[%get3A_552, %get3A_553] {strides = array<i32>} : memref<200x128xf32, #tpu.memory_space<vmem>>, vector<1x16xf32>,
      %get3A_555 = vector.shape_cast %get3A_554 : vector<1x16xf32> to vector<16xf32>
      %swap3A_556 = arith.constant 0 : i32
      %swap3A_557 = arith.index_cast %swap3A_556 : i32 to index
      %swap3A_558 = arith.index_cast %scan3A_551 : i32 to index
      %swap3A_559 = arith.constant 0 : index
      %swap3A_560 = tpu.vector_load %arg8[%swap3A_557, %swap3A_558, %swap3A_559] {strides = array<i32>} : memref<3x200x128xf32, #tpu.memory_space<vmem>>, vector<1x1x16xf32>,
      %swap3A_561 = vector.shape_cast %swap3A_560 : vector<1x1x16xf32> to vector<16xf32>
      %swap3A_562 = vector.shape_cast %get3A_555 : vector<16xf32> to vector<1x1x16xf32>
      tpu.vector_store %arg8[%swap3A_557, %swap3A_558, %swap3A_559], %swap3A_562 {add = true, strides = array<i32>} : memref<3x200x128xf32, #tpu.memory_space<vmem>>, vector<1x1x16xf32>,
      %get3A_563 = arith.index_cast %scan3A_551 : i32 to index
      %get3A_564 = arith.constant 16 : index
      %get3A_565 = tpu.vector_load %arg7[%get3A_563, %get3A_564] {strides = array<i32>} : memref<200x128xf32, #tpu.memory_space<vmem>>, vector<1x16xf32>,
      %get3A_566 = vector.shape_cast %get3A_565 : vector<1x16xf32> to vector<16xf32>
      %swap3A_567 = arith.constant 0 : i32
      %swap3A_568 = arith.index_cast %swap3A_567 : i32 to index
      %swap3A_569 = arith.index_cast %scan3A_551 : i32 to index
      %swap3A_570 = arith.constant 16 : index
      %swap3A_571 = tpu.vector_load %arg8[%swap3A_568, %swap3A_569, %swap3A_570] {strides = array<i32>} : memref<3x200x128xf32, #tpu.memory_space<vmem>>, vector<1x1x16xf32>,
      %swap3A_572 = vector.shape_cast %swap3A_571 : vector<1x1x16xf32> to vector<16xf32>
      %swap3A_573 = vector.shape_cast %get3A_566 : vector<16xf32> to vector<1x1x16xf32>
      tpu.vector_store %arg8[%swap3A_568, %swap3A_569, %swap3A_570], %swap3A_573 {add = true, strides = array<i32>} : memref<3x200x128xf32, #tpu.memory_space<vmem>>, vector<1x1x16xf32>,
      %get3A_574 = arith.index_cast %scan3A_551 : i32 to index
      %get3A_575 = arith.constant 32 : index
      %get3A_576 = tpu.vector_load %arg7[%get3A_574, %get3A_575] {strides = array<i32>} : memref<200x128xf32, #tpu.memory_space<vmem>>, vector<1x16xf32>,
      %get3A_577 = vector.shape_cast %get3A_576 : vector<1x16xf32> to vector<16xf32>
      %swap3A_578 = arith.constant 0 : i32
      %swap3A_579 = arith.index_cast %swap3A_578 : i32 to index
      %swap3A_580 = arith.index_cast %scan3A_551 : i32 to index
      %swap3A_581 = arith.constant 32 : index
      %swap3A_582 = tpu.vector_load %arg8[%swap3A_579, %swap3A_580, %swap3A_581] {strides = array<i32>} : memref<3x200x128xf32, #tpu.memory_space<vmem>>, vector<1x1x16xf32>,
      %swap3A_583 = vector.shape_cast %swap3A_582 : vector<1x1x16xf32> to vector<16xf32>
      %swap3A_584 = vector.shape_cast %get3A_577 : vector<16xf32> to vector<1x1x16xf32>
      tpu.vector_store %arg8[%swap3A_579, %swap3A_580, %swap3A_581], %swap3A_584 {add = true, strides = array<i32>} : memref<3x200x128xf32, #tpu.memory_space<vmem>>, vector<1x1x16xf32>,
      %get3A_585 = arith.index_cast %scan3A_551 : i32 to index
      %get3A_586 = arith.constant 48 : index
      %get3A_587 = tpu.vector_load %arg7[%get3A_585, %get3A_586] {strides = array<i32>} : memref<200x128xf32, #tpu.memory_space<vmem>>, vector<1x16xf32>,
      %get3A_588 = vector.shape_cast %get3A_587 : vector<1x16xf32> to vector<16xf32>
      %swap3A_589 = arith.constant 0 : i32
      %swap3A_590 = arith.index_cast %swap3A_589 : i32 to index
      %swap3A_591 = arith.index_cast %scan3A_551 : i32 to index
      %swap3A_592 = arith.constant 48 : index
      %swap3A_593 = tpu.vector_load %arg8[%swap3A_590, %swap3A_591, %swap3A_592] {strides = array<i32>} : memref<3x200x128xf32, #tpu.memory_space<vmem>>, vector<1x1x16xf32>,
      %swap3A_594 = vector.shape_cast %swap3A_593 : vector<1x1x16xf32> to vector<16xf32>
      %swap3A_595 = vector.shape_cast %get3A_588 : vector<16xf32> to vector<1x1x16xf32>
      tpu.vector_store %arg8[%swap3A_590, %swap3A_591, %swap3A_592], %swap3A_595 {add = true, strides = array<i32>} : memref<3x200x128xf32, #tpu.memory_space<vmem>>, vector<1x1x16xf32>,
      %get3A_596 = arith.index_cast %scan3A_551 : i32 to index
      %get3A_597 = arith.constant 64 : index
      %get3A_598 = tpu.vector_load %arg7[%get3A_596, %get3A_597] {strides = array<i32>} : memref<200x128xf32, #tpu.memory_space<vmem>>, vector<1x16xf32>,
      %get3A_599 = vector.shape_cast %get3A_598 : vector<1x16xf32> to vector<16xf32>
      %swap3A_600 = arith.constant 0 : i32
      %swap3A_601 = arith.index_cast %swap3A_600 : i32 to index
      %swap3A_602 = arith.index_cast %scan3A_551 : i32 to index
      %swap3A_603 = arith.constant 64 : index
      %swap3A_604 = tpu.vector_load %arg8[%swap3A_601, %swap3A_602, %swap3A_603] {strides = array<i32>} : memref<3x200x128xf32, #tpu.memory_space<vmem>>, vector<1x1x16xf32>,
      %swap3A_605 = vector.shape_cast %swap3A_604 : vector<1x1x16xf32> to vector<16xf32>
      %swap3A_606 = vector.shape_cast %get3A_599 : vector<16xf32> to vector<1x1x16xf32>
      tpu.vector_store %arg8[%swap3A_601, %swap3A_602, %swap3A_603], %swap3A_606 {add = true, strides = array<i32>} : memref<3x200x128xf32, #tpu.memory_space<vmem>>, vector<1x1x16xf32>,
      %get3A_607 = arith.index_cast %scan3A_551 : i32 to index
      %get3A_608 = arith.constant 80 : index
      %get3A_609 = tpu.vector_load %arg7[%get3A_607, %get3A_608] {strides = array<i32>} : memref<200x128xf32, #tpu.memory_space<vmem>>, vector<1x16xf32>,
      %get3A_610 = vector.shape_cast %get3A_609 : vector<1x16xf32> to vector<16xf32>
      %swap3A_611 = arith.constant 0 : i32
      %swap3A_612 = arith.index_cast %swap3A_611 : i32 to index
      %swap3A_613 = arith.index_cast %scan3A_551 : i32 to index
      %swap3A_614 = arith.constant 80 : index
      %swap3A_615 = tpu.vector_load %arg8[%swap3A_612, %swap3A_613, %swap3A_614] {strides = array<i32>} : memref<3x200x128xf32, #tpu.memory_space<vmem>>, vector<1x1x16xf32>,
      %swap3A_616 = vector.shape_cast %swap3A_615 : vector<1x1x16xf32> to vector<16xf32>
      %swap3A_617 = vector.shape_cast %get3A_610 : vector<16xf32> to vector<1x1x16xf32>
      tpu.vector_store %arg8[%swap3A_612, %swap3A_613, %swap3A_614], %swap3A_617 {add = true, strides = array<i32>} : memref<3x200x128xf32, #tpu.memory_space<vmem>>, vector<1x1x16xf32>,
      %get3A_618 = arith.index_cast %scan3A_551 : i32 to index
      %get3A_619 = arith.constant 96 : index
      %get3A_620 = tpu.vector_load %arg7[%get3A_618, %get3A_619] {strides = array<i32>} : memref<200x128xf32, #tpu.memory_space<vmem>>, vector<1x16xf32>,
      %get3A_621 = vector.shape_cast %get3A_620 : vector<1x16xf32> to vector<16xf32>
      %swap3A_622 = arith.constant 0 : i32
      %swap3A_623 = arith.index_cast %swap3A_622 : i32 to index
      %swap3A_624 = arith.index_cast %scan3A_551 : i32 to index
      %swap3A_625 = arith.constant 96 : index
      %swap3A_626 = tpu.vector_load %arg8[%swap3A_623, %swap3A_624, %swap3A_625] {strides = array<i32>} : memref<3x200x128xf32, #tpu.memory_space<vmem>>, vector<1x1x16xf32>,
      %swap3A_627 = vector.shape_cast %swap3A_626 : vector<1x1x16xf32> to vector<16xf32>
      %swap3A_628 = vector.shape_cast %get3A_621 : vector<16xf32> to vector<1x1x16xf32>
      tpu.vector_store %arg8[%swap3A_623, %swap3A_624, %swap3A_625], %swap3A_628 {add = true, strides = array<i32>} : memref<3x200x128xf32, #tpu.memory_space<vmem>>, vector<1x1x16xf32>,
      %get3A_629 = arith.index_cast %scan3A_551 : i32 to index
      %get3A_630 = arith.constant 112 : index
      %get3A_631 = tpu.vector_load %arg7[%get3A_629, %get3A_630] {strides = array<i32>} : memref<200x128xf32, #tpu.memory_space<vmem>>, vector<1x16xf32>,
      %get3A_632 = vector.shape_cast %get3A_631 : vector<1x16xf32> to vector<16xf32>
      %swap3A_633 = arith.constant 0 : i32
      %swap3A_634 = arith.index_cast %swap3A_633 : i32 to index
      %swap3A_635 = arith.index_cast %scan3A_551 : i32 to index
      %swap3A_636 = arith.constant 112 : index
      %swap3A_637 = tpu.vector_load %arg8[%swap3A_634, %swap3A_635, %swap3A_636] {strides = array<i32>} : memref<3x200x128xf32, #tpu.memory_space<vmem>>, vector<1x1x16xf32>,
      %swap3A_638 = vector.shape_cast %swap3A_637 : vector<1x1x16xf32> to vector<16xf32>
      %swap3A_639 = vector.shape_cast %get3A_632 : vector<16xf32> to vector<1x1x16xf32>
      tpu.vector_store %arg8[%swap3A_634, %swap3A_635, %swap3A_636], %swap3A_639 {add = true, strides = array<i32>} : memref<3x200x128xf32, #tpu.memory_space<vmem>>, vector<1x1x16xf32>,
      %scan3A_640 = arith.constant 2 : i32
      %scan3A_641 = arith.addi %scan3A_463, %scan3A_640 : i32
      %get3A_642 = arith.index_cast %scan3A_641 : i32 to index
      %get3A_643 = arith.constant 0 : index
      %get3A_644 = tpu.vector_load %arg7[%get3A_642, %get3A_643] {strides = array<i32>} : memref<200x128xf32, #tpu.memory_space<vmem>>, vector<1x16xf32>,
      %get3A_645 = vector.shape_cast %get3A_644 : vector<1x16xf32> to vector<16xf32>
      %swap3A_646 = arith.constant 0 : i32
      %swap3A_647 = arith.index_cast %swap3A_646 : i32 to index
      %swap3A_648 = arith.index_cast %scan3A_641 : i32 to index
      %swap3A_649 = arith.constant 0 : index
      %swap3A_650 = tpu.vector_load %arg8[%swap3A_647, %swap3A_648, %swap3A_649] {strides = array<i32>} : memref<3x200x128xf32, #tpu.memory_space<vmem>>, vector<1x1x16xf32>,
      %swap3A_651 = vector.shape_cast %swap3A_650 : vector<1x1x16xf32> to vector<16xf32>
      %swap3A_652 = vector.shape_cast %get3A_645 : vector<16xf32> to vector<1x1x16xf32>
      tpu.vector_store %arg8[%swap3A_647, %swap3A_648, %swap3A_649], %swap3A_652 {add = true, strides = array<i32>} : memref<3x200x128xf32, #tpu.memory_space<vmem>>, vector<1x1x16xf32>,
      %get3A_653 = arith.index_cast %scan3A_641 : i32 to index
      %get3A_654 = arith.constant 16 : index
      %get3A_655 = tpu.vector_load %arg7[%get3A_653, %get3A_654] {strides = array<i32>} : memref<200x128xf32, #tpu.memory_space<vmem>>, vector<1x16xf32>,
      %get3A_656 = vector.shape_cast %get3A_655 : vector<1x16xf32> to vector<16xf32>
      %swap3A_657 = arith.constant 0 : i32
      %swap3A_658 = arith.index_cast %swap3A_657 : i32 to index
      %swap3A_659 = arith.index_cast %scan3A_641 : i32 to index
      %swap3A_660 = arith.constant 16 : index
      %swap3A_661 = tpu.vector_load %arg8[%swap3A_658, %swap3A_659, %swap3A_660] {strides = array<i32>} : memref<3x200x128xf32, #tpu.memory_space<vmem>>, vector<1x1x16xf32>,
      %swap3A_662 = vector.shape_cast %swap3A_661 : vector<1x1x16xf32> to vector<16xf32>
      %swap3A_663 = vector.shape_cast %get3A_656 : vector<16xf32> to vector<1x1x16xf32>
      tpu.vector_store %arg8[%swap3A_658, %swap3A_659, %swap3A_660], %swap3A_663 {add = true, strides = array<i32>} : memref<3x200x128xf32, #tpu.memory_space<vmem>>, vector<1x1x16xf32>,
      %get3A_664 = arith.index_cast %scan3A_641 : i32 to index
      %get3A_665 = arith.constant 32 : index
      %get3A_666 = tpu.vector_load %arg7[%get3A_664, %get3A_665] {strides = array<i32>} : memref<200x128xf32, #tpu.memory_space<vmem>>, vector<1x16xf32>,
      %get3A_667 = vector.shape_cast %get3A_666 : vector<1x16xf32> to vector<16xf32>
      %swap3A_668 = arith.constant 0 : i32
      %swap3A_669 = arith.index_cast %swap3A_668 : i32 to index
      %swap3A_670 = arith.index_cast %scan3A_641 : i32 to index
      %swap3A_671 = arith.constant 32 : index
      %swap3A_672 = tpu.vector_load %arg8[%swap3A_669, %swap3A_670, %swap3A_671] {strides = array<i32>} : memref<3x200x128xf32, #tpu.memory_space<vmem>>, vector<1x1x16xf32>,
      %swap3A_673 = vector.shape_cast %swap3A_672 : vector<1x1x16xf32> to vector<16xf32>
      %swap3A_674 = vector.shape_cast %get3A_667 : vector<16xf32> to vector<1x1x16xf32>
      tpu.vector_store %arg8[%swap3A_669, %swap3A_670, %swap3A_671], %swap3A_674 {add = true, strides = array<i32>} : memref<3x200x128xf32, #tpu.memory_space<vmem>>, vector<1x1x16xf32>,
      %get3A_675 = arith.index_cast %scan3A_641 : i32 to index
      %get3A_676 = arith.constant 48 : index
      %get3A_677 = tpu.vector_load %arg7[%get3A_675, %get3A_676] {strides = array<i32>} : memref<200x128xf32, #tpu.memory_space<vmem>>, vector<1x16xf32>,
      %get3A_678 = vector.shape_cast %get3A_677 : vector<1x16xf32> to vector<16xf32>
      %swap3A_679 = arith.constant 0 : i32
      %swap3A_680 = arith.index_cast %swap3A_679 : i32 to index
      %swap3A_681 = arith.index_cast %scan3A_641 : i32 to index
      %swap3A_682 = arith.constant 48 : index
      %swap3A_683 = tpu.vector_load %arg8[%swap3A_680, %swap3A_681, %swap3A_682] {strides = array<i32>} : memref<3x200x128xf32, #tpu.memory_space<vmem>>, vector<1x1x16xf32>,
      %swap3A_684 = vector.shape_cast %swap3A_683 : vector<1x1x16xf32> to vector<16xf32>
      %swap3A_685 = vector.shape_cast %get3A_678 : vector<16xf32> to vector<1x1x16xf32>
      tpu.vector_store %arg8[%swap3A_680, %swap3A_681, %swap3A_682], %swap3A_685 {add = true, strides = array<i32>} : memref<3x200x128xf32, #tpu.memory_space<vmem>>, vector<1x1x16xf32>,
      %get3A_686 = arith.index_cast %scan3A_641 : i32 to index
      %get3A_687 = arith.constant 64 : index
      %get3A_688 = tpu.vector_load %arg7[%get3A_686, %get3A_687] {strides = array<i32>} : memref<200x128xf32, #tpu.memory_space<vmem>>, vector<1x16xf32>,
      %get3A_689 = vector.shape_cast %get3A_688 : vector<1x16xf32> to vector<16xf32>
      %swap3A_690 = arith.constant 0 : i32
      %swap3A_691 = arith.index_cast %swap3A_690 : i32 to index
      %swap3A_692 = arith.index_cast %scan3A_641 : i32 to index
      %swap3A_693 = arith.constant 64 : index
      %swap3A_694 = tpu.vector_load %arg8[%swap3A_691, %swap3A_692, %swap3A_693] {strides = array<i32>} : memref<3x200x128xf32, #tpu.memory_space<vmem>>, vector<1x1x16xf32>,
      %swap3A_695 = vector.shape_cast %swap3A_694 : vector<1x1x16xf32> to vector<16xf32>
      %swap3A_696 = vector.shape_cast %get3A_689 : vector<16xf32> to vector<1x1x16xf32>
      tpu.vector_store %arg8[%swap3A_691, %swap3A_692, %swap3A_693], %swap3A_696 {add = true, strides = array<i32>} : memref<3x200x128xf32, #tpu.memory_space<vmem>>, vector<1x1x16xf32>,
      %get3A_697 = arith.index_cast %scan3A_641 : i32 to index
      %get3A_698 = arith.constant 80 : index
      %get3A_699 = tpu.vector_load %arg7[%get3A_697, %get3A_698] {strides = array<i32>} : memref<200x128xf32, #tpu.memory_space<vmem>>, vector<1x16xf32>,
      %get3A_700 = vector.shape_cast %get3A_699 : vector<1x16xf32> to vector<16xf32>
      %swap3A_701 = arith.constant 0 : i32
      %swap3A_702 = arith.index_cast %swap3A_701 : i32 to index
      %swap3A_703 = arith.index_cast %scan3A_641 : i32 to index
      %swap3A_704 = arith.constant 80 : index
      %swap3A_705 = tpu.vector_load %arg8[%swap3A_702, %swap3A_703, %swap3A_704] {strides = array<i32>} : memref<3x200x128xf32, #tpu.memory_space<vmem>>, vector<1x1x16xf32>,
      %swap3A_706 = vector.shape_cast %swap3A_705 : vector<1x1x16xf32> to vector<16xf32>
      %swap3A_707 = vector.shape_cast %get3A_700 : vector<16xf32> to vector<1x1x16xf32>
      tpu.vector_store %arg8[%swap3A_702, %swap3A_703, %swap3A_704], %swap3A_707 {add = true, strides = array<i32>} : memref<3x200x128xf32, #tpu.memory_space<vmem>>, vector<1x1x16xf32>,
      %get3A_708 = arith.index_cast %scan3A_641 : i32 to index
      %get3A_709 = arith.constant 96 : index
      %get3A_710 = tpu.vector_load %arg7[%get3A_708, %get3A_709] {strides = array<i32>} : memref<200x128xf32, #tpu.memory_space<vmem>>, vector<1x16xf32>,
      %get3A_711 = vector.shape_cast %get3A_710 : vector<1x16xf32> to vector<16xf32>
      %swap3A_712 = arith.constant 0 : i32
      %swap3A_713 = arith.index_cast %swap3A_712 : i32 to index
      %swap3A_714 = arith.index_cast %scan3A_641 : i32 to index
      %swap3A_715 = arith.constant 96 : index
      %swap3A_716 = tpu.vector_load %arg8[%swap3A_713, %swap3A_714, %swap3A_715] {strides = array<i32>} : memref<3x200x128xf32, #tpu.memory_space<vmem>>, vector<1x1x16xf32>,
      %swap3A_717 = vector.shape_cast %swap3A_716 : vector<1x1x16xf32> to vector<16xf32>
      %swap3A_718 = vector.shape_cast %get3A_711 : vector<16xf32> to vector<1x1x16xf32>
      tpu.vector_store %arg8[%swap3A_713, %swap3A_714, %swap3A_715], %swap3A_718 {add = true, strides = array<i32>} : memref<3x200x128xf32, #tpu.memory_space<vmem>>, vector<1x1x16xf32>,
      %get3A_719 = arith.index_cast %scan3A_641 : i32 to index
      %get3A_720 = arith.constant 112 : index
      %get3A_721 = tpu.vector_load %arg7[%get3A_719, %get3A_720] {strides = array<i32>} : memref<200x128xf32, #tpu.memory_space<vmem>>, vector<1x16xf32>,
      %get3A_722 = vector.shape_cast %get3A_721 : vector<1x16xf32> to vector<16xf32>
      %swap3A_723 = arith.constant 0 : i32
      %swap3A_724 = arith.index_cast %swap3A_723 : i32 to index
      %swap3A_725 = arith.index_cast %scan3A_641 : i32 to index
      %swap3A_726 = arith.constant 112 : index
      %swap3A_727 = tpu.vector_load %arg8[%swap3A_724, %swap3A_725, %swap3A_726] {strides = array<i32>} : memref<3x200x128xf32, #tpu.memory_space<vmem>>, vector<1x1x16xf32>,
      %swap3A_728 = vector.shape_cast %swap3A_727 : vector<1x1x16xf32> to vector<16xf32>
      %swap3A_729 = vector.shape_cast %get3A_722 : vector<16xf32> to vector<1x1x16xf32>
      tpu.vector_store %arg8[%swap3A_724, %swap3A_725, %swap3A_726], %swap3A_729 {add = true, strides = array<i32>} : memref<3x200x128xf32, #tpu.memory_space<vmem>>, vector<1x1x16xf32>,
      %scan3A_730 = arith.constant 3 : i32
      %scan3A_731 = arith.addi %scan3A_463, %scan3A_730 : i32
      %get3A_732 = arith.index_cast %scan3A_731 : i32 to index
      %get3A_733 = arith.constant 0 : index
      %get3A_734 = tpu.vector_load %arg7[%get3A_732, %get3A_733] {strides = array<i32>} : memref<200x128xf32, #tpu.memory_space<vmem>>, vector<1x16xf32>,
      %get3A_735 = vector.shape_cast %get3A_734 : vector<1x16xf32> to vector<16xf32>
      %swap3A_736 = arith.constant 0 : i32
      %swap3A_737 = arith.index_cast %swap3A_736 : i32 to index
      %swap3A_738 = arith.index_cast %scan3A_731 : i32 to index
      %swap3A_739 = arith.constant 0 : index
      %swap3A_740 = tpu.vector_load %arg8[%swap3A_737, %swap3A_738, %swap3A_739] {strides = array<i32>} : memref<3x200x128xf32, #tpu.memory_space<vmem>>, vector<1x1x16xf32>,
      %swap3A_741 = vector.shape_cast %swap3A_740 : vector<1x1x16xf32> to vector<16xf32>
      %swap3A_742 = vector.shape_cast %get3A_735 : vector<16xf32> to vector<1x1x16xf32>
      tpu.vector_store %arg8[%swap3A_737, %swap3A_738, %swap3A_739], %swap3A_742 {add = true, strides = array<i32>} : memref<3x200x128xf32, #tpu.memory_space<vmem>>, vector<1x1x16xf32>,
      %get3A_743 = arith.index_cast %scan3A_731 : i32 to index
      %get3A_744 = arith.constant 16 : index
      %get3A_745 = tpu.vector_load %arg7[%get3A_743, %get3A_744] {strides = array<i32>} : memref<200x128xf32, #tpu.memory_space<vmem>>, vector<1x16xf32>,
      %get3A_746 = vector.shape_cast %get3A_745 : vector<1x16xf32> to vector<16xf32>
      %swap3A_747 = arith.constant 0 : i32
      %swap3A_748 = arith.index_cast %swap3A_747 : i32 to index
      %swap3A_749 = arith.index_cast %scan3A_731 : i32 to index
      %swap3A_750 = arith.constant 16 : index
      %swap3A_751 = tpu.vector_load %arg8[%swap3A_748, %swap3A_749, %swap3A_750] {strides = array<i32>} : memref<3x200x128xf32, #tpu.memory_space<vmem>>, vector<1x1x16xf32>,
      %swap3A_752 = vector.shape_cast %swap3A_751 : vector<1x1x16xf32> to vector<16xf32>
      %swap3A_753 = vector.shape_cast %get3A_746 : vector<16xf32> to vector<1x1x16xf32>
      tpu.vector_store %arg8[%swap3A_748, %swap3A_749, %swap3A_750], %swap3A_753 {add = true, strides = array<i32>} : memref<3x200x128xf32, #tpu.memory_space<vmem>>, vector<1x1x16xf32>,
      %get3A_754 = arith.index_cast %scan3A_731 : i32 to index
      %get3A_755 = arith.constant 32 : index
      %get3A_756 = tpu.vector_load %arg7[%get3A_754, %get3A_755] {strides = array<i32>} : memref<200x128xf32, #tpu.memory_space<vmem>>, vector<1x16xf32>,
      %get3A_757 = vector.shape_cast %get3A_756 : vector<1x16xf32> to vector<16xf32>
      %swap3A_758 = arith.constant 0 : i32
      %swap3A_759 = arith.index_cast %swap3A_758 : i32 to index
      %swap3A_760 = arith.index_cast %scan3A_731 : i32 to index
      %swap3A_761 = arith.constant 32 : index
      %swap3A_762 = tpu.vector_load %arg8[%swap3A_759, %swap3A_760, %swap3A_761] {strides = array<i32>} : memref<3x200x128xf32, #tpu.memory_space<vmem>>, vector<1x1x16xf32>,
      %swap3A_763 = vector.shape_cast %swap3A_762 : vector<1x1x16xf32> to vector<16xf32>
      %swap3A_764 = vector.shape_cast %get3A_757 : vector<16xf32> to vector<1x1x16xf32>
      tpu.vector_store %arg8[%swap3A_759, %swap3A_760, %swap3A_761], %swap3A_764 {add = true, strides = array<i32>} : memref<3x200x128xf32, #tpu.memory_space<vmem>>, vector<1x1x16xf32>,
      %get3A_765 = arith.index_cast %scan3A_731 : i32 to index
      %get3A_766 = arith.constant 48 : index
      %get3A_767 = tpu.vector_load %arg7[%get3A_765, %get3A_766] {strides = array<i32>} : memref<200x128xf32, #tpu.memory_space<vmem>>, vector<1x16xf32>,
      %get3A_768 = vector.shape_cast %get3A_767 : vector<1x16xf32> to vector<16xf32>
      %swap3A_769 = arith.constant 0 : i32
      %swap3A_770 = arith.index_cast %swap3A_769 : i32 to index
      %swap3A_771 = arith.index_cast %scan3A_731 : i32 to index
      %swap3A_772 = arith.constant 48 : index
      %swap3A_773 = tpu.vector_load %arg8[%swap3A_770, %swap3A_771, %swap3A_772] {strides = array<i32>} : memref<3x200x128xf32, #tpu.memory_space<vmem>>, vector<1x1x16xf32>,
      %swap3A_774 = vector.shape_cast %swap3A_773 : vector<1x1x16xf32> to vector<16xf32>
      %swap3A_775 = vector.shape_cast %get3A_768 : vector<16xf32> to vector<1x1x16xf32>
      tpu.vector_store %arg8[%swap3A_770, %swap3A_771, %swap3A_772], %swap3A_775 {add = true, strides = array<i32>} : memref<3x200x128xf32, #tpu.memory_space<vmem>>, vector<1x1x16xf32>,
      %get3A_776 = arith.index_cast %scan3A_731 : i32 to index
      %get3A_777 = arith.constant 64 : index
      %get3A_778 = tpu.vector_load %arg7[%get3A_776, %get3A_777] {strides = array<i32>} : memref<200x128xf32, #tpu.memory_space<vmem>>, vector<1x16xf32>,
      %get3A_779 = vector.shape_cast %get3A_778 : vector<1x16xf32> to vector<16xf32>
      %swap3A_780 = arith.constant 0 : i32
      %swap3A_781 = arith.index_cast %swap3A_780 : i32 to index
      %swap3A_782 = arith.index_cast %scan3A_731 : i32 to index
      %swap3A_783 = arith.constant 64 : index
      %swap3A_784 = tpu.vector_load %arg8[%swap3A_781, %swap3A_782, %swap3A_783] {strides = array<i32>} : memref<3x200x128xf32, #tpu.memory_space<vmem>>, vector<1x1x16xf32>,
      %swap3A_785 = vector.shape_cast %swap3A_784 : vector<1x1x16xf32> to vector<16xf32>
      %swap3A_786 = vector.shape_cast %get3A_779 : vector<16xf32> to vector<1x1x16xf32>
      tpu.vector_store %arg8[%swap3A_781, %swap3A_782, %swap3A_783], %swap3A_786 {add = true, strides = array<i32>} : memref<3x200x128xf32, #tpu.memory_space<vmem>>, vector<1x1x16xf32>,
      %get3A_787 = arith.index_cast %scan3A_731 : i32 to index
      %get3A_788 = arith.constant 80 : index
      %get3A_789 = tpu.vector_load %arg7[%get3A_787, %get3A_788] {strides = array<i32>} : memref<200x128xf32, #tpu.memory_space<vmem>>, vector<1x16xf32>,
      %get3A_790 = vector.shape_cast %get3A_789 : vector<1x16xf32> to vector<16xf32>
      %swap3A_791 = arith.constant 0 : i32
      %swap3A_792 = arith.index_cast %swap3A_791 : i32 to index
      %swap3A_793 = arith.index_cast %scan3A_731 : i32 to index
      %swap3A_794 = arith.constant 80 : index
      %swap3A_795 = tpu.vector_load %arg8[%swap3A_792, %swap3A_793, %swap3A_794] {strides = array<i32>} : memref<3x200x128xf32, #tpu.memory_space<vmem>>, vector<1x1x16xf32>,
      %swap3A_796 = vector.shape_cast %swap3A_795 : vector<1x1x16xf32> to vector<16xf32>
      %swap3A_797 = vector.shape_cast %get3A_790 : vector<16xf32> to vector<1x1x16xf32>
      tpu.vector_store %arg8[%swap3A_792, %swap3A_793, %swap3A_794], %swap3A_797 {add = true, strides = array<i32>} : memref<3x200x128xf32, #tpu.memory_space<vmem>>, vector<1x1x16xf32>,
      %get3A_798 = arith.index_cast %scan3A_731 : i32 to index
      %get3A_799 = arith.constant 96 : index
      %get3A_800 = tpu.vector_load %arg7[%get3A_798, %get3A_799] {strides = array<i32>} : memref<200x128xf32, #tpu.memory_space<vmem>>, vector<1x16xf32>,
      %get3A_801 = vector.shape_cast %get3A_800 : vector<1x16xf32> to vector<16xf32>
      %swap3A_802 = arith.constant 0 : i32
      %swap3A_803 = arith.index_cast %swap3A_802 : i32 to index
      %swap3A_804 = arith.index_cast %scan3A_731 : i32 to index
      %swap3A_805 = arith.constant 96 : index
      %swap3A_806 = tpu.vector_load %arg8[%swap3A_803, %swap3A_804, %swap3A_805] {strides = array<i32>} : memref<3x200x128xf32, #tpu.memory_space<vmem>>, vector<1x1x16xf32>,
      %swap3A_807 = vector.shape_cast %swap3A_806 : vector<1x1x16xf32> to vector<16xf32>
      %swap3A_808 = vector.shape_cast %get3A_801 : vector<16xf32> to vector<1x1x16xf32>
      tpu.vector_store %arg8[%swap3A_803, %swap3A_804, %swap3A_805], %swap3A_808 {add = true, strides = array<i32>} : memref<3x200x128xf32, #tpu.memory_space<vmem>>, vector<1x1x16xf32>,
      %get3A_809 = arith.index_cast %scan3A_731 : i32 to index
      %get3A_810 = arith.constant 112 : index
      %get3A_811 = tpu.vector_load %arg7[%get3A_809, %get3A_810] {strides = array<i32>} : memref<200x128xf32, #tpu.memory_space<vmem>>, vector<1x16xf32>,
      %get3A_812 = vector.shape_cast %get3A_811 : vector<1x16xf32> to vector<16xf32>
      %swap3A_813 = arith.constant 0 : i32
      %swap3A_814 = arith.index_cast %swap3A_813 : i32 to index
      %swap3A_815 = arith.index_cast %scan3A_731 : i32 to index
      %swap3A_816 = arith.constant 112 : index
      %swap3A_817 = tpu.vector_load %arg8[%swap3A_814, %swap3A_815, %swap3A_816] {strides = array<i32>} : memref<3x200x128xf32, #tpu.memory_space<vmem>>, vector<1x1x16xf32>,
      %swap3A_818 = vector.shape_cast %swap3A_817 : vector<1x1x16xf32> to vector<16xf32>
      %swap3A_819 = vector.shape_cast %get3A_812 : vector<16xf32> to vector<1x1x16xf32>
      tpu.vector_store %arg8[%swap3A_814, %swap3A_815, %swap3A_816], %swap3A_819 {add = true, strides = array<i32>} : memref<3x200x128xf32, #tpu.memory_space<vmem>>, vector<1x1x16xf32>,
    }
    %scan3A_340 = arith.constant 200 : i32
    %add3A_341 = arith.constant 30 : i32
    %add3A_342 = arith.addi %mul3A_2, %add3A_341 : i32
    %dma_start3A_343 = arith.constant 0 : i32
    %dma_start3A_344 = arith.constant 0 : i32
    %dma_start3A_345 = arith.constant 0 : i32
    %dma_start3A_346 = tpu.memref_slice %arg8[%dma_start3A_343, %dma_start3A_344, %dma_start3A_345] : memref<3x200x128xf32, #tpu.memory_space<vmem>> -> memref<1x200x128xf32, #tpu.memory_space<vmem>>
    %dma_start3A_347 = tpu.memref_squeeze %dma_start3A_346 : memref<1x200x128xf32, #tpu.memory_space<vmem>> -> memref<200x128xf32, #tpu.memory_space<vmem>>
    %dma_start3A_348 = arith.constant 0 : i32
    %dma_start3A_349 = arith.constant 0 : i32
    %dma_start3A_350 = tpu.memref_slice %arg5[%add3A_342, %dma_start3A_348, %dma_start3A_349] : memref<1024x200x128xf32, #tpu.memory_space<hbm>> -> memref<1x200x128xf32, #tpu.memory_space<hbm>>
    %dma_start3A_351 = tpu.memref_squeeze %dma_start3A_350 : memref<1x200x128xf32, #tpu.memory_space<hbm>> -> memref<200x128xf32, #tpu.memory_space<hbm>>
    %dma_start3A_352 = arith.constant 0 : i32
    %dma_start3A_353 = arith.constant 0 : i32
    %dma_start3A_354 = tpu.memref_slice %arg5[%add3A_342, %dma_start3A_352, %dma_start3A_353] : memref<1024x200x128xf32, #tpu.memory_space<hbm>> -> memref<1x200x128xf32, #tpu.memory_space<hbm>>
    %dma_start3A_355 = tpu.memref_squeeze %dma_start3A_354 : memref<1x200x128xf32, #tpu.memory_space<hbm>> -> memref<200x128xf32, #tpu.memory_space<hbm>>
    %dma_start3A_356 = arith.constant 0 : i32
    %dma_start3A_357 = arith.constant 0 : i32
    %dma_start3A_358 = tpu.memref_slice %arg8[%dma_start3A_343, %dma_start3A_356, %dma_start3A_357] : memref<3x200x128xf32, #tpu.memory_space<vmem>> -> memref<1x200x128xf32, #tpu.memory_space<vmem>>
    %dma_start3A_359 = tpu.memref_squeeze %dma_start3A_358 : memref<1x200x128xf32, #tpu.memory_space<vmem>> -> memref<200x128xf32, #tpu.memory_space<vmem>>
    tpu.enqueue_dma source(%dma_start3A_359 : memref<200x128xf32, #tpu.memory_space<vmem>>) target(%dma_start3A_355 : memref<200x128xf32, #tpu.memory_space<hbm>>) target_semaphore(%arg13 : memref<!tpu.dma_semaphore, #tpu.memory_space<semaphore_mem>>)
    %dma_wait3A_360 = arith.constant 0 : i32
    %dma_wait3A_361 = arith.constant 1 : i32
    %dma_wait3A_362 = arith.constant 0 : i32
    %dma_wait3A_363 = arith.constant 0 : i32
    %dma_wait3A_364 = tpu.memref_slice %arg8[%dma_wait3A_361, %dma_wait3A_362, %dma_wait3A_363] : memref<3x200x128xf32, #tpu.memory_space<vmem>> -> memref<1x100x128xf32, #tpu.memory_space<vmem>>
    %dma_wait3A_365 = tpu.memref_squeeze %dma_wait3A_364 : memref<1x100x128xf32, #tpu.memory_space<vmem>> -> memref<100x128xf32, #tpu.memory_space<vmem>>
    %dma_wait3A_366 = arith.constant 0 : i32
    %dma_wait3A_367 = tpu.memref_slice %arg6[%dma_wait3A_360, %dma_wait3A_366] : memref<64x100xi32, #tpu.memory_space<vmem>> -> memref<1x100xi32, #tpu.memory_space<vmem>>
    %dma_wait3A_368 = tpu.memref_squeeze %dma_wait3A_367 : memref<1x100xi32, #tpu.memory_space<vmem>> -> memref<100xi32, #tpu.memory_space<vmem>>
    %dma_wait3A_369 = arith.constant 0 : i32
    %dma_wait3A_370 = arith.constant 0 : i32
    %dma_wait3A_371 = tpu.memref_slice %arg9[%dma_wait3A_369, %dma_wait3A_370] : memref<1000x128xf32, #tpu.memory_space<vmem_shared>> -> memref<1000x128xf32, #tpu.memory_space<vmem_shared>>
    tpu.wait_indirect_dma semaphore(%arg11 : memref<!tpu.dma_semaphore, #tpu.memory_space<semaphore_mem>>) src(%dma_wait3A_371 : memref<1000x128xf32, #tpu.memory_space<vmem_shared>>) dst(%dma_wait3A_365 : memref<100x128xf32, #tpu.memory_space<vmem>>)
    %dma_wait3A_372 = arith.constant 0 : i32
    %dma_wait3A_373 = arith.constant 1 : i32
    %dma_wait3A_374 = arith.constant 100 : i32
    %dma_wait3A_375 = arith.constant 0 : i32
    %dma_wait3A_376 = tpu.memref_slice %arg8[%dma_wait3A_373, %dma_wait3A_374, %dma_wait3A_375] : memref<3x200x128xf32, #tpu.memory_space<vmem>> -> memref<1x100x128xf32, #tpu.memory_space<vmem>>
    %dma_wait3A_377 = tpu.memref_squeeze %dma_wait3A_376 : memref<1x100x128xf32, #tpu.memory_space<vmem>> -> memref<100x128xf32, #tpu.memory_space<vmem>>
    %dma_wait3A_378 = arith.constant 0 : i32
    %dma_wait3A_379 = tpu.memref_slice %arg6[%dma_wait3A_372, %dma_wait3A_378] : memref<64x100xi32, #tpu.memory_space<vmem>> -> memref<1x100xi32, #tpu.memory_space<vmem>>
    %dma_wait3A_380 = tpu.memref_squeeze %dma_wait3A_379 : memref<1x100xi32, #tpu.memory_space<vmem>> -> memref<100xi32, #tpu.memory_space<vmem>>
    %dma_wait3A_381 = arith.constant 0 : i32
    %dma_wait3A_382 = arith.constant 0 : i32
    %dma_wait3A_383 = tpu.memref_slice %arg9[%dma_wait3A_381, %dma_wait3A_382] : memref<1000x128xf32, #tpu.memory_space<vmem_shared>> -> memref<1000x128xf32, #tpu.memory_space<vmem_shared>>
    tpu.wait_indirect_dma semaphore(%arg11 : memref<!tpu.dma_semaphore, #tpu.memory_space<semaphore_mem>>) src(%dma_wait3A_383 : memref<1000x128xf32, #tpu.memory_space<vmem_shared>>) dst(%dma_wait3A_377 : memref<100x128xf32, #tpu.memory_space<vmem>>)
    %scan3A_384 = arith.constant 0 : i32
    %scan3A_385 = arith.constant 0 : i32
    %scan3A_386 = arith.constant 200 : i32
    %scan3A_387 = arith.addi %scan3A_385, %scan3A_386 : i32
    %scan3A_388 = arith.constant 4 : i32
    scf.for %scan3A_463 = %scan3A_385 to %scan3A_387 step %scan3A_388  : i32 {
      %get3A = arith.index_cast %scan3A_463 : i32 to index
      %get3A_464 = arith.constant 0 : index
      %get3A_465 = tpu.vector_load %arg7[%get3A, %get3A_464] {strides = array<i32>} : memref<200x128xf32, #tpu.memory_space<vmem>>, vector<1x16xf32>,
      %get3A_466 = vector.shape_cast %get3A_465 : vector<1x16xf32> to vector<16xf32>
      %swap3A = arith.constant 1 : i32
      %swap3A_467 = arith.index_cast %swap3A : i32 to index
      %swap3A_468 = arith.index_cast %scan3A_463 : i32 to index
      %swap3A_469 = arith.constant 0 : index
      %swap3A_470 = tpu.vector_load %arg8[%swap3A_467, %swap3A_468, %swap3A_469] {strides = array<i32>} : memref<3x200x128xf32, #tpu.memory_space<vmem>>, vector<1x1x16xf32>,
      %swap3A_471 = vector.shape_cast %swap3A_470 : vector<1x1x16xf32> to vector<16xf32>
      %swap3A_472 = vector.shape_cast %get3A_466 : vector<16xf32> to vector<1x1x16xf32>
      tpu.vector_store %arg8[%swap3A_467, %swap3A_468, %swap3A_469], %swap3A_472 {add = true, strides = array<i32>} : memref<3x200x128xf32, #tpu.memory_space<vmem>>, vector<1x1x16xf32>,
      %get3A_473 = arith.index_cast %scan3A_463 : i32 to index
      %get3A_474 = arith.constant 16 : index
      %get3A_475 = tpu.vector_load %arg7[%get3A_473, %get3A_474] {strides = array<i32>} : memref<200x128xf32, #tpu.memory_space<vmem>>, vector<1x16xf32>,
      %get3A_476 = vector.shape_cast %get3A_475 : vector<1x16xf32> to vector<16xf32>
      %swap3A_477 = arith.constant 1 : i32
      %swap3A_478 = arith.index_cast %swap3A_477 : i32 to index
      %swap3A_479 = arith.index_cast %scan3A_463 : i32 to index
      %swap3A_480 = arith.constant 16 : index
      %swap3A_481 = tpu.vector_load %arg8[%swap3A_478, %swap3A_479, %swap3A_480] {strides = array<i32>} : memref<3x200x128xf32, #tpu.memory_space<vmem>>, vector<1x1x16xf32>,
      %swap3A_482 = vector.shape_cast %swap3A_481 : vector<1x1x16xf32> to vector<16xf32>
      %swap3A_483 = vector.shape_cast %get3A_476 : vector<16xf32> to vector<1x1x16xf32>
      tpu.vector_store %arg8[%swap3A_478, %swap3A_479, %swap3A_480], %swap3A_483 {add = true, strides = array<i32>} : memref<3x200x128xf32, #tpu.memory_space<vmem>>, vector<1x1x16xf32>,
      %get3A_484 = arith.index_cast %scan3A_463 : i32 to index
      %get3A_485 = arith.constant 32 : index
      %get3A_486 = tpu.vector_load %arg7[%get3A_484, %get3A_485] {strides = array<i32>} : memref<200x128xf32, #tpu.memory_space<vmem>>, vector<1x16xf32>,
      %get3A_487 = vector.shape_cast %get3A_486 : vector<1x16xf32> to vector<16xf32>
      %swap3A_488 = arith.constant 1 : i32
      %swap3A_489 = arith.index_cast %swap3A_488 : i32 to index
      %swap3A_490 = arith.index_cast %scan3A_463 : i32 to index
      %swap3A_491 = arith.constant 32 : index
      %swap3A_492 = tpu.vector_load %arg8[%swap3A_489, %swap3A_490, %swap3A_491] {strides = array<i32>} : memref<3x200x128xf32, #tpu.memory_space<vmem>>, vector<1x1x16xf32>,
      %swap3A_493 = vector.shape_cast %swap3A_492 : vector<1x1x16xf32> to vector<16xf32>
      %swap3A_494 = vector.shape_cast %get3A_487 : vector<16xf32> to vector<1x1x16xf32>
      tpu.vector_store %arg8[%swap3A_489, %swap3A_490, %swap3A_491], %swap3A_494 {add = true, strides = array<i32>} : memref<3x200x128xf32, #tpu.memory_space<vmem>>, vector<1x1x16xf32>,
      %get3A_495 = arith.index_cast %scan3A_463 : i32 to index
      %get3A_496 = arith.constant 48 : index
      %get3A_497 = tpu.vector_load %arg7[%get3A_495, %get3A_496] {strides = array<i32>} : memref<200x128xf32, #tpu.memory_space<vmem>>, vector<1x16xf32>,
      %get3A_498 = vector.shape_cast %get3A_497 : vector<1x16xf32> to vector<16xf32>
      %swap3A_499 = arith.constant 1 : i32
      %swap3A_500 = arith.index_cast %swap3A_499 : i32 to index
      %swap3A_501 = arith.index_cast %scan3A_463 : i32 to index
      %swap3A_502 = arith.constant 48 : index
      %swap3A_503 = tpu.vector_load %arg8[%swap3A_500, %swap3A_501, %swap3A_502] {strides = array<i32>} : memref<3x200x128xf32, #tpu.memory_space<vmem>>, vector<1x1x16xf32>,
      %swap3A_504 = vector.shape_cast %swap3A_503 : vector<1x1x16xf32> to vector<16xf32>
      %swap3A_505 = vector.shape_cast %get3A_498 : vector<16xf32> to vector<1x1x16xf32>
      tpu.vector_store %arg8[%swap3A_500, %swap3A_501, %swap3A_502], %swap3A_505 {add = true, strides = array<i32>} : memref<3x200x128xf32, #tpu.memory_space<vmem>>, vector<1x1x16xf32>,
      %get3A_506 = arith.index_cast %scan3A_463 : i32 to index
      %get3A_507 = arith.constant 64 : index
      %get3A_508 = tpu.vector_load %arg7[%get3A_506, %get3A_507] {strides = array<i32>} : memref<200x128xf32, #tpu.memory_space<vmem>>, vector<1x16xf32>,
      %get3A_509 = vector.shape_cast %get3A_508 : vector<1x16xf32> to vector<16xf32>
      %swap3A_510 = arith.constant 1 : i32
      %swap3A_511 = arith.index_cast %swap3A_510 : i32 to index
      %swap3A_512 = arith.index_cast %scan3A_463 : i32 to index
      %swap3A_513 = arith.constant 64 : index
      %swap3A_514 = tpu.vector_load %arg8[%swap3A_511, %swap3A_512, %swap3A_513] {strides = array<i32>} : memref<3x200x128xf32, #tpu.memory_space<vmem>>, vector<1x1x16xf32>,
      %swap3A_515 = vector.shape_cast %swap3A_514 : vector<1x1x16xf32> to vector<16xf32>
      %swap3A_516 = vector.shape_cast %get3A_509 : vector<16xf32> to vector<1x1x16xf32>
      tpu.vector_store %arg8[%swap3A_511, %swap3A_512, %swap3A_513], %swap3A_516 {add = true, strides = array<i32>} : memref<3x200x128xf32, #tpu.memory_space<vmem>>, vector<1x1x16xf32>,
      %get3A_517 = arith.index_cast %scan3A_463 : i32 to index
      %get3A_518 = arith.constant 80 : index
      %get3A_519 = tpu.vector_load %arg7[%get3A_517, %get3A_518] {strides = array<i32>} : memref<200x128xf32, #tpu.memory_space<vmem>>, vector<1x16xf32>,
      %get3A_520 = vector.shape_cast %get3A_519 : vector<1x16xf32> to vector<16xf32>
      %swap3A_521 = arith.constant 1 : i32
      %swap3A_522 = arith.index_cast %swap3A_521 : i32 to index
      %swap3A_523 = arith.index_cast %scan3A_463 : i32 to index
      %swap3A_524 = arith.constant 80 : index
      %swap3A_525 = tpu.vector_load %arg8[%swap3A_522, %swap3A_523, %swap3A_524] {strides = array<i32>} : memref<3x200x128xf32, #tpu.memory_space<vmem>>, vector<1x1x16xf32>,
      %swap3A_526 = vector.shape_cast %swap3A_525 : vector<1x1x16xf32> to vector<16xf32>
      %swap3A_527 = vector.shape_cast %get3A_520 : vector<16xf32> to vector<1x1x16xf32>
      tpu.vector_store %arg8[%swap3A_522, %swap3A_523, %swap3A_524], %swap3A_527 {add = true, strides = array<i32>} : memref<3x200x128xf32, #tpu.memory_space<vmem>>, vector<1x1x16xf32>,
      %get3A_528 = arith.index_cast %scan3A_463 : i32 to index
      %get3A_529 = arith.constant 96 : index
      %get3A_530 = tpu.vector_load %arg7[%get3A_528, %get3A_529] {strides = array<i32>} : memref<200x128xf32, #tpu.memory_space<vmem>>, vector<1x16xf32>,
      %get3A_531 = vector.shape_cast %get3A_530 : vector<1x16xf32> to vector<16xf32>
      %swap3A_532 = arith.constant 1 : i32
      %swap3A_533 = arith.index_cast %swap3A_532 : i32 to index
      %swap3A_534 = arith.index_cast %scan3A_463 : i32 to index
      %swap3A_535 = arith.constant 96 : index
      %swap3A_536 = tpu.vector_load %arg8[%swap3A_533, %swap3A_534, %swap3A_535] {strides = array<i32>} : memref<3x200x128xf32, #tpu.memory_space<vmem>>, vector<1x1x16xf32>,
      %swap3A_537 = vector.shape_cast %swap3A_536 : vector<1x1x16xf32> to vector<16xf32>
      %swap3A_538 = vector.shape_cast %get3A_531 : vector<16xf32> to vector<1x1x16xf32>
      tpu.vector_store %arg8[%swap3A_533, %swap3A_534, %swap3A_535], %swap3A_538 {add = true, strides = array<i32>} : memref<3x200x128xf32, #tpu.memory_space<vmem>>, vector<1x1x16xf32>,
      %get3A_539 = arith.index_cast %scan3A_463 : i32 to index
      %get3A_540 = arith.constant 112 : index
      %get3A_541 = tpu.vector_load %arg7[%get3A_539, %get3A_540] {strides = array<i32>} : memref<200x128xf32, #tpu.memory_space<vmem>>, vector<1x16xf32>,
      %get3A_542 = vector.shape_cast %get3A_541 : vector<1x16xf32> to vector<16xf32>
      %swap3A_543 = arith.constant 1 : i32
      %swap3A_544 = arith.index_cast %swap3A_543 : i32 to index
      %swap3A_545 = arith.index_cast %scan3A_463 : i32 to index
      %swap3A_546 = arith.constant 112 : index
      %swap3A_547 = tpu.vector_load %arg8[%swap3A_544, %swap3A_545, %swap3A_546] {strides = array<i32>} : memref<3x200x128xf32, #tpu.memory_space<vmem>>, vector<1x1x16xf32>,
      %swap3A_548 = vector.shape_cast %swap3A_547 : vector<1x1x16xf32> to vector<16xf32>
      %swap3A_549 = vector.shape_cast %get3A_542 : vector<16xf32> to vector<1x1x16xf32>
      tpu.vector_store %arg8[%swap3A_544, %swap3A_545, %swap3A_546], %swap3A_549 {add = true, strides = array<i32>} : memref<3x200x128xf32, #tpu.memory_space<vmem>>, vector<1x1x16xf32>,
      %scan3A_550 = arith.constant 1 : i32
      %scan3A_551 = arith.addi %scan3A_463, %scan3A_550 : i32
      %get3A_552 = arith.index_cast %scan3A_551 : i32 to index
      %get3A_553 = arith.constant 0 : index
      %get3A_554 = tpu.vector_load %arg7[%get3A_552, %get3A_553] {strides = array<i32>} : memref<200x128xf32, #tpu.memory_space<vmem>>, vector<1x16xf32>,
      %get3A_555 = vector.shape_cast %get3A_554 : vector<1x16xf32> to vector<16xf32>
      %swap3A_556 = arith.constant 1 : i32
      %swap3A_557 = arith.index_cast %swap3A_556 : i32 to index
      %swap3A_558 = arith.index_cast %scan3A_551 : i32 to index
      %swap3A_559 = arith.constant 0 : index
      %swap3A_560 = tpu.vector_load %arg8[%swap3A_557, %swap3A_558, %swap3A_559] {strides = array<i32>} : memref<3x200x128xf32, #tpu.memory_space<vmem>>, vector<1x1x16xf32>,
      %swap3A_561 = vector.shape_cast %swap3A_560 : vector<1x1x16xf32> to vector<16xf32>
      %swap3A_562 = vector.shape_cast %get3A_555 : vector<16xf32> to vector<1x1x16xf32>
      tpu.vector_store %arg8[%swap3A_557, %swap3A_558, %swap3A_559], %swap3A_562 {add = true, strides = array<i32>} : memref<3x200x128xf32, #tpu.memory_space<vmem>>, vector<1x1x16xf32>,
      %get3A_563 = arith.index_cast %scan3A_551 : i32 to index
      %get3A_564 = arith.constant 16 : index
      %get3A_565 = tpu.vector_load %arg7[%get3A_563, %get3A_564] {strides = array<i32>} : memref<200x128xf32, #tpu.memory_space<vmem>>, vector<1x16xf32>,
      %get3A_566 = vector.shape_cast %get3A_565 : vector<1x16xf32> to vector<16xf32>
      %swap3A_567 = arith.constant 1 : i32
      %swap3A_568 = arith.index_cast %swap3A_567 : i32 to index
      %swap3A_569 = arith.index_cast %scan3A_551 : i32 to index
      %swap3A_570 = arith.constant 16 : index
      %swap3A_571 = tpu.vector_load %arg8[%swap3A_568, %swap3A_569, %swap3A_570] {strides = array<i32>} : memref<3x200x128xf32, #tpu.memory_space<vmem>>, vector<1x1x16xf32>,
      %swap3A_572 = vector.shape_cast %swap3A_571 : vector<1x1x16xf32> to vector<16xf32>
      %swap3A_573 = vector.shape_cast %get3A_566 : vector<16xf32> to vector<1x1x16xf32>
      tpu.vector_store %arg8[%swap3A_568, %swap3A_569, %swap3A_570], %swap3A_573 {add = true, strides = array<i32>} : memref<3x200x128xf32, #tpu.memory_space<vmem>>, vector<1x1x16xf32>,
      %get3A_574 = arith.index_cast %scan3A_551 : i32 to index
      %get3A_575 = arith.constant 32 : index
      %get3A_576 = tpu.vector_load %arg7[%get3A_574, %get3A_575] {strides = array<i32>} : memref<200x128xf32, #tpu.memory_space<vmem>>, vector<1x16xf32>,
      %get3A_577 = vector.shape_cast %get3A_576 : vector<1x16xf32> to vector<16xf32>
      %swap3A_578 = arith.constant 1 : i32
      %swap3A_579 = arith.index_cast %swap3A_578 : i32 to index
      %swap3A_580 = arith.index_cast %scan3A_551 : i32 to index
      %swap3A_581 = arith.constant 32 : index
      %swap3A_582 = tpu.vector_load %arg8[%swap3A_579, %swap3A_580, %swap3A_581] {strides = array<i32>} : memref<3x200x128xf32, #tpu.memory_space<vmem>>, vector<1x1x16xf32>,
      %swap3A_583 = vector.shape_cast %swap3A_582 : vector<1x1x16xf32> to vector<16xf32>
      %swap3A_584 = vector.shape_cast %get3A_577 : vector<16xf32> to vector<1x1x16xf32>
      tpu.vector_store %arg8[%swap3A_579, %swap3A_580, %swap3A_581], %swap3A_584 {add = true, strides = array<i32>} : memref<3x200x128xf32, #tpu.memory_space<vmem>>, vector<1x1x16xf32>,
      %get3A_585 = arith.index_cast %scan3A_551 : i32 to index
      %get3A_586 = arith.constant 48 : index
      %get3A_587 = tpu.vector_load %arg7[%get3A_585, %get3A_586] {strides = array<i32>} : memref<200x128xf32, #tpu.memory_space<vmem>>, vector<1x16xf32>,
      %get3A_588 = vector.shape_cast %get3A_587 : vector<1x16xf32> to vector<16xf32>
      %swap3A_589 = arith.constant 1 : i32
      %swap3A_590 = arith.index_cast %swap3A_589 : i32 to index
      %swap3A_591 = arith.index_cast %scan3A_551 : i32 to index
      %swap3A_592 = arith.constant 48 : index
      %swap3A_593 = tpu.vector_load %arg8[%swap3A_590, %swap3A_591, %swap3A_592] {strides = array<i32>} : memref<3x200x128xf32, #tpu.memory_space<vmem>>, vector<1x1x16xf32>,
      %swap3A_594 = vector.shape_cast %swap3A_593 : vector<1x1x16xf32> to vector<16xf32>
      %swap3A_595 = vector.shape_cast %get3A_588 : vector<16xf32> to vector<1x1x16xf32>
      tpu.vector_store %arg8[%swap3A_590, %swap3A_591, %swap3A_592], %swap3A_595 {add = true, strides = array<i32>} : memref<3x200x128xf32, #tpu.memory_space<vmem>>, vector<1x1x16xf32>,
      %get3A_596 = arith.index_cast %scan3A_551 : i32 to index
      %get3A_597 = arith.constant 64 : index
      %get3A_598 = tpu.vector_load %arg7[%get3A_596, %get3A_597] {strides = array<i32>} : memref<200x128xf32, #tpu.memory_space<vmem>>, vector<1x16xf32>,
      %get3A_599 = vector.shape_cast %get3A_598 : vector<1x16xf32> to vector<16xf32>
      %swap3A_600 = arith.constant 1 : i32
      %swap3A_601 = arith.index_cast %swap3A_600 : i32 to index
      %swap3A_602 = arith.index_cast %scan3A_551 : i32 to index
      %swap3A_603 = arith.constant 64 : index
      %swap3A_604 = tpu.vector_load %arg8[%swap3A_601, %swap3A_602, %swap3A_603] {strides = array<i32>} : memref<3x200x128xf32, #tpu.memory_space<vmem>>, vector<1x1x16xf32>,
      %swap3A_605 = vector.shape_cast %swap3A_604 : vector<1x1x16xf32> to vector<16xf32>
      %swap3A_606 = vector.shape_cast %get3A_599 : vector<16xf32> to vector<1x1x16xf32>
      tpu.vector_store %arg8[%swap3A_601, %swap3A_602, %swap3A_603], %swap3A_606 {add = true, strides = array<i32>} : memref<3x200x128xf32, #tpu.memory_space<vmem>>, vector<1x1x16xf32>,
      %get3A_607 = arith.index_cast %scan3A_551 : i32 to index
      %get3A_608 = arith.constant 80 : index
      %get3A_609 = tpu.vector_load %arg7[%get3A_607, %get3A_608] {strides = array<i32>} : memref<200x128xf32, #tpu.memory_space<vmem>>, vector<1x16xf32>,
      %get3A_610 = vector.shape_cast %get3A_609 : vector<1x16xf32> to vector<16xf32>
      %swap3A_611 = arith.constant 1 : i32
      %swap3A_612 = arith.index_cast %swap3A_611 : i32 to index
      %swap3A_613 = arith.index_cast %scan3A_551 : i32 to index
      %swap3A_614 = arith.constant 80 : index
      %swap3A_615 = tpu.vector_load %arg8[%swap3A_612, %swap3A_613, %swap3A_614] {strides = array<i32>} : memref<3x200x128xf32, #tpu.memory_space<vmem>>, vector<1x1x16xf32>,
      %swap3A_616 = vector.shape_cast %swap3A_615 : vector<1x1x16xf32> to vector<16xf32>
      %swap3A_617 = vector.shape_cast %get3A_610 : vector<16xf32> to vector<1x1x16xf32>
      tpu.vector_store %arg8[%swap3A_612, %swap3A_613, %swap3A_614], %swap3A_617 {add = true, strides = array<i32>} : memref<3x200x128xf32, #tpu.memory_space<vmem>>, vector<1x1x16xf32>,
      %get3A_618 = arith.index_cast %scan3A_551 : i32 to index
      %get3A_619 = arith.constant 96 : index
      %get3A_620 = tpu.vector_load %arg7[%get3A_618, %get3A_619] {strides = array<i32>} : memref<200x128xf32, #tpu.memory_space<vmem>>, vector<1x16xf32>,
      %get3A_621 = vector.shape_cast %get3A_620 : vector<1x16xf32> to vector<16xf32>
      %swap3A_622 = arith.constant 1 : i32
      %swap3A_623 = arith.index_cast %swap3A_622 : i32 to index
      %swap3A_624 = arith.index_cast %scan3A_551 : i32 to index
      %swap3A_625 = arith.constant 96 : index
      %swap3A_626 = tpu.vector_load %arg8[%swap3A_623, %swap3A_624, %swap3A_625] {strides = array<i32>} : memref<3x200x128xf32, #tpu.memory_space<vmem>>, vector<1x1x16xf32>,
      %swap3A_627 = vector.shape_cast %swap3A_626 : vector<1x1x16xf32> to vector<16xf32>
      %swap3A_628 = vector.shape_cast %get3A_621 : vector<16xf32> to vector<1x1x16xf32>
      tpu.vector_store %arg8[%swap3A_623, %swap3A_624, %swap3A_625], %swap3A_628 {add = true, strides = array<i32>} : memref<3x200x128xf32, #tpu.memory_space<vmem>>, vector<1x1x16xf32>,
      %get3A_629 = arith.index_cast %scan3A_551 : i32 to index
      %get3A_630 = arith.constant 112 : index
      %get3A_631 = tpu.vector_load %arg7[%get3A_629, %get3A_630] {strides = array<i32>} : memref<200x128xf32, #tpu.memory_space<vmem>>, vector<1x16xf32>,
      %get3A_632 = vector.shape_cast %get3A_631 : vector<1x16xf32> to vector<16xf32>
      %swap3A_633 = arith.constant 1 : i32
      %swap3A_634 = arith.index_cast %swap3A_633 : i32 to index
      %swap3A_635 = arith.index_cast %scan3A_551 : i32 to index
      %swap3A_636 = arith.constant 112 : index
      %swap3A_637 = tpu.vector_load %arg8[%swap3A_634, %swap3A_635, %swap3A_636] {strides = array<i32>} : memref<3x200x128xf32, #tpu.memory_space<vmem>>, vector<1x1x16xf32>,
      %swap3A_638 = vector.shape_cast %swap3A_637 : vector<1x1x16xf32> to vector<16xf32>
      %swap3A_639 = vector.shape_cast %get3A_632 : vector<16xf32> to vector<1x1x16xf32>
      tpu.vector_store %arg8[%swap3A_634, %swap3A_635, %swap3A_636], %swap3A_639 {add = true, strides = array<i32>} : memref<3x200x128xf32, #tpu.memory_space<vmem>>, vector<1x1x16xf32>,
      %scan3A_640 = arith.constant 2 : i32
      %scan3A_641 = arith.addi %scan3A_463, %scan3A_640 : i32
      %get3A_642 = arith.index_cast %scan3A_641 : i32 to index
      %get3A_643 = arith.constant 0 : index
      %get3A_644 = tpu.vector_load %arg7[%get3A_642, %get3A_643] {strides = array<i32>} : memref<200x128xf32, #tpu.memory_space<vmem>>, vector<1x16xf32>,
      %get3A_645 = vector.shape_cast %get3A_644 : vector<1x16xf32> to vector<16xf32>
      %swap3A_646 = arith.constant 1 : i32
      %swap3A_647 = arith.index_cast %swap3A_646 : i32 to index
      %swap3A_648 = arith.index_cast %scan3A_641 : i32 to index
      %swap3A_649 = arith.constant 0 : index
      %swap3A_650 = tpu.vector_load %arg8[%swap3A_647, %swap3A_648, %swap3A_649] {strides = array<i32>} : memref<3x200x128xf32, #tpu.memory_space<vmem>>, vector<1x1x16xf32>,
      %swap3A_651 = vector.shape_cast %swap3A_650 : vector<1x1x16xf32> to vector<16xf32>
      %swap3A_652 = vector.shape_cast %get3A_645 : vector<16xf32> to vector<1x1x16xf32>
      tpu.vector_store %arg8[%swap3A_647, %swap3A_648, %swap3A_649], %swap3A_652 {add = true, strides = array<i32>} : memref<3x200x128xf32, #tpu.memory_space<vmem>>, vector<1x1x16xf32>,
      %get3A_653 = arith.index_cast %scan3A_641 : i32 to index
      %get3A_654 = arith.constant 16 : index
      %get3A_655 = tpu.vector_load %arg7[%get3A_653, %get3A_654] {strides = array<i32>} : memref<200x128xf32, #tpu.memory_space<vmem>>, vector<1x16xf32>,
      %get3A_656 = vector.shape_cast %get3A_655 : vector<1x16xf32> to vector<16xf32>
      %swap3A_657 = arith.constant 1 : i32
      %swap3A_658 = arith.index_cast %swap3A_657 : i32 to index
      %swap3A_659 = arith.index_cast %scan3A_641 : i32 to index
      %swap3A_660 = arith.constant 16 : index
      %swap3A_661 = tpu.vector_load %arg8[%swap3A_658, %swap3A_659, %swap3A_660] {strides = array<i32>} : memref<3x200x128xf32, #tpu.memory_space<vmem>>, vector<1x1x16xf32>,
      %swap3A_662 = vector.shape_cast %swap3A_661 : vector<1x1x16xf32> to vector<16xf32>
      %swap3A_663 = vector.shape_cast %get3A_656 : vector<16xf32> to vector<1x1x16xf32>
      tpu.vector_store %arg8[%swap3A_658, %swap3A_659, %swap3A_660], %swap3A_663 {add = true, strides = array<i32>} : memref<3x200x128xf32, #tpu.memory_space<vmem>>, vector<1x1x16xf32>,
      %get3A_664 = arith.index_cast %scan3A_641 : i32 to index
      %get3A_665 = arith.constant 32 : index
      %get3A_666 = tpu.vector_load %arg7[%get3A_664, %get3A_665] {strides = array<i32>} : memref<200x128xf32, #tpu.memory_space<vmem>>, vector<1x16xf32>,
      %get3A_667 = vector.shape_cast %get3A_666 : vector<1x16xf32> to vector<16xf32>
      %swap3A_668 = arith.constant 1 : i32
      %swap3A_669 = arith.index_cast %swap3A_668 : i32 to index
      %swap3A_670 = arith.index_cast %scan3A_641 : i32 to index
      %swap3A_671 = arith.constant 32 : index
      %swap3A_672 = tpu.vector_load %arg8[%swap3A_669, %swap3A_670, %swap3A_671] {strides = array<i32>} : memref<3x200x128xf32, #tpu.memory_space<vmem>>, vector<1x1x16xf32>,
      %swap3A_673 = vector.shape_cast %swap3A_672 : vector<1x1x16xf32> to vector<16xf32>
      %swap3A_674 = vector.shape_cast %get3A_667 : vector<16xf32> to vector<1x1x16xf32>
      tpu.vector_store %arg8[%swap3A_669, %swap3A_670, %swap3A_671], %swap3A_674 {add = true, strides = array<i32>} : memref<3x200x128xf32, #tpu.memory_space<vmem>>, vector<1x1x16xf32>,
      %get3A_675 = arith.index_cast %scan3A_641 : i32 to index
      %get3A_676 = arith.constant 48 : index
      %get3A_677 = tpu.vector_load %arg7[%get3A_675, %get3A_676] {strides = array<i32>} : memref<200x128xf32, #tpu.memory_space<vmem>>, vector<1x16xf32>,
      %get3A_678 = vector.shape_cast %get3A_677 : vector<1x16xf32> to vector<16xf32>
      %swap3A_679 = arith.constant 1 : i32
      %swap3A_680 = arith.index_cast %swap3A_679 : i32 to index
      %swap3A_681 = arith.index_cast %scan3A_641 : i32 to index
      %swap3A_682 = arith.constant 48 : index
      %swap3A_683 = tpu.vector_load %arg8[%swap3A_680, %swap3A_681, %swap3A_682] {strides = array<i32>} : memref<3x200x128xf32, #tpu.memory_space<vmem>>, vector<1x1x16xf32>,
      %swap3A_684 = vector.shape_cast %swap3A_683 : vector<1x1x16xf32> to vector<16xf32>
      %swap3A_685 = vector.shape_cast %get3A_678 : vector<16xf32> to vector<1x1x16xf32>
      tpu.vector_store %arg8[%swap3A_680, %swap3A_681, %swap3A_682], %swap3A_685 {add = true, strides = array<i32>} : memref<3x200x128xf32, #tpu.memory_space<vmem>>, vector<1x1x16xf32>,
      %get3A_686 = arith.index_cast %scan3A_641 : i32 to index
      %get3A_687 = arith.constant 64 : index
      %get3A_688 = tpu.vector_load %arg7[%get3A_686, %get3A_687] {strides = array<i32>} : memref<200x128xf32, #tpu.memory_space<vmem>>, vector<1x16xf32>,
      %get3A_689 = vector.shape_cast %get3A_688 : vector<1x16xf32> to vector<16xf32>
      %swap3A_690 = arith.constant 1 : i32
      %swap3A_691 = arith.index_cast %swap3A_690 : i32 to index
      %swap3A_692 = arith.index_cast %scan3A_641 : i32 to index
      %swap3A_693 = arith.constant 64 : index
      %swap3A_694 = tpu.vector_load %arg8[%swap3A_691, %swap3A_692, %swap3A_693] {strides = array<i32>} : memref<3x200x128xf32, #tpu.memory_space<vmem>>, vector<1x1x16xf32>,
      %swap3A_695 = vector.shape_cast %swap3A_694 : vector<1x1x16xf32> to vector<16xf32>
      %swap3A_696 = vector.shape_cast %get3A_689 : vector<16xf32> to vector<1x1x16xf32>
      tpu.vector_store %arg8[%swap3A_691, %swap3A_692, %swap3A_693], %swap3A_696 {add = true, strides = array<i32>} : memref<3x200x128xf32, #tpu.memory_space<vmem>>, vector<1x1x16xf32>,
      %get3A_697 = arith.index_cast %scan3A_641 : i32 to index
      %get3A_698 = arith.constant 80 : index
      %get3A_699 = tpu.vector_load %arg7[%get3A_697, %get3A_698] {strides = array<i32>} : memref<200x128xf32, #tpu.memory_space<vmem>>, vector<1x16xf32>,
      %get3A_700 = vector.shape_cast %get3A_699 : vector<1x16xf32> to vector<16xf32>
      %swap3A_701 = arith.constant 1 : i32
      %swap3A_702 = arith.index_cast %swap3A_701 : i32 to index
      %swap3A_703 = arith.index_cast %scan3A_641 : i32 to index
      %swap3A_704 = arith.constant 80 : index
      %swap3A_705 = tpu.vector_load %arg8[%swap3A_702, %swap3A_703, %swap3A_704] {strides = array<i32>} : memref<3x200x128xf32, #tpu.memory_space<vmem>>, vector<1x1x16xf32>,
      %swap3A_706 = vector.shape_cast %swap3A_705 : vector<1x1x16xf32> to vector<16xf32>
      %swap3A_707 = vector.shape_cast %get3A_700 : vector<16xf32> to vector<1x1x16xf32>
      tpu.vector_store %arg8[%swap3A_702, %swap3A_703, %swap3A_704], %swap3A_707 {add = true, strides = array<i32>} : memref<3x200x128xf32, #tpu.memory_space<vmem>>, vector<1x1x16xf32>,
      %get3A_708 = arith.index_cast %scan3A_641 : i32 to index
      %get3A_709 = arith.constant 96 : index
      %get3A_710 = tpu.vector_load %arg7[%get3A_708, %get3A_709] {strides = array<i32>} : memref<200x128xf32, #tpu.memory_space<vmem>>, vector<1x16xf32>,
      %get3A_711 = vector.shape_cast %get3A_710 : vector<1x16xf32> to vector<16xf32>
      %swap3A_712 = arith.constant 1 : i32
      %swap3A_713 = arith.index_cast %swap3A_712 : i32 to index
      %swap3A_714 = arith.index_cast %scan3A_641 : i32 to index
      %swap3A_715 = arith.constant 96 : index
      %swap3A_716 = tpu.vector_load %arg8[%swap3A_713, %swap3A_714, %swap3A_715] {strides = array<i32>} : memref<3x200x128xf32, #tpu.memory_space<vmem>>, vector<1x1x16xf32>,
      %swap3A_717 = vector.shape_cast %swap3A_716 : vector<1x1x16xf32> to vector<16xf32>
      %swap3A_718 = vector.shape_cast %get3A_711 : vector<16xf32> to vector<1x1x16xf32>
      tpu.vector_store %arg8[%swap3A_713, %swap3A_714, %swap3A_715], %swap3A_718 {add = true, strides = array<i32>} : memref<3x200x128xf32, #tpu.memory_space<vmem>>, vector<1x1x16xf32>,
      %get3A_719 = arith.index_cast %scan3A_641 : i32 to index
      %get3A_720 = arith.constant 112 : index
      %get3A_721 = tpu.vector_load %arg7[%get3A_719, %get3A_720] {strides = array<i32>} : memref<200x128xf32, #tpu.memory_space<vmem>>, vector<1x16xf32>,
      %get3A_722 = vector.shape_cast %get3A_721 : vector<1x16xf32> to vector<16xf32>
      %swap3A_723 = arith.constant 1 : i32
      %swap3A_724 = arith.index_cast %swap3A_723 : i32 to index
      %swap3A_725 = arith.index_cast %scan3A_641 : i32 to index
      %swap3A_726 = arith.constant 112 : index
      %swap3A_727 = tpu.vector_load %arg8[%swap3A_724, %swap3A_725, %swap3A_726] {strides = array<i32>} : memref<3x200x128xf32, #tpu.memory_space<vmem>>, vector<1x1x16xf32>,
      %swap3A_728 = vector.shape_cast %swap3A_727 : vector<1x1x16xf32> to vector<16xf32>
      %swap3A_729 = vector.shape_cast %get3A_722 : vector<16xf32> to vector<1x1x16xf32>
      tpu.vector_store %arg8[%swap3A_724, %swap3A_725, %swap3A_726], %swap3A_729 {add = true, strides = array<i32>} : memref<3x200x128xf32, #tpu.memory_space<vmem>>, vector<1x1x16xf32>,
      %scan3A_730 = arith.constant 3 : i32
      %scan3A_731 = arith.addi %scan3A_463, %scan3A_730 : i32
      %get3A_732 = arith.index_cast %scan3A_731 : i32 to index
      %get3A_733 = arith.constant 0 : index
      %get3A_734 = tpu.vector_load %arg7[%get3A_732, %get3A_733] {strides = array<i32>} : memref<200x128xf32, #tpu.memory_space<vmem>>, vector<1x16xf32>,
      %get3A_735 = vector.shape_cast %get3A_734 : vector<1x16xf32> to vector<16xf32>
      %swap3A_736 = arith.constant 1 : i32
      %swap3A_737 = arith.index_cast %swap3A_736 : i32 to index
      %swap3A_738 = arith.index_cast %scan3A_731 : i32 to index
      %swap3A_739 = arith.constant 0 : index
      %swap3A_740 = tpu.vector_load %arg8[%swap3A_737, %swap3A_738, %swap3A_739] {strides = array<i32>} : memref<3x200x128xf32, #tpu.memory_space<vmem>>, vector<1x1x16xf32>,
      %swap3A_741 = vector.shape_cast %swap3A_740 : vector<1x1x16xf32> to vector<16xf32>
      %swap3A_742 = vector.shape_cast %get3A_735 : vector<16xf32> to vector<1x1x16xf32>
      tpu.vector_store %arg8[%swap3A_737, %swap3A_738, %swap3A_739], %swap3A_742 {add = true, strides = array<i32>} : memref<3x200x128xf32, #tpu.memory_space<vmem>>, vector<1x1x16xf32>,
      %get3A_743 = arith.index_cast %scan3A_731 : i32 to index
      %get3A_744 = arith.constant 16 : index
      %get3A_745 = tpu.vector_load %arg7[%get3A_743, %get3A_744] {strides = array<i32>} : memref<200x128xf32, #tpu.memory_space<vmem>>, vector<1x16xf32>,
      %get3A_746 = vector.shape_cast %get3A_745 : vector<1x16xf32> to vector<16xf32>
      %swap3A_747 = arith.constant 1 : i32
      %swap3A_748 = arith.index_cast %swap3A_747 : i32 to index
      %swap3A_749 = arith.index_cast %scan3A_731 : i32 to index
      %swap3A_750 = arith.constant 16 : index
      %swap3A_751 = tpu.vector_load %arg8[%swap3A_748, %swap3A_749, %swap3A_750] {strides = array<i32>} : memref<3x200x128xf32, #tpu.memory_space<vmem>>, vector<1x1x16xf32>,
      %swap3A_752 = vector.shape_cast %swap3A_751 : vector<1x1x16xf32> to vector<16xf32>
      %swap3A_753 = vector.shape_cast %get3A_746 : vector<16xf32> to vector<1x1x16xf32>
      tpu.vector_store %arg8[%swap3A_748, %swap3A_749, %swap3A_750], %swap3A_753 {add = true, strides = array<i32>} : memref<3x200x128xf32, #tpu.memory_space<vmem>>, vector<1x1x16xf32>,
      %get3A_754 = arith.index_cast %scan3A_731 : i32 to index
      %get3A_755 = arith.constant 32 : index
      %get3A_756 = tpu.vector_load %arg7[%get3A_754, %get3A_755] {strides = array<i32>} : memref<200x128xf32, #tpu.memory_space<vmem>>, vector<1x16xf32>,
      %get3A_757 = vector.shape_cast %get3A_756 : vector<1x16xf32> to vector<16xf32>
      %swap3A_758 = arith.constant 1 : i32
      %swap3A_759 = arith.index_cast %swap3A_758 : i32 to index
      %swap3A_760 = arith.index_cast %scan3A_731 : i32 to index
      %swap3A_761 = arith.constant 32 : index
      %swap3A_762 = tpu.vector_load %arg8[%swap3A_759, %swap3A_760, %swap3A_761] {strides = array<i32>} : memref<3x200x128xf32, #tpu.memory_space<vmem>>, vector<1x1x16xf32>,
      %swap3A_763 = vector.shape_cast %swap3A_762 : vector<1x1x16xf32> to vector<16xf32>
      %swap3A_764 = vector.shape_cast %get3A_757 : vector<16xf32> to vector<1x1x16xf32>
      tpu.vector_store %arg8[%swap3A_759, %swap3A_760, %swap3A_761], %swap3A_764 {add = true, strides = array<i32>} : memref<3x200x128xf32, #tpu.memory_space<vmem>>, vector<1x1x16xf32>,
      %get3A_765 = arith.index_cast %scan3A_731 : i32 to index
      %get3A_766 = arith.constant 48 : index
      %get3A_767 = tpu.vector_load %arg7[%get3A_765, %get3A_766] {strides = array<i32>} : memref<200x128xf32, #tpu.memory_space<vmem>>, vector<1x16xf32>,
      %get3A_768 = vector.shape_cast %get3A_767 : vector<1x16xf32> to vector<16xf32>
      %swap3A_769 = arith.constant 1 : i32
      %swap3A_770 = arith.index_cast %swap3A_769 : i32 to index
      %swap3A_771 = arith.index_cast %scan3A_731 : i32 to index
      %swap3A_772 = arith.constant 48 : index
      %swap3A_773 = tpu.vector_load %arg8[%swap3A_770, %swap3A_771, %swap3A_772] {strides = array<i32>} : memref<3x200x128xf32, #tpu.memory_space<vmem>>, vector<1x1x16xf32>,
      %swap3A_774 = vector.shape_cast %swap3A_773 : vector<1x1x16xf32> to vector<16xf32>
      %swap3A_775 = vector.shape_cast %get3A_768 : vector<16xf32> to vector<1x1x16xf32>
      tpu.vector_store %arg8[%swap3A_770, %swap3A_771, %swap3A_772], %swap3A_775 {add = true, strides = array<i32>} : memref<3x200x128xf32, #tpu.memory_space<vmem>>, vector<1x1x16xf32>,
      %get3A_776 = arith.index_cast %scan3A_731 : i32 to index
      %get3A_777 = arith.constant 64 : index
      %get3A_778 = tpu.vector_load %arg7[%get3A_776, %get3A_777] {strides = array<i32>} : memref<200x128xf32, #tpu.memory_space<vmem>>, vector<1x16xf32>,
      %get3A_779 = vector.shape_cast %get3A_778 : vector<1x16xf32> to vector<16xf32>
      %swap3A_780 = arith.constant 1 : i32
      %swap3A_781 = arith.index_cast %swap3A_780 : i32 to index
      %swap3A_782 = arith.index_cast %scan3A_731 : i32 to index
      %swap3A_783 = arith.constant 64 : index
      %swap3A_784 = tpu.vector_load %arg8[%swap3A_781, %swap3A_782, %swap3A_783] {strides = array<i32>} : memref<3x200x128xf32, #tpu.memory_space<vmem>>, vector<1x1x16xf32>,
      %swap3A_785 = vector.shape_cast %swap3A_784 : vector<1x1x16xf32> to vector<16xf32>
      %swap3A_786 = vector.shape_cast %get3A_779 : vector<16xf32> to vector<1x1x16xf32>
      tpu.vector_store %arg8[%swap3A_781, %swap3A_782, %swap3A_783], %swap3A_786 {add = true, strides = array<i32>} : memref<3x200x128xf32, #tpu.memory_space<vmem>>, vector<1x1x16xf32>,
      %get3A_787 = arith.index_cast %scan3A_731 : i32 to index
      %get3A_788 = arith.constant 80 : index
      %get3A_789 = tpu.vector_load %arg7[%get3A_787, %get3A_788] {strides = array<i32>} : memref<200x128xf32, #tpu.memory_space<vmem>>, vector<1x16xf32>,
      %get3A_790 = vector.shape_cast %get3A_789 : vector<1x16xf32> to vector<16xf32>
      %swap3A_791 = arith.constant 1 : i32
      %swap3A_792 = arith.index_cast %swap3A_791 : i32 to index
      %swap3A_793 = arith.index_cast %scan3A_731 : i32 to index
      %swap3A_794 = arith.constant 80 : index
      %swap3A_795 = tpu.vector_load %arg8[%swap3A_792, %swap3A_793, %swap3A_794] {strides = array<i32>} : memref<3x200x128xf32, #tpu.memory_space<vmem>>, vector<1x1x16xf32>,
      %swap3A_796 = vector.shape_cast %swap3A_795 : vector<1x1x16xf32> to vector<16xf32>
      %swap3A_797 = vector.shape_cast %get3A_790 : vector<16xf32> to vector<1x1x16xf32>
      tpu.vector_store %arg8[%swap3A_792, %swap3A_793, %swap3A_794], %swap3A_797 {add = true, strides = array<i32>} : memref<3x200x128xf32, #tpu.memory_space<vmem>>, vector<1x1x16xf32>,
      %get3A_798 = arith.index_cast %scan3A_731 : i32 to index
      %get3A_799 = arith.constant 96 : index
      %get3A_800 = tpu.vector_load %arg7[%get3A_798, %get3A_799] {strides = array<i32>} : memref<200x128xf32, #tpu.memory_space<vmem>>, vector<1x16xf32>,
      %get3A_801 = vector.shape_cast %get3A_800 : vector<1x16xf32> to vector<16xf32>
      %swap3A_802 = arith.constant 1 : i32
      %swap3A_803 = arith.index_cast %swap3A_802 : i32 to index
      %swap3A_804 = arith.index_cast %scan3A_731 : i32 to index
      %swap3A_805 = arith.constant 96 : index
      %swap3A_806 = tpu.vector_load %arg8[%swap3A_803, %swap3A_804, %swap3A_805] {strides = array<i32>} : memref<3x200x128xf32, #tpu.memory_space<vmem>>, vector<1x1x16xf32>,
      %swap3A_807 = vector.shape_cast %swap3A_806 : vector<1x1x16xf32> to vector<16xf32>
      %swap3A_808 = vector.shape_cast %get3A_801 : vector<16xf32> to vector<1x1x16xf32>
      tpu.vector_store %arg8[%swap3A_803, %swap3A_804, %swap3A_805], %swap3A_808 {add = true, strides = array<i32>} : memref<3x200x128xf32, #tpu.memory_space<vmem>>, vector<1x1x16xf32>,
      %get3A_809 = arith.index_cast %scan3A_731 : i32 to index
      %get3A_810 = arith.constant 112 : index
      %get3A_811 = tpu.vector_load %arg7[%get3A_809, %get3A_810] {strides = array<i32>} : memref<200x128xf32, #tpu.memory_space<vmem>>, vector<1x16xf32>,
      %get3A_812 = vector.shape_cast %get3A_811 : vector<1x16xf32> to vector<16xf32>
      %swap3A_813 = arith.constant 1 : i32
      %swap3A_814 = arith.index_cast %swap3A_813 : i32 to index
      %swap3A_815 = arith.index_cast %scan3A_731 : i32 to index
      %swap3A_816 = arith.constant 112 : index
      %swap3A_817 = tpu.vector_load %arg8[%swap3A_814, %swap3A_815, %swap3A_816] {strides = array<i32>} : memref<3x200x128xf32, #tpu.memory_space<vmem>>, vector<1x1x16xf32>,
      %swap3A_818 = vector.shape_cast %swap3A_817 : vector<1x1x16xf32> to vector<16xf32>
      %swap3A_819 = vector.shape_cast %get3A_812 : vector<16xf32> to vector<1x1x16xf32>
      tpu.vector_store %arg8[%swap3A_814, %swap3A_815, %swap3A_816], %swap3A_819 {add = true, strides = array<i32>} : memref<3x200x128xf32, #tpu.memory_space<vmem>>, vector<1x1x16xf32>,
    }
    %scan3A_389 = arith.constant 200 : i32
    %add3A_390 = arith.constant 31 : i32
    %add3A_391 = arith.addi %mul3A_2, %add3A_390 : i32
    %dma_start3A_392 = arith.constant 1 : i32
    %dma_start3A_393 = arith.constant 0 : i32
    %dma_start3A_394 = arith.constant 0 : i32
    %dma_start3A_395 = tpu.memref_slice %arg8[%dma_start3A_392, %dma_start3A_393, %dma_start3A_394] : memref<3x200x128xf32, #tpu.memory_space<vmem>> -> memref<1x200x128xf32, #tpu.memory_space<vmem>>
    %dma_start3A_396 = tpu.memref_squeeze %dma_start3A_395 : memref<1x200x128xf32, #tpu.memory_space<vmem>> -> memref<200x128xf32, #tpu.memory_space<vmem>>
    %dma_start3A_397 = arith.constant 0 : i32
    %dma_start3A_398 = arith.constant 0 : i32
    %dma_start3A_399 = tpu.memref_slice %arg5[%add3A_391, %dma_start3A_397, %dma_start3A_398] : memref<1024x200x128xf32, #tpu.memory_space<hbm>> -> memref<1x200x128xf32, #tpu.memory_space<hbm>>
    %dma_start3A_400 = tpu.memref_squeeze %dma_start3A_399 : memref<1x200x128xf32, #tpu.memory_space<hbm>> -> memref<200x128xf32, #tpu.memory_space<hbm>>
    %dma_start3A_401 = arith.constant 0 : i32
    %dma_start3A_402 = arith.constant 0 : i32
    %dma_start3A_403 = tpu.memref_slice %arg5[%add3A_391, %dma_start3A_401, %dma_start3A_402] : memref<1024x200x128xf32, #tpu.memory_space<hbm>> -> memref<1x200x128xf32, #tpu.memory_space<hbm>>
    %dma_start3A_404 = tpu.memref_squeeze %dma_start3A_403 : memref<1x200x128xf32, #tpu.memory_space<hbm>> -> memref<200x128xf32, #tpu.memory_space<hbm>>
    %dma_start3A_405 = arith.constant 0 : i32
    %dma_start3A_406 = arith.constant 0 : i32
    %dma_start3A_407 = tpu.memref_slice %arg8[%dma_start3A_392, %dma_start3A_405, %dma_start3A_406] : memref<3x200x128xf32, #tpu.memory_space<vmem>> -> memref<1x200x128xf32, #tpu.memory_space<vmem>>
    %dma_start3A_408 = tpu.memref_squeeze %dma_start3A_407 : memref<1x200x128xf32, #tpu.memory_space<vmem>> -> memref<200x128xf32, #tpu.memory_space<vmem>>
    tpu.enqueue_dma source(%dma_start3A_408 : memref<200x128xf32, #tpu.memory_space<vmem>>) target(%dma_start3A_404 : memref<200x128xf32, #tpu.memory_space<hbm>>) target_semaphore(%arg14 : memref<!tpu.dma_semaphore, #tpu.memory_space<semaphore_mem>>)
    %dma_wait3A_409 = arith.constant 0 : i32
    %dma_wait3A_410 = arith.constant 0 : i32
    %dma_wait3A_411 = arith.constant 0 : i32
    %dma_wait3A_412 = arith.constant 0 : i32
    %dma_wait3A_413 = tpu.memref_slice %arg8[%dma_wait3A_409, %dma_wait3A_411, %dma_wait3A_412] : memref<3x200x128xf32, #tpu.memory_space<vmem>> -> memref<1x200x128xf32, #tpu.memory_space<vmem>>
    %dma_wait3A_414 = tpu.memref_squeeze %dma_wait3A_413 : memref<1x200x128xf32, #tpu.memory_space<vmem>> -> memref<200x128xf32, #tpu.memory_space<vmem>>
    %dma_wait3A_415 = arith.constant 0 : i32
    %dma_wait3A_416 = arith.constant 0 : i32
    %dma_wait3A_417 = tpu.memref_slice %arg5[%dma_wait3A_410, %dma_wait3A_415, %dma_wait3A_416] : memref<1024x200x128xf32, #tpu.memory_space<hbm>> -> memref<1x200x128xf32, #tpu.memory_space<hbm>>
    %dma_wait3A_418 = tpu.memref_squeeze %dma_wait3A_417 : memref<1x200x128xf32, #tpu.memory_space<hbm>> -> memref<200x128xf32, #tpu.memory_space<hbm>>
    %dma_wait3A_419 = arith.constant 0 : i32
    %dma_wait3A_420 = arith.constant 0 : i32
    %dma_wait3A_421 = tpu.memref_slice %arg5[%dma_wait3A_410, %dma_wait3A_419, %dma_wait3A_420] : memref<1024x200x128xf32, #tpu.memory_space<hbm>> -> memref<1x200x128xf32, #tpu.memory_space<hbm>>
    %dma_wait3A_422 = tpu.memref_squeeze %dma_wait3A_421 : memref<1x200x128xf32, #tpu.memory_space<hbm>> -> memref<200x128xf32, #tpu.memory_space<hbm>>
    %dma_wait3A_423 = arith.constant 0 : i32
    %dma_wait3A_424 = arith.constant 0 : i32
    %dma_wait3A_425 = tpu.memref_slice %arg8[%dma_wait3A_409, %dma_wait3A_423, %dma_wait3A_424] : memref<3x200x128xf32, #tpu.memory_space<vmem>> -> memref<1x200x128xf32, #tpu.memory_space<vmem>>
    %dma_wait3A_426 = tpu.memref_squeeze %dma_wait3A_425 : memref<1x200x128xf32, #tpu.memory_space<vmem>> -> memref<200x128xf32, #tpu.memory_space<vmem>>
    tpu.wait_dma2 semaphore(%arg13 : memref<!tpu.dma_semaphore, #tpu.memory_space<semaphore_mem>>) src(%dma_wait3A_426 : memref<200x128xf32, #tpu.memory_space<vmem>>) dst(%dma_wait3A_422 : memref<200x128xf32, #tpu.memory_space<hbm>>)
    %dma_wait3A_427 = arith.constant 1 : i32
    %dma_wait3A_428 = arith.constant 0 : i32
    %dma_wait3A_429 = arith.constant 0 : i32
    %dma_wait3A_430 = arith.constant 0 : i32
    %dma_wait3A_431 = tpu.memref_slice %arg8[%dma_wait3A_427, %dma_wait3A_429, %dma_wait3A_430] : memref<3x200x128xf32, #tpu.memory_space<vmem>> -> memref<1x200x128xf32, #tpu.memory_space<vmem>>
    %dma_wait3A_432 = tpu.memref_squeeze %dma_wait3A_431 : memref<1x200x128xf32, #tpu.memory_space<vmem>> -> memref<200x128xf32, #tpu.memory_space<vmem>>
    %dma_wait3A_433 = arith.constant 0 : i32
    %dma_wait3A_434 = arith.constant 0 : i32
    %dma_wait3A_435 = tpu.memref_slice %arg5[%dma_wait3A_428, %dma_wait3A_433, %dma_wait3A_434] : memref<1024x200x128xf32, #tpu.memory_space<hbm>> -> memref<1x200x128xf32, #tpu.memory_space<hbm>>
    %dma_wait3A_436 = tpu.memref_squeeze %dma_wait3A_435 : memref<1x200x128xf32, #tpu.memory_space<hbm>> -> memref<200x128xf32, #tpu.memory_space<hbm>>
    %dma_wait3A_437 = arith.constant 0 : i32
    %dma_wait3A_438 = arith.constant 0 : i32
    %dma_wait3A_439 = tpu.memref_slice %arg5[%dma_wait3A_428, %dma_wait3A_437, %dma_wait3A_438] : memref<1024x200x128xf32, #tpu.memory_space<hbm>> -> memref<1x200x128xf32, #tpu.memory_space<hbm>>
    %dma_wait3A_440 = tpu.memref_squeeze %dma_wait3A_439 : memref<1x200x128xf32, #tpu.memory_space<hbm>> -> memref<200x128xf32, #tpu.memory_space<hbm>>
    %dma_wait3A_441 = arith.constant 0 : i32
    %dma_wait3A_442 = arith.constant 0 : i32
    %dma_wait3A_443 = tpu.memref_slice %arg8[%dma_wait3A_427, %dma_wait3A_441, %dma_wait3A_442] : memref<3x200x128xf32, #tpu.memory_space<vmem>> -> memref<1x200x128xf32, #tpu.memory_space<vmem>>
    %dma_wait3A_444 = tpu.memref_squeeze %dma_wait3A_443 : memref<1x200x128xf32, #tpu.memory_space<vmem>> -> memref<200x128xf32, #tpu.memory_space<vmem>>
    tpu.wait_dma2 semaphore(%arg14 : memref<!tpu.dma_semaphore, #tpu.memory_space<semaphore_mem>>) src(%dma_wait3A_444 : memref<200x128xf32, #tpu.memory_space<vmem>>) dst(%dma_wait3A_440 : memref<200x128xf32, #tpu.memory_space<hbm>>)
    %dma_wait3A_445 = arith.constant 2 : i32
    %dma_wait3A_446 = arith.constant 0 : i32
    %dma_wait3A_447 = arith.constant 0 : i32
    %dma_wait3A_448 = arith.constant 0 : i32
    %dma_wait3A_449 = tpu.memref_slice %arg8[%dma_wait3A_445, %dma_wait3A_447, %dma_wait3A_448] : memref<3x200x128xf32, #tpu.memory_space<vmem>> -> memref<1x200x128xf32, #tpu.memory_space<vmem>>
    %dma_wait3A_450 = tpu.memref_squeeze %dma_wait3A_449 : memref<1x200x128xf32, #tpu.memory_space<vmem>> -> memref<200x128xf32, #tpu.memory_space<vmem>>
    %dma_wait3A_451 = arith.constant 0 : i32
    %dma_wait3A_452 = arith.constant 0 : i32
    %dma_wait3A_453 = tpu.memref_slice %arg5[%dma_wait3A_446, %dma_wait3A_451, %dma_wait3A_452] : memref<1024x200x128xf32, #tpu.memory_space<hbm>> -> memref<1x200x128xf32, #tpu.memory_space<hbm>>
    %dma_wait3A_454 = tpu.memref_squeeze %dma_wait3A_453 : memref<1x200x128xf32, #tpu.memory_space<hbm>> -> memref<200x128xf32, #tpu.memory_space<hbm>>
    %dma_wait3A_455 = arith.constant 0 : i32
    %dma_wait3A_456 = arith.constant 0 : i32
    %dma_wait3A_457 = tpu.memref_slice %arg5[%dma_wait3A_446, %dma_wait3A_455, %dma_wait3A_456] : memref<1024x200x128xf32, #tpu.memory_space<hbm>> -> memref<1x200x128xf32, #tpu.memory_space<hbm>>
    %dma_wait3A_458 = tpu.memref_squeeze %dma_wait3A_457 : memref<1x200x128xf32, #tpu.memory_space<hbm>> -> memref<200x128xf32, #tpu.memory_space<hbm>>
    %dma_wait3A_459 = arith.constant 0 : i32
    %dma_wait3A_460 = arith.constant 0 : i32
    %dma_wait3A_461 = tpu.memref_slice %arg8[%dma_wait3A_445, %dma_wait3A_459, %dma_wait3A_460] : memref<3x200x128xf32, #tpu.memory_space<vmem>> -> memref<1x200x128xf32, #tpu.memory_space<vmem>>
    %dma_wait3A_462 = tpu.memref_squeeze %dma_wait3A_461 : memref<1x200x128xf32, #tpu.memory_space<vmem>> -> memref<200x128xf32, #tpu.memory_space<vmem>>
    tpu.wait_dma2 semaphore(%arg15 : memref<!tpu.dma_semaphore, #tpu.memory_space<semaphore_mem>>) src(%dma_wait3A_462 : memref<200x128xf32, #tpu.memory_space<vmem>>) dst(%dma_wait3A_458 : memref<200x128xf32, #tpu.memory_space<hbm>>)
    return
  }
}

</mosaic_0001>

<sc_bundles>
// kernel: kernel.3.cloned.1.call-start
scs
__scs_entry_jumppad:
0x0: {  	(pc) =	sbr.rel $0x88, $3  }
0x1: {  	(tag) =	ssettag $0x0;
	lr =	simm.s32 $0x1  }
0x2: {  	[smem:$0x3F9F] =	sst lr;
	_ =	strace $0xD0000000  }
0x3: {  	_ = 	snop  }
0x4: {  	_ = 	snop  }
0x5: {  	_ = 	snop  }
0x6: {  	_ = 	snop  }
0x7: {  	_ = 	snop  }
__scs_overlays_trampoline_lowered:
0x8: {  	[smem:$0x3FAE] =	sst s0  }
0x9: {  	[smem:$0x3FAF] =	sst s1  }
0xa: {  	[smem:$0x3FB0] =	sst s2  }
0xb: {  	[smem:$0x3FB1] =	sst s3  }
0xc: {  	[smem:$0x3FB2] =	sst s4  }
0xd: {  	[smem:$0x3FB3] =	sst s5  }
0xe: {  	[smem:$0x3FB4] =	sst s6  }
0xf: {  	[smem:$0x3FB5] =	sst s7  }
0x10: {  	[smem:$0x3FB6] =	sst s8  }
0x11: {  	[smem:$0x3FB7] =	sst s9;
	s0 =	simm.s32 @!p0 $0x0  }
0x12: {  	s1 =	sld [smem:$0x3F9D];
	s0 =	simm.s32 @p0 $0x1  }
0x13: {  	[smem:$0x3FB8] =	sst s0;
	s0 =	simm.s32 @!p1 $0x0  }
0x14: {  	s2 =	sld [smem:$0x3F9C];
	s0 =	simm.s32 @p1 $0x1  }
0x15: {  	[smem:$0x3FB9] =	sst s0;
	s0 =	simm.s32 @!p2 $0x0  }
0x16: {  	s3 =	sld [smem:$0x3FDB];
	s0 =	simm.s32 @p2 $0x1  }
0x17: {  	s4 =	simm.s32 $0x1BF5;
	[smem:$0x3FBB] =	sst s0  }
0x18: {  	s0 =	sld [smem:$0x3F9E];
	_ =	swait.ge [sflag:s4], $0x0  }
0x19: {  	s7 =	sld [smem:$0x3F9F]  }
0x1a: {  	s8 =	sadd.s32 $0xFFFFE003, lr  }
0x1b: {  	s9 =	sadd.s32 $0xFFFFFEF7, lr;
	s5 =	simm.s32 $0xFFFFFFFF;
	p2 =	slt.u32 s8, $0xFFFFF086  }
0x1c: {  	p1 =	slt.u32 s9, $0xF7A;
	s5 =	simm.s32 @!p2 $0x0  }
0x1d: {  	s5 =	simm.s32 @p1 $0x1;
	p0 =	seq.s32 s7, s2  }
0x1e: {  	s7 =	smul.u32 @!p0 $0xF7A, s2;
	p2 =	seq.s32 @!p0 s5, $0x0  }
0x1f: {  	s9 =	smul.u32 $0xF7A, s1;
	s8 =	simm.s32 @!p0 $0x1BF5;
	p2 =	por !p2, p0  }
0x20: {  	[sflag:s8] =	ssyncset.s32 @!p0 $0xFFFFF086;
	s6 =	sadd.s32 @!p0 s3, s7;
	s7 =	simm.s32 @!p0 $0x108  }
0x21: {  	s3 =	sadd.s32 s3, s9;
	s6 =	sadd.s32 @!p0 $0x88, s6;
	s7 =	simm.s32 @p2 $0x1082  }
0x22: {  	[simem:s7], [sflag:s8] =	dma.local @!p0 [hbm:s6], $0xF7A  }
0x23: {  	s9 =	sor.u32 $0xD0000000, s2;
	s6 =	simm.s32 $0x108;
	_ =	swait.ge @!p0 [sflag:s8], $0x0  }
0x24: {  	s3 =	sadd.s32 $0x88, s3;
	s6 =	simm.s32 @!p1 $0x1082;
	[sflag:s4] =	ssyncset.s32 $0xFFFFF086  }
0x25: {  	[simem:s6], [sflag:s4] =	dma.local [hbm:s3], $0xF7A  }
0x26: {  	[smem:$0x3F9F] =	sst s1;
	(tag) =	ssettag s2;
	_ =	strace s9  }
0x27: {  	s1 =	sld [smem:$0x3FAF]  }
0x28: {  	s2 =	sld [smem:$0x3FB0]  }
0x29: {  	s4 =	sld [smem:$0x3FB2]  }
0x2a: {  	p0 =	seq.s32 s5, $0x0;
	s5 =	sld [smem:$0x3FB3]  }
0x2b: {  	s6 =	sld [smem:$0x3FB4]  }
0x2c: {  	s7 =	sld [smem:$0x3FB5]  }
0x2d: {  	s3 =	simm.s32 $0x108;
	s8 =	sld [smem:$0x3FB6]  }
0x2e: {  	s3 =	simm.s32 @!p0 $0x1082;
	s9 =	sld [smem:$0x3FB7]  }
0x2f: {  	lr =	sadd.s32 s0, s3;
	s0 =	sld [smem:$0x3FAE]  }
0x30: {  	s3 =	sld [smem:$0x3FB1]  }
0x31: {  	[smem:$0x3FBA] =	sst s10  }
0x32: {  	s10 =	sld [smem:$0x3FB8];
	_ =	sdelay $0x3  }
0x33: {  	p0 =	seq.s32 s10, $0x1;
	s10 =	sld [smem:$0x3FBA];
	_ =	sdelay $0x3  }
0x34: {  	[smem:$0x3FBA] =	sst s10  }
0x35: {  	s10 =	sld [smem:$0x3FB9];
	_ =	sdelay $0x3  }
0x36: {  	p1 =	seq.s32 s10, $0x1;
	s10 =	sld [smem:$0x3FBA];
	_ =	sdelay $0x3  }
0x37: {  	[smem:$0x3FBA] =	sst s10  }
0x38: {  	s10 =	sld [smem:$0x3FBB]  }
0x39: {  	_ = 	snop;
	(pc) =	sbr.ind lr, $3  }
0x3a: {  	_ = 	snop  }
0x3b: {  	_ = 	snop  }
0x3c: {  	p2 =	seq.s32 s10, $0x1;
	s10 =	sld [smem:$0x3FBA]  }
0x3d: {  	_ =	shalt  }
0x3e: {  	_ =	shalt  }
0x3f: {  	_ =	shalt  }
0x40: {  	_ =	shalt  }
0x41: {  	_ =	shalt  }
0x42: {  	_ =	shalt  }
0x43: {  	_ =	shalt  }
0x44: {  	_ =	shalt  }
0x45: {  	_ =	shalt  }
0x46: {  	_ =	shalt  }
0x47: {  	_ =	shalt  }
0x48: {  	_ =	shalt  }
0x49: {  	_ =	shalt  }
0x4a: {  	_ =	shalt  }
0x4b: {  	_ =	shalt  }
0x4c: {  	_ =	shalt  }
0x4d: {  	_ =	shalt  }
0x4e: {  	_ =	shalt  }
0x4f: {  	_ =	shalt  }
0x50: {  	_ =	shalt  }
0x51: {  	_ =	shalt  }
0x52: {  	_ =	shalt  }
0x53: {  	_ =	shalt  }
0x54: {  	_ =	shalt  }
0x55: {  	_ =	shalt  }
0x56: {  	_ =	shalt  }
0x57: {  	_ =	shalt  }
0x58: {  	_ =	shalt  }
0x59: {  	_ =	shalt  }
0x5a: {  	_ =	shalt  }
0x5b: {  	_ =	shalt  }
0x5c: {  	_ =	shalt  }
0x5d: {  	_ =	shalt  }
0x5e: {  	_ =	shalt  }
0x5f: {  	_ =	shalt  }
0x60: {  	_ =	shalt  }
0x61: {  	_ =	shalt  }
0x62: {  	_ =	shalt  }
0x63: {  	_ =	shalt  }
0x64: {  	_ =	shalt  }
0x65: {  	_ =	shalt  }
0x66: {  	_ =	shalt  }
0x67: {  	_ =	shalt  }
0x68: {  	_ =	shalt  }
0x69: {  	_ =	shalt  }
0x6a: {  	_ =	shalt  }
0x6b: {  	_ =	shalt  }
0x6c: {  	_ =	shalt  }
0x6d: {  	_ =	shalt  }
0x6e: {  	_ =	shalt  }
0x6f: {  	_ =	shalt  }
0x70: {  	_ =	shalt  }
0x71: {  	_ =	shalt  }
0x72: {  	_ =	shalt  }
0x73: {  	_ =	shalt  }
0x74: {  	_ =	shalt  }
0x75: {  	_ =	shalt  }
0x76: {  	_ =	shalt  }
0x77: {  	_ =	shalt  }
0x78: {  	_ =	shalt  }
0x79: {  	_ =	shalt  }
0x7a: {  	_ =	shalt  }
0x7b: {  	_ =	shalt  }
0x7c: {  	_ =	shalt  }
0x7d: {  	_ =	shalt  }
0x7e: {  	_ =	shalt  }
0x7f: {  	_ =	shalt  }
0x80: {  	_ =	shalt  }
0x81: {  	_ =	shalt  }
0x82: {  	_ =	shalt  }
0x83: {  	_ =	shalt  }
0x84: {  	_ =	shalt  }
0x85: {  	_ =	shalt  }
0x86: {  	_ =	shalt  }
0x87: {  	_ =	shalt  }
.Lfunc_end0:
.L_simem_size_0:
called_computation_lowered:
.L_overlay_start_0:
0x88: {  	s2 =	sld [smem:$0x3FD9]  }
0x89: {  	s3 =	sld [smem:$0x3FFE];
	_ =	sdelay $0x1  }
0x8a: {  	s1 =	srdreg.scid  }
0x8b: {  	s0 =	sand.u32 $0x1, s1  }
0x8c: {  	s17 =	sshll.u32 s0, $0xA;
	s2 =	sadd.s32 s3, s2  }
0x8d: {  	s2 =	sadd.s32 s2, s17  }
0x8e: {  	[smem:$0x3FC6] =	sst s2  }
0x8f: {  	_ = 	snop  }
0x90: {  	s2 =	sld [smem:$0x3FC8]  }
0x91: {  	s18 =	sld [smem:$0x3FD0];
	(tm) =	ssettm $0x1  }
0x92: {  	s4 =	sld [smem:$0x3FFB];
	_ =	sdelay $0x3  }
0x93: {  	_ =	strace s4  }
0x94: {  	s4 =	sld [smem:$0x3FFC];
	_ =	sdelay $0x3  }
0x95: {  	_ =	strace s4  }
0x96: {  	s4 =	sld [smem:$0x3FFD];
	_ =	sdelay $0x3  }
0x97: {  	_ =	strace s4  }
0x98: {  	_ =	strace $0x8FFFFFFF  }
0x99: {  	s19 =	sld [smem:$0x3FDB];
	_ =	sdelay $0x1  }
0x9a: {  	s5 =	simm.s32 $_scs_section_size  }
0x9b: {  	s6 =	simm.s32 $_size__tile_overlayer_lowered;
	s7 =	simm.s32 $_tile_overlayer_lowered  }
0x9c: {  	s22 =	simm.s32 $0x1BFF;
	s21 =	sshll.u32 s7, $0x1;
	s4 =	sadd.s32 s5, s19  }
0x9d: {  	s8 =	simm.s32 $0x0;
	s20 =	sshll.u32 s6, $0x1;
	s6 =	sadd.s32 s21, s4  }
0x9e: {  	[timem:s8], [sflag:s22] =	dma.local [hbm:s6], s20  }
0x9f: {  	_ =	swait.ge [sflag:s22], s20  }
0xa0: {  	s5 =	ssub.s32 $0x0, s20;
	[sflag:s22] =	ssyncset.done $0x0  }
0xa1: {  	[sflag:s22] =	ssyncadd.s32 s5;
	_ =	sdelay $0x1  }
0xa2: {  	s23 =	simm.s32 $0x1B8B  }
0xa3: {  	_ =	swait.ge [sflag:s23], $0x1  }
0xa4: {  	[sflag:s23] =	ssyncset.done $0x0  }
0xa5: {  	s25 =	simm.s32 $0x1B8E;
	s24 =	sld [smem:$0x3FFE];
	[sflag:s23] =	ssyncadd.s32 $0xFFFFFFFF  }
0xa6: {  	s26 =	simm.s32 $execute0_lowered;
	[smem:$0x3FD2] =	sst s25  }
0xa7: {  	s6 =	sshll.u32 s26, $0x1;
	_ =	strace $0x80000046;
	[dreg:$0x1] =	wrdreg $0xFFFFFFFF  }
0xa8: {  	s28 =	simm.s32 $_size_execute0_lowered;
	s4 =	sadd.s32 s4, s6;
	[dreg:$0x0] =	wrdreg $0x0  }
0xa9: {  	s6 =	sshll.u32 s28, $0x1;
	[dreg:$0x2] =	wrdreg s4  }
0xaa: {  	[dreg:$0x3] =	wrdreg s6  }
0xab: {  	[dreg:$0x4] =	wrdreg $0xC0  }
0xac: {  	_ =	task [dreg:s8], $0x5FFFF  }
0xad: {  	[dreg:$0x1] =	wrdreg $0xFFFFFFFF  }
0xae: {  	[dreg:$0x0] =	wrdreg $0x60  }
0xaf: {  	[dreg:$0x2] =	wrdreg s24  }
0xb0: {  	[dreg:$0x3] =	wrdreg s2  }
0xb1: {  	[dreg:$0x4] =	wrdreg s18  }
0xb2: {  	[dreg:$0x5] =	wrdreg $0x1B0000  }
0xb3: {  	[dreg:$0x6] =	wrdreg $0x9  }
0xb4: {  	_ =	task.clear_ibuf [dreg:s8], $0x7FFFF;
	_ =	strace $0x90000046  }
0xb5: {  	s29 =	simm.s32 $0x9;
	_ =	strace $0x80000048  }
0xb6: {  	_ =	swait.ge [sflag:s29], $0x1  }
0xb7: {  	[sflag:s29] =	ssyncadd.s32 $0xFFFFFFFF  }
0xb8: {  	_ =	strace $0x90000048  }
0xb9: {  	_ =	sfence  }
0xba: {  	s30 =	sld [smem:$0x0];
	_ =	sdelay $0x2  }
0xbb: {  	s31 =	sshll.u32 s1, $0xD;
	s1 =	sshrl.u32 s1, $0x2  }
0xbc: {  	s3 =	sand.u32 $0x4000, s31;
	s1 =	sadd.s32 s1, s30  }
0xbd: {  	s0 =	sor.u32 s3, s0;
	s1 =	sshll.u32 s1, $0x11  }
0xbe: {  	s0 =	sor.u32 s1, s0  }
0xbf: {  	s0 =	sadd.s32 $0x8F2B, s0  }
0xc0: {  	[sflag:s0] =	ssyncadd.remote.s32 $0x1  }
0xc1: {  	_ =	sfence.sel $0xFFFF  }
0xc2: {  	[dreg:$0x0] =	wrdreg $0xFFFFFFFF;
	(pc) =	sbr.abs _section_cstart, $3  }
0xc3: {  	[dreg:$0x1] =	wrdreg $0xFFFFFFFF  }
0xc4: {  	_ =	task.clear_ibuf [dreg:s8], $0x2FFFF;
	_ =	strace $0x9FFFFFFF  }
0xc5: {  	(tm) =	ssettm $0x7FFFFFFF  }
tec
execute0_lowered:
.L_overlay_start_1:
0x0: {  	(tag) =	ssettag $0x1  }
0x1: {  	s0 =	rddreg [dreg:$0x0]  }
0x2: {  	s2 =	rddreg [dreg:$0x2]  }
0x3: {  	s3 =	rddreg [dreg:$0x3];
	s4 =	simm.s32 $0x0  }
0x4: {  	s1 =	srdreg.scid;
	s5 =	stileid.u32;
	s15 =	simm.s32 $0x7  }
0x5: {  	s17 =	simm.s32 $0x64;
	s18 =	simm.s32 $0x8400;
	s20 =	simm.s32 $0xB600  }
0x6: {  	s21 =	simm.s32 $0x1;
	s23 =	simm.s32 $0xE800;
	s29 =	simm.s32 $0x14C00  }
0x7: {  	s31 =	simm.s32 $0x17E00;
	s22 =	simm.s32 $0x5;
	s16 =	simm.s32 $0x0  }
0x8: {  	[smem:$0x7FF] =	sst s4;
	s1 =	sand.u32 $0x1, s1;
	s6 =	sshll.u32 s5, $0x1  }
0x9: {  	p0 =	sne.s32 s5, $0x0;
	_ =	strace $0x80000047;
	s6 =	sor.u32 s1, s6  }
0xa: {  	s1 =	ssub.s32 $0x2, s1;
	s14 =	sshrl.u32 @!p0 s3, $0x3;
	s8 =	smul.u32 $0xC8000, s6  }
0xb: {  	s7 =	sshll.u32 s6, $0xA;
	s24 =	sshrl.u32 s1, $0x1;
	s10 =	smul.u32 $0x19000, s6  }
0xc: {  	s6 =	sshll.u32 s6, $0x5;
	s9 =	sadd.s32 s7, s0;
	s0 =	sadd.s32 $0x8400, s0  }
0xd: {  	s25 =	ssub.s32 s1, s24;
	s24 =	simm.s32 $0x6;
	[dreg:$0x5] =	wrdreg s0  }
0xe: {  	s26 =	sshrl.u32 s8, $0x3;
	s7 =	sadd.s32 s2, s10;
	s28 =	sadd.s32 $0x400, s9  }
0xf: {  	s13 =	smax.u32 s25, $0x1;
	s25 =	simm.s32 $0x11A00;
	s0 =	simm.s32 $0x3  }
0x10: {  	s1 =	sadd.s32 s2, s26;
	[dreg:$0x6] =	wrdreg s28;
	s30 =	sadd.s32 $0xC80, s7  }
0x11: {  	s26 =	simm.s32 $0x2;
	[dreg:$0x7] =	wrdreg s30;
	s10 =	sadd.s32 $0x1900, s1  }
0x12: {  	s11 =	sadd.s32 $0x17700, s1;
	s12 =	sadd.s32 $0x18380, s1;
	s1 =	simm.s32 $0x4  }
.LBB2_1:
0x13: {  	s5 =	simm.s32 @!p0 $0x1C07;
	s8 =	rddreg [dreg:$0x1]  }
0x14: {  	[spmem:s14], [sflag:s5] =	dma.local @!p0 [hbm:s8], $0x3E80  }
0x15: {  	s5 =	simm.s32 @!p0 $0x7  }
0x16: {  	_ =	swait.ge @!p0 [sflag:s5], $0x3E80  }
0x17: {  	[sflag:s5] =	ssyncset.done @!p0 $0x0  }
0x18: {  	s30 =	rddreg [dreg:$0x6];
	[sflag:s5] =	ssyncadd.s32 @!p0 $0xFFFFC180  }
0x19: {  	[tilespmem:s4], [sflag:$0x7] =	stream.linear.gather [hbm4b:s30+s4], $0x2000, $0x38;
	[tilespmem:$0x1CF40] =	vst v63  }
0x1a: {  	_ =	swait.ge [sflag:s15], $0x2000  }
0x1b: {  	[sflag:s15] =	ssyncset.done $0x0  }
0x1c: {  	s9 =	simm.s32 $0x2000;
	s8 =	rddreg [dreg:$0x5];
	[sflag:s15] =	ssyncadd.s32 $0xFFFFE000  }
0x1d: {  	[tilespmem:s9], [sflag:$0x7] =	stream.linear.gather [hbm4b:s8+s4], $0x6400, $0x38;
	[tilespmem:$0x1CF40] =	vst v63  }
0x1e: {  	_ =	swait.ge [sflag:s15], $0x6400  }
0x1f: {  	[sflag:s15] =	ssyncset.done $0x0  }
0x20: {  	[sflag:s15] =	ssyncadd.s32 $0xFFFF9C00  }
0x21: {  	[bflag:$0x0] =	sbarrier.arrive $0xFFFF  }
0x22: {  	[tilespmem:s18], [sflag:$0x1] =	stream.indirect.gather [spmem:s3], $0x80, s4, s17, $0xb8;
	[tilespmem:$0x1CF40] =	vst v63  }
0x23: {  	s19 =	simm.s32 $0x80  }
0x24: {  	[tilespmem:s20], [sflag:$0x1] =	stream.indirect.gather [spmem:s3], $0x80, s19, s17, $0xb8;
	[tilespmem:$0x1CF40] =	vst v63  }
0x25: {  	_ =	swait.ge [sflag:s21], $0x3200  }
0x26: {  	[sflag:s21] =	ssyncset.done $0x0  }
0x27: {  	[sflag:s21] =	ssyncadd.s32 $0xFFFFCE00  }
0x28: {  	_ =	swait.ge [sflag:s21], $0x3200  }
0x29: {  	[sflag:s21] =	ssyncset.done $0x0  }
0x2a: {  	s28 =	simm.s32 $0x100;
	[sflag:s21] =	ssyncadd.s32 $0xFFFFCE00  }
0x2b: {  	[tilespmem:s23], [sflag:$0x2] =	stream.indirect.gather [spmem:s3], $0x80, s28, s17, $0xb8;
	[tilespmem:$0x1CF40] =	vst v63  }
0x2c: {  	s5 =	simm.s32 $0x0;
	s30 =	simm.s32 $0x180  }
0x2d: {  	[tilespmem:s25], [sflag:$0x2] =	stream.indirect.gather [spmem:s3], $0x80, s30, s17, $0xb8;
	[tilespmem:$0x1CF40] =	vst v63  }
0x2e: {  	v0 =	vld [tilespmem:s5+$0x21F0]  }
0x2f: {  	v1 =	vld [tilespmem:s5+$0x2000]  }
0x30: {  	v2 =	vld [tilespmem:s5+$0x2010]  }
0x31: {  	v3 =	vld [tilespmem:s5+$0x2020]  }
0x32: {  	v4 =	vld [tilespmem:s5+$0x2030]  }
0x33: {  	v5 =	vld [tilespmem:s5+$0x2040]  }
0x34: {  	v6 =	vld [tilespmem:s5+$0x2050]  }
0x35: {  	v7 =	vld [tilespmem:s5+$0x2060]  }
0x36: {  	v8 =	vld [tilespmem:s5+$0x2070]  }
0x37: {  	v9 =	vld [tilespmem:s5+$0x2080]  }
0x38: {  	v10 =	vld [tilespmem:s5+$0x2090]  }
0x39: {  	v11 =	vld [tilespmem:s5+$0x20A0]  }
0x3a: {  	v12 =	vld [tilespmem:s5+$0x20B0]  }
0x3b: {  	v13 =	vld [tilespmem:s5+$0x20C0]  }
0x3c: {  	v14 =	vld [tilespmem:s5+$0x20D0]  }
0x3d: {  	v15 =	vld [tilespmem:s5+$0x20E0]  }
0x3e: {  	v16 =	vld [tilespmem:s5+$0x20F0]  }
0x3f: {  	v17 =	vld [tilespmem:s5+$0x2100]  }
0x40: {  	v18 =	vld [tilespmem:s5+$0x2110]  }
0x41: {  	v19 =	vld [tilespmem:s5+$0x2120]  }
0x42: {  	v20 =	vld [tilespmem:s5+$0x2130]  }
0x43: {  	v21 =	vld [tilespmem:s5+$0x2140]  }
0x44: {  	v22 =	vld [tilespmem:s5+$0x2150]  }
0x45: {  	v23 =	vld [tilespmem:s5+$0x2160]  }
0x46: {  	v24 =	vld [tilespmem:s5+$0x2170]  }
0x47: {  	v25 =	vld [tilespmem:s5+$0x2180]  }
0x48: {  	v26 =	vld [tilespmem:s5+$0x2190]  }
0x49: {  	v27 =	vld [tilespmem:s5+$0x21A0]  }
0x4a: {  	v28 =	vld [tilespmem:s5+$0x21B0]  }
0x4b: {  	v29 =	vld [tilespmem:s5+$0x21C0]  }
0x4c: {  	v30 =	vld [tilespmem:s5+$0x21D0]  }
0x4d: {  	[tilespmem:s5+$0x85F0] =	vst.add.f32.msk $0xffff, v0  }
0x4e: {  	v0 =	vld [tilespmem:s5+$0x21E0]  }
0x4f: {  	[tilespmem:s5+$0x8400] =	vst.add.f32.msk $0xffff, v1  }
0x50: {  	[tilespmem:s5+$0x8410] =	vst.add.f32.msk $0xffff, v2  }
0x51: {  	[tilespmem:s5+$0x8420] =	vst.add.f32.msk $0xffff, v3  }
0x52: {  	[tilespmem:s5+$0x8430] =	vst.add.f32.msk $0xffff, v4  }
0x53: {  	[tilespmem:s5+$0x8440] =	vst.add.f32.msk $0xffff, v5  }
0x54: {  	[tilespmem:s5+$0x8450] =	vst.add.f32.msk $0xffff, v6  }
0x55: {  	[tilespmem:s5+$0x8460] =	vst.add.f32.msk $0xffff, v7  }
0x56: {  	[tilespmem:s5+$0x8470] =	vst.add.f32.msk $0xffff, v8  }
0x57: {  	[tilespmem:s5+$0x8480] =	vst.add.f32.msk $0xffff, v9  }
0x58: {  	[tilespmem:s5+$0x8490] =	vst.add.f32.msk $0xffff, v10  }
0x59: {  	[tilespmem:s5+$0x84A0] =	vst.add.f32.msk $0xffff, v11  }
0x5a: {  	[tilespmem:s5+$0x84B0] =	vst.add.f32.msk $0xffff, v12  }
0x5b: {  	[tilespmem:s5+$0x84C0] =	vst.add.f32.msk $0xffff, v13  }
0x5c: {  	[tilespmem:s5+$0x84D0] =	vst.add.f32.msk $0xffff, v14  }
0x5d: {  	[tilespmem:s5+$0x84E0] =	vst.add.f32.msk $0xffff, v15  }
0x5e: {  	[tilespmem:s5+$0x84F0] =	vst.add.f32.msk $0xffff, v16  }
0x5f: {  	[tilespmem:s5+$0x8500] =	vst.add.f32.msk $0xffff, v17  }
0x60: {  	[tilespmem:s5+$0x8510] =	vst.add.f32.msk $0xffff, v18  }
0x61: {  	[tilespmem:s5+$0x8520] =	vst.add.f32.msk $0xffff, v19  }
0x62: {  	[tilespmem:s5+$0x8530] =	vst.add.f32.msk $0xffff, v20  }
0x63: {  	[tilespmem:s5+$0x8540] =	vst.add.f32.msk $0xffff, v21  }
0x64: {  	[tilespmem:s5+$0x8550] =	vst.add.f32.msk $0xffff, v22  }
0x65: {  	[tilespmem:s5+$0x8560] =	vst.add.f32.msk $0xffff, v23  }
0x66: {  	[tilespmem:s5+$0x8570] =	vst.add.f32.msk $0xffff, v24  }
0x67: {  	[tilespmem:s5+$0x8580] =	vst.add.f32.msk $0xffff, v25  }
0x68: {  	[tilespmem:s5+$0x8590] =	vst.add.f32.msk $0xffff, v26  }
0x69: {  	[tilespmem:s5+$0x85A0] =	vst.add.f32.msk $0xffff, v27  }
0x6a: {  	[tilespmem:s5+$0x85B0] =	vst.add.f32.msk $0xffff, v28  }
0x6b: {  	[tilespmem:s5+$0x85C0] =	vst.add.f32.msk $0xffff, v29  }
0x6c: {  	s8 =	simm.s32 $0x800;
	s19 =	simm.s32 $0x0;
	[tilespmem:s5+$0x85D0] =	vst.add.f32.msk $0xffff, v30  }
.LBB2_2:
0x6d: {  	s19 =	sadd.s32 $0x4, s19;
	[tilespmem:s5+$0x85E0] =	vst.add.f32.msk $0xffff, v0;
	s5 =	sshra.s32 s8, $0x2  }
0x6e: {  	v0 =	vld [tilespmem:s5+$0x21F0];
	p1 =	slt.u32 s19, $0xC4  }
0x6f: {  	v1 =	vld [tilespmem:s5+$0x2000]  }
0x70: {  	v2 =	vld [tilespmem:s5+$0x2010]  }
0x71: {  	v3 =	vld [tilespmem:s5+$0x2020]  }
0x72: {  	v4 =	vld [tilespmem:s5+$0x2030]  }
0x73: {  	[tilespmem:s5+$0x85F0] =	vst.add.f32.msk $0xffff, v0  }
0x74: {  	v5 =	vld [tilespmem:s5+$0x2040]  }
0x75: {  	v6 =	vld [tilespmem:s5+$0x2050]  }
0x76: {  	v7 =	vld [tilespmem:s5+$0x2060]  }
0x77: {  	v8 =	vld [tilespmem:s5+$0x2070]  }
0x78: {  	v9 =	vld [tilespmem:s5+$0x2080]  }
0x79: {  	v10 =	vld [tilespmem:s5+$0x2090]  }
0x7a: {  	v11 =	vld [tilespmem:s5+$0x20A0]  }
0x7b: {  	v12 =	vld [tilespmem:s5+$0x20B0]  }
0x7c: {  	v13 =	vld [tilespmem:s5+$0x20C0]  }
0x7d: {  	v14 =	vld [tilespmem:s5+$0x20D0]  }
0x7e: {  	v15 =	vld [tilespmem:s5+$0x20E0]  }
0x7f: {  	v16 =	vld [tilespmem:s5+$0x20F0]  }
0x80: {  	v17 =	vld [tilespmem:s5+$0x2100]  }
0x81: {  	v18 =	vld [tilespmem:s5+$0x2110]  }
0x82: {  	v19 =	vld [tilespmem:s5+$0x2120]  }
0x83: {  	v20 =	vld [tilespmem:s5+$0x2130]  }
0x84: {  	v21 =	vld [tilespmem:s5+$0x2140]  }
0x85: {  	v22 =	vld [tilespmem:s5+$0x2150]  }
0x86: {  	v23 =	vld [tilespmem:s5+$0x2160]  }
0x87: {  	v24 =	vld [tilespmem:s5+$0x2170]  }
0x88: {  	v25 =	vld [tilespmem:s5+$0x2180]  }
0x89: {  	v26 =	vld [tilespmem:s5+$0x2190]  }
0x8a: {  	v27 =	vld [tilespmem:s5+$0x21A0]  }
0x8b: {  	v28 =	vld [tilespmem:s5+$0x21B0]  }
0x8c: {  	v29 =	vld [tilespmem:s5+$0x21C0]  }
0x8d: {  	v30 =	vld [tilespmem:s5+$0x21D0]  }
0x8e: {  	v0 =	vld [tilespmem:s5+$0x21E0]  }
0x8f: {  	[tilespmem:s5+$0x8400] =	vst.add.f32.msk $0xffff, v1  }
0x90: {  	[tilespmem:s5+$0x8410] =	vst.add.f32.msk $0xffff, v2  }
0x91: {  	[tilespmem:s5+$0x8420] =	vst.add.f32.msk $0xffff, v3  }
0x92: {  	[tilespmem:s5+$0x8430] =	vst.add.f32.msk $0xffff, v4  }
0x93: {  	[tilespmem:s5+$0x8440] =	vst.add.f32.msk $0xffff, v5  }
0x94: {  	[tilespmem:s5+$0x8450] =	vst.add.f32.msk $0xffff, v6  }
0x95: {  	[tilespmem:s5+$0x8460] =	vst.add.f32.msk $0xffff, v7  }
0x96: {  	[tilespmem:s5+$0x8470] =	vst.add.f32.msk $0xffff, v8  }
0x97: {  	[tilespmem:s5+$0x8480] =	vst.add.f32.msk $0xffff, v9  }
0x98: {  	[tilespmem:s5+$0x8490] =	vst.add.f32.msk $0xffff, v10  }
0x99: {  	[tilespmem:s5+$0x84A0] =	vst.add.f32.msk $0xffff, v11  }
0x9a: {  	[tilespmem:s5+$0x84B0] =	vst.add.f32.msk $0xffff, v12  }
0x9b: {  	[tilespmem:s5+$0x84C0] =	vst.add.f32.msk $0xffff, v13  }
0x9c: {  	[tilespmem:s5+$0x84D0] =	vst.add.f32.msk $0xffff, v14  }
0x9d: {  	[tilespmem:s5+$0x84E0] =	vst.add.f32.msk $0xffff, v15  }
0x9e: {  	[tilespmem:s5+$0x84F0] =	vst.add.f32.msk $0xffff, v16  }
0x9f: {  	[tilespmem:s5+$0x8500] =	vst.add.f32.msk $0xffff, v17  }
0xa0: {  	[tilespmem:s5+$0x8510] =	vst.add.f32.msk $0xffff, v18  }
0xa1: {  	[tilespmem:s5+$0x8520] =	vst.add.f32.msk $0xffff, v19  }
0xa2: {  	[tilespmem:s5+$0x8530] =	vst.add.f32.msk $0xffff, v20  }
0xa3: {  	[tilespmem:s5+$0x8540] =	vst.add.f32.msk $0xffff, v21  }
0xa4: {  	[tilespmem:s5+$0x8550] =	vst.add.f32.msk $0xffff, v22  }
0xa5: {  	[tilespmem:s5+$0x8560] =	vst.add.f32.msk $0xffff, v23  }
0xa6: {  	[tilespmem:s5+$0x8570] =	vst.add.f32.msk $0xffff, v24  }
0xa7: {  	[tilespmem:s5+$0x8580] =	vst.add.f32.msk $0xffff, v25  }
.Ltmp0:
0xa8: {  	[tilespmem:s5+$0x8590] =	vst.add.f32.msk $0xffff, v26;
	(pc) =	sbr.rel @p1 .LBB2_2-.Ltmp0, $4  }
0xa9: {  	[tilespmem:s5+$0x85A0] =	vst.add.f32.msk $0xffff, v27  }
0xaa: {  	[tilespmem:s5+$0x85B0] =	vst.add.f32.msk $0xffff, v28  }
0xab: {  	[tilespmem:s5+$0x85C0] =	vst.add.f32.msk $0xffff, v29  }
0xac: {  	s8 =	sadd.s32 $0x800, s8;
	[tilespmem:s5+$0x85D0] =	vst.add.f32.msk $0xffff, v30  }
0xad: {  	[tilespmem:s5+$0x85E0] =	vst.add.f32.msk $0xffff, v0;
	s19 =	simm.s32 $0x0  }
0xae: {  	[hbm4b:s7+s19] =	stream.linear.scatter [tilespmem:s18], [sflag:$0x4], $0x6400, $0x38;
	[tilespmem:$0x1CF40] =	vst v63  }
0xaf: {  	_ =	swait.ge [sflag:s26], $0x3200  }
0xb0: {  	[sflag:s26] =	ssyncset.done $0x0  }
0xb1: {  	[sflag:s26] =	ssyncadd.s32 $0xFFFFCE00  }
0xb2: {  	_ =	swait.ge [sflag:s26], $0x3200  }
0xb3: {  	[sflag:s26] =	ssyncset.done $0x0  }
0xb4: {  	s28 =	simm.s32 $0x200;
	[sflag:s26] =	ssyncadd.s32 $0xFFFFCE00  }
0xb5: {  	[tilespmem:s29], [sflag:$0x3] =	stream.indirect.gather [spmem:s3], $0x80, s28, s17, $0xb8;
	[tilespmem:$0x1CF40] =	vst v63  }
0xb6: {  	s30 =	simm.s32 $0x280;
	s5 =	simm.s32 $0x0  }
0xb7: {  	[tilespmem:s31], [sflag:$0x3] =	stream.indirect.gather [spmem:s3], $0x80, s30, s17, $0xb8;
	[tilespmem:$0x1CF40] =	vst v63  }
0xb8: {  	v0 =	vld [tilespmem:s5+$0x21F0]  }
0xb9: {  	v1 =	vld [tilespmem:s5+$0x2000]  }
0xba: {  	v2 =	vld [tilespmem:s5+$0x2010]  }
0xbb: {  	v3 =	vld [tilespmem:s5+$0x2020]  }
0xbc: {  	v4 =	vld [tilespmem:s5+$0x2030]  }
0xbd: {  	v5 =	vld [tilespmem:s5+$0x2040]  }
0xbe: {  	v6 =	vld [tilespmem:s5+$0x2050]  }
0xbf: {  	v7 =	vld [tilespmem:s5+$0x2060]  }
0xc0: {  	v8 =	vld [tilespmem:s5+$0x2070]  }
0xc1: {  	v9 =	vld [tilespmem:s5+$0x2080]  }
0xc2: {  	v10 =	vld [tilespmem:s5+$0x2090]  }
0xc3: {  	v11 =	vld [tilespmem:s5+$0x20A0]  }
0xc4: {  	v12 =	vld [tilespmem:s5+$0x20B0]  }
0xc5: {  	v13 =	vld [tilespmem:s5+$0x20C0]  }
0xc6: {  	v14 =	vld [tilespmem:s5+$0x20D0]  }
0xc7: {  	v15 =	vld [tilespmem:s5+$0x20E0]  }
0xc8: {  	v16 =	vld [tilespmem:s5+$0x20F0]  }
0xc9: {  	v17 =	vld [tilespmem:s5+$0x2100]  }
0xca: {  	v18 =	vld [tilespmem:s5+$0x2110]  }
0xcb: {  	v19 =	vld [tilespmem:s5+$0x2120]  }
0xcc: {  	v20 =	vld [tilespmem:s5+$0x2130]  }
0xcd: {  	v21 =	vld [tilespmem:s5+$0x2140]  }
0xce: {  	v22 =	vld [tilespmem:s5+$0x2150]  }
0xcf: {  	v23 =	vld [tilespmem:s5+$0x2160]  }
0xd0: {  	v24 =	vld [tilespmem:s5+$0x2170]  }
0xd1: {  	v25 =	vld [tilespmem:s5+$0x2180]  }
0xd2: {  	v26 =	vld [tilespmem:s5+$0x2190]  }
0xd3: {  	v27 =	vld [tilespmem:s5+$0x21A0]  }
0xd4: {  	v28 =	vld [tilespmem:s5+$0x21B0]  }
0xd5: {  	v29 =	vld [tilespmem:s5+$0x21C0]  }
0xd6: {  	v30 =	vld [tilespmem:s5+$0x21D0]  }
0xd7: {  	[tilespmem:s5+$0xE9F0] =	vst.add.f32.msk $0xffff, v0  }
0xd8: {  	v0 =	vld [tilespmem:s5+$0x21E0]  }
0xd9: {  	[tilespmem:s5+$0xE800] =	vst.add.f32.msk $0xffff, v1  }
0xda: {  	[tilespmem:s5+$0xE810] =	vst.add.f32.msk $0xffff, v2  }
0xdb: {  	[tilespmem:s5+$0xE820] =	vst.add.f32.msk $0xffff, v3  }
0xdc: {  	[tilespmem:s5+$0xE830] =	vst.add.f32.msk $0xffff, v4  }
0xdd: {  	[tilespmem:s5+$0xE840] =	vst.add.f32.msk $0xffff, v5  }
0xde: {  	[tilespmem:s5+$0xE850] =	vst.add.f32.msk $0xffff, v6  }
0xdf: {  	[tilespmem:s5+$0xE860] =	vst.add.f32.msk $0xffff, v7  }
0xe0: {  	[tilespmem:s5+$0xE870] =	vst.add.f32.msk $0xffff, v8  }
0xe1: {  	[tilespmem:s5+$0xE880] =	vst.add.f32.msk $0xffff, v9  }
0xe2: {  	[tilespmem:s5+$0xE890] =	vst.add.f32.msk $0xffff, v10  }
0xe3: {  	[tilespmem:s5+$0xE8A0] =	vst.add.f32.msk $0xffff, v11  }
0xe4: {  	[tilespmem:s5+$0xE8B0] =	vst.add.f32.msk $0xffff, v12  }
0xe5: {  	[tilespmem:s5+$0xE8C0] =	vst.add.f32.msk $0xffff, v13  }
0xe6: {  	[tilespmem:s5+$0xE8D0] =	vst.add.f32.msk $0xffff, v14  }
0xe7: {  	[tilespmem:s5+$0xE8E0] =	vst.add.f32.msk $0xffff, v15  }
0xe8: {  	[tilespmem:s5+$0xE8F0] =	vst.add.f32.msk $0xffff, v16  }
0xe9: {  	[tilespmem:s5+$0xE900] =	vst.add.f32.msk $0xffff, v17  }
0xea: {  	[tilespmem:s5+$0xE910] =	vst.add.f32.msk $0xffff, v18  }
0xeb: {  	[tilespmem:s5+$0xE920] =	vst.add.f32.msk $0xffff, v19  }
0xec: {  	[tilespmem:s5+$0xE930] =	vst.add.f32.msk $0xffff, v20  }
0xed: {  	[tilespmem:s5+$0xE940] =	vst.add.f32.msk $0xffff, v21  }
0xee: {  	[tilespmem:s5+$0xE950] =	vst.add.f32.msk $0xffff, v22  }
0xef: {  	[tilespmem:s5+$0xE960] =	vst.add.f32.msk $0xffff, v23  }
0xf0: {  	[tilespmem:s5+$0xE970] =	vst.add.f32.msk $0xffff, v24  }
0xf1: {  	[tilespmem:s5+$0xE980] =	vst.add.f32.msk $0xffff, v25  }
0xf2: {  	[tilespmem:s5+$0xE990] =	vst.add.f32.msk $0xffff, v26  }
0xf3: {  	[tilespmem:s5+$0xE9A0] =	vst.add.f32.msk $0xffff, v27  }
0xf4: {  	[tilespmem:s5+$0xE9B0] =	vst.add.f32.msk $0xffff, v28  }
0xf5: {  	[tilespmem:s5+$0xE9C0] =	vst.add.f32.msk $0xffff, v29  }
0xf6: {  	s8 =	simm.s32 $0x800;
	s19 =	simm.s32 $0x0;
	[tilespmem:s5+$0xE9D0] =	vst.add.f32.msk $0xffff, v30  }
.LBB2_4:
0xf7: {  	s19 =	sadd.s32 $0x4, s19;
	[tilespmem:s5+$0xE9E0] =	vst.add.f32.msk $0xffff, v0;
	s5 =	sshra.s32 s8, $0x2  }
0xf8: {  	v0 =	vld [tilespmem:s5+$0x21F0];
	p1 =	slt.u32 s19, $0xC4  }
0xf9: {  	v1 =	vld [tilespmem:s5+$0x2000]  }
0xfa: {  	v2 =	vld [tilespmem:s5+$0x2010]  }
0xfb: {  	v3 =	vld [tilespmem:s5+$0x2020]  }
0xfc: {  	v4 =	vld [tilespmem:s5+$0x2030]  }
0xfd: {  	[tilespmem:s5+$0xE9F0] =	vst.add.f32.msk $0xffff, v0  }
0xfe: {  	v5 =	vld [tilespmem:s5+$0x2040]  }
0xff: {  	v6 =	vld [tilespmem:s5+$0x2050]  }
0x100: {  	v7 =	vld [tilespmem:s5+$0x2060]  }
0x101: {  	v8 =	vld [tilespmem:s5+$0x2070]  }
0x102: {  	v9 =	vld [tilespmem:s5+$0x2080]  }
0x103: {  	v10 =	vld [tilespmem:s5+$0x2090]  }
0x104: {  	v11 =	vld [tilespmem:s5+$0x20A0]  }
0x105: {  	v12 =	vld [tilespmem:s5+$0x20B0]  }
0x106: {  	v13 =	vld [tilespmem:s5+$0x20C0]  }
0x107: {  	v14 =	vld [tilespmem:s5+$0x20D0]  }
0x108: {  	v15 =	vld [tilespmem:s5+$0x20E0]  }
0x109: {  	v16 =	vld [tilespmem:s5+$0x20F0]  }
0x10a: {  	v17 =	vld [tilespmem:s5+$0x2100]  }
0x10b: {  	v18 =	vld [tilespmem:s5+$0x2110]  }
0x10c: {  	v19 =	vld [tilespmem:s5+$0x2120]  }
0x10d: {  	v20 =	vld [tilespmem:s5+$0x2130]  }
0x10e: {  	v21 =	vld [tilespmem:s5+$0x2140]  }
0x10f: {  	v22 =	vld [tilespmem:s5+$0x2150]  }
0x110: {  	v23 =	vld [tilespmem:s5+$0x2160]  }
0x111: {  	v24 =	vld [tilespmem:s5+$0x2170]  }
0x112: {  	v25 =	vld [tilespmem:s5+$0x2180]  }
0x113: {  	v26 =	vld [tilespmem:s5+$0x2190]  }
0x114: {  	v27 =	vld [tilespmem:s5+$0x21A0]  }
0x115: {  	v28 =	vld [tilespmem:s5+$0x21B0]  }
0x116: {  	v29 =	vld [tilespmem:s5+$0x21C0]  }
0x117: {  	v30 =	vld [tilespmem:s5+$0x21D0]  }
0x118: {  	v0 =	vld [tilespmem:s5+$0x21E0]  }
0x119: {  	[tilespmem:s5+$0xE800] =	vst.add.f32.msk $0xffff, v1  }
0x11a: {  	[tilespmem:s5+$0xE810] =	vst.add.f32.msk $0xffff, v2  }
0x11b: {  	[tilespmem:s5+$0xE820] =	vst.add.f32.msk $0xffff, v3  }
0x11c: {  	[tilespmem:s5+$0xE830] =	vst.add.f32.msk $0xffff, v4  }
0x11d: {  	[tilespmem:s5+$0xE840] =	vst.add.f32.msk $0xffff, v5  }
0x11e: {  	[tilespmem:s5+$0xE850] =	vst.add.f32.msk $0xffff, v6  }
0x11f: {  	[tilespmem:s5+$0xE860] =	vst.add.f32.msk $0xffff, v7  }
0x120: {  	[tilespmem:s5+$0xE870] =	vst.add.f32.msk $0xffff, v8  }
0x121: {  	[tilespmem:s5+$0xE880] =	vst.add.f32.msk $0xffff, v9  }
0x122: {  	[tilespmem:s5+$0xE890] =	vst.add.f32.msk $0xffff, v10  }
0x123: {  	[tilespmem:s5+$0xE8A0] =	vst.add.f32.msk $0xffff, v11  }
0x124: {  	[tilespmem:s5+$0xE8B0] =	vst.add.f32.msk $0xffff, v12  }
0x125: {  	[tilespmem:s5+$0xE8C0] =	vst.add.f32.msk $0xffff, v13  }
0x126: {  	[tilespmem:s5+$0xE8D0] =	vst.add.f32.msk $0xffff, v14  }
0x127: {  	[tilespmem:s5+$0xE8E0] =	vst.add.f32.msk $0xffff, v15  }
0x128: {  	[tilespmem:s5+$0xE8F0] =	vst.add.f32.msk $0xffff, v16  }
0x129: {  	[tilespmem:s5+$0xE900] =	vst.add.f32.msk $0xffff, v17  }
0x12a: {  	[tilespmem:s5+$0xE910] =	vst.add.f32.msk $0xffff, v18  }
0x12b: {  	[tilespmem:s5+$0xE920] =	vst.add.f32.msk $0xffff, v19  }
0x12c: {  	[tilespmem:s5+$0xE930] =	vst.add.f32.msk $0xffff, v20  }
0x12d: {  	[tilespmem:s5+$0xE940] =	vst.add.f32.msk $0xffff, v21  }
0x12e: {  	[tilespmem:s5+$0xE950] =	vst.add.f32.msk $0xffff, v22  }
0x12f: {  	[tilespmem:s5+$0xE960] =	vst.add.f32.msk $0xffff, v23  }
0x130: {  	[tilespmem:s5+$0xE970] =	vst.add.f32.msk $0xffff, v24  }
0x131: {  	[tilespmem:s5+$0xE980] =	vst.add.f32.msk $0xffff, v25  }
.Ltmp1:
0x132: {  	[tilespmem:s5+$0xE990] =	vst.add.f32.msk $0xffff, v26;
	(pc) =	sbr.rel @p1 .LBB2_4-.Ltmp1, $4  }
0x133: {  	[tilespmem:s5+$0xE9A0] =	vst.add.f32.msk $0xffff, v27  }
0x134: {  	[tilespmem:s5+$0xE9B0] =	vst.add.f32.msk $0xffff, v28  }
0x135: {  	[tilespmem:s5+$0xE9C0] =	vst.add.f32.msk $0xffff, v29  }
0x136: {  	s8 =	sadd.s32 $0x800, s8;
	[tilespmem:s5+$0xE9D0] =	vst.add.f32.msk $0xffff, v30  }
0x137: {  	[tilespmem:s5+$0xE9E0] =	vst.add.f32.msk $0xffff, v0;
	s19 =	simm.s32 $0x0;
	s8 =	rddreg [dreg:$0x7]  }
0x138: {  	[hbm4b:s8+s19] =	stream.linear.scatter [tilespmem:s23], [sflag:$0x5], $0x6400, $0x38;
	[tilespmem:$0x1CF40] =	vst v63  }
0x139: {  	_ =	swait.ge [sflag:s0], $0x3200  }
0x13a: {  	[sflag:s0] =	ssyncset.done $0x0  }
0x13b: {  	[sflag:s0] =	ssyncadd.s32 $0xFFFFCE00  }
0x13c: {  	_ =	swait.ge [sflag:s0], $0x3200  }
0x13d: {  	[sflag:s0] =	ssyncset.done $0x0  }
0x13e: {  	[sflag:s0] =	ssyncadd.s32 $0xFFFFCE00  }
0x13f: {  	_ =	swait.ge [sflag:s1], $0x6400  }
0x140: {  	[sflag:s1] =	ssyncset.done $0x0  }
0x141: {  	s28 =	simm.s32 $0x300;
	[sflag:s1] =	ssyncadd.s32 $0xFFFF9C00  }
0x142: {  	[tilespmem:s18], [sflag:$0x1] =	stream.indirect.gather [spmem:s3], $0x80, s28, s17, $0xb8;
	[tilespmem:$0x1CF40] =	vst v63  }
0x143: {  	s30 =	simm.s32 $0x380;
	s5 =	simm.s32 $0x0  }
0x144: {  	[tilespmem:s20], [sflag:$0x1] =	stream.indirect.gather [spmem:s3], $0x80, s30, s17, $0xb8;
	[tilespmem:$0x1CF40] =	vst v63  }
0x145: {  	v0 =	vld [tilespmem:s5+$0x21F0]  }
0x146: {  	v1 =	vld [tilespmem:s5+$0x2000]  }
0x147: {  	v2 =	vld [tilespmem:s5+$0x2010]  }
0x148: {  	v3 =	vld [tilespmem:s5+$0x2020]  }
0x149: {  	v4 =	vld [tilespmem:s5+$0x2030]  }
0x14a: {  	v5 =	vld [tilespmem:s5+$0x2040]  }
0x14b: {  	v6 =	vld [tilespmem:s5+$0x2050]  }
0x14c: {  	v7 =	vld [tilespmem:s5+$0x2060]  }
0x14d: {  	v8 =	vld [tilespmem:s5+$0x2070]  }
0x14e: {  	v9 =	vld [tilespmem:s5+$0x2080]  }
0x14f: {  	v10 =	vld [tilespmem:s5+$0x2090]  }
0x150: {  	v11 =	vld [tilespmem:s5+$0x20A0]  }
0x151: {  	v12 =	vld [tilespmem:s5+$0x20B0]  }
0x152: {  	v13 =	vld [tilespmem:s5+$0x20C0]  }
0x153: {  	v14 =	vld [tilespmem:s5+$0x20D0]  }
0x154: {  	v15 =	vld [tilespmem:s5+$0x20E0]  }
0x155: {  	v16 =	vld [tilespmem:s5+$0x20F0]  }
0x156: {  	v17 =	vld [tilespmem:s5+$0x2100]  }
0x157: {  	v18 =	vld [tilespmem:s5+$0x2110]  }
0x158: {  	v19 =	vld [tilespmem:s5+$0x2120]  }
0x159: {  	v20 =	vld [tilespmem:s5+$0x2130]  }
0x15a: {  	v21 =	vld [tilespmem:s5+$0x2140]  }
0x15b: {  	v22 =	vld [tilespmem:s5+$0x2150]  }
0x15c: {  	v23 =	vld [tilespmem:s5+$0x2160]  }
0x15d: {  	v24 =	vld [tilespmem:s5+$0x2170]  }
0x15e: {  	v25 =	vld [tilespmem:s5+$0x2180]  }
0x15f: {  	v26 =	vld [tilespmem:s5+$0x2190]  }
0x160: {  	v27 =	vld [tilespmem:s5+$0x21A0]  }
0x161: {  	v28 =	vld [tilespmem:s5+$0x21B0]  }
0x162: {  	v29 =	vld [tilespmem:s5+$0x21C0]  }
0x163: {  	v30 =	vld [tilespmem:s5+$0x21D0]  }
0x164: {  	[tilespmem:s5+$0x14DF0] =	vst.add.f32.msk $0xffff, v0  }
0x165: {  	v0 =	vld [tilespmem:s5+$0x21E0]  }
0x166: {  	[tilespmem:s5+$0x14C00] =	vst.add.f32.msk $0xffff, v1  }
0x167: {  	[tilespmem:s5+$0x14C10] =	vst.add.f32.msk $0xffff, v2  }
0x168: {  	[tilespmem:s5+$0x14C20] =	vst.add.f32.msk $0xffff, v3  }
0x169: {  	[tilespmem:s5+$0x14C30] =	vst.add.f32.msk $0xffff, v4  }
0x16a: {  	[tilespmem:s5+$0x14C40] =	vst.add.f32.msk $0xffff, v5  }
0x16b: {  	[tilespmem:s5+$0x14C50] =	vst.add.f32.msk $0xffff, v6  }
0x16c: {  	[tilespmem:s5+$0x14C60] =	vst.add.f32.msk $0xffff, v7  }
0x16d: {  	[tilespmem:s5+$0x14C70] =	vst.add.f32.msk $0xffff, v8  }
0x16e: {  	[tilespmem:s5+$0x14C80] =	vst.add.f32.msk $0xffff, v9  }
0x16f: {  	[tilespmem:s5+$0x14C90] =	vst.add.f32.msk $0xffff, v10  }
0x170: {  	[tilespmem:s5+$0x14CA0] =	vst.add.f32.msk $0xffff, v11  }
0x171: {  	[tilespmem:s5+$0x14CB0] =	vst.add.f32.msk $0xffff, v12  }
0x172: {  	[tilespmem:s5+$0x14CC0] =	vst.add.f32.msk $0xffff, v13  }
0x173: {  	[tilespmem:s5+$0x14CD0] =	vst.add.f32.msk $0xffff, v14  }
0x174: {  	[tilespmem:s5+$0x14CE0] =	vst.add.f32.msk $0xffff, v15  }
0x175: {  	[tilespmem:s5+$0x14CF0] =	vst.add.f32.msk $0xffff, v16  }
0x176: {  	[tilespmem:s5+$0x14D00] =	vst.add.f32.msk $0xffff, v17  }
0x177: {  	[tilespmem:s5+$0x14D10] =	vst.add.f32.msk $0xffff, v18  }
0x178: {  	[tilespmem:s5+$0x14D20] =	vst.add.f32.msk $0xffff, v19  }
0x179: {  	[tilespmem:s5+$0x14D30] =	vst.add.f32.msk $0xffff, v20  }
0x17a: {  	[tilespmem:s5+$0x14D40] =	vst.add.f32.msk $0xffff, v21  }
0x17b: {  	[tilespmem:s5+$0x14D50] =	vst.add.f32.msk $0xffff, v22  }
0x17c: {  	[tilespmem:s5+$0x14D60] =	vst.add.f32.msk $0xffff, v23  }
0x17d: {  	[tilespmem:s5+$0x14D70] =	vst.add.f32.msk $0xffff, v24  }
0x17e: {  	[tilespmem:s5+$0x14D80] =	vst.add.f32.msk $0xffff, v25  }
0x17f: {  	[tilespmem:s5+$0x14D90] =	vst.add.f32.msk $0xffff, v26  }
0x180: {  	[tilespmem:s5+$0x14DA0] =	vst.add.f32.msk $0xffff, v27  }
0x181: {  	[tilespmem:s5+$0x14DB0] =	vst.add.f32.msk $0xffff, v28  }
0x182: {  	[tilespmem:s5+$0x14DC0] =	vst.add.f32.msk $0xffff, v29  }
0x183: {  	s19 =	simm.s32 $0x0;
	s8 =	simm.s32 $0x800;
	[tilespmem:s5+$0x14DD0] =	vst.add.f32.msk $0xffff, v30  }
.LBB2_6:
0x184: {  	s19 =	sadd.s32 $0x4, s19;
	[tilespmem:s5+$0x14DE0] =	vst.add.f32.msk $0xffff, v0;
	s5 =	sshra.s32 s8, $0x2  }
0x185: {  	v0 =	vld [tilespmem:s5+$0x21F0];
	p1 =	slt.u32 s19, $0xC4  }
0x186: {  	v1 =	vld [tilespmem:s5+$0x2000]  }
0x187: {  	v2 =	vld [tilespmem:s5+$0x2010]  }
0x188: {  	v3 =	vld [tilespmem:s5+$0x2020]  }
0x189: {  	v4 =	vld [tilespmem:s5+$0x2030]  }
0x18a: {  	[tilespmem:s5+$0x14DF0] =	vst.add.f32.msk $0xffff, v0  }
0x18b: {  	v5 =	vld [tilespmem:s5+$0x2040]  }
0x18c: {  	v6 =	vld [tilespmem:s5+$0x2050]  }
0x18d: {  	v7 =	vld [tilespmem:s5+$0x2060]  }
0x18e: {  	v8 =	vld [tilespmem:s5+$0x2070]  }
0x18f: {  	v9 =	vld [tilespmem:s5+$0x2080]  }
0x190: {  	v10 =	vld [tilespmem:s5+$0x2090]  }
0x191: {  	v11 =	vld [tilespmem:s5+$0x20A0]  }
0x192: {  	v12 =	vld [tilespmem:s5+$0x20B0]  }
0x193: {  	v13 =	vld [tilespmem:s5+$0x20C0]  }
0x194: {  	v14 =	vld [tilespmem:s5+$0x20D0]  }
0x195: {  	v15 =	vld [tilespmem:s5+$0x20E0]  }
0x196: {  	v16 =	vld [tilespmem:s5+$0x20F0]  }
0x197: {  	v17 =	vld [tilespmem:s5+$0x2100]  }
0x198: {  	v18 =	vld [tilespmem:s5+$0x2110]  }
0x199: {  	v19 =	vld [tilespmem:s5+$0x2120]  }
0x19a: {  	v20 =	vld [tilespmem:s5+$0x2130]  }
0x19b: {  	v21 =	vld [tilespmem:s5+$0x2140]  }
0x19c: {  	v22 =	vld [tilespmem:s5+$0x2150]  }
0x19d: {  	v23 =	vld [tilespmem:s5+$0x2160]  }
0x19e: {  	v24 =	vld [tilespmem:s5+$0x2170]  }
0x19f: {  	v25 =	vld [tilespmem:s5+$0x2180]  }
0x1a0: {  	v26 =	vld [tilespmem:s5+$0x2190]  }
0x1a1: {  	v27 =	vld [tilespmem:s5+$0x21A0]  }
0x1a2: {  	v28 =	vld [tilespmem:s5+$0x21B0]  }
0x1a3: {  	v29 =	vld [tilespmem:s5+$0x21C0]  }
0x1a4: {  	v30 =	vld [tilespmem:s5+$0x21D0]  }
0x1a5: {  	v0 =	vld [tilespmem:s5+$0x21E0]  }
0x1a6: {  	[tilespmem:s5+$0x14C00] =	vst.add.f32.msk $0xffff, v1  }
0x1a7: {  	[tilespmem:s5+$0x14C10] =	vst.add.f32.msk $0xffff, v2  }
0x1a8: {  	[tilespmem:s5+$0x14C20] =	vst.add.f32.msk $0xffff, v3  }
0x1a9: {  	[tilespmem:s5+$0x14C30] =	vst.add.f32.msk $0xffff, v4  }
0x1aa: {  	[tilespmem:s5+$0x14C40] =	vst.add.f32.msk $0xffff, v5  }
0x1ab: {  	[tilespmem:s5+$0x14C50] =	vst.add.f32.msk $0xffff, v6  }
0x1ac: {  	[tilespmem:s5+$0x14C60] =	vst.add.f32.msk $0xffff, v7  }
0x1ad: {  	[tilespmem:s5+$0x14C70] =	vst.add.f32.msk $0xffff, v8  }
0x1ae: {  	[tilespmem:s5+$0x14C80] =	vst.add.f32.msk $0xffff, v9  }
0x1af: {  	[tilespmem:s5+$0x14C90] =	vst.add.f32.msk $0xffff, v10  }
0x1b0: {  	[tilespmem:s5+$0x14CA0] =	vst.add.f32.msk $0xffff, v11  }
0x1b1: {  	[tilespmem:s5+$0x14CB0] =	vst.add.f32.msk $0xffff, v12  }
0x1b2: {  	[tilespmem:s5+$0x14CC0] =	vst.add.f32.msk $0xffff, v13  }
0x1b3: {  	[tilespmem:s5+$0x14CD0] =	vst.add.f32.msk $0xffff, v14  }
0x1b4: {  	[tilespmem:s5+$0x14CE0] =	vst.add.f32.msk $0xffff, v15  }
0x1b5: {  	[tilespmem:s5+$0x14CF0] =	vst.add.f32.msk $0xffff, v16  }
0x1b6: {  	[tilespmem:s5+$0x14D00] =	vst.add.f32.msk $0xffff, v17  }
0x1b7: {  	[tilespmem:s5+$0x14D10] =	vst.add.f32.msk $0xffff, v18  }
0x1b8: {  	[tilespmem:s5+$0x14D20] =	vst.add.f32.msk $0xffff, v19  }
0x1b9: {  	[tilespmem:s5+$0x14D30] =	vst.add.f32.msk $0xffff, v20  }
0x1ba: {  	[tilespmem:s5+$0x14D40] =	vst.add.f32.msk $0xffff, v21  }
0x1bb: {  	[tilespmem:s5+$0x14D50] =	vst.add.f32.msk $0xffff, v22  }
0x1bc: {  	[tilespmem:s5+$0x14D60] =	vst.add.f32.msk $0xffff, v23  }
0x1bd: {  	[tilespmem:s5+$0x14D70] =	vst.add.f32.msk $0xffff, v24  }
0x1be: {  	[tilespmem:s5+$0x14D80] =	vst.add.f32.msk $0xffff, v25  }
.Ltmp2:
0x1bf: {  	[tilespmem:s5+$0x14D90] =	vst.add.f32.msk $0xffff, v26;
	(pc) =	sbr.rel @p1 .LBB2_6-.Ltmp2, $4  }
0x1c0: {  	[tilespmem:s5+$0x14DA0] =	vst.add.f32.msk $0xffff, v27  }
0x1c1: {  	[tilespmem:s5+$0x14DB0] =	vst.add.f32.msk $0xffff, v28  }
0x1c2: {  	[tilespmem:s5+$0x14DC0] =	vst.add.f32.msk $0xffff, v29  }
0x1c3: {  	s8 =	sadd.s32 $0x800, s8;
	[tilespmem:s5+$0x14DD0] =	vst.add.f32.msk $0xffff, v30  }
0x1c4: {  	[tilespmem:s5+$0x14DE0] =	vst.add.f32.msk $0xffff, v0;
	s19 =	simm.s32 $0x1  }
0x1c5: {  	[hbm4b:s10+s4] =	stream.linear.scatter [tilespmem:s29], [sflag:$0x6], $0x6400, $0x38;
	[tilespmem:$0x1CF40] =	vst v63  }
.LBB2_8:
0x1c6: {  	_ =	swait.ge [sflag:s21], $0x3200  }
0x1c7: {  	[sflag:s21] =	ssyncset.done $0x0  }
0x1c8: {  	[sflag:s21] =	ssyncadd.s32 $0xFFFFCE00  }
0x1c9: {  	_ =	swait.ge [sflag:s21], $0x3200  }
0x1ca: {  	s30 =	smul.u32 $0x3, s19;
	[sflag:s21] =	ssyncset.done $0x0  }
0x1cb: {  	[sflag:s21] =	ssyncadd.s32 $0xFFFFCE00  }
0x1cc: {  	s28 =	sadd.s32 $0x1, s30;
	_ =	swait.ge [sflag:s22], $0x6400  }
0x1cd: {  	s5 =	sshll.u32 s28, $0x8;
	[sflag:s22] =	ssyncset.done $0x0  }
0x1ce: {  	s5 =	sand.u32 $0x3FFFFF00, s5;
	[sflag:s22] =	ssyncadd.s32 $0xFFFF9C00  }
0x1cf: {  	[tilespmem:s23], [sflag:$0x2] =	stream.indirect.gather [spmem:s3], $0x80, s5, s17, $0xb8;
	[tilespmem:$0x1CF40] =	vst v63  }
0x1d0: {  	s5 =	sor.u32 $0x80, s5  }
0x1d1: {  	[tilespmem:s25], [sflag:$0x2] =	stream.indirect.gather [spmem:s3], $0x80, s5, s17, $0xb8;
	[tilespmem:$0x1CF40] =	vst v63  }
0x1d2: {  	s5 =	simm.s32 $0x0  }
0x1d3: {  	v0 =	vld [tilespmem:s5+$0x21F0]  }
0x1d4: {  	v1 =	vld [tilespmem:s5+$0x2000]  }
0x1d5: {  	v2 =	vld [tilespmem:s5+$0x2010]  }
0x1d6: {  	v3 =	vld [tilespmem:s5+$0x2020]  }
0x1d7: {  	v4 =	vld [tilespmem:s5+$0x2030]  }
0x1d8: {  	v5 =	vld [tilespmem:s5+$0x2040]  }
0x1d9: {  	v6 =	vld [tilespmem:s5+$0x2050]  }
0x1da: {  	v7 =	vld [tilespmem:s5+$0x2060]  }
0x1db: {  	v8 =	vld [tilespmem:s5+$0x2070]  }
0x1dc: {  	v9 =	vld [tilespmem:s5+$0x2080]  }
0x1dd: {  	v10 =	vld [tilespmem:s5+$0x2090]  }
0x1de: {  	v11 =	vld [tilespmem:s5+$0x20A0]  }
0x1df: {  	v12 =	vld [tilespmem:s5+$0x20B0]  }
0x1e0: {  	v13 =	vld [tilespmem:s5+$0x20C0]  }
0x1e1: {  	v14 =	vld [tilespmem:s5+$0x20D0]  }
0x1e2: {  	v15 =	vld [tilespmem:s5+$0x20E0]  }
0x1e3: {  	v16 =	vld [tilespmem:s5+$0x20F0]  }
0x1e4: {  	v17 =	vld [tilespmem:s5+$0x2100]  }
0x1e5: {  	v18 =	vld [tilespmem:s5+$0x2110]  }
0x1e6: {  	v19 =	vld [tilespmem:s5+$0x2120]  }
0x1e7: {  	v20 =	vld [tilespmem:s5+$0x2130]  }
0x1e8: {  	v21 =	vld [tilespmem:s5+$0x2140]  }
0x1e9: {  	v22 =	vld [tilespmem:s5+$0x2150]  }
0x1ea: {  	v23 =	vld [tilespmem:s5+$0x2160]  }
0x1eb: {  	v24 =	vld [tilespmem:s5+$0x2170]  }
0x1ec: {  	v25 =	vld [tilespmem:s5+$0x2180]  }
0x1ed: {  	v26 =	vld [tilespmem:s5+$0x2190]  }
0x1ee: {  	v27 =	vld [tilespmem:s5+$0x21A0]  }
0x1ef: {  	v28 =	vld [tilespmem:s5+$0x21B0]  }
0x1f0: {  	v29 =	vld [tilespmem:s5+$0x21C0]  }
0x1f1: {  	v30 =	vld [tilespmem:s5+$0x21D0]  }
0x1f2: {  	[tilespmem:s5+$0x85F0] =	vst.add.f32.msk $0xffff, v0  }
0x1f3: {  	v0 =	vld [tilespmem:s5+$0x21E0]  }
0x1f4: {  	[tilespmem:s5+$0x8400] =	vst.add.f32.msk $0xffff, v1  }
0x1f5: {  	[tilespmem:s5+$0x8410] =	vst.add.f32.msk $0xffff, v2  }
0x1f6: {  	[tilespmem:s5+$0x8420] =	vst.add.f32.msk $0xffff, v3  }
0x1f7: {  	[tilespmem:s5+$0x8430] =	vst.add.f32.msk $0xffff, v4  }
0x1f8: {  	[tilespmem:s5+$0x8440] =	vst.add.f32.msk $0xffff, v5  }
0x1f9: {  	[tilespmem:s5+$0x8450] =	vst.add.f32.msk $0xffff, v6  }
0x1fa: {  	[tilespmem:s5+$0x8460] =	vst.add.f32.msk $0xffff, v7  }
0x1fb: {  	[tilespmem:s5+$0x8470] =	vst.add.f32.msk $0xffff, v8  }
0x1fc: {  	[tilespmem:s5+$0x8480] =	vst.add.f32.msk $0xffff, v9  }
0x1fd: {  	[tilespmem:s5+$0x8490] =	vst.add.f32.msk $0xffff, v10  }
0x1fe: {  	[tilespmem:s5+$0x84A0] =	vst.add.f32.msk $0xffff, v11  }
0x1ff: {  	[tilespmem:s5+$0x84B0] =	vst.add.f32.msk $0xffff, v12  }
0x200: {  	[tilespmem:s5+$0x84C0] =	vst.add.f32.msk $0xffff, v13  }
0x201: {  	[tilespmem:s5+$0x84D0] =	vst.add.f32.msk $0xffff, v14  }
0x202: {  	[tilespmem:s5+$0x84E0] =	vst.add.f32.msk $0xffff, v15  }
0x203: {  	[tilespmem:s5+$0x84F0] =	vst.add.f32.msk $0xffff, v16  }
0x204: {  	[tilespmem:s5+$0x8500] =	vst.add.f32.msk $0xffff, v17  }
0x205: {  	[tilespmem:s5+$0x8510] =	vst.add.f32.msk $0xffff, v18  }
0x206: {  	[tilespmem:s5+$0x8520] =	vst.add.f32.msk $0xffff, v19  }
0x207: {  	[tilespmem:s5+$0x8530] =	vst.add.f32.msk $0xffff, v20  }
0x208: {  	[tilespmem:s5+$0x8540] =	vst.add.f32.msk $0xffff, v21  }
0x209: {  	[tilespmem:s5+$0x8550] =	vst.add.f32.msk $0xffff, v22  }
0x20a: {  	[tilespmem:s5+$0x8560] =	vst.add.f32.msk $0xffff, v23  }
0x20b: {  	[tilespmem:s5+$0x8570] =	vst.add.f32.msk $0xffff, v24  }
0x20c: {  	[tilespmem:s5+$0x8580] =	vst.add.f32.msk $0xffff, v25  }
0x20d: {  	[tilespmem:s5+$0x8590] =	vst.add.f32.msk $0xffff, v26  }
0x20e: {  	[tilespmem:s5+$0x85A0] =	vst.add.f32.msk $0xffff, v27  }
0x20f: {  	[tilespmem:s5+$0x85B0] =	vst.add.f32.msk $0xffff, v28  }
0x210: {  	[tilespmem:s5+$0x85C0] =	vst.add.f32.msk $0xffff, v29  }
0x211: {  	s8 =	simm.s32 $0x0;
	s9 =	simm.s32 $0x800;
	[tilespmem:s5+$0x85D0] =	vst.add.f32.msk $0xffff, v30  }
.LBB2_9:
0x212: {  	s8 =	sadd.s32 $0x4, s8;
	[tilespmem:s5+$0x85E0] =	vst.add.f32.msk $0xffff, v0;
	s5 =	sshra.s32 s9, $0x2  }
0x213: {  	v0 =	vld [tilespmem:s5+$0x21F0];
	p1 =	slt.u32 s8, $0xC4  }
0x214: {  	v1 =	vld [tilespmem:s5+$0x2000]  }
0x215: {  	v2 =	vld [tilespmem:s5+$0x2010]  }
0x216: {  	v3 =	vld [tilespmem:s5+$0x2020]  }
0x217: {  	v4 =	vld [tilespmem:s5+$0x2030]  }
0x218: {  	[tilespmem:s5+$0x85F0] =	vst.add.f32.msk $0xffff, v0  }
0x219: {  	v5 =	vld [tilespmem:s5+$0x2040]  }
0x21a: {  	v6 =	vld [tilespmem:s5+$0x2050]  }
0x21b: {  	v7 =	vld [tilespmem:s5+$0x2060]  }
0x21c: {  	v8 =	vld [tilespmem:s5+$0x2070]  }
0x21d: {  	v9 =	vld [tilespmem:s5+$0x2080]  }
0x21e: {  	v10 =	vld [tilespmem:s5+$0x2090]  }
0x21f: {  	v11 =	vld [tilespmem:s5+$0x20A0]  }
0x220: {  	v12 =	vld [tilespmem:s5+$0x20B0]  }
0x221: {  	v13 =	vld [tilespmem:s5+$0x20C0]  }
0x222: {  	v14 =	vld [tilespmem:s5+$0x20D0]  }
0x223: {  	v15 =	vld [tilespmem:s5+$0x20E0]  }
0x224: {  	v16 =	vld [tilespmem:s5+$0x20F0]  }
0x225: {  	v17 =	vld [tilespmem:s5+$0x2100]  }
0x226: {  	v18 =	vld [tilespmem:s5+$0x2110]  }
0x227: {  	v19 =	vld [tilespmem:s5+$0x2120]  }
0x228: {  	v20 =	vld [tilespmem:s5+$0x2130]  }
0x229: {  	v21 =	vld [tilespmem:s5+$0x2140]  }
0x22a: {  	v22 =	vld [tilespmem:s5+$0x2150]  }
0x22b: {  	v23 =	vld [tilespmem:s5+$0x2160]  }
0x22c: {  	v24 =	vld [tilespmem:s5+$0x2170]  }
0x22d: {  	v25 =	vld [tilespmem:s5+$0x2180]  }
0x22e: {  	v26 =	vld [tilespmem:s5+$0x2190]  }
0x22f: {  	v27 =	vld [tilespmem:s5+$0x21A0]  }
0x230: {  	v28 =	vld [tilespmem:s5+$0x21B0]  }
0x231: {  	v29 =	vld [tilespmem:s5+$0x21C0]  }
0x232: {  	v30 =	vld [tilespmem:s5+$0x21D0]  }
0x233: {  	v0 =	vld [tilespmem:s5+$0x21E0]  }
0x234: {  	[tilespmem:s5+$0x8400] =	vst.add.f32.msk $0xffff, v1  }
0x235: {  	[tilespmem:s5+$0x8410] =	vst.add.f32.msk $0xffff, v2  }
0x236: {  	[tilespmem:s5+$0x8420] =	vst.add.f32.msk $0xffff, v3  }
0x237: {  	[tilespmem:s5+$0x8430] =	vst.add.f32.msk $0xffff, v4  }
0x238: {  	[tilespmem:s5+$0x8440] =	vst.add.f32.msk $0xffff, v5  }
0x239: {  	[tilespmem:s5+$0x8450] =	vst.add.f32.msk $0xffff, v6  }
0x23a: {  	[tilespmem:s5+$0x8460] =	vst.add.f32.msk $0xffff, v7  }
0x23b: {  	[tilespmem:s5+$0x8470] =	vst.add.f32.msk $0xffff, v8  }
0x23c: {  	[tilespmem:s5+$0x8480] =	vst.add.f32.msk $0xffff, v9  }
0x23d: {  	[tilespmem:s5+$0x8490] =	vst.add.f32.msk $0xffff, v10  }
0x23e: {  	[tilespmem:s5+$0x84A0] =	vst.add.f32.msk $0xffff, v11  }
0x23f: {  	[tilespmem:s5+$0x84B0] =	vst.add.f32.msk $0xffff, v12  }
0x240: {  	[tilespmem:s5+$0x84C0] =	vst.add.f32.msk $0xffff, v13  }
0x241: {  	[tilespmem:s5+$0x84D0] =	vst.add.f32.msk $0xffff, v14  }
0x242: {  	[tilespmem:s5+$0x84E0] =	vst.add.f32.msk $0xffff, v15  }
0x243: {  	[tilespmem:s5+$0x84F0] =	vst.add.f32.msk $0xffff, v16  }
0x244: {  	[tilespmem:s5+$0x8500] =	vst.add.f32.msk $0xffff, v17  }
0x245: {  	[tilespmem:s5+$0x8510] =	vst.add.f32.msk $0xffff, v18  }
0x246: {  	[tilespmem:s5+$0x8520] =	vst.add.f32.msk $0xffff, v19  }
0x247: {  	[tilespmem:s5+$0x8530] =	vst.add.f32.msk $0xffff, v20  }
0x248: {  	[tilespmem:s5+$0x8540] =	vst.add.f32.msk $0xffff, v21  }
0x249: {  	[tilespmem:s5+$0x8550] =	vst.add.f32.msk $0xffff, v22  }
0x24a: {  	[tilespmem:s5+$0x8560] =	vst.add.f32.msk $0xffff, v23  }
0x24b: {  	[tilespmem:s5+$0x8570] =	vst.add.f32.msk $0xffff, v24  }
0x24c: {  	[tilespmem:s5+$0x8580] =	vst.add.f32.msk $0xffff, v25  }
.Ltmp3:
0x24d: {  	[tilespmem:s5+$0x8590] =	vst.add.f32.msk $0xffff, v26;
	(pc) =	sbr.rel @p1 .LBB2_9-.Ltmp3, $4  }
0x24e: {  	[tilespmem:s5+$0x85A0] =	vst.add.f32.msk $0xffff, v27  }
0x24f: {  	[tilespmem:s5+$0x85B0] =	vst.add.f32.msk $0xffff, v28  }
0x250: {  	[tilespmem:s5+$0x85C0] =	vst.add.f32.msk $0xffff, v29  }
0x251: {  	s9 =	sadd.s32 $0x800, s9;
	[tilespmem:s5+$0x85D0] =	vst.add.f32.msk $0xffff, v30  }
0x252: {  	s8 =	sadd.s32 s6, s30  }
0x253: {  	s8 =	smul.u32 $0xC80, s8;
	_ =	sdelay $0x1  }
0x254: {  	[tilespmem:s5+$0x85E0] =	vst.add.f32.msk $0xffff, v0;
	s9 =	simm.s32 $0x0;
	s8 =	sadd.s32 s2, s8  }
0x255: {  	[hbm4b:s8+s9] =	stream.linear.scatter [tilespmem:s18], [sflag:$0x4], $0x6400, $0x38;
	[tilespmem:$0x1CF40] =	vst v63  }
0x256: {  	_ =	swait.ge [sflag:s26], $0x3200  }
0x257: {  	[sflag:s26] =	ssyncset.done $0x0  }
0x258: {  	[sflag:s26] =	ssyncadd.s32 $0xFFFFCE00  }
0x259: {  	_ =	swait.ge [sflag:s26], $0x3200  }
0x25a: {  	[sflag:s26] =	ssyncset.done $0x0  }
0x25b: {  	[sflag:s26] =	ssyncadd.s32 $0xFFFFCE00  }
0x25c: {  	s30 =	sadd.s32 $0x2, s30;
	_ =	swait.ge [sflag:s24], $0x6400  }
0x25d: {  	s9 =	sshll.u32 s30, $0x8;
	[sflag:s24] =	ssyncset.done $0x0  }
0x25e: {  	s5 =	sand.u32 $0x3FFFFF00, s9;
	[sflag:s24] =	ssyncadd.s32 $0xFFFF9C00  }
0x25f: {  	[tilespmem:s29], [sflag:$0x3] =	stream.indirect.gather [spmem:s3], $0x80, s5, s17, $0xb8;
	[tilespmem:$0x1CF40] =	vst v63  }
0x260: {  	s5 =	sor.u32 $0x80, s5  }
0x261: {  	[tilespmem:s31], [sflag:$0x3] =	stream.indirect.gather [spmem:s3], $0x80, s5, s17, $0xb8;
	[tilespmem:$0x1CF40] =	vst v63  }
0x262: {  	s5 =	simm.s32 $0x0  }
0x263: {  	v0 =	vld [tilespmem:s5+$0x21F0]  }
0x264: {  	v1 =	vld [tilespmem:s5+$0x2000]  }
0x265: {  	v2 =	vld [tilespmem:s5+$0x2010]  }
0x266: {  	v3 =	vld [tilespmem:s5+$0x2020]  }
0x267: {  	v4 =	vld [tilespmem:s5+$0x2030]  }
0x268: {  	v5 =	vld [tilespmem:s5+$0x2040]  }
0x269: {  	v6 =	vld [tilespmem:s5+$0x2050]  }
0x26a: {  	v7 =	vld [tilespmem:s5+$0x2060]  }
0x26b: {  	v8 =	vld [tilespmem:s5+$0x2070]  }
0x26c: {  	v9 =	vld [tilespmem:s5+$0x2080]  }
0x26d: {  	v10 =	vld [tilespmem:s5+$0x2090]  }
0x26e: {  	v11 =	vld [tilespmem:s5+$0x20A0]  }
0x26f: {  	v12 =	vld [tilespmem:s5+$0x20B0]  }
0x270: {  	v13 =	vld [tilespmem:s5+$0x20C0]  }
0x271: {  	v14 =	vld [tilespmem:s5+$0x20D0]  }
0x272: {  	v15 =	vld [tilespmem:s5+$0x20E0]  }
0x273: {  	v16 =	vld [tilespmem:s5+$0x20F0]  }
0x274: {  	v17 =	vld [tilespmem:s5+$0x2100]  }
0x275: {  	v18 =	vld [tilespmem:s5+$0x2110]  }
0x276: {  	v19 =	vld [tilespmem:s5+$0x2120]  }
0x277: {  	v20 =	vld [tilespmem:s5+$0x2130]  }
0x278: {  	v21 =	vld [tilespmem:s5+$0x2140]  }
0x279: {  	v22 =	vld [tilespmem:s5+$0x2150]  }
0x27a: {  	v23 =	vld [tilespmem:s5+$0x2160]  }
0x27b: {  	v24 =	vld [tilespmem:s5+$0x2170]  }
0x27c: {  	v25 =	vld [tilespmem:s5+$0x2180]  }
0x27d: {  	v26 =	vld [tilespmem:s5+$0x2190]  }
0x27e: {  	v27 =	vld [tilespmem:s5+$0x21A0]  }
0x27f: {  	v28 =	vld [tilespmem:s5+$0x21B0]  }
0x280: {  	v29 =	vld [tilespmem:s5+$0x21C0]  }
0x281: {  	v30 =	vld [tilespmem:s5+$0x21D0]  }
0x282: {  	[tilespmem:s5+$0xE9F0] =	vst.add.f32.msk $0xffff, v0  }
0x283: {  	v0 =	vld [tilespmem:s5+$0x21E0]  }
0x284: {  	[tilespmem:s5+$0xE800] =	vst.add.f32.msk $0xffff, v1  }
0x285: {  	[tilespmem:s5+$0xE810] =	vst.add.f32.msk $0xffff, v2  }
0x286: {  	[tilespmem:s5+$0xE820] =	vst.add.f32.msk $0xffff, v3  }
0x287: {  	[tilespmem:s5+$0xE830] =	vst.add.f32.msk $0xffff, v4  }
0x288: {  	[tilespmem:s5+$0xE840] =	vst.add.f32.msk $0xffff, v5  }
0x289: {  	[tilespmem:s5+$0xE850] =	vst.add.f32.msk $0xffff, v6  }
0x28a: {  	[tilespmem:s5+$0xE860] =	vst.add.f32.msk $0xffff, v7  }
0x28b: {  	[tilespmem:s5+$0xE870] =	vst.add.f32.msk $0xffff, v8  }
0x28c: {  	[tilespmem:s5+$0xE880] =	vst.add.f32.msk $0xffff, v9  }
0x28d: {  	[tilespmem:s5+$0xE890] =	vst.add.f32.msk $0xffff, v10  }
0x28e: {  	[tilespmem:s5+$0xE8A0] =	vst.add.f32.msk $0xffff, v11  }
0x28f: {  	[tilespmem:s5+$0xE8B0] =	vst.add.f32.msk $0xffff, v12  }
0x290: {  	[tilespmem:s5+$0xE8C0] =	vst.add.f32.msk $0xffff, v13  }
0x291: {  	[tilespmem:s5+$0xE8D0] =	vst.add.f32.msk $0xffff, v14  }
0x292: {  	[tilespmem:s5+$0xE8E0] =	vst.add.f32.msk $0xffff, v15  }
0x293: {  	[tilespmem:s5+$0xE8F0] =	vst.add.f32.msk $0xffff, v16  }
0x294: {  	[tilespmem:s5+$0xE900] =	vst.add.f32.msk $0xffff, v17  }
0x295: {  	[tilespmem:s5+$0xE910] =	vst.add.f32.msk $0xffff, v18  }
0x296: {  	[tilespmem:s5+$0xE920] =	vst.add.f32.msk $0xffff, v19  }
0x297: {  	[tilespmem:s5+$0xE930] =	vst.add.f32.msk $0xffff, v20  }
0x298: {  	[tilespmem:s5+$0xE940] =	vst.add.f32.msk $0xffff, v21  }
0x299: {  	[tilespmem:s5+$0xE950] =	vst.add.f32.msk $0xffff, v22  }
0x29a: {  	[tilespmem:s5+$0xE960] =	vst.add.f32.msk $0xffff, v23  }
0x29b: {  	[tilespmem:s5+$0xE970] =	vst.add.f32.msk $0xffff, v24  }
0x29c: {  	[tilespmem:s5+$0xE980] =	vst.add.f32.msk $0xffff, v25  }
0x29d: {  	[tilespmem:s5+$0xE990] =	vst.add.f32.msk $0xffff, v26  }
0x29e: {  	[tilespmem:s5+$0xE9A0] =	vst.add.f32.msk $0xffff, v27  }
0x29f: {  	[tilespmem:s5+$0xE9B0] =	vst.add.f32.msk $0xffff, v28  }
0x2a0: {  	[tilespmem:s5+$0xE9C0] =	vst.add.f32.msk $0xffff, v29  }
0x2a1: {  	s8 =	simm.s32 $0x0;
	s9 =	simm.s32 $0x800;
	[tilespmem:s5+$0xE9D0] =	vst.add.f32.msk $0xffff, v30  }
.LBB2_11:
0x2a2: {  	s8 =	sadd.s32 $0x4, s8;
	[tilespmem:s5+$0xE9E0] =	vst.add.f32.msk $0xffff, v0;
	s5 =	sshra.s32 s9, $0x2  }
0x2a3: {  	v0 =	vld [tilespmem:s5+$0x21F0];
	p1 =	slt.u32 s8, $0xC4  }
0x2a4: {  	v1 =	vld [tilespmem:s5+$0x2000]  }
0x2a5: {  	v2 =	vld [tilespmem:s5+$0x2010]  }
0x2a6: {  	v3 =	vld [tilespmem:s5+$0x2020]  }
0x2a7: {  	v4 =	vld [tilespmem:s5+$0x2030]  }
0x2a8: {  	[tilespmem:s5+$0xE9F0] =	vst.add.f32.msk $0xffff, v0  }
0x2a9: {  	v5 =	vld [tilespmem:s5+$0x2040]  }
0x2aa: {  	v6 =	vld [tilespmem:s5+$0x2050]  }
0x2ab: {  	v7 =	vld [tilespmem:s5+$0x2060]  }
0x2ac: {  	v8 =	vld [tilespmem:s5+$0x2070]  }
0x2ad: {  	v9 =	vld [tilespmem:s5+$0x2080]  }
0x2ae: {  	v10 =	vld [tilespmem:s5+$0x2090]  }
0x2af: {  	v11 =	vld [tilespmem:s5+$0x20A0]  }
0x2b0: {  	v12 =	vld [tilespmem:s5+$0x20B0]  }
0x2b1: {  	v13 =	vld [tilespmem:s5+$0x20C0]  }
0x2b2: {  	v14 =	vld [tilespmem:s5+$0x20D0]  }
0x2b3: {  	v15 =	vld [tilespmem:s5+$0x20E0]  }
0x2b4: {  	v16 =	vld [tilespmem:s5+$0x20F0]  }
0x2b5: {  	v17 =	vld [tilespmem:s5+$0x2100]  }
0x2b6: {  	v18 =	vld [tilespmem:s5+$0x2110]  }
0x2b7: {  	v19 =	vld [tilespmem:s5+$0x2120]  }
0x2b8: {  	v20 =	vld [tilespmem:s5+$0x2130]  }
0x2b9: {  	v21 =	vld [tilespmem:s5+$0x2140]  }
0x2ba: {  	v22 =	vld [tilespmem:s5+$0x2150]  }
0x2bb: {  	v23 =	vld [tilespmem:s5+$0x2160]  }
0x2bc: {  	v24 =	vld [tilespmem:s5+$0x2170]  }
0x2bd: {  	v25 =	vld [tilespmem:s5+$0x2180]  }
0x2be: {  	v26 =	vld [tilespmem:s5+$0x2190]  }
0x2bf: {  	v27 =	vld [tilespmem:s5+$0x21A0]  }
0x2c0: {  	v28 =	vld [tilespmem:s5+$0x21B0]  }
0x2c1: {  	v29 =	vld [tilespmem:s5+$0x21C0]  }
0x2c2: {  	v30 =	vld [tilespmem:s5+$0x21D0]  }
0x2c3: {  	v0 =	vld [tilespmem:s5+$0x21E0]  }
0x2c4: {  	[tilespmem:s5+$0xE800] =	vst.add.f32.msk $0xffff, v1  }
0x2c5: {  	[tilespmem:s5+$0xE810] =	vst.add.f32.msk $0xffff, v2  }
0x2c6: {  	[tilespmem:s5+$0xE820] =	vst.add.f32.msk $0xffff, v3  }
0x2c7: {  	[tilespmem:s5+$0xE830] =	vst.add.f32.msk $0xffff, v4  }
0x2c8: {  	[tilespmem:s5+$0xE840] =	vst.add.f32.msk $0xffff, v5  }
0x2c9: {  	[tilespmem:s5+$0xE850] =	vst.add.f32.msk $0xffff, v6  }
0x2ca: {  	[tilespmem:s5+$0xE860] =	vst.add.f32.msk $0xffff, v7  }
0x2cb: {  	[tilespmem:s5+$0xE870] =	vst.add.f32.msk $0xffff, v8  }
0x2cc: {  	[tilespmem:s5+$0xE880] =	vst.add.f32.msk $0xffff, v9  }
0x2cd: {  	[tilespmem:s5+$0xE890] =	vst.add.f32.msk $0xffff, v10  }
0x2ce: {  	[tilespmem:s5+$0xE8A0] =	vst.add.f32.msk $0xffff, v11  }
0x2cf: {  	[tilespmem:s5+$0xE8B0] =	vst.add.f32.msk $0xffff, v12  }
0x2d0: {  	[tilespmem:s5+$0xE8C0] =	vst.add.f32.msk $0xffff, v13  }
0x2d1: {  	[tilespmem:s5+$0xE8D0] =	vst.add.f32.msk $0xffff, v14  }
0x2d2: {  	[tilespmem:s5+$0xE8E0] =	vst.add.f32.msk $0xffff, v15  }
0x2d3: {  	[tilespmem:s5+$0xE8F0] =	vst.add.f32.msk $0xffff, v16  }
0x2d4: {  	[tilespmem:s5+$0xE900] =	vst.add.f32.msk $0xffff, v17  }
0x2d5: {  	[tilespmem:s5+$0xE910] =	vst.add.f32.msk $0xffff, v18  }
0x2d6: {  	[tilespmem:s5+$0xE920] =	vst.add.f32.msk $0xffff, v19  }
0x2d7: {  	[tilespmem:s5+$0xE930] =	vst.add.f32.msk $0xffff, v20  }
0x2d8: {  	[tilespmem:s5+$0xE940] =	vst.add.f32.msk $0xffff, v21  }
0x2d9: {  	[tilespmem:s5+$0xE950] =	vst.add.f32.msk $0xffff, v22  }
0x2da: {  	[tilespmem:s5+$0xE960] =	vst.add.f32.msk $0xffff, v23  }
0x2db: {  	[tilespmem:s5+$0xE970] =	vst.add.f32.msk $0xffff, v24  }
0x2dc: {  	[tilespmem:s5+$0xE980] =	vst.add.f32.msk $0xffff, v25  }
.Ltmp4:
0x2dd: {  	[tilespmem:s5+$0xE990] =	vst.add.f32.msk $0xffff, v26;
	(pc) =	sbr.rel @p1 .LBB2_11-.Ltmp4, $4  }
0x2de: {  	[tilespmem:s5+$0xE9A0] =	vst.add.f32.msk $0xffff, v27  }
0x2df: {  	[tilespmem:s5+$0xE9B0] =	vst.add.f32.msk $0xffff, v28  }
0x2e0: {  	[tilespmem:s5+$0xE9C0] =	vst.add.f32.msk $0xffff, v29  }
0x2e1: {  	s9 =	sadd.s32 $0x800, s9;
	[tilespmem:s5+$0xE9D0] =	vst.add.f32.msk $0xffff, v30  }
0x2e2: {  	s8 =	sadd.s32 s6, s28  }
0x2e3: {  	s8 =	smul.u32 $0xC80, s8;
	_ =	sdelay $0x1  }
0x2e4: {  	[tilespmem:s5+$0xE9E0] =	vst.add.f32.msk $0xffff, v0;
	s28 =	simm.s32 $0x0;
	s9 =	sadd.s32 s2, s8  }
0x2e5: {  	[hbm4b:s9+s28] =	stream.linear.scatter [tilespmem:s23], [sflag:$0x5], $0x6400, $0x38;
	[tilespmem:$0x1CF40] =	vst v63  }
0x2e6: {  	_ =	swait.ge [sflag:s0], $0x3200  }
0x2e7: {  	[sflag:s0] =	ssyncset.done $0x0  }
0x2e8: {  	[sflag:s0] =	ssyncadd.s32 $0xFFFFCE00  }
0x2e9: {  	_ =	swait.ge [sflag:s0], $0x3200  }
0x2ea: {  	[sflag:s0] =	ssyncset.done $0x0  }
0x2eb: {  	s9 =	smul.u32 $0xC00, s19;
	[sflag:s0] =	ssyncadd.s32 $0xFFFFCE00  }
0x2ec: {  	_ =	swait.ge [sflag:s1], $0x6400  }
0x2ed: {  	s5 =	sshra.s32 s9, $0x2;
	[sflag:s1] =	ssyncset.done $0x0  }
0x2ee: {  	s28 =	sadd.s32 $0x300, s5;
	[sflag:s1] =	ssyncadd.s32 $0xFFFF9C00  }
0x2ef: {  	[tilespmem:s18], [sflag:$0x1] =	stream.indirect.gather [spmem:s3], $0x80, s28, s17, $0xb8;
	[tilespmem:$0x1CF40] =	vst v63  }
0x2f0: {  	s5 =	sadd.s32 $0x380, s5  }
0x2f1: {  	[tilespmem:s20], [sflag:$0x1] =	stream.indirect.gather [spmem:s3], $0x80, s5, s17, $0xb8;
	[tilespmem:$0x1CF40] =	vst v63  }
0x2f2: {  	s5 =	simm.s32 $0x0  }
0x2f3: {  	v0 =	vld [tilespmem:s5+$0x21F0]  }
0x2f4: {  	v1 =	vld [tilespmem:s5+$0x2000]  }
0x2f5: {  	v2 =	vld [tilespmem:s5+$0x2010]  }
0x2f6: {  	v3 =	vld [tilespmem:s5+$0x2020]  }
0x2f7: {  	v4 =	vld [tilespmem:s5+$0x2030]  }
0x2f8: {  	v5 =	vld [tilespmem:s5+$0x2040]  }
0x2f9: {  	v6 =	vld [tilespmem:s5+$0x2050]  }
0x2fa: {  	v7 =	vld [tilespmem:s5+$0x2060]  }
0x2fb: {  	v8 =	vld [tilespmem:s5+$0x2070]  }
0x2fc: {  	v9 =	vld [tilespmem:s5+$0x2080]  }
0x2fd: {  	v10 =	vld [tilespmem:s5+$0x2090]  }
0x2fe: {  	v11 =	vld [tilespmem:s5+$0x20A0]  }
0x2ff: {  	v12 =	vld [tilespmem:s5+$0x20B0]  }
0x300: {  	v13 =	vld [tilespmem:s5+$0x20C0]  }
0x301: {  	v14 =	vld [tilespmem:s5+$0x20D0]  }
0x302: {  	v15 =	vld [tilespmem:s5+$0x20E0]  }
0x303: {  	v16 =	vld [tilespmem:s5+$0x20F0]  }
0x304: {  	v17 =	vld [tilespmem:s5+$0x2100]  }
0x305: {  	v18 =	vld [tilespmem:s5+$0x2110]  }
0x306: {  	v19 =	vld [tilespmem:s5+$0x2120]  }
0x307: {  	v20 =	vld [tilespmem:s5+$0x2130]  }
0x308: {  	v21 =	vld [tilespmem:s5+$0x2140]  }
0x309: {  	v22 =	vld [tilespmem:s5+$0x2150]  }
0x30a: {  	v23 =	vld [tilespmem:s5+$0x2160]  }
0x30b: {  	v24 =	vld [tilespmem:s5+$0x2170]  }
0x30c: {  	v25 =	vld [tilespmem:s5+$0x2180]  }
0x30d: {  	v26 =	vld [tilespmem:s5+$0x2190]  }
0x30e: {  	v27 =	vld [tilespmem:s5+$0x21A0]  }
0x30f: {  	v28 =	vld [tilespmem:s5+$0x21B0]  }
0x310: {  	v29 =	vld [tilespmem:s5+$0x21C0]  }
0x311: {  	v30 =	vld [tilespmem:s5+$0x21D0]  }
0x312: {  	[tilespmem:s5+$0x14DF0] =	vst.add.f32.msk $0xffff, v0  }
0x313: {  	v0 =	vld [tilespmem:s5+$0x21E0]  }
0x314: {  	[tilespmem:s5+$0x14C00] =	vst.add.f32.msk $0xffff, v1  }
0x315: {  	[tilespmem:s5+$0x14C10] =	vst.add.f32.msk $0xffff, v2  }
0x316: {  	[tilespmem:s5+$0x14C20] =	vst.add.f32.msk $0xffff, v3  }
0x317: {  	[tilespmem:s5+$0x14C30] =	vst.add.f32.msk $0xffff, v4  }
0x318: {  	[tilespmem:s5+$0x14C40] =	vst.add.f32.msk $0xffff, v5  }
0x319: {  	[tilespmem:s5+$0x14C50] =	vst.add.f32.msk $0xffff, v6  }
0x31a: {  	[tilespmem:s5+$0x14C60] =	vst.add.f32.msk $0xffff, v7  }
0x31b: {  	[tilespmem:s5+$0x14C70] =	vst.add.f32.msk $0xffff, v8  }
0x31c: {  	[tilespmem:s5+$0x14C80] =	vst.add.f32.msk $0xffff, v9  }
0x31d: {  	[tilespmem:s5+$0x14C90] =	vst.add.f32.msk $0xffff, v10  }
0x31e: {  	[tilespmem:s5+$0x14CA0] =	vst.add.f32.msk $0xffff, v11  }
0x31f: {  	[tilespmem:s5+$0x14CB0] =	vst.add.f32.msk $0xffff, v12  }
0x320: {  	[tilespmem:s5+$0x14CC0] =	vst.add.f32.msk $0xffff, v13  }
0x321: {  	[tilespmem:s5+$0x14CD0] =	vst.add.f32.msk $0xffff, v14  }
0x322: {  	[tilespmem:s5+$0x14CE0] =	vst.add.f32.msk $0xffff, v15  }
0x323: {  	[tilespmem:s5+$0x14CF0] =	vst.add.f32.msk $0xffff, v16  }
0x324: {  	[tilespmem:s5+$0x14D00] =	vst.add.f32.msk $0xffff, v17  }
0x325: {  	[tilespmem:s5+$0x14D10] =	vst.add.f32.msk $0xffff, v18  }
0x326: {  	[tilespmem:s5+$0x14D20] =	vst.add.f32.msk $0xffff, v19  }
0x327: {  	[tilespmem:s5+$0x14D30] =	vst.add.f32.msk $0xffff, v20  }
0x328: {  	[tilespmem:s5+$0x14D40] =	vst.add.f32.msk $0xffff, v21  }
0x329: {  	[tilespmem:s5+$0x14D50] =	vst.add.f32.msk $0xffff, v22  }
0x32a: {  	[tilespmem:s5+$0x14D60] =	vst.add.f32.msk $0xffff, v23  }
0x32b: {  	[tilespmem:s5+$0x14D70] =	vst.add.f32.msk $0xffff, v24  }
0x32c: {  	[tilespmem:s5+$0x14D80] =	vst.add.f32.msk $0xffff, v25  }
0x32d: {  	[tilespmem:s5+$0x14D90] =	vst.add.f32.msk $0xffff, v26  }
0x32e: {  	[tilespmem:s5+$0x14DA0] =	vst.add.f32.msk $0xffff, v27  }
0x32f: {  	[tilespmem:s5+$0x14DB0] =	vst.add.f32.msk $0xffff, v28  }
0x330: {  	[tilespmem:s5+$0x14DC0] =	vst.add.f32.msk $0xffff, v29  }
0x331: {  	s8 =	simm.s32 $0x0;
	s9 =	simm.s32 $0x800;
	[tilespmem:s5+$0x14DD0] =	vst.add.f32.msk $0xffff, v30  }
.LBB2_13:
0x332: {  	s8 =	sadd.s32 $0x4, s8;
	[tilespmem:s5+$0x14DE0] =	vst.add.f32.msk $0xffff, v0;
	s5 =	sshra.s32 s9, $0x2  }
0x333: {  	v0 =	vld [tilespmem:s5+$0x21F0];
	p1 =	slt.u32 s8, $0xC4  }
0x334: {  	v1 =	vld [tilespmem:s5+$0x2000]  }
0x335: {  	v2 =	vld [tilespmem:s5+$0x2010]  }
0x336: {  	v3 =	vld [tilespmem:s5+$0x2020]  }
0x337: {  	v4 =	vld [tilespmem:s5+$0x2030]  }
0x338: {  	[tilespmem:s5+$0x14DF0] =	vst.add.f32.msk $0xffff, v0  }
0x339: {  	v5 =	vld [tilespmem:s5+$0x2040]  }
0x33a: {  	v6 =	vld [tilespmem:s5+$0x2050]  }
0x33b: {  	v7 =	vld [tilespmem:s5+$0x2060]  }
0x33c: {  	v8 =	vld [tilespmem:s5+$0x2070]  }
0x33d: {  	v9 =	vld [tilespmem:s5+$0x2080]  }
0x33e: {  	v10 =	vld [tilespmem:s5+$0x2090]  }
0x33f: {  	v11 =	vld [tilespmem:s5+$0x20A0]  }
0x340: {  	v12 =	vld [tilespmem:s5+$0x20B0]  }
0x341: {  	v13 =	vld [tilespmem:s5+$0x20C0]  }
0x342: {  	v14 =	vld [tilespmem:s5+$0x20D0]  }
0x343: {  	v15 =	vld [tilespmem:s5+$0x20E0]  }
0x344: {  	v16 =	vld [tilespmem:s5+$0x20F0]  }
0x345: {  	v17 =	vld [tilespmem:s5+$0x2100]  }
0x346: {  	v18 =	vld [tilespmem:s5+$0x2110]  }
0x347: {  	v19 =	vld [tilespmem:s5+$0x2120]  }
0x348: {  	v20 =	vld [tilespmem:s5+$0x2130]  }
0x349: {  	v21 =	vld [tilespmem:s5+$0x2140]  }
0x34a: {  	v22 =	vld [tilespmem:s5+$0x2150]  }
0x34b: {  	v23 =	vld [tilespmem:s5+$0x2160]  }
0x34c: {  	v24 =	vld [tilespmem:s5+$0x2170]  }
0x34d: {  	v25 =	vld [tilespmem:s5+$0x2180]  }
0x34e: {  	v26 =	vld [tilespmem:s5+$0x2190]  }
0x34f: {  	v27 =	vld [tilespmem:s5+$0x21A0]  }
0x350: {  	v28 =	vld [tilespmem:s5+$0x21B0]  }
0x351: {  	v29 =	vld [tilespmem:s5+$0x21C0]  }
0x352: {  	v30 =	vld [tilespmem:s5+$0x21D0]  }
0x353: {  	v0 =	vld [tilespmem:s5+$0x21E0]  }
0x354: {  	[tilespmem:s5+$0x14C00] =	vst.add.f32.msk $0xffff, v1  }
0x355: {  	[tilespmem:s5+$0x14C10] =	vst.add.f32.msk $0xffff, v2  }
0x356: {  	[tilespmem:s5+$0x14C20] =	vst.add.f32.msk $0xffff, v3  }
0x357: {  	[tilespmem:s5+$0x14C30] =	vst.add.f32.msk $0xffff, v4  }
0x358: {  	[tilespmem:s5+$0x14C40] =	vst.add.f32.msk $0xffff, v5  }
0x359: {  	[tilespmem:s5+$0x14C50] =	vst.add.f32.msk $0xffff, v6  }
0x35a: {  	[tilespmem:s5+$0x14C60] =	vst.add.f32.msk $0xffff, v7  }
0x35b: {  	[tilespmem:s5+$0x14C70] =	vst.add.f32.msk $0xffff, v8  }
0x35c: {  	[tilespmem:s5+$0x14C80] =	vst.add.f32.msk $0xffff, v9  }
0x35d: {  	[tilespmem:s5+$0x14C90] =	vst.add.f32.msk $0xffff, v10  }
0x35e: {  	[tilespmem:s5+$0x14CA0] =	vst.add.f32.msk $0xffff, v11  }
0x35f: {  	[tilespmem:s5+$0x14CB0] =	vst.add.f32.msk $0xffff, v12  }
0x360: {  	[tilespmem:s5+$0x14CC0] =	vst.add.f32.msk $0xffff, v13  }
0x361: {  	[tilespmem:s5+$0x14CD0] =	vst.add.f32.msk $0xffff, v14  }
0x362: {  	[tilespmem:s5+$0x14CE0] =	vst.add.f32.msk $0xffff, v15  }
0x363: {  	[tilespmem:s5+$0x14CF0] =	vst.add.f32.msk $0xffff, v16  }
0x364: {  	[tilespmem:s5+$0x14D00] =	vst.add.f32.msk $0xffff, v17  }
0x365: {  	[tilespmem:s5+$0x14D10] =	vst.add.f32.msk $0xffff, v18  }
0x366: {  	[tilespmem:s5+$0x14D20] =	vst.add.f32.msk $0xffff, v19  }
0x367: {  	[tilespmem:s5+$0x14D30] =	vst.add.f32.msk $0xffff, v20  }
0x368: {  	[tilespmem:s5+$0x14D40] =	vst.add.f32.msk $0xffff, v21  }
0x369: {  	[tilespmem:s5+$0x14D50] =	vst.add.f32.msk $0xffff, v22  }
0x36a: {  	[tilespmem:s5+$0x14D60] =	vst.add.f32.msk $0xffff, v23  }
0x36b: {  	[tilespmem:s5+$0x14D70] =	vst.add.f32.msk $0xffff, v24  }
0x36c: {  	[tilespmem:s5+$0x14D80] =	vst.add.f32.msk $0xffff, v25  }
.Ltmp5:
0x36d: {  	[tilespmem:s5+$0x14D90] =	vst.add.f32.msk $0xffff, v26;
	(pc) =	sbr.rel @p1 .LBB2_13-.Ltmp5, $4  }
0x36e: {  	[tilespmem:s5+$0x14DA0] =	vst.add.f32.msk $0xffff, v27  }
0x36f: {  	[tilespmem:s5+$0x14DB0] =	vst.add.f32.msk $0xffff, v28  }
0x370: {  	[tilespmem:s5+$0x14DC0] =	vst.add.f32.msk $0xffff, v29  }
0x371: {  	s9 =	sadd.s32 $0x800, s9;
	[tilespmem:s5+$0x14DD0] =	vst.add.f32.msk $0xffff, v30  }
0x372: {  	s19 =	sadd.s32 $0x1, s19  }
0x373: {  	p1 =	sne.s32 s19, $0xA  }
.Ltmp6:
0x374: {  	s8 =	sadd.s32 s6, s30;
	(pc) =	sbr.rel @p1 .LBB2_8-.Ltmp6, $3  }
0x375: {  	s8 =	smul.u32 $0xC80, s8;
	_ =	sdelay $0x1  }
0x376: {  	[tilespmem:s5+$0x14DE0] =	vst.add.f32.msk $0xffff, v0;
	s30 =	sadd.s32 s2, s8  }
0x377: {  	[hbm4b:s30+s4] =	stream.linear.scatter [tilespmem:s29], [sflag:$0x6], $0x6400, $0x38;
	[tilespmem:$0x1CF40] =	vst v63  }
0x378: {  	_ =	swait.ge [sflag:s21], $0x3200  }
0x379: {  	[sflag:s21] =	ssyncset.done $0x0  }
0x37a: {  	[sflag:s21] =	ssyncadd.s32 $0xFFFFCE00  }
0x37b: {  	_ =	swait.ge [sflag:s21], $0x3200  }
0x37c: {  	[sflag:s21] =	ssyncset.done $0x0  }
0x37d: {  	[sflag:s21] =	ssyncadd.s32 $0xFFFFCE00  }
0x37e: {  	_ =	swait.ge [sflag:s22], $0x6400  }
0x37f: {  	[sflag:s22] =	ssyncset.done $0x0  }
0x380: {  	s5 =	simm.s32 $0x1F00;
	[sflag:s22] =	ssyncadd.s32 $0xFFFF9C00  }
0x381: {  	[tilespmem:s23], [sflag:$0x2] =	stream.indirect.gather [spmem:s3], $0x80, s5, s17, $0xb8;
	[tilespmem:$0x1CF40] =	vst v63  }
0x382: {  	s30 =	simm.s32 $0x1F80;
	s5 =	simm.s32 $0x0  }
0x383: {  	[tilespmem:s25], [sflag:$0x2] =	stream.indirect.gather [spmem:s3], $0x80, s30, s17, $0xb8;
	[tilespmem:$0x1CF40] =	vst v63  }
0x384: {  	v0 =	vld [tilespmem:s5+$0x21F0]  }
0x385: {  	v1 =	vld [tilespmem:s5+$0x2000]  }
0x386: {  	v2 =	vld [tilespmem:s5+$0x2010]  }
0x387: {  	v3 =	vld [tilespmem:s5+$0x2020]  }
0x388: {  	v4 =	vld [tilespmem:s5+$0x2030]  }
0x389: {  	v5 =	vld [tilespmem:s5+$0x2040]  }
0x38a: {  	v6 =	vld [tilespmem:s5+$0x2050]  }
0x38b: {  	v7 =	vld [tilespmem:s5+$0x2060]  }
0x38c: {  	v8 =	vld [tilespmem:s5+$0x2070]  }
0x38d: {  	v9 =	vld [tilespmem:s5+$0x2080]  }
0x38e: {  	v10 =	vld [tilespmem:s5+$0x2090]  }
0x38f: {  	v11 =	vld [tilespmem:s5+$0x20A0]  }
0x390: {  	v12 =	vld [tilespmem:s5+$0x20B0]  }
0x391: {  	v13 =	vld [tilespmem:s5+$0x20C0]  }
0x392: {  	v14 =	vld [tilespmem:s5+$0x20D0]  }
0x393: {  	v15 =	vld [tilespmem:s5+$0x20E0]  }
0x394: {  	v16 =	vld [tilespmem:s5+$0x20F0]  }
0x395: {  	v17 =	vld [tilespmem:s5+$0x2100]  }
0x396: {  	v18 =	vld [tilespmem:s5+$0x2110]  }
0x397: {  	v19 =	vld [tilespmem:s5+$0x2120]  }
0x398: {  	v20 =	vld [tilespmem:s5+$0x2130]  }
0x399: {  	v21 =	vld [tilespmem:s5+$0x2140]  }
0x39a: {  	v22 =	vld [tilespmem:s5+$0x2150]  }
0x39b: {  	v23 =	vld [tilespmem:s5+$0x2160]  }
0x39c: {  	v24 =	vld [tilespmem:s5+$0x2170]  }
0x39d: {  	v25 =	vld [tilespmem:s5+$0x2180]  }
0x39e: {  	v26 =	vld [tilespmem:s5+$0x2190]  }
0x39f: {  	v27 =	vld [tilespmem:s5+$0x21A0]  }
0x3a0: {  	v28 =	vld [tilespmem:s5+$0x21B0]  }
0x3a1: {  	v29 =	vld [tilespmem:s5+$0x21C0]  }
0x3a2: {  	v30 =	vld [tilespmem:s5+$0x21D0]  }
0x3a3: {  	[tilespmem:s5+$0x85F0] =	vst.add.f32.msk $0xffff, v0  }
0x3a4: {  	v0 =	vld [tilespmem:s5+$0x21E0]  }
0x3a5: {  	[tilespmem:s5+$0x8400] =	vst.add.f32.msk $0xffff, v1  }
0x3a6: {  	[tilespmem:s5+$0x8410] =	vst.add.f32.msk $0xffff, v2  }
0x3a7: {  	[tilespmem:s5+$0x8420] =	vst.add.f32.msk $0xffff, v3  }
0x3a8: {  	[tilespmem:s5+$0x8430] =	vst.add.f32.msk $0xffff, v4  }
0x3a9: {  	[tilespmem:s5+$0x8440] =	vst.add.f32.msk $0xffff, v5  }
0x3aa: {  	[tilespmem:s5+$0x8450] =	vst.add.f32.msk $0xffff, v6  }
0x3ab: {  	[tilespmem:s5+$0x8460] =	vst.add.f32.msk $0xffff, v7  }
0x3ac: {  	[tilespmem:s5+$0x8470] =	vst.add.f32.msk $0xffff, v8  }
0x3ad: {  	[tilespmem:s5+$0x8480] =	vst.add.f32.msk $0xffff, v9  }
0x3ae: {  	[tilespmem:s5+$0x8490] =	vst.add.f32.msk $0xffff, v10  }
0x3af: {  	[tilespmem:s5+$0x84A0] =	vst.add.f32.msk $0xffff, v11  }
0x3b0: {  	[tilespmem:s5+$0x84B0] =	vst.add.f32.msk $0xffff, v12  }
0x3b1: {  	[tilespmem:s5+$0x84C0] =	vst.add.f32.msk $0xffff, v13  }
0x3b2: {  	[tilespmem:s5+$0x84D0] =	vst.add.f32.msk $0xffff, v14  }
0x3b3: {  	[tilespmem:s5+$0x84E0] =	vst.add.f32.msk $0xffff, v15  }
0x3b4: {  	[tilespmem:s5+$0x84F0] =	vst.add.f32.msk $0xffff, v16  }
0x3b5: {  	[tilespmem:s5+$0x8500] =	vst.add.f32.msk $0xffff, v17  }
0x3b6: {  	[tilespmem:s5+$0x8510] =	vst.add.f32.msk $0xffff, v18  }
0x3b7: {  	[tilespmem:s5+$0x8520] =	vst.add.f32.msk $0xffff, v19  }
0x3b8: {  	[tilespmem:s5+$0x8530] =	vst.add.f32.msk $0xffff, v20  }
0x3b9: {  	[tilespmem:s5+$0x8540] =	vst.add.f32.msk $0xffff, v21  }
0x3ba: {  	[tilespmem:s5+$0x8550] =	vst.add.f32.msk $0xffff, v22  }
0x3bb: {  	[tilespmem:s5+$0x8560] =	vst.add.f32.msk $0xffff, v23  }
0x3bc: {  	[tilespmem:s5+$0x8570] =	vst.add.f32.msk $0xffff, v24  }
0x3bd: {  	[tilespmem:s5+$0x8580] =	vst.add.f32.msk $0xffff, v25  }
0x3be: {  	[tilespmem:s5+$0x8590] =	vst.add.f32.msk $0xffff, v26  }
0x3bf: {  	[tilespmem:s5+$0x85A0] =	vst.add.f32.msk $0xffff, v27  }
0x3c0: {  	[tilespmem:s5+$0x85B0] =	vst.add.f32.msk $0xffff, v28  }
0x3c1: {  	[tilespmem:s5+$0x85C0] =	vst.add.f32.msk $0xffff, v29  }
0x3c2: {  	s8 =	simm.s32 $0x0;
	s9 =	simm.s32 $0x800;
	[tilespmem:s5+$0x85D0] =	vst.add.f32.msk $0xffff, v30  }
.LBB2_16:
0x3c3: {  	s8 =	sadd.s32 $0x4, s8;
	[tilespmem:s5+$0x85E0] =	vst.add.f32.msk $0xffff, v0;
	s5 =	sshra.s32 s9, $0x2  }
0x3c4: {  	v0 =	vld [tilespmem:s5+$0x21F0];
	p1 =	slt.u32 s8, $0xC4  }
0x3c5: {  	v1 =	vld [tilespmem:s5+$0x2000]  }
0x3c6: {  	v2 =	vld [tilespmem:s5+$0x2010]  }
0x3c7: {  	v3 =	vld [tilespmem:s5+$0x2020]  }
0x3c8: {  	v4 =	vld [tilespmem:s5+$0x2030]  }
0x3c9: {  	[tilespmem:s5+$0x85F0] =	vst.add.f32.msk $0xffff, v0  }
0x3ca: {  	v5 =	vld [tilespmem:s5+$0x2040]  }
0x3cb: {  	v6 =	vld [tilespmem:s5+$0x2050]  }
0x3cc: {  	v7 =	vld [tilespmem:s5+$0x2060]  }
0x3cd: {  	v8 =	vld [tilespmem:s5+$0x2070]  }
0x3ce: {  	v9 =	vld [tilespmem:s5+$0x2080]  }
0x3cf: {  	v10 =	vld [tilespmem:s5+$0x2090]  }
0x3d0: {  	v11 =	vld [tilespmem:s5+$0x20A0]  }
0x3d1: {  	v12 =	vld [tilespmem:s5+$0x20B0]  }
0x3d2: {  	v13 =	vld [tilespmem:s5+$0x20C0]  }
0x3d3: {  	v14 =	vld [tilespmem:s5+$0x20D0]  }
0x3d4: {  	v15 =	vld [tilespmem:s5+$0x20E0]  }
0x3d5: {  	v16 =	vld [tilespmem:s5+$0x20F0]  }
0x3d6: {  	v17 =	vld [tilespmem:s5+$0x2100]  }
0x3d7: {  	v18 =	vld [tilespmem:s5+$0x2110]  }
0x3d8: {  	v19 =	vld [tilespmem:s5+$0x2120]  }
0x3d9: {  	v20 =	vld [tilespmem:s5+$0x2130]  }
0x3da: {  	v21 =	vld [tilespmem:s5+$0x2140]  }
0x3db: {  	v22 =	vld [tilespmem:s5+$0x2150]  }
0x3dc: {  	v23 =	vld [tilespmem:s5+$0x2160]  }
0x3dd: {  	v24 =	vld [tilespmem:s5+$0x2170]  }
0x3de: {  	v25 =	vld [tilespmem:s5+$0x2180]  }
0x3df: {  	v26 =	vld [tilespmem:s5+$0x2190]  }
0x3e0: {  	v27 =	vld [tilespmem:s5+$0x21A0]  }
0x3e1: {  	v28 =	vld [tilespmem:s5+$0x21B0]  }
0x3e2: {  	v29 =	vld [tilespmem:s5+$0x21C0]  }
0x3e3: {  	v30 =	vld [tilespmem:s5+$0x21D0]  }
0x3e4: {  	v0 =	vld [tilespmem:s5+$0x21E0]  }
0x3e5: {  	[tilespmem:s5+$0x8400] =	vst.add.f32.msk $0xffff, v1  }
0x3e6: {  	[tilespmem:s5+$0x8410] =	vst.add.f32.msk $0xffff, v2  }
0x3e7: {  	[tilespmem:s5+$0x8420] =	vst.add.f32.msk $0xffff, v3  }
0x3e8: {  	[tilespmem:s5+$0x8430] =	vst.add.f32.msk $0xffff, v4  }
0x3e9: {  	[tilespmem:s5+$0x8440] =	vst.add.f32.msk $0xffff, v5  }
0x3ea: {  	[tilespmem:s5+$0x8450] =	vst.add.f32.msk $0xffff, v6  }
0x3eb: {  	[tilespmem:s5+$0x8460] =	vst.add.f32.msk $0xffff, v7  }
0x3ec: {  	[tilespmem:s5+$0x8470] =	vst.add.f32.msk $0xffff, v8  }
0x3ed: {  	[tilespmem:s5+$0x8480] =	vst.add.f32.msk $0xffff, v9  }
0x3ee: {  	[tilespmem:s5+$0x8490] =	vst.add.f32.msk $0xffff, v10  }
0x3ef: {  	[tilespmem:s5+$0x84A0] =	vst.add.f32.msk $0xffff, v11  }
0x3f0: {  	[tilespmem:s5+$0x84B0] =	vst.add.f32.msk $0xffff, v12  }
0x3f1: {  	[tilespmem:s5+$0x84C0] =	vst.add.f32.msk $0xffff, v13  }
0x3f2: {  	[tilespmem:s5+$0x84D0] =	vst.add.f32.msk $0xffff, v14  }
0x3f3: {  	[tilespmem:s5+$0x84E0] =	vst.add.f32.msk $0xffff, v15  }
0x3f4: {  	[tilespmem:s5+$0x84F0] =	vst.add.f32.msk $0xffff, v16  }
0x3f5: {  	[tilespmem:s5+$0x8500] =	vst.add.f32.msk $0xffff, v17  }
0x3f6: {  	[tilespmem:s5+$0x8510] =	vst.add.f32.msk $0xffff, v18  }
0x3f7: {  	[tilespmem:s5+$0x8520] =	vst.add.f32.msk $0xffff, v19  }
0x3f8: {  	[tilespmem:s5+$0x8530] =	vst.add.f32.msk $0xffff, v20  }
0x3f9: {  	[tilespmem:s5+$0x8540] =	vst.add.f32.msk $0xffff, v21  }
0x3fa: {  	[tilespmem:s5+$0x8550] =	vst.add.f32.msk $0xffff, v22  }
0x3fb: {  	[tilespmem:s5+$0x8560] =	vst.add.f32.msk $0xffff, v23  }
0x3fc: {  	[tilespmem:s5+$0x8570] =	vst.add.f32.msk $0xffff, v24  }
0x3fd: {  	[tilespmem:s5+$0x8580] =	vst.add.f32.msk $0xffff, v25  }
.Ltmp7:
0x3fe: {  	[tilespmem:s5+$0x8590] =	vst.add.f32.msk $0xffff, v26;
	(pc) =	sbr.rel @p1 .LBB2_16-.Ltmp7, $4  }
0x3ff: {  	[tilespmem:s5+$0x85A0] =	vst.add.f32.msk $0xffff, v27  }
0x400: {  	[tilespmem:s5+$0x85B0] =	vst.add.f32.msk $0xffff, v28  }
0x401: {  	[tilespmem:s5+$0x85C0] =	vst.add.f32.msk $0xffff, v29  }
0x402: {  	s9 =	sadd.s32 $0x800, s9;
	[tilespmem:s5+$0x85D0] =	vst.add.f32.msk $0xffff, v30  }
0x403: {  	[tilespmem:s5+$0x85E0] =	vst.add.f32.msk $0xffff, v0;
	s30 =	simm.s32 $0x0  }
0x404: {  	[hbm4b:s11+s30] =	stream.linear.scatter [tilespmem:s18], [sflag:$0x4], $0x6400, $0x38;
	[tilespmem:$0x1CF40] =	vst v63  }
0x405: {  	_ =	swait.ge [sflag:s26], $0x3200  }
0x406: {  	[sflag:s26] =	ssyncset.done $0x0  }
0x407: {  	[sflag:s26] =	ssyncadd.s32 $0xFFFFCE00  }
0x408: {  	_ =	swait.ge [sflag:s26], $0x3200  }
0x409: {  	[sflag:s26] =	ssyncset.done $0x0  }
0x40a: {  	s5 =	simm.s32 $0x0;
	[sflag:s26] =	ssyncadd.s32 $0xFFFFCE00  }
0x40b: {  	v0 =	vld [tilespmem:s5+$0x21F0]  }
0x40c: {  	v1 =	vld [tilespmem:s5+$0x2000]  }
0x40d: {  	v2 =	vld [tilespmem:s5+$0x2010]  }
0x40e: {  	v3 =	vld [tilespmem:s5+$0x2020]  }
0x40f: {  	v4 =	vld [tilespmem:s5+$0x2030]  }
0x410: {  	v5 =	vld [tilespmem:s5+$0x2040]  }
0x411: {  	v6 =	vld [tilespmem:s5+$0x2050]  }
0x412: {  	v7 =	vld [tilespmem:s5+$0x2060]  }
0x413: {  	v8 =	vld [tilespmem:s5+$0x2070]  }
0x414: {  	v9 =	vld [tilespmem:s5+$0x2080]  }
0x415: {  	v10 =	vld [tilespmem:s5+$0x2090]  }
0x416: {  	v11 =	vld [tilespmem:s5+$0x20A0]  }
0x417: {  	v12 =	vld [tilespmem:s5+$0x20B0]  }
0x418: {  	v13 =	vld [tilespmem:s5+$0x20C0]  }
0x419: {  	v14 =	vld [tilespmem:s5+$0x20D0]  }
0x41a: {  	v15 =	vld [tilespmem:s5+$0x20E0]  }
0x41b: {  	v16 =	vld [tilespmem:s5+$0x20F0]  }
0x41c: {  	v17 =	vld [tilespmem:s5+$0x2100]  }
0x41d: {  	v18 =	vld [tilespmem:s5+$0x2110]  }
0x41e: {  	v19 =	vld [tilespmem:s5+$0x2120]  }
0x41f: {  	v20 =	vld [tilespmem:s5+$0x2130]  }
0x420: {  	v21 =	vld [tilespmem:s5+$0x2140]  }
0x421: {  	v22 =	vld [tilespmem:s5+$0x2150]  }
0x422: {  	v23 =	vld [tilespmem:s5+$0x2160]  }
0x423: {  	v24 =	vld [tilespmem:s5+$0x2170]  }
0x424: {  	v25 =	vld [tilespmem:s5+$0x2180]  }
0x425: {  	v26 =	vld [tilespmem:s5+$0x2190]  }
0x426: {  	v27 =	vld [tilespmem:s5+$0x21A0]  }
0x427: {  	v28 =	vld [tilespmem:s5+$0x21B0]  }
0x428: {  	v29 =	vld [tilespmem:s5+$0x21C0]  }
0x429: {  	v30 =	vld [tilespmem:s5+$0x21D0]  }
0x42a: {  	[tilespmem:s5+$0xE9F0] =	vst.add.f32.msk $0xffff, v0  }
0x42b: {  	v0 =	vld [tilespmem:s5+$0x21E0]  }
0x42c: {  	[tilespmem:s5+$0xE800] =	vst.add.f32.msk $0xffff, v1  }
0x42d: {  	[tilespmem:s5+$0xE810] =	vst.add.f32.msk $0xffff, v2  }
0x42e: {  	[tilespmem:s5+$0xE820] =	vst.add.f32.msk $0xffff, v3  }
0x42f: {  	[tilespmem:s5+$0xE830] =	vst.add.f32.msk $0xffff, v4  }
0x430: {  	[tilespmem:s5+$0xE840] =	vst.add.f32.msk $0xffff, v5  }
0x431: {  	[tilespmem:s5+$0xE850] =	vst.add.f32.msk $0xffff, v6  }
0x432: {  	[tilespmem:s5+$0xE860] =	vst.add.f32.msk $0xffff, v7  }
0x433: {  	[tilespmem:s5+$0xE870] =	vst.add.f32.msk $0xffff, v8  }
0x434: {  	[tilespmem:s5+$0xE880] =	vst.add.f32.msk $0xffff, v9  }
0x435: {  	[tilespmem:s5+$0xE890] =	vst.add.f32.msk $0xffff, v10  }
0x436: {  	[tilespmem:s5+$0xE8A0] =	vst.add.f32.msk $0xffff, v11  }
0x437: {  	[tilespmem:s5+$0xE8B0] =	vst.add.f32.msk $0xffff, v12  }
0x438: {  	[tilespmem:s5+$0xE8C0] =	vst.add.f32.msk $0xffff, v13  }
0x439: {  	[tilespmem:s5+$0xE8D0] =	vst.add.f32.msk $0xffff, v14  }
0x43a: {  	[tilespmem:s5+$0xE8E0] =	vst.add.f32.msk $0xffff, v15  }
0x43b: {  	[tilespmem:s5+$0xE8F0] =	vst.add.f32.msk $0xffff, v16  }
0x43c: {  	[tilespmem:s5+$0xE900] =	vst.add.f32.msk $0xffff, v17  }
0x43d: {  	[tilespmem:s5+$0xE910] =	vst.add.f32.msk $0xffff, v18  }
0x43e: {  	[tilespmem:s5+$0xE920] =	vst.add.f32.msk $0xffff, v19  }
0x43f: {  	[tilespmem:s5+$0xE930] =	vst.add.f32.msk $0xffff, v20  }
0x440: {  	[tilespmem:s5+$0xE940] =	vst.add.f32.msk $0xffff, v21  }
0x441: {  	[tilespmem:s5+$0xE950] =	vst.add.f32.msk $0xffff, v22  }
0x442: {  	[tilespmem:s5+$0xE960] =	vst.add.f32.msk $0xffff, v23  }
0x443: {  	[tilespmem:s5+$0xE970] =	vst.add.f32.msk $0xffff, v24  }
0x444: {  	[tilespmem:s5+$0xE980] =	vst.add.f32.msk $0xffff, v25  }
0x445: {  	[tilespmem:s5+$0xE990] =	vst.add.f32.msk $0xffff, v26  }
0x446: {  	[tilespmem:s5+$0xE9A0] =	vst.add.f32.msk $0xffff, v27  }
0x447: {  	[tilespmem:s5+$0xE9B0] =	vst.add.f32.msk $0xffff, v28  }
0x448: {  	[tilespmem:s5+$0xE9C0] =	vst.add.f32.msk $0xffff, v29  }
0x449: {  	s8 =	simm.s32 $0x0;
	s9 =	simm.s32 $0x800;
	[tilespmem:s5+$0xE9D0] =	vst.add.f32.msk $0xffff, v30  }
.LBB2_18:
0x44a: {  	s8 =	sadd.s32 $0x4, s8;
	[tilespmem:s5+$0xE9E0] =	vst.add.f32.msk $0xffff, v0;
	s5 =	sshra.s32 s9, $0x2  }
0x44b: {  	v0 =	vld [tilespmem:s5+$0x21F0];
	p1 =	slt.u32 s8, $0xC4  }
0x44c: {  	v1 =	vld [tilespmem:s5+$0x2000]  }
0x44d: {  	v2 =	vld [tilespmem:s5+$0x2010]  }
0x44e: {  	v3 =	vld [tilespmem:s5+$0x2020]  }
0x44f: {  	v4 =	vld [tilespmem:s5+$0x2030]  }
0x450: {  	[tilespmem:s5+$0xE9F0] =	vst.add.f32.msk $0xffff, v0  }
0x451: {  	v5 =	vld [tilespmem:s5+$0x2040]  }
0x452: {  	v6 =	vld [tilespmem:s5+$0x2050]  }
0x453: {  	v7 =	vld [tilespmem:s5+$0x2060]  }
0x454: {  	v8 =	vld [tilespmem:s5+$0x2070]  }
0x455: {  	v9 =	vld [tilespmem:s5+$0x2080]  }
0x456: {  	v10 =	vld [tilespmem:s5+$0x2090]  }
0x457: {  	v11 =	vld [tilespmem:s5+$0x20A0]  }
0x458: {  	v12 =	vld [tilespmem:s5+$0x20B0]  }
0x459: {  	v13 =	vld [tilespmem:s5+$0x20C0]  }
0x45a: {  	v14 =	vld [tilespmem:s5+$0x20D0]  }
0x45b: {  	v15 =	vld [tilespmem:s5+$0x20E0]  }
0x45c: {  	v16 =	vld [tilespmem:s5+$0x20F0]  }
0x45d: {  	v17 =	vld [tilespmem:s5+$0x2100]  }
0x45e: {  	v18 =	vld [tilespmem:s5+$0x2110]  }
0x45f: {  	v19 =	vld [tilespmem:s5+$0x2120]  }
0x460: {  	v20 =	vld [tilespmem:s5+$0x2130]  }
0x461: {  	v21 =	vld [tilespmem:s5+$0x2140]  }
0x462: {  	v22 =	vld [tilespmem:s5+$0x2150]  }
0x463: {  	v23 =	vld [tilespmem:s5+$0x2160]  }
0x464: {  	v24 =	vld [tilespmem:s5+$0x2170]  }
0x465: {  	v25 =	vld [tilespmem:s5+$0x2180]  }
0x466: {  	v26 =	vld [tilespmem:s5+$0x2190]  }
0x467: {  	v27 =	vld [tilespmem:s5+$0x21A0]  }
0x468: {  	v28 =	vld [tilespmem:s5+$0x21B0]  }
0x469: {  	v29 =	vld [tilespmem:s5+$0x21C0]  }
0x46a: {  	v30 =	vld [tilespmem:s5+$0x21D0]  }
0x46b: {  	v0 =	vld [tilespmem:s5+$0x21E0]  }
0x46c: {  	[tilespmem:s5+$0xE800] =	vst.add.f32.msk $0xffff, v1  }
0x46d: {  	[tilespmem:s5+$0xE810] =	vst.add.f32.msk $0xffff, v2  }
0x46e: {  	[tilespmem:s5+$0xE820] =	vst.add.f32.msk $0xffff, v3  }
0x46f: {  	[tilespmem:s5+$0xE830] =	vst.add.f32.msk $0xffff, v4  }
0x470: {  	[tilespmem:s5+$0xE840] =	vst.add.f32.msk $0xffff, v5  }
0x471: {  	[tilespmem:s5+$0xE850] =	vst.add.f32.msk $0xffff, v6  }
0x472: {  	[tilespmem:s5+$0xE860] =	vst.add.f32.msk $0xffff, v7  }
0x473: {  	[tilespmem:s5+$0xE870] =	vst.add.f32.msk $0xffff, v8  }
0x474: {  	[tilespmem:s5+$0xE880] =	vst.add.f32.msk $0xffff, v9  }
0x475: {  	[tilespmem:s5+$0xE890] =	vst.add.f32.msk $0xffff, v10  }
0x476: {  	[tilespmem:s5+$0xE8A0] =	vst.add.f32.msk $0xffff, v11  }
0x477: {  	[tilespmem:s5+$0xE8B0] =	vst.add.f32.msk $0xffff, v12  }
0x478: {  	[tilespmem:s5+$0xE8C0] =	vst.add.f32.msk $0xffff, v13  }
0x479: {  	[tilespmem:s5+$0xE8D0] =	vst.add.f32.msk $0xffff, v14  }
0x47a: {  	[tilespmem:s5+$0xE8E0] =	vst.add.f32.msk $0xffff, v15  }
0x47b: {  	[tilespmem:s5+$0xE8F0] =	vst.add.f32.msk $0xffff, v16  }
0x47c: {  	[tilespmem:s5+$0xE900] =	vst.add.f32.msk $0xffff, v17  }
0x47d: {  	[tilespmem:s5+$0xE910] =	vst.add.f32.msk $0xffff, v18  }
0x47e: {  	[tilespmem:s5+$0xE920] =	vst.add.f32.msk $0xffff, v19  }
0x47f: {  	[tilespmem:s5+$0xE930] =	vst.add.f32.msk $0xffff, v20  }
0x480: {  	[tilespmem:s5+$0xE940] =	vst.add.f32.msk $0xffff, v21  }
0x481: {  	[tilespmem:s5+$0xE950] =	vst.add.f32.msk $0xffff, v22  }
0x482: {  	[tilespmem:s5+$0xE960] =	vst.add.f32.msk $0xffff, v23  }
0x483: {  	[tilespmem:s5+$0xE970] =	vst.add.f32.msk $0xffff, v24  }
0x484: {  	[tilespmem:s5+$0xE980] =	vst.add.f32.msk $0xffff, v25  }
.Ltmp8:
0x485: {  	[tilespmem:s5+$0xE990] =	vst.add.f32.msk $0xffff, v26;
	(pc) =	sbr.rel @p1 .LBB2_18-.Ltmp8, $4  }
0x486: {  	[tilespmem:s5+$0xE9A0] =	vst.add.f32.msk $0xffff, v27  }
0x487: {  	[tilespmem:s5+$0xE9B0] =	vst.add.f32.msk $0xffff, v28  }
0x488: {  	[tilespmem:s5+$0xE9C0] =	vst.add.f32.msk $0xffff, v29  }
0x489: {  	s9 =	sadd.s32 $0x800, s9;
	[tilespmem:s5+$0xE9D0] =	vst.add.f32.msk $0xffff, v30  }
0x48a: {  	[tilespmem:s5+$0xE9E0] =	vst.add.f32.msk $0xffff, v0  }
0x48b: {  	[hbm4b:s12+s4] =	stream.linear.scatter [tilespmem:s23], [sflag:$0x5], $0x6400, $0x38;
	[tilespmem:$0x1CF40] =	vst v63  }
0x48c: {  	_ =	swait.ge [sflag:s1], $0x6400  }
0x48d: {  	[sflag:s1] =	ssyncset.done $0x0  }
0x48e: {  	s16 =	sadd.s32 $0x1, s16;
	[sflag:s1] =	ssyncadd.s32 $0xFFFF9C00  }
0x48f: {  	p1 =	sne.s32 s16, s13;
	_ =	swait.ge [sflag:s22], $0x6400  }
.Ltmp9:
0x490: {  	[sflag:s22] =	ssyncset.done $0x0;
	(pc) =	sbr.rel @p1 .LBB2_1-.Ltmp9, $4  }
0x491: {  	[sflag:s22] =	ssyncadd.s32 $0xFFFF9C00  }
0x492: {  	_ =	swait.ge [sflag:s24], $0x6400  }
0x493: {  	[sflag:s24] =	ssyncset.done $0x0  }
0x494: {  	[sflag:s24] =	ssyncadd.s32 $0xFFFF9C00  }
0x495: {  	_ =	sfence.sel $0x180000  }
0x496: {  	[bflag:$0x0] =	sbarrier.arrive $0xFFFF  }
0x497: {  	_ =	strace $0x90000047  }
0x498: {  	[bflag:$0x2] =	sbarrier.arrive $0xFFFF  }
0x499: {  	s0 =	rddreg [dreg:$0x4]  }
0x49a: {  	s0 =	sadd.s32 @!p0 $0x100000, s0  }
0x49b: {  	[sflag:s0] =	ssyncadd.tile.s32 @!p0 $0x1;
	_ =	shalt  }
.Lfunc_end2:
_tile_overlayer_lowered:
.L_overlay_start_2:
0x49c: {  	(tag) =	ssettag $0x2  }
0x49d: {  	s0 =	rddreg [dreg:$0x0];
	s2 =	stileid.u32  }
0x49e: {  	s1 =	rddreg [dreg:$0x1];
	p0 =	sne.s32 s2, $0x0  }
0x49f: {  	s3 =	rddreg [dreg:$0x2];
	[bflag:$0x3] =	sbarrier.arrive $0xFFFF;
	s2 =	simm.s32 @!p0 $0x1C07  }
0x4a0: {  	[timem:s3], [sflag:s2] =	dma.local @!p0 [hbm:s0], s1  }
0x4a1: {  	s0 =	simm.s32 @!p0 $0x7  }
0x4a2: {  	_ =	swait.ge @!p0 [sflag:s0], s1  }
0x4a3: {  	s1 =	ssub.s32 @!p0 $0x0, s1;
	[sflag:s0] =	ssyncset.done @!p0 $0x0  }
0x4a4: {  	[sflag:s0] =	ssyncadd.s32 @!p0 s1  }
0x4a5: {  	[bflag:$0x3] =	sbarrier.arrive $0xFFFF  }
0x4a6: {  	_ =	shalt  }

</sc_bundles>
